<compile_context>
chip_gen: v7x
topology: tpu7x:2x2x1
jax: 0.10.2.dev20260603
libtpu: 0.0.44.dev20260713+nightly
codegen_flags: <defaults>
</compile_context>

<pallas_src>
import functools

import jax
import jax.numpy as jnp
from jax import lax
from jax.experimental import pallas as pl
from jax.experimental.pallas import tpu as pltpu
from jax.experimental.pallas import tpu_sc as plsc

N = 10000
E = 320000
D = 128

NC = 2
NS = 16
NW = NC * NS
L = 16

N_PAD = 10240
C = 128
E_PAD = 327680
PAGE = 8
EPP = PAGE * C
NPAGE_TOT = E_PAD // (NS * EPP)
P0 = 19
P1 = NPAGE_TOT - P0
ZROWS = N_PAD // NS
OROWS = N // NS

def _sc_aggregate_body(x_hbm, src_hbm, dst_hbm, parts_hbm, cnt_hbm,
                       sidx, didx, rows, ones_v, zv, acc, cacc,
                       gsem0, gsem1, ssem0, ssem1, psem, *, with_cnt):
    cid = lax.axis_index("c")
    sid = lax.axis_index("s")
    wid = sid * NC + cid
    z16 = jnp.zeros((L,), jnp.float32)
    o16 = jnp.ones((L,), jnp.float32)
    gsems = (gsem0, gsem1)
    ssems = (ssem0, ssem1)
    npage = jnp.where(cid == 0, P0, P1)
    pbase = jnp.where(cid == 0, sid * P0, NS * P0 + sid * P1)

    def load_page(p, pb):
        row0 = pl.multiple_of((pbase + p) * PAGE, PAGE)
        off = pl.multiple_of(row0 * C, C)
        pltpu.async_copy(src_hbm.at[pl.ds(off, EPP)], sidx.at[pb], psem)
        pltpu.async_copy(dst_hbm.at[pl.ds(row0, PAGE)], didx.at[pb], psem)

    def wait_page(pb):
        pltpu.make_async_copy(src_hbm.at[pl.ds(0, EPP)], sidx.at[pb],
                              psem).wait()
        pltpu.make_async_copy(dst_hbm.at[pl.ds(0, PAGE)], didx.at[pb],
                              psem).wait()

    def fire_gather(pb, c, rb):
        off = pl.multiple_of(c * C, C)
        pltpu.async_copy(x_hbm.at[sidx.at[pb, pl.ds(off, C)]], rows.at[rb],
                         gsems[rb])

    def wait_gather(rb):
        pltpu.make_async_copy(x_hbm.at[pl.ds(0, C)], rows.at[rb],
                              gsems[rb]).wait()

    def fire_scatter(pb, c, rb):
        didx_c = didx.at[pb, c]
        pltpu.async_copy(rows.at[rb], acc.at[didx_c], ssems[rb], add=True)
        if with_cnt:
            pltpu.async_copy(ones_v, cacc.at[didx_c], ssems[rb], add=True)

    def wait_scatter(rb):
        pltpu.make_async_copy(rows.at[rb], acc.at[pl.ds(0, C)],
                              ssems[rb]).wait()
        if with_cnt:
            pltpu.make_async_copy(ones_v, cacc.at[pl.ds(0, C)],
                                  ssems[rb]).wait()

    load_page(0, 0)
    if with_cnt:
        def fill_small(i, _):
            ones_v[pl.ds(i * L, L)] = o16
            return _
        lax.fori_loop(0, C // L, fill_small, 0)

        def fill_zv(i, _):
            zv[pl.ds(i * L, L)] = z16
            return _
        lax.fori_loop(0, ZROWS // L, fill_zv, 0)
        pltpu.sync_copy(zv, cacc.at[pl.ds(sid * ZROWS, ZROWS)])

    def fill_rows(i, _):
        rows[0, i // (D // L), pl.ds((i % (D // L)) * L, L)] = z16
        return _
    lax.fori_loop(0, C * D // L, fill_rows, 0)
    for b in range(ZROWS // C):
        pltpu.sync_copy(rows.at[0], acc.at[pl.ds(sid * ZROWS + b * C, C)])

    wait_page(0)
    fire_gather(0, 0, 0)
    fire_gather(0, 1, 1)
    plsc.subcore_barrier()

    def page_body(p, _):
        pb = lax.rem(p, 2)
        last_page = p + 1 >= npage

        for c in range(PAGE):
            rb = c & 1
            wait_gather(rb)
            fire_scatter(pb, c, rb)
            wait_scatter(rb)
            if c == 0:
                @pl.when(jnp.logical_not(last_page))
                def _prefetch():
                    load_page(p + 1, 1 - pb)
            if c + 2 < PAGE:
                fire_gather(pb, c + 2, rb)
            else:
                if c + 2 == PAGE:
                    @pl.when(jnp.logical_not(last_page))
                    def _next0():
                        wait_page(1 - pb)
                        fire_gather(1 - pb, 0, rb)
                else:
                    @pl.when(jnp.logical_not(last_page))
                    def _next1():
                        fire_gather(1 - pb, 1, rb)
        return _
    lax.fori_loop(0, npage, page_body, 0)
    plsc.subcore_barrier()

    pltpu.sync_copy(acc.at[pl.ds(sid * ZROWS, ZROWS)],
                    parts_hbm.at[cid, pl.ds(sid * ZROWS, ZROWS)])
    if with_cnt:
        pltpu.sync_copy(cacc.at[pl.ds(sid * ZROWS, ZROWS)],
                        cnt_hbm.at[pl.ds(pl.multiple_of(cid * N_PAD + sid * ZROWS, 8),
                                         ZROWS)])


@functools.cache
def _sc_aggregate(with_cnt):
    mesh = plsc.VectorSubcoreMesh(core_axis_name="c", subcore_axis_name="s",
                                  num_cores=NC, num_subcores=NS)
    return pl.kernel(
        functools.partial(_sc_aggregate_body, with_cnt=with_cnt),
        out_type=(
            jax.ShapeDtypeStruct((NC, N_PAD, D), jnp.float32),
            jax.ShapeDtypeStruct((NC * N_PAD,), jnp.float32),
        ),
        mesh=mesh,
        scratch_types=[
            pltpu.VMEM((2, PAGE * C), jnp.int32),
            pltpu.VMEM((2, PAGE, C), jnp.int32),
            pltpu.VMEM((2, C, D), jnp.float32),
            pltpu.VMEM((C,), jnp.float32),
            pltpu.VMEM((ZROWS,), jnp.float32),
            pltpu.VMEM_SHARED((N_PAD, D), jnp.float32),
            pltpu.VMEM_SHARED((N_PAD,), jnp.float32),
            pltpu.SemaphoreType.DMA,
            pltpu.SemaphoreType.DMA,
            pltpu.SemaphoreType.DMA,
            pltpu.SemaphoreType.DMA,
            pltpu.SemaphoreType.DMA,
        ],
    )


BLK = 400


def _dense_body(parts_ref, inv_ref, x_ref, wlt_ref, bl_ref, wrt_ref, o_ref,
                *, act):
    summed = parts_ref[0] + parts_ref[1]
    mean = summed * inv_ref[...]
    out = (jnp.dot(mean, wlt_ref[...], preferred_element_type=jnp.float32)
           + jnp.dot(x_ref[...], wrt_ref[...], preferred_element_type=jnp.float32)
           + bl_ref[...])
    o_ref[...] = jnp.tanh(out) if act else out


def _dense(parts, inv, x, Wl, bl, Wr, act):
    return pl.pallas_call(
        functools.partial(_dense_body, act=act),
        grid=(N // BLK,),
        in_specs=[
            pl.BlockSpec((NC, BLK, D), lambda i: (0, i, 0)),
            pl.BlockSpec((BLK, 1), lambda i: (i, 0)),
            pl.BlockSpec((BLK, D), lambda i: (i, 0)),
            pl.BlockSpec((D, D), lambda i: (0, 0)),
            pl.BlockSpec((1, D), lambda i: (0, 0)),
            pl.BlockSpec((D, D), lambda i: (0, 0)),
        ],
        out_specs=pl.BlockSpec((BLK, D), lambda i: (i, 0)),
        out_shape=jax.ShapeDtypeStruct((N, D), jnp.float32),
    )(parts, inv, x, Wl.T, bl.reshape(1, D), Wr.T)


def kernel(x, edge_index, W1l, b1l, W1r, W2l, b2l, W2r):
    ei = edge_index.astype(jnp.int32)
    npad = E_PAD - E
    src_p = jnp.concatenate([ei[0], jnp.zeros((npad,), jnp.int32)])
    dst_p = jnp.concatenate(
        [ei[1], N + (jnp.arange(npad, dtype=jnp.int32) % (N_PAD - N))])
    dst_p = dst_p.reshape(E_PAD // C, C)

    parts1, cnt1 = _sc_aggregate(True)(x, src_p, dst_p)
    cnt = cnt1.reshape(NC, N_PAD)
    inv = (1.0 / jnp.maximum(cnt[0, :N] + cnt[1, :N], 1.0)).reshape(N, 1)
    h = _dense(parts1, inv, x, W1l, b1l, W1r, True)
    parts2, _ = _sc_aggregate(False)(h, src_p, dst_p)
    return _dense(parts2, inv, h, W2l, b2l, W2r, False)

# --- scband reference (transcript-rebuilt; emitter-appended) ---
"""Pipeline reference for scband-gnn-conv-70325794505477 (READ-ONLY COPY).

The authoritative reference and input builder live on the scoring server;
editing this copy changes nothing except your own understanding.
"""

import jax, jax.numpy as jnp
import numpy as np

N = 10000
E = 320000
D = 128


def sage_conv(x, edge_index, Wl, bl, Wr):
    # PyG SAGEConv (aggr='mean'): out = lin_l(mean_{j in N(i)} x_j) + lin_r(x_i)
    src = edge_index[0]
    dst = edge_index[1]
    msg = jnp.take(x, src, axis=0)
    summed = jax.ops.segment_sum(msg, dst, num_segments=N)
    cnt = jax.ops.segment_sum(jnp.ones((E,), dtype=x.dtype), dst, num_segments=N)
    mean = summed / jnp.clip(cnt, 1.0)[:, None]
    return mean @ Wl.T + bl + x @ Wr.T


def setup_inputs(seed: int = 0) -> dict:
    key = jax.random.key(seed)
    k = jax.random.split(key, 8)
    scale = 1.0 / np.sqrt(D)
    x = jax.random.normal(k[0], (N, D), dtype=jnp.float32)
    edge_index = jax.random.randint(k[1], (2, E), 0, N, dtype=jnp.int64)
    W1l = jax.random.uniform(k[2], (D, D), dtype=jnp.float32, minval=-scale, maxval=scale)
    b1l = jnp.zeros((D,), dtype=jnp.float32)
    W1r = jax.random.uniform(k[3], (D, D), dtype=jnp.float32, minval=-scale, maxval=scale)
    W2l = jax.random.uniform(k[4], (D, D), dtype=jnp.float32, minval=-scale, maxval=scale)
    b2l = jnp.zeros((D,), dtype=jnp.float32)
    W2r = jax.random.uniform(k[5], (D, D), dtype=jnp.float32, minval=-scale, maxval=scale)
    return {"x": x, "edge_index": edge_index, "W1l": W1l, "b1l": b1l, "W1r": W1r,
            "W2l": W2l, "b2l": b2l, "W2r": W2r}


def reference(x, edge_index, W1l, b1l, W1r, W2l, b2l, W2r):
    h = jnp.tanh(sage_conv(x, edge_index, W1l, b1l, W1r))
    out = sage_conv(h, edge_index, W2l, b2l, W2r)
    return out

if __name__ == "__main__":
    import jax
    _d = setup_inputs()
    print(jax.jit(kernel)(*tuple(_d.values())))

</pallas_src>

<mosaic_0001>
#map = affine_map<(d0, d1) -> (0, 0)>
#map1 = affine_map<(d0, d1) -> (0)>
#map2 = affine_map<(d0, d1) -> (0, 0, 0)>
module attributes {stable_mosaic.version = 14 : i64} {
  func.func @_sc_aggregate_body(%arg0: i32, %arg1: i32, %arg2: memref<10000x128xf32, #tpu.memory_space<hbm>>, %arg3: memref<327680xi32, #tpu.memory_space<hbm>>, %arg4: memref<2560x128xi32, #tpu.memory_space<hbm>>, %arg5: memref<2x10240x128xf32, #tpu.memory_space<hbm>>, %arg6: memref<20480xf32, #tpu.memory_space<hbm>>, %arg7: memref<2x1024xi32, #tpu.memory_space<vmem>>, %arg8: memref<2x8x128xi32, #tpu.memory_space<vmem>>, %arg9: memref<2x128x128xf32, #tpu.memory_space<vmem>>, %arg10: memref<128xf32, #tpu.memory_space<vmem>>, %arg11: memref<640xf32, #tpu.memory_space<vmem>>, %arg12: memref<10240x128xf32, #tpu.memory_space<vmem_shared>>, %arg13: memref<10240xf32, #tpu.memory_space<vmem_shared>>, %arg14: memref<!tpu.dma_semaphore, #tpu.memory_space<semaphore_mem>>, %arg15: memref<!tpu.dma_semaphore, #tpu.memory_space<semaphore_mem>>, %arg16: memref<!tpu.dma_semaphore, #tpu.memory_space<semaphore_mem>>, %arg17: memref<!tpu.dma_semaphore, #tpu.memory_space<semaphore_mem>>, %arg18: memref<!tpu.dma_semaphore, #tpu.memory_space<semaphore_mem>>) attributes {dimension_semantics = [#tpu.dimension_semantics<core_parallel>, #tpu.dimension_semantics<subcore_parallel>], iteration_bounds = array<i64: 2, 16>, scalar_prefetch = 0 : i64, scratch_operands = 12 : i64, tpu.core_type = #tpu.core_type<sc_vector_subcore>, window_params = [{transform_indices = #map}, {transform_indices = #map1}, {transform_indices = #map}, {transform_indices = #map2}, {transform_indices = #map1}]} {
    %mul3A = arith.constant 2 : i32
    %mul3A_0 = arith.muli %arg1, %mul3A : i32
    %add3A = arith.addi %mul3A_0, %arg0 : i32
    %broadcast_in_dim3A = arith.constant 0.000000e+00 : f32
    %broadcast_in_dim3A_1 = vector.broadcast %broadcast_in_dim3A : f32 to vector<16xf32>
    %broadcast_in_dim3A_2 = arith.constant 1.000000e+00 : f32
    %broadcast_in_dim3A_3 = vector.broadcast %broadcast_in_dim3A_2 : f32 to vector<16xf32>
    %eq3A = arith.constant 0 : i32
    %eq3A_4 = arith.cmpi eq, %arg0, %eq3A : i32
    %jit3A = arith.constant 19 : i32
    %jit3A_5 = arith.constant 1 : i32
    %select_n3A = arith.select %eq3A_4, %jit3A, %jit3A_5 : i32
    %eq3A_6 = arith.constant 0 : i32
    %eq3A_7 = arith.cmpi eq, %arg0, %eq3A_6 : i32
    %mul3A_8 = arith.constant 19 : i32
    %mul3A_9 = arith.muli %arg1, %mul3A_8 : i32
    %mul3A_10 = arith.constant 1 : i32
    %mul3A_11 = arith.muli %arg1, %mul3A_10 : i32
    %add3A_12 = arith.constant 304 : i32
    %add3A_13 = arith.addi %add3A_12, %mul3A_11 : i32
    %select_n3A_14 = arith.select %eq3A_7, %mul3A_9, %add3A_13 : i32
    %add3A_15 = arith.constant 0 : i32
    %add3A_16 = arith.addi %select_n3A_14, %add3A_15 : i32
    %mul3A_17 = arith.constant 8 : i32
    %mul3A_18 = arith.muli %add3A_16, %mul3A_17 : i32
    %multiple_of3A = tpu.assume_multiple %mul3A_18, 8 : i32
    %mul3A_19 = arith.constant 128 : i32
    %mul3A_20 = arith.muli %multiple_of3A, %mul3A_19 : i32
    %multiple_of3A_21 = tpu.assume_multiple %mul3A_20, 128 : i32
    %dma_start3A = arith.constant 0 : i32
    %dma_start3A_22 = arith.constant 0 : i32
    %dma_start3A_23 = tpu.memref_slice %arg7[%dma_start3A, %dma_start3A_22] : memref<2x1024xi32, #tpu.memory_space<vmem>> -> memref<1x1024xi32, #tpu.memory_space<vmem>>
    %dma_start3A_24 = tpu.memref_squeeze %dma_start3A_23 : memref<1x1024xi32, #tpu.memory_space<vmem>> -> memref<1024xi32, #tpu.memory_space<vmem>>
    %dma_start3A_25 = tpu.memref_slice %arg3[%multiple_of3A_21] : memref<327680xi32, #tpu.memory_space<hbm>> -> memref<1024xi32, #tpu.memory_space<hbm>>
    %dma_start3A_26 = arith.constant 0 : i32
    %dma_start3A_27 = tpu.memref_slice %arg7[%dma_start3A, %dma_start3A_26] : memref<2x1024xi32, #tpu.memory_space<vmem>> -> memref<1x1024xi32, #tpu.memory_space<vmem>>
    %dma_start3A_28 = tpu.memref_squeeze %dma_start3A_27 : memref<1x1024xi32, #tpu.memory_space<vmem>> -> memref<1024xi32, #tpu.memory_space<vmem>>
    %dma_start3A_29 = tpu.memref_slice %arg3[%multiple_of3A_21] : memref<327680xi32, #tpu.memory_space<hbm>> -> memref<1024xi32, #tpu.memory_space<hbm>>
    tpu.enqueue_dma source(%dma_start3A_29 : memref<1024xi32, #tpu.memory_space<hbm>>) target(%dma_start3A_28 : memref<1024xi32, #tpu.memory_space<vmem>>) target_semaphore(%arg18 : memref<!tpu.dma_semaphore, #tpu.memory_space<semaphore_mem>>)
    %dma_start3A_30 = arith.constant 0 : i32
    %dma_start3A_31 = arith.constant 0 : i32
    %dma_start3A_32 = arith.constant 0 : i32
    %dma_start3A_33 = tpu.memref_slice %arg8[%dma_start3A_30, %dma_start3A_31, %dma_start3A_32] : memref<2x8x128xi32, #tpu.memory_space<vmem>> -> memref<1x8x128xi32, #tpu.memory_space<vmem>>
    %dma_start3A_34 = tpu.memref_squeeze %dma_start3A_33 : memref<1x8x128xi32, #tpu.memory_space<vmem>> -> memref<8x128xi32, #tpu.memory_space<vmem>>
    %dma_start3A_35 = arith.constant 0 : i32
    %dma_start3A_36 = tpu.memref_slice %arg4[%multiple_of3A, %dma_start3A_35] : memref<2560x128xi32, #tpu.memory_space<hbm>> -> memref<8x128xi32, #tpu.memory_space<hbm>>
    %dma_start3A_37 = arith.constant 0 : i32
    %dma_start3A_38 = arith.constant 0 : i32
    %dma_start3A_39 = tpu.memref_slice %arg8[%dma_start3A_30, %dma_start3A_37, %dma_start3A_38] : memref<2x8x128xi32, #tpu.memory_space<vmem>> -> memref<1x8x128xi32, #tpu.memory_space<vmem>>
    %dma_start3A_40 = tpu.memref_squeeze %dma_start3A_39 : memref<1x8x128xi32, #tpu.memory_space<vmem>> -> memref<8x128xi32, #tpu.memory_space<vmem>>
    %dma_start3A_41 = arith.constant 0 : i32
    %dma_start3A_42 = tpu.memref_slice %arg4[%multiple_of3A, %dma_start3A_41] : memref<2560x128xi32, #tpu.memory_space<hbm>> -> memref<8x128xi32, #tpu.memory_space<hbm>>
    tpu.enqueue_dma source(%dma_start3A_42 : memref<8x128xi32, #tpu.memory_space<hbm>>) target(%dma_start3A_40 : memref<8x128xi32, #tpu.memory_space<vmem>>) target_semaphore(%arg18 : memref<!tpu.dma_semaphore, #tpu.memory_space<semaphore_mem>>)
    %scan3A = arith.constant 0 : i32
    %scan3A_43 = arith.constant 0 : i32
    %scan3A_44 = arith.constant 1024 : i32
    %scan3A_45 = arith.addi %scan3A_43, %scan3A_44 : i32
    %scan3A_46 = arith.constant 1 : i32
    scf.for %scan3A_137 = %scan3A_43 to %scan3A_45 step %scan3A_46  : i32 {
      %jit3A_138 = arith.constant 8 : i32
      %div3A = arith.divsi %scan3A_137, %jit3A_138 : i32
      %sign3A = arith.constant 0 : i32
      %sign3A_139 = arith.cmpi sgt, %scan3A_137, %sign3A : i32
      %sign3A_140 = arith.extui %sign3A_139 : i1 to i32
      %sign3A_141 = arith.constant 0 : i32
      %sign3A_142 = arith.cmpi slt, %scan3A_137, %sign3A_141 : i32
      %sign3A_143 = arith.extui %sign3A_142 : i1 to i32
      %sign3A_144 = arith.subi %sign3A_140, %sign3A_143 : i32
      %sign3A_145 = arith.constant 0 : i32
      %sign3A_146 = arith.cmpi sgt, %jit3A_138, %sign3A_145 : i32
      %sign3A_147 = arith.extui %sign3A_146 : i1 to i32
      %sign3A_148 = arith.constant 0 : i32
      %sign3A_149 = arith.cmpi slt, %jit3A_138, %sign3A_148 : i32
      %sign3A_150 = arith.extui %sign3A_149 : i1 to i32
      %sign3A_151 = arith.subi %sign3A_147, %sign3A_150 : i32
      %ne3A = arith.cmpi ne, %sign3A_144, %sign3A_151 : i32
      %rem3A = arith.remsi %scan3A_137, %jit3A_138 : i32
      %ne3A_152 = arith.constant 0 : i32
      %ne3A_153 = arith.cmpi ne, %rem3A, %ne3A_152 : i32
      %and3A = arith.andi %ne3A, %ne3A_153 : i1
      %sub3A = arith.constant 1 : i32
      %sub3A_154 = arith.subi %div3A, %sub3A : i32
      %select_n3A_155 = arith.select %and3A, %sub3A_154, %div3A : i32
      %jit3A_156 = arith.constant 8 : i32
      %eq3A_157 = arith.constant 0 : i32
      %eq3A_158 = arith.cmpi eq, %jit3A_156, %eq3A_157 : i32
      %jit3A_159 = arith.constant 1 : i32
      %select_n3A_160 = arith.select %eq3A_158, %jit3A_159, %jit3A_156 : i32
      %rem3A_161 = arith.remsi %scan3A_137, %select_n3A_160 : i32
      %ne3A_162 = arith.constant 0 : i32
      %ne3A_163 = arith.cmpi ne, %rem3A_161, %ne3A_162 : i32
      %lt3A = arith.constant 0 : i32
      %lt3A_164 = arith.cmpi slt, %rem3A_161, %lt3A : i32
      %lt3A_165 = arith.constant 0 : i32
      %lt3A_166 = arith.cmpi slt, %select_n3A_160, %lt3A_165 : i32
      %ne3A_167 = arith.xori %lt3A_164, %lt3A_166 : i1
      %and3A_168 = arith.andi %ne3A_167, %ne3A_163 : i1
      %add3A_169 = arith.addi %rem3A_161, %select_n3A_160 : i32
      %select_n3A_170 = arith.select %and3A_168, %add3A_169, %rem3A_161 : i32
      %mul3A_171 = arith.constant 16 : i32
      %mul3A_172 = arith.muli %select_n3A_170, %mul3A_171 : i32
      %swap3A = arith.constant 0 : i32
      %swap3A_173 = arith.index_cast %swap3A : i32 to index
      %swap3A_174 = arith.index_cast %select_n3A_155 : i32 to index
      %swap3A_175 = arith.index_cast %mul3A_172 : i32 to index
      %swap3A_176 = tpu.vector_load %arg9[%swap3A_173, %swap3A_174, %swap3A_175] {strides = array<i32>} : memref<2x128x128xf32, #tpu.memory_space<vmem>>, vector<1x1x16xf32>,
      %swap3A_177 = vector.shape_cast %swap3A_176 : vector<1x1x16xf32> to vector<16xf32>
      %swap3A_178 = vector.shape_cast %broadcast_in_dim3A_1 : vector<16xf32> to vector<1x1x16xf32>
      tpu.vector_store %arg9[%swap3A_173, %swap3A_174, %swap3A_175], %swap3A_178 {strides = array<i32>} : memref<2x128x128xf32, #tpu.memory_space<vmem>>, vector<1x1x16xf32>,
    }
    %scan3A_47 = arith.constant 1024 : i32
    %mul3A_48 = arith.constant 640 : i32
    %mul3A_49 = arith.muli %arg1, %mul3A_48 : i32
    %add3A_50 = arith.constant 0 : i32
    %add3A_51 = arith.addi %mul3A_49, %add3A_50 : i32
    %run_scoped3A = arith.constant 0 : i32
    "tpu.region"() ({
      %run_scoped3A_137 = tpu.sem_alloc : memref<!tpu.dma_semaphore, #tpu.memory_space<semaphore_mem>>
      %dma_start3A_138 = arith.constant 0 : i32
      %dma_start3A_139 = arith.constant 0 : i32
      %dma_start3A_140 = tpu.memref_slice %arg9[%run_scoped3A, %dma_start3A_138, %dma_start3A_139] : memref<2x128x128xf32, #tpu.memory_space<vmem>> -> memref<1x128x128xf32, #tpu.memory_space<vmem>>
      %dma_start3A_141 = tpu.memref_squeeze %dma_start3A_140 : memref<1x128x128xf32, #tpu.memory_space<vmem>> -> memref<128x128xf32, #tpu.memory_space<vmem>>
      %dma_start3A_142 = arith.constant 0 : i32
      %dma_start3A_143 = tpu.memref_slice %arg12[%add3A_51, %dma_start3A_142] : memref<10240x128xf32, #tpu.memory_space<vmem_shared>> -> memref<128x128xf32, #tpu.memory_space<vmem_shared>>
      %dma_start3A_144 = arith.constant 0 : i32
      %dma_start3A_145 = tpu.memref_slice %arg12[%add3A_51, %dma_start3A_144] : memref<10240x128xf32, #tpu.memory_space<vmem_shared>> -> memref<128x128xf32, #tpu.memory_space<vmem_shared>>
      %dma_start3A_146 = arith.constant 0 : i32
      %dma_start3A_147 = arith.constant 0 : i32
      %dma_start3A_148 = tpu.memref_slice %arg9[%run_scoped3A, %dma_start3A_146, %dma_start3A_147] : memref<2x128x128xf32, #tpu.memory_space<vmem>> -> memref<1x128x128xf32, #tpu.memory_space<vmem>>
      %dma_start3A_149 = tpu.memref_squeeze %dma_start3A_148 : memref<1x128x128xf32, #tpu.memory_space<vmem>> -> memref<128x128xf32, #tpu.memory_space<vmem>>
      tpu.enqueue_dma source(%dma_start3A_149 : memref<128x128xf32, #tpu.memory_space<vmem>>) target(%dma_start3A_145 : memref<128x128xf32, #tpu.memory_space<vmem_shared>>) target_semaphore(%run_scoped3A_137 : memref<!tpu.dma_semaphore, #tpu.memory_space<semaphore_mem>>)
      %dma_wait3A_150 = arith.constant 0 : i32
      %dma_wait3A_151 = arith.constant 0 : i32
      %dma_wait3A_152 = tpu.memref_slice %arg9[%run_scoped3A, %dma_wait3A_150, %dma_wait3A_151] : memref<2x128x128xf32, #tpu.memory_space<vmem>> -> memref<1x128x128xf32, #tpu.memory_space<vmem>>
      %dma_wait3A_153 = tpu.memref_squeeze %dma_wait3A_152 : memref<1x128x128xf32, #tpu.memory_space<vmem>> -> memref<128x128xf32, #tpu.memory_space<vmem>>
      %dma_wait3A_154 = arith.constant 0 : i32
      %dma_wait3A_155 = tpu.memref_slice %arg12[%add3A_51, %dma_wait3A_154] : memref<10240x128xf32, #tpu.memory_space<vmem_shared>> -> memref<128x128xf32, #tpu.memory_space<vmem_shared>>
      %dma_wait3A_156 = arith.constant 0 : i32
      %dma_wait3A_157 = tpu.memref_slice %arg12[%add3A_51, %dma_wait3A_156] : memref<10240x128xf32, #tpu.memory_space<vmem_shared>> -> memref<128x128xf32, #tpu.memory_space<vmem_shared>>
      %dma_wait3A_158 = arith.constant 0 : i32
      %dma_wait3A_159 = arith.constant 0 : i32
      %dma_wait3A_160 = tpu.memref_slice %arg9[%run_scoped3A, %dma_wait3A_158, %dma_wait3A_159] : memref<2x128x128xf32, #tpu.memory_space<vmem>> -> memref<1x128x128xf32, #tpu.memory_space<vmem>>
      %dma_wait3A_161 = tpu.memref_squeeze %dma_wait3A_160 : memref<1x128x128xf32, #tpu.memory_space<vmem>> -> memref<128x128xf32, #tpu.memory_space<vmem>>
      tpu.wait_dma2 semaphore(%run_scoped3A_137 : memref<!tpu.dma_semaphore, #tpu.memory_space<semaphore_mem>>) src(%dma_wait3A_161 : memref<128x128xf32, #tpu.memory_space<vmem>>) dst(%dma_wait3A_157 : memref<128x128xf32, #tpu.memory_space<vmem_shared>>)
      tpu.yield
    }) : () -> ()
    %mul3A_52 = arith.constant 640 : i32
    %mul3A_53 = arith.muli %arg1, %mul3A_52 : i32
    %add3A_54 = arith.constant 128 : i32
    %add3A_55 = arith.addi %mul3A_53, %add3A_54 : i32
    %run_scoped3A_56 = arith.constant 0 : i32
    "tpu.region"() ({
      %run_scoped3A_137 = tpu.sem_alloc : memref<!tpu.dma_semaphore, #tpu.memory_space<semaphore_mem>>
      %dma_start3A_138 = arith.constant 0 : i32
      %dma_start3A_139 = arith.constant 0 : i32
      %dma_start3A_140 = tpu.memref_slice %arg9[%run_scoped3A_56, %dma_start3A_138, %dma_start3A_139] : memref<2x128x128xf32, #tpu.memory_space<vmem>> -> memref<1x128x128xf32, #tpu.memory_space<vmem>>
      %dma_start3A_141 = tpu.memref_squeeze %dma_start3A_140 : memref<1x128x128xf32, #tpu.memory_space<vmem>> -> memref<128x128xf32, #tpu.memory_space<vmem>>
      %dma_start3A_142 = arith.constant 0 : i32
      %dma_start3A_143 = tpu.memref_slice %arg12[%add3A_55, %dma_start3A_142] : memref<10240x128xf32, #tpu.memory_space<vmem_shared>> -> memref<128x128xf32, #tpu.memory_space<vmem_shared>>
      %dma_start3A_144 = arith.constant 0 : i32
      %dma_start3A_145 = tpu.memref_slice %arg12[%add3A_55, %dma_start3A_144] : memref<10240x128xf32, #tpu.memory_space<vmem_shared>> -> memref<128x128xf32, #tpu.memory_space<vmem_shared>>
      %dma_start3A_146 = arith.constant 0 : i32
      %dma_start3A_147 = arith.constant 0 : i32
      %dma_start3A_148 = tpu.memref_slice %arg9[%run_scoped3A_56, %dma_start3A_146, %dma_start3A_147] : memref<2x128x128xf32, #tpu.memory_space<vmem>> -> memref<1x128x128xf32, #tpu.memory_space<vmem>>
      %dma_start3A_149 = tpu.memref_squeeze %dma_start3A_148 : memref<1x128x128xf32, #tpu.memory_space<vmem>> -> memref<128x128xf32, #tpu.memory_space<vmem>>
      tpu.enqueue_dma source(%dma_start3A_149 : memref<128x128xf32, #tpu.memory_space<vmem>>) target(%dma_start3A_145 : memref<128x128xf32, #tpu.memory_space<vmem_shared>>) target_semaphore(%run_scoped3A_137 : memref<!tpu.dma_semaphore, #tpu.memory_space<semaphore_mem>>)
      %dma_wait3A_150 = arith.constant 0 : i32
      %dma_wait3A_151 = arith.constant 0 : i32
      %dma_wait3A_152 = tpu.memref_slice %arg9[%run_scoped3A_56, %dma_wait3A_150, %dma_wait3A_151] : memref<2x128x128xf32, #tpu.memory_space<vmem>> -> memref<1x128x128xf32, #tpu.memory_space<vmem>>
      %dma_wait3A_153 = tpu.memref_squeeze %dma_wait3A_152 : memref<1x128x128xf32, #tpu.memory_space<vmem>> -> memref<128x128xf32, #tpu.memory_space<vmem>>
      %dma_wait3A_154 = arith.constant 0 : i32
      %dma_wait3A_155 = tpu.memref_slice %arg12[%add3A_55, %dma_wait3A_154] : memref<10240x128xf32, #tpu.memory_space<vmem_shared>> -> memref<128x128xf32, #tpu.memory_space<vmem_shared>>
      %dma_wait3A_156 = arith.constant 0 : i32
      %dma_wait3A_157 = tpu.memref_slice %arg12[%add3A_55, %dma_wait3A_156] : memref<10240x128xf32, #tpu.memory_space<vmem_shared>> -> memref<128x128xf32, #tpu.memory_space<vmem_shared>>
      %dma_wait3A_158 = arith.constant 0 : i32
      %dma_wait3A_159 = arith.constant 0 : i32
      %dma_wait3A_160 = tpu.memref_slice %arg9[%run_scoped3A_56, %dma_wait3A_158, %dma_wait3A_159] : memref<2x128x128xf32, #tpu.memory_space<vmem>> -> memref<1x128x128xf32, #tpu.memory_space<vmem>>
      %dma_wait3A_161 = tpu.memref_squeeze %dma_wait3A_160 : memref<1x128x128xf32, #tpu.memory_space<vmem>> -> memref<128x128xf32, #tpu.memory_space<vmem>>
      tpu.wait_dma2 semaphore(%run_scoped3A_137 : memref<!tpu.dma_semaphore, #tpu.memory_space<semaphore_mem>>) src(%dma_wait3A_161 : memref<128x128xf32, #tpu.memory_space<vmem>>) dst(%dma_wait3A_157 : memref<128x128xf32, #tpu.memory_space<vmem_shared>>)
      tpu.yield
    }) : () -> ()
    %mul3A_57 = arith.constant 640 : i32
    %mul3A_58 = arith.muli %arg1, %mul3A_57 : i32
    %add3A_59 = arith.constant 256 : i32
    %add3A_60 = arith.addi %mul3A_58, %add3A_59 : i32
    %run_scoped3A_61 = arith.constant 0 : i32
    "tpu.region"() ({
      %run_scoped3A_137 = tpu.sem_alloc : memref<!tpu.dma_semaphore, #tpu.memory_space<semaphore_mem>>
      %dma_start3A_138 = arith.constant 0 : i32
      %dma_start3A_139 = arith.constant 0 : i32
      %dma_start3A_140 = tpu.memref_slice %arg9[%run_scoped3A_61, %dma_start3A_138, %dma_start3A_139] : memref<2x128x128xf32, #tpu.memory_space<vmem>> -> memref<1x128x128xf32, #tpu.memory_space<vmem>>
      %dma_start3A_141 = tpu.memref_squeeze %dma_start3A_140 : memref<1x128x128xf32, #tpu.memory_space<vmem>> -> memref<128x128xf32, #tpu.memory_space<vmem>>
      %dma_start3A_142 = arith.constant 0 : i32
      %dma_start3A_143 = tpu.memref_slice %arg12[%add3A_60, %dma_start3A_142] : memref<10240x128xf32, #tpu.memory_space<vmem_shared>> -> memref<128x128xf32, #tpu.memory_space<vmem_shared>>
      %dma_start3A_144 = arith.constant 0 : i32
      %dma_start3A_145 = tpu.memref_slice %arg12[%add3A_60, %dma_start3A_144] : memref<10240x128xf32, #tpu.memory_space<vmem_shared>> -> memref<128x128xf32, #tpu.memory_space<vmem_shared>>
      %dma_start3A_146 = arith.constant 0 : i32
      %dma_start3A_147 = arith.constant 0 : i32
      %dma_start3A_148 = tpu.memref_slice %arg9[%run_scoped3A_61, %dma_start3A_146, %dma_start3A_147] : memref<2x128x128xf32, #tpu.memory_space<vmem>> -> memref<1x128x128xf32, #tpu.memory_space<vmem>>
      %dma_start3A_149 = tpu.memref_squeeze %dma_start3A_148 : memref<1x128x128xf32, #tpu.memory_space<vmem>> -> memref<128x128xf32, #tpu.memory_space<vmem>>
      tpu.enqueue_dma source(%dma_start3A_149 : memref<128x128xf32, #tpu.memory_space<vmem>>) target(%dma_start3A_145 : memref<128x128xf32, #tpu.memory_space<vmem_shared>>) target_semaphore(%run_scoped3A_137 : memref<!tpu.dma_semaphore, #tpu.memory_space<semaphore_mem>>)
      %dma_wait3A_150 = arith.constant 0 : i32
      %dma_wait3A_151 = arith.constant 0 : i32
      %dma_wait3A_152 = tpu.memref_slice %arg9[%run_scoped3A_61, %dma_wait3A_150, %dma_wait3A_151] : memref<2x128x128xf32, #tpu.memory_space<vmem>> -> memref<1x128x128xf32, #tpu.memory_space<vmem>>
      %dma_wait3A_153 = tpu.memref_squeeze %dma_wait3A_152 : memref<1x128x128xf32, #tpu.memory_space<vmem>> -> memref<128x128xf32, #tpu.memory_space<vmem>>
      %dma_wait3A_154 = arith.constant 0 : i32
      %dma_wait3A_155 = tpu.memref_slice %arg12[%add3A_60, %dma_wait3A_154] : memref<10240x128xf32, #tpu.memory_space<vmem_shared>> -> memref<128x128xf32, #tpu.memory_space<vmem_shared>>
      %dma_wait3A_156 = arith.constant 0 : i32
      %dma_wait3A_157 = tpu.memref_slice %arg12[%add3A_60, %dma_wait3A_156] : memref<10240x128xf32, #tpu.memory_space<vmem_shared>> -> memref<128x128xf32, #tpu.memory_space<vmem_shared>>
      %dma_wait3A_158 = arith.constant 0 : i32
      %dma_wait3A_159 = arith.constant 0 : i32
      %dma_wait3A_160 = tpu.memref_slice %arg9[%run_scoped3A_61, %dma_wait3A_158, %dma_wait3A_159] : memref<2x128x128xf32, #tpu.memory_space<vmem>> -> memref<1x128x128xf32, #tpu.memory_space<vmem>>
      %dma_wait3A_161 = tpu.memref_squeeze %dma_wait3A_160 : memref<1x128x128xf32, #tpu.memory_space<vmem>> -> memref<128x128xf32, #tpu.memory_space<vmem>>
      tpu.wait_dma2 semaphore(%run_scoped3A_137 : memref<!tpu.dma_semaphore, #tpu.memory_space<semaphore_mem>>) src(%dma_wait3A_161 : memref<128x128xf32, #tpu.memory_space<vmem>>) dst(%dma_wait3A_157 : memref<128x128xf32, #tpu.memory_space<vmem_shared>>)
      tpu.yield
    }) : () -> ()
    %mul3A_62 = arith.constant 640 : i32
    %mul3A_63 = arith.muli %arg1, %mul3A_62 : i32
    %add3A_64 = arith.constant 384 : i32
    %add3A_65 = arith.addi %mul3A_63, %add3A_64 : i32
    %run_scoped3A_66 = arith.constant 0 : i32
    "tpu.region"() ({
      %run_scoped3A_137 = tpu.sem_alloc : memref<!tpu.dma_semaphore, #tpu.memory_space<semaphore_mem>>
      %dma_start3A_138 = arith.constant 0 : i32
      %dma_start3A_139 = arith.constant 0 : i32
      %dma_start3A_140 = tpu.memref_slice %arg9[%run_scoped3A_66, %dma_start3A_138, %dma_start3A_139] : memref<2x128x128xf32, #tpu.memory_space<vmem>> -> memref<1x128x128xf32, #tpu.memory_space<vmem>>
      %dma_start3A_141 = tpu.memref_squeeze %dma_start3A_140 : memref<1x128x128xf32, #tpu.memory_space<vmem>> -> memref<128x128xf32, #tpu.memory_space<vmem>>
      %dma_start3A_142 = arith.constant 0 : i32
      %dma_start3A_143 = tpu.memref_slice %arg12[%add3A_65, %dma_start3A_142] : memref<10240x128xf32, #tpu.memory_space<vmem_shared>> -> memref<128x128xf32, #tpu.memory_space<vmem_shared>>
      %dma_start3A_144 = arith.constant 0 : i32
      %dma_start3A_145 = tpu.memref_slice %arg12[%add3A_65, %dma_start3A_144] : memref<10240x128xf32, #tpu.memory_space<vmem_shared>> -> memref<128x128xf32, #tpu.memory_space<vmem_shared>>
      %dma_start3A_146 = arith.constant 0 : i32
      %dma_start3A_147 = arith.constant 0 : i32
      %dma_start3A_148 = tpu.memref_slice %arg9[%run_scoped3A_66, %dma_start3A_146, %dma_start3A_147] : memref<2x128x128xf32, #tpu.memory_space<vmem>> -> memref<1x128x128xf32, #tpu.memory_space<vmem>>
      %dma_start3A_149 = tpu.memref_squeeze %dma_start3A_148 : memref<1x128x128xf32, #tpu.memory_space<vmem>> -> memref<128x128xf32, #tpu.memory_space<vmem>>
      tpu.enqueue_dma source(%dma_start3A_149 : memref<128x128xf32, #tpu.memory_space<vmem>>) target(%dma_start3A_145 : memref<128x128xf32, #tpu.memory_space<vmem_shared>>) target_semaphore(%run_scoped3A_137 : memref<!tpu.dma_semaphore, #tpu.memory_space<semaphore_mem>>)
      %dma_wait3A_150 = arith.constant 0 : i32
      %dma_wait3A_151 = arith.constant 0 : i32
      %dma_wait3A_152 = tpu.memref_slice %arg9[%run_scoped3A_66, %dma_wait3A_150, %dma_wait3A_151] : memref<2x128x128xf32, #tpu.memory_space<vmem>> -> memref<1x128x128xf32, #tpu.memory_space<vmem>>
      %dma_wait3A_153 = tpu.memref_squeeze %dma_wait3A_152 : memref<1x128x128xf32, #tpu.memory_space<vmem>> -> memref<128x128xf32, #tpu.memory_space<vmem>>
      %dma_wait3A_154 = arith.constant 0 : i32
      %dma_wait3A_155 = tpu.memref_slice %arg12[%add3A_65, %dma_wait3A_154] : memref<10240x128xf32, #tpu.memory_space<vmem_shared>> -> memref<128x128xf32, #tpu.memory_space<vmem_shared>>
      %dma_wait3A_156 = arith.constant 0 : i32
      %dma_wait3A_157 = tpu.memref_slice %arg12[%add3A_65, %dma_wait3A_156] : memref<10240x128xf32, #tpu.memory_space<vmem_shared>> -> memref<128x128xf32, #tpu.memory_space<vmem_shared>>
      %dma_wait3A_158 = arith.constant 0 : i32
      %dma_wait3A_159 = arith.constant 0 : i32
      %dma_wait3A_160 = tpu.memref_slice %arg9[%run_scoped3A_66, %dma_wait3A_158, %dma_wait3A_159] : memref<2x128x128xf32, #tpu.memory_space<vmem>> -> memref<1x128x128xf32, #tpu.memory_space<vmem>>
      %dma_wait3A_161 = tpu.memref_squeeze %dma_wait3A_160 : memref<1x128x128xf32, #tpu.memory_space<vmem>> -> memref<128x128xf32, #tpu.memory_space<vmem>>
      tpu.wait_dma2 semaphore(%run_scoped3A_137 : memref<!tpu.dma_semaphore, #tpu.memory_space<semaphore_mem>>) src(%dma_wait3A_161 : memref<128x128xf32, #tpu.memory_space<vmem>>) dst(%dma_wait3A_157 : memref<128x128xf32, #tpu.memory_space<vmem_shared>>)
      tpu.yield
    }) : () -> ()
    %mul3A_67 = arith.constant 640 : i32
    %mul3A_68 = arith.muli %arg1, %mul3A_67 : i32
    %add3A_69 = arith.constant 512 : i32
    %add3A_70 = arith.addi %mul3A_68, %add3A_69 : i32
    %run_scoped3A_71 = arith.constant 0 : i32
    "tpu.region"() ({
      %run_scoped3A_137 = tpu.sem_alloc : memref<!tpu.dma_semaphore, #tpu.memory_space<semaphore_mem>>
      %dma_start3A_138 = arith.constant 0 : i32
      %dma_start3A_139 = arith.constant 0 : i32
      %dma_start3A_140 = tpu.memref_slice %arg9[%run_scoped3A_71, %dma_start3A_138, %dma_start3A_139] : memref<2x128x128xf32, #tpu.memory_space<vmem>> -> memref<1x128x128xf32, #tpu.memory_space<vmem>>
      %dma_start3A_141 = tpu.memref_squeeze %dma_start3A_140 : memref<1x128x128xf32, #tpu.memory_space<vmem>> -> memref<128x128xf32, #tpu.memory_space<vmem>>
      %dma_start3A_142 = arith.constant 0 : i32
      %dma_start3A_143 = tpu.memref_slice %arg12[%add3A_70, %dma_start3A_142] : memref<10240x128xf32, #tpu.memory_space<vmem_shared>> -> memref<128x128xf32, #tpu.memory_space<vmem_shared>>
      %dma_start3A_144 = arith.constant 0 : i32
      %dma_start3A_145 = tpu.memref_slice %arg12[%add3A_70, %dma_start3A_144] : memref<10240x128xf32, #tpu.memory_space<vmem_shared>> -> memref<128x128xf32, #tpu.memory_space<vmem_shared>>
      %dma_start3A_146 = arith.constant 0 : i32
      %dma_start3A_147 = arith.constant 0 : i32
      %dma_start3A_148 = tpu.memref_slice %arg9[%run_scoped3A_71, %dma_start3A_146, %dma_start3A_147] : memref<2x128x128xf32, #tpu.memory_space<vmem>> -> memref<1x128x128xf32, #tpu.memory_space<vmem>>
      %dma_start3A_149 = tpu.memref_squeeze %dma_start3A_148 : memref<1x128x128xf32, #tpu.memory_space<vmem>> -> memref<128x128xf32, #tpu.memory_space<vmem>>
      tpu.enqueue_dma source(%dma_start3A_149 : memref<128x128xf32, #tpu.memory_space<vmem>>) target(%dma_start3A_145 : memref<128x128xf32, #tpu.memory_space<vmem_shared>>) target_semaphore(%run_scoped3A_137 : memref<!tpu.dma_semaphore, #tpu.memory_space<semaphore_mem>>)
      %dma_wait3A_150 = arith.constant 0 : i32
      %dma_wait3A_151 = arith.constant 0 : i32
      %dma_wait3A_152 = tpu.memref_slice %arg9[%run_scoped3A_71, %dma_wait3A_150, %dma_wait3A_151] : memref<2x128x128xf32, #tpu.memory_space<vmem>> -> memref<1x128x128xf32, #tpu.memory_space<vmem>>
      %dma_wait3A_153 = tpu.memref_squeeze %dma_wait3A_152 : memref<1x128x128xf32, #tpu.memory_space<vmem>> -> memref<128x128xf32, #tpu.memory_space<vmem>>
      %dma_wait3A_154 = arith.constant 0 : i32
      %dma_wait3A_155 = tpu.memref_slice %arg12[%add3A_70, %dma_wait3A_154] : memref<10240x128xf32, #tpu.memory_space<vmem_shared>> -> memref<128x128xf32, #tpu.memory_space<vmem_shared>>
      %dma_wait3A_156 = arith.constant 0 : i32
      %dma_wait3A_157 = tpu.memref_slice %arg12[%add3A_70, %dma_wait3A_156] : memref<10240x128xf32, #tpu.memory_space<vmem_shared>> -> memref<128x128xf32, #tpu.memory_space<vmem_shared>>
      %dma_wait3A_158 = arith.constant 0 : i32
      %dma_wait3A_159 = arith.constant 0 : i32
      %dma_wait3A_160 = tpu.memref_slice %arg9[%run_scoped3A_71, %dma_wait3A_158, %dma_wait3A_159] : memref<2x128x128xf32, #tpu.memory_space<vmem>> -> memref<1x128x128xf32, #tpu.memory_space<vmem>>
      %dma_wait3A_161 = tpu.memref_squeeze %dma_wait3A_160 : memref<1x128x128xf32, #tpu.memory_space<vmem>> -> memref<128x128xf32, #tpu.memory_space<vmem>>
      tpu.wait_dma2 semaphore(%run_scoped3A_137 : memref<!tpu.dma_semaphore, #tpu.memory_space<semaphore_mem>>) src(%dma_wait3A_161 : memref<128x128xf32, #tpu.memory_space<vmem>>) dst(%dma_wait3A_157 : memref<128x128xf32, #tpu.memory_space<vmem_shared>>)
      tpu.yield
    }) : () -> ()
    %dma_wait3A = arith.constant 0 : i32
    %dma_wait3A_72 = arith.constant 0 : i32
    %dma_wait3A_73 = tpu.memref_slice %arg7[%dma_wait3A, %dma_wait3A_72] : memref<2x1024xi32, #tpu.memory_space<vmem>> -> memref<1x1024xi32, #tpu.memory_space<vmem>>
    %dma_wait3A_74 = tpu.memref_squeeze %dma_wait3A_73 : memref<1x1024xi32, #tpu.memory_space<vmem>> -> memref<1024xi32, #tpu.memory_space<vmem>>
    %dma_wait3A_75 = arith.constant 0 : i32
    %dma_wait3A_76 = tpu.memref_slice %arg3[%dma_wait3A_75] : memref<327680xi32, #tpu.memory_space<hbm>> -> memref<1024xi32, #tpu.memory_space<hbm>>
    %dma_wait3A_77 = arith.constant 0 : i32
    %dma_wait3A_78 = tpu.memref_slice %arg7[%dma_wait3A, %dma_wait3A_77] : memref<2x1024xi32, #tpu.memory_space<vmem>> -> memref<1x1024xi32, #tpu.memory_space<vmem>>
    %dma_wait3A_79 = tpu.memref_squeeze %dma_wait3A_78 : memref<1x1024xi32, #tpu.memory_space<vmem>> -> memref<1024xi32, #tpu.memory_space<vmem>>
    %dma_wait3A_80 = arith.constant 0 : i32
    %dma_wait3A_81 = tpu.memref_slice %arg3[%dma_wait3A_80] : memref<327680xi32, #tpu.memory_space<hbm>> -> memref<1024xi32, #tpu.memory_space<hbm>>
    tpu.wait_dma2 semaphore(%arg18 : memref<!tpu.dma_semaphore, #tpu.memory_space<semaphore_mem>>) src(%dma_wait3A_81 : memref<1024xi32, #tpu.memory_space<hbm>>) dst(%dma_wait3A_79 : memref<1024xi32, #tpu.memory_space<vmem>>)
    %dma_wait3A_82 = arith.constant 0 : i32
    %dma_wait3A_83 = arith.constant 0 : i32
    %dma_wait3A_84 = arith.constant 0 : i32
    %dma_wait3A_85 = tpu.memref_slice %arg8[%dma_wait3A_82, %dma_wait3A_83, %dma_wait3A_84] : memref<2x8x128xi32, #tpu.memory_space<vmem>> -> memref<1x8x128xi32, #tpu.memory_space<vmem>>
    %dma_wait3A_86 = tpu.memref_squeeze %dma_wait3A_85 : memref<1x8x128xi32, #tpu.memory_space<vmem>> -> memref<8x128xi32, #tpu.memory_space<vmem>>
    %dma_wait3A_87 = arith.constant 0 : i32
    %dma_wait3A_88 = arith.constant 0 : i32
    %dma_wait3A_89 = tpu.memref_slice %arg4[%dma_wait3A_87, %dma_wait3A_88] : memref<2560x128xi32, #tpu.memory_space<hbm>> -> memref<8x128xi32, #tpu.memory_space<hbm>>
    %dma_wait3A_90 = arith.constant 0 : i32
    %dma_wait3A_91 = arith.constant 0 : i32
    %dma_wait3A_92 = tpu.memref_slice %arg8[%dma_wait3A_82, %dma_wait3A_90, %dma_wait3A_91] : memref<2x8x128xi32, #tpu.memory_space<vmem>> -> memref<1x8x128xi32, #tpu.memory_space<vmem>>
    %dma_wait3A_93 = tpu.memref_squeeze %dma_wait3A_92 : memref<1x8x128xi32, #tpu.memory_space<vmem>> -> memref<8x128xi32, #tpu.memory_space<vmem>>
    %dma_wait3A_94 = arith.constant 0 : i32
    %dma_wait3A_95 = arith.constant 0 : i32
    %dma_wait3A_96 = tpu.memref_slice %arg4[%dma_wait3A_94, %dma_wait3A_95] : memref<2560x128xi32, #tpu.memory_space<hbm>> -> memref<8x128xi32, #tpu.memory_space<hbm>>
    tpu.wait_dma2 semaphore(%arg18 : memref<!tpu.dma_semaphore, #tpu.memory_space<semaphore_mem>>) src(%dma_wait3A_96 : memref<8x128xi32, #tpu.memory_space<hbm>>) dst(%dma_wait3A_93 : memref<8x128xi32, #tpu.memory_space<vmem>>)
    %multiple_of3A_97 = arith.constant 0 : i32
    %multiple_of3A_98 = tpu.assume_multiple %multiple_of3A_97, 128 : i32
    %dma_start3A_99 = arith.constant 0 : i32
    %dma_start3A_100 = arith.constant 0 : i32
    %dma_start3A_101 = arith.constant 0 : i32
    %dma_start3A_102 = arith.constant 0 : i32
    %dma_start3A_103 = tpu.memref_slice %arg9[%dma_start3A_100, %dma_start3A_101, %dma_start3A_102] : memref<2x128x128xf32, #tpu.memory_space<vmem>> -> memref<1x128x128xf32, #tpu.memory_space<vmem>>
    %dma_start3A_104 = tpu.memref_squeeze %dma_start3A_103 : memref<1x128x128xf32, #tpu.memory_space<vmem>> -> memref<128x128xf32, #tpu.memory_space<vmem>>
    %dma_start3A_105 = tpu.memref_slice %arg7[%dma_start3A_99, %multiple_of3A_98] : memref<2x1024xi32, #tpu.memory_space<vmem>> -> memref<1x128xi32, #tpu.memory_space<vmem>>
    %dma_start3A_106 = tpu.memref_squeeze %dma_start3A_105 : memref<1x128xi32, #tpu.memory_space<vmem>> -> memref<128xi32, #tpu.memory_space<vmem>>
    %dma_start3A_107 = arith.constant 0 : i32
    %dma_start3A_108 = arith.constant 0 : i32
    %dma_start3A_109 = tpu.memref_slice %arg2[%dma_start3A_107, %dma_start3A_108] : memref<10000x128xf32, #tpu.memory_space<hbm>> -> memref<10000x128xf32, #tpu.memory_space<hbm>>
    tpu.enqueue_indirect_dma source(%dma_start3A_109 : memref<10000x128xf32, #tpu.memory_space<hbm>>) target(%dma_start3A_104 : memref<128x128xf32, #tpu.memory_space<vmem>>) offsets(%dma_start3A_106 : memref<128xi32, #tpu.memory_space<vmem>>) semaphore(%arg14 : memref<!tpu.dma_semaphore, #tpu.memory_space<semaphore_mem>>)
    %multiple_of3A_110 = arith.constant 128 : i32
    %multiple_of3A_111 = tpu.assume_multiple %multiple_of3A_110, 128 : i32
    %dma_start3A_112 = arith.constant 0 : i32
    %dma_start3A_113 = arith.constant 1 : i32
    %dma_start3A_114 = arith.constant 0 : i32
    %dma_start3A_115 = arith.constant 0 : i32
    %dma_start3A_116 = tpu.memref_slice %arg9[%dma_start3A_113, %dma_start3A_114, %dma_start3A_115] : memref<2x128x128xf32, #tpu.memory_space<vmem>> -> memref<1x128x128xf32, #tpu.memory_space<vmem>>
    %dma_start3A_117 = tpu.memref_squeeze %dma_start3A_116 : memref<1x128x128xf32, #tpu.memory_space<vmem>> -> memref<128x128xf32, #tpu.memory_space<vmem>>
    %dma_start3A_118 = tpu.memref_slice %arg7[%dma_start3A_112, %multiple_of3A_111] : memref<2x1024xi32, #tpu.memory_space<vmem>> -> memref<1x128xi32, #tpu.memory_space<vmem>>
    %dma_start3A_119 = tpu.memref_squeeze %dma_start3A_118 : memref<1x128xi32, #tpu.memory_space<vmem>> -> memref<128xi32, #tpu.memory_space<vmem>>
    %dma_start3A_120 = arith.constant 0 : i32
    %dma_start3A_121 = arith.constant 0 : i32
    %dma_start3A_122 = tpu.memref_slice %arg2[%dma_start3A_120, %dma_start3A_121] : memref<10000x128xf32, #tpu.memory_space<hbm>> -> memref<10000x128xf32, #tpu.memory_space<hbm>>
    tpu.enqueue_indirect_dma source(%dma_start3A_122 : memref<10000x128xf32, #tpu.memory_space<hbm>>) target(%dma_start3A_117 : memref<128x128xf32, #tpu.memory_space<vmem>>) offsets(%dma_start3A_119 : memref<128xi32, #tpu.memory_space<vmem>>) semaphore(%arg15 : memref<!tpu.dma_semaphore, #tpu.memory_space<semaphore_mem>>)
    %barrier3A = arith.constant 0 : index
    tpu.barrier barrier_id(%barrier3A)
    %while3A = arith.constant 0 : i32
    %while3A_123 = arith.constant 0 : i32
    %while3A_124 = arith.subi %select_n3A, %while3A_123 : i32
    %while3A_125 = arith.addi %while3A_123, %while3A_124 : i32
    %while3A_126 = arith.constant 1 : i32
    %while3A_127 = arith.divsi %while3A_124, %while3A_126 : i32
    %while3A_128 = arith.muli %while3A_127, %while3A_126 : i32
    %while3A_129 = arith.addi %while3A_123, %while3A_128 : i32
    %while3A_130 = arith.constant 1 : i32
    scf.for %while3A_137 = %while3A_123 to %while3A_129 step %while3A_130  : i32 {
      %rem3A = arith.constant 2 : i32
      %rem3A_138 = arith.remsi %while3A_137, %rem3A : i32
      %add3A_139 = arith.constant 1 : i32
      %add3A_140 = arith.addi %while3A_137, %add3A_139 : i32
      %ge3A = arith.cmpi sge, %add3A_140, %select_n3A : i32
      %dma_wait3A_141 = arith.constant 0 : i32
      %dma_wait3A_142 = arith.constant 0 : i32
      %dma_wait3A_143 = arith.constant 0 : i32
      %dma_wait3A_144 = tpu.memref_slice %arg9[%dma_wait3A_141, %dma_wait3A_142, %dma_wait3A_143] : memref<2x128x128xf32, #tpu.memory_space<vmem>> -> memref<1x128x128xf32, #tpu.memory_space<vmem>>
      %dma_wait3A_145 = tpu.memref_squeeze %dma_wait3A_144 : memref<1x128x128xf32, #tpu.memory_space<vmem>> -> memref<128x128xf32, #tpu.memory_space<vmem>>
      %dma_wait3A_146 = arith.constant 0 : i32
      %dma_wait3A_147 = arith.constant 0 : i32
      %dma_wait3A_148 = tpu.memref_slice %arg2[%dma_wait3A_146, %dma_wait3A_147] : memref<10000x128xf32, #tpu.memory_space<hbm>> -> memref<128x128xf32, #tpu.memory_space<hbm>>
      %dma_wait3A_149 = arith.constant 0 : i32
      %dma_wait3A_150 = arith.constant 0 : i32
      %dma_wait3A_151 = tpu.memref_slice %arg9[%dma_wait3A_141, %dma_wait3A_149, %dma_wait3A_150] : memref<2x128x128xf32, #tpu.memory_space<vmem>> -> memref<1x128x128xf32, #tpu.memory_space<vmem>>
      %dma_wait3A_152 = tpu.memref_squeeze %dma_wait3A_151 : memref<1x128x128xf32, #tpu.memory_space<vmem>> -> memref<128x128xf32, #tpu.memory_space<vmem>>
      %dma_wait3A_153 = arith.constant 0 : i32
      %dma_wait3A_154 = arith.constant 0 : i32
      %dma_wait3A_155 = tpu.memref_slice %arg2[%dma_wait3A_153, %dma_wait3A_154] : memref<10000x128xf32, #tpu.memory_space<hbm>> -> memref<128x128xf32, #tpu.memory_space<hbm>>
      tpu.wait_dma2 semaphore(%arg14 : memref<!tpu.dma_semaphore, #tpu.memory_space<semaphore_mem>>) src(%dma_wait3A_155 : memref<128x128xf32, #tpu.memory_space<hbm>>) dst(%dma_wait3A_152 : memref<128x128xf32, #tpu.memory_space<vmem>>)
      %dma_start3A_156 = arith.constant 0 : i32
      %dma_start3A_157 = arith.constant 0 : i32
      %dma_start3A_158 = arith.constant 0 : i32
      %dma_start3A_159 = arith.constant 0 : i32
      %dma_start3A_160 = tpu.memref_slice %arg9[%dma_start3A_156, %dma_start3A_158, %dma_start3A_159] : memref<2x128x128xf32, #tpu.memory_space<vmem>> -> memref<1x128x128xf32, #tpu.memory_space<vmem>>
      %dma_start3A_161 = tpu.memref_squeeze %dma_start3A_160 : memref<1x128x128xf32, #tpu.memory_space<vmem>> -> memref<128x128xf32, #tpu.memory_space<vmem>>
      %dma_start3A_162 = arith.constant 0 : i32
      %dma_start3A_163 = tpu.memref_slice %arg8[%rem3A_138, %dma_start3A_157, %dma_start3A_162] : memref<2x8x128xi32, #tpu.memory_space<vmem>> -> memref<1x1x128xi32, #tpu.memory_space<vmem>>
      %dma_start3A_164 = tpu.memref_squeeze %dma_start3A_163 : memref<1x1x128xi32, #tpu.memory_space<vmem>> -> memref<128xi32, #tpu.memory_space<vmem>>
      %dma_start3A_165 = arith.constant 0 : i32
      %dma_start3A_166 = arith.constant 0 : i32
      %dma_start3A_167 = tpu.memref_slice %arg12[%dma_start3A_165, %dma_start3A_166] : memref<10240x128xf32, #tpu.memory_space<vmem_shared>> -> memref<10240x128xf32, #tpu.memory_space<vmem_shared>>
      tpu.enqueue_indirect_dma source(%dma_start3A_161 : memref<128x128xf32, #tpu.memory_space<vmem>>) target(%dma_start3A_167 : memref<10240x128xf32, #tpu.memory_space<vmem_shared>>) offsets(%dma_start3A_164 : memref<128xi32, #tpu.memory_space<vmem>>) semaphore(%arg16 : memref<!tpu.dma_semaphore, #tpu.memory_space<semaphore_mem>>) {add = true}
      %dma_wait3A_168 = arith.constant 0 : i32
      %dma_wait3A_169 = arith.constant 0 : i32
      %dma_wait3A_170 = arith.constant 0 : i32
      %dma_wait3A_171 = tpu.memref_slice %arg9[%dma_wait3A_168, %dma_wait3A_169, %dma_wait3A_170] : memref<2x128x128xf32, #tpu.memory_space<vmem>> -> memref<1x128x128xf32, #tpu.memory_space<vmem>>
      %dma_wait3A_172 = tpu.memref_squeeze %dma_wait3A_171 : memref<1x128x128xf32, #tpu.memory_space<vmem>> -> memref<128x128xf32, #tpu.memory_space<vmem>>
      %dma_wait3A_173 = arith.constant 0 : i32
      %dma_wait3A_174 = arith.constant 0 : i32
      %dma_wait3A_175 = tpu.memref_slice %arg12[%dma_wait3A_173, %dma_wait3A_174] : memref<10240x128xf32, #tpu.memory_space<vmem_shared>> -> memref<128x128xf32, #tpu.memory_space<vmem_shared>>
      %dma_wait3A_176 = arith.constant 0 : i32
      %dma_wait3A_177 = arith.constant 0 : i32
      %dma_wait3A_178 = tpu.memref_slice %arg12[%dma_wait3A_176, %dma_wait3A_177] : memref<10240x128xf32, #tpu.memory_space<vmem_shared>> -> memref<128x128xf32, #tpu.memory_space<vmem_shared>>
      %dma_wait3A_179 = arith.constant 0 : i32
      %dma_wait3A_180 = arith.constant 0 : i32
      %dma_wait3A_181 = tpu.memref_slice %arg9[%dma_wait3A_168, %dma_wait3A_179, %dma_wait3A_180] : memref<2x128x128xf32, #tpu.memory_space<vmem>> -> memref<1x128x128xf32, #tpu.memory_space<vmem>>
      %dma_wait3A_182 = tpu.memref_squeeze %dma_wait3A_181 : memref<1x128x128xf32, #tpu.memory_space<vmem>> -> memref<128x128xf32, #tpu.memory_space<vmem>>
      tpu.wait_dma2 semaphore(%arg16 : memref<!tpu.dma_semaphore, #tpu.memory_space<semaphore_mem>>) src(%dma_wait3A_182 : memref<128x128xf32, #tpu.memory_space<vmem>>) dst(%dma_wait3A_178 : memref<128x128xf32, #tpu.memory_space<vmem_shared>>)
      %not3A = arith.constant true
      %not3A_183 = arith.xori %ge3A, %not3A : i1
      %convert_element_type3A = arith.extui %not3A_183 : i1 to i32
      %cond3A = arith.constant 0 : i32
      %cond3A_184 = arith.cmpi ne, %convert_element_type3A, %cond3A : i32
      scf.if %cond3A_184 {
        %add3A_561 = arith.constant 1 : i32
        %add3A_562 = arith.addi %while3A_137, %add3A_561 : i32
        %sub3A = arith.constant 1 : i32
        %sub3A_563 = arith.subi %sub3A, %rem3A_138 : i32
        %add3A_564 = arith.addi %select_n3A_14, %add3A_562 : i32
        %mul3A_565 = arith.constant 8 : i32
        %mul3A_566 = arith.muli %add3A_564, %mul3A_565 : i32
        %multiple_of3A_567 = tpu.assume_multiple %mul3A_566, 8 : i32
        %mul3A_568 = arith.constant 128 : i32
        %mul3A_569 = arith.muli %multiple_of3A_567, %mul3A_568 : i32
        %multiple_of3A_570 = tpu.assume_multiple %mul3A_569, 128 : i32
        %dma_start3A_571 = arith.constant 0 : i32
        %dma_start3A_572 = tpu.memref_slice %arg7[%sub3A_563, %dma_start3A_571] : memref<2x1024xi32, #tpu.memory_space<vmem>> -> memref<1x1024xi32, #tpu.memory_space<vmem>>
        %dma_start3A_573 = tpu.memref_squeeze %dma_start3A_572 : memref<1x1024xi32, #tpu.memory_space<vmem>> -> memref<1024xi32, #tpu.memory_space<vmem>>
        %dma_start3A_574 = tpu.memref_slice %arg3[%multiple_of3A_570] : memref<327680xi32, #tpu.memory_space<hbm>> -> memref<1024xi32, #tpu.memory_space<hbm>>
        %dma_start3A_575 = arith.constant 0 : i32
        %dma_start3A_576 = tpu.memref_slice %arg7[%sub3A_563, %dma_start3A_575] : memref<2x1024xi32, #tpu.memory_space<vmem>> -> memref<1x1024xi32, #tpu.memory_space<vmem>>
        %dma_start3A_577 = tpu.memref_squeeze %dma_start3A_576 : memref<1x1024xi32, #tpu.memory_space<vmem>> -> memref<1024xi32, #tpu.memory_space<vmem>>
        %dma_start3A_578 = tpu.memref_slice %arg3[%multiple_of3A_570] : memref<327680xi32, #tpu.memory_space<hbm>> -> memref<1024xi32, #tpu.memory_space<hbm>>
        tpu.enqueue_dma source(%dma_start3A_578 : memref<1024xi32, #tpu.memory_space<hbm>>) target(%dma_start3A_577 : memref<1024xi32, #tpu.memory_space<vmem>>) target_semaphore(%arg18 : memref<!tpu.dma_semaphore, #tpu.memory_space<semaphore_mem>>)
        %dma_start3A_579 = arith.constant 0 : i32
        %dma_start3A_580 = arith.constant 0 : i32
        %dma_start3A_581 = tpu.memref_slice %arg8[%sub3A_563, %dma_start3A_579, %dma_start3A_580] : memref<2x8x128xi32, #tpu.memory_space<vmem>> -> memref<1x8x128xi32, #tpu.memory_space<vmem>>
        %dma_start3A_582 = tpu.memref_squeeze %dma_start3A_581 : memref<1x8x128xi32, #tpu.memory_space<vmem>> -> memref<8x128xi32, #tpu.memory_space<vmem>>
        %dma_start3A_583 = arith.constant 0 : i32
        %dma_start3A_584 = tpu.memref_slice %arg4[%multiple_of3A_567, %dma_start3A_583] : memref<2560x128xi32, #tpu.memory_space<hbm>> -> memref<8x128xi32, #tpu.memory_space<hbm>>
        %dma_start3A_585 = arith.constant 0 : i32
        %dma_start3A_586 = arith.constant 0 : i32
        %dma_start3A_587 = tpu.memref_slice %arg8[%sub3A_563, %dma_start3A_585, %dma_start3A_586] : memref<2x8x128xi32, #tpu.memory_space<vmem>> -> memref<1x8x128xi32, #tpu.memory_space<vmem>>
        %dma_start3A_588 = tpu.memref_squeeze %dma_start3A_587 : memref<1x8x128xi32, #tpu.memory_space<vmem>> -> memref<8x128xi32, #tpu.memory_space<vmem>>
        %dma_start3A_589 = arith.constant 0 : i32
        %dma_start3A_590 = tpu.memref_slice %arg4[%multiple_of3A_567, %dma_start3A_589] : memref<2560x128xi32, #tpu.memory_space<hbm>> -> memref<8x128xi32, #tpu.memory_space<hbm>>
        tpu.enqueue_dma source(%dma_start3A_590 : memref<8x128xi32, #tpu.memory_space<hbm>>) target(%dma_start3A_588 : memref<8x128xi32, #tpu.memory_space<vmem>>) target_semaphore(%arg18 : memref<!tpu.dma_semaphore, #tpu.memory_space<semaphore_mem>>)
      } else {
      }
      %multiple_of3A_185 = arith.constant 256 : i32
      %multiple_of3A_186 = tpu.assume_multiple %multiple_of3A_185, 128 : i32
      %dma_start3A_187 = arith.constant 0 : i32
      %dma_start3A_188 = arith.constant 0 : i32
      %dma_start3A_189 = arith.constant 0 : i32
      %dma_start3A_190 = tpu.memref_slice %arg9[%dma_start3A_187, %dma_start3A_188, %dma_start3A_189] : memref<2x128x128xf32, #tpu.memory_space<vmem>> -> memref<1x128x128xf32, #tpu.memory_space<vmem>>
      %dma_start3A_191 = tpu.memref_squeeze %dma_start3A_190 : memref<1x128x128xf32, #tpu.memory_space<vmem>> -> memref<128x128xf32, #tpu.memory_space<vmem>>
      %dma_start3A_192 = tpu.memref_slice %arg7[%rem3A_138, %multiple_of3A_186] : memref<2x1024xi32, #tpu.memory_space<vmem>> -> memref<1x128xi32, #tpu.memory_space<vmem>>
      %dma_start3A_193 = tpu.memref_squeeze %dma_start3A_192 : memref<1x128xi32, #tpu.memory_space<vmem>> -> memref<128xi32, #tpu.memory_space<vmem>>
      %dma_start3A_194 = arith.constant 0 : i32
      %dma_start3A_195 = arith.constant 0 : i32
      %dma_start3A_196 = tpu.memref_slice %arg2[%dma_start3A_194, %dma_start3A_195] : memref<10000x128xf32, #tpu.memory_space<hbm>> -> memref<10000x128xf32, #tpu.memory_space<hbm>>
      tpu.enqueue_indirect_dma source(%dma_start3A_196 : memref<10000x128xf32, #tpu.memory_space<hbm>>) target(%dma_start3A_191 : memref<128x128xf32, #tpu.memory_space<vmem>>) offsets(%dma_start3A_193 : memref<128xi32, #tpu.memory_space<vmem>>) semaphore(%arg14 : memref<!tpu.dma_semaphore, #tpu.memory_space<semaphore_mem>>)
      %dma_wait3A_197 = arith.constant 1 : i32
      %dma_wait3A_198 = arith.constant 0 : i32
      %dma_wait3A_199 = arith.constant 0 : i32
      %dma_wait3A_200 = tpu.memref_slice %arg9[%dma_wait3A_197, %dma_wait3A_198, %dma_wait3A_199] : memref<2x128x128xf32, #tpu.memory_space<vmem>> -> memref<1x128x128xf32, #tpu.memory_space<vmem>>
      %dma_wait3A_201 = tpu.memref_squeeze %dma_wait3A_200 : memref<1x128x128xf32, #tpu.memory_space<vmem>> -> memref<128x128xf32, #tpu.memory_space<vmem>>
      %dma_wait3A_202 = arith.constant 0 : i32
      %dma_wait3A_203 = arith.constant 0 : i32
      %dma_wait3A_204 = tpu.memref_slice %arg2[%dma_wait3A_202, %dma_wait3A_203] : memref<10000x128xf32, #tpu.memory_space<hbm>> -> memref<128x128xf32, #tpu.memory_space<hbm>>
      %dma_wait3A_205 = arith.constant 0 : i32
      %dma_wait3A_206 = arith.constant 0 : i32
      %dma_wait3A_207 = tpu.memref_slice %arg9[%dma_wait3A_197, %dma_wait3A_205, %dma_wait3A_206] : memref<2x128x128xf32, #tpu.memory_space<vmem>> -> memref<1x128x128xf32, #tpu.memory_space<vmem>>
      %dma_wait3A_208 = tpu.memref_squeeze %dma_wait3A_207 : memref<1x128x128xf32, #tpu.memory_space<vmem>> -> memref<128x128xf32, #tpu.memory_space<vmem>>
      %dma_wait3A_209 = arith.constant 0 : i32
      %dma_wait3A_210 = arith.constant 0 : i32
      %dma_wait3A_211 = tpu.memref_slice %arg2[%dma_wait3A_209, %dma_wait3A_210] : memref<10000x128xf32, #tpu.memory_space<hbm>> -> memref<128x128xf32, #tpu.memory_space<hbm>>
      tpu.wait_dma2 semaphore(%arg15 : memref<!tpu.dma_semaphore, #tpu.memory_space<semaphore_mem>>) src(%dma_wait3A_211 : memref<128x128xf32, #tpu.memory_space<hbm>>) dst(%dma_wait3A_208 : memref<128x128xf32, #tpu.memory_space<vmem>>)
      %dma_start3A_212 = arith.constant 1 : i32
      %dma_start3A_213 = arith.constant 1 : i32
      %dma_start3A_214 = arith.constant 0 : i32
      %dma_start3A_215 = arith.constant 0 : i32
      %dma_start3A_216 = tpu.memref_slice %arg9[%dma_start3A_212, %dma_start3A_214, %dma_start3A_215] : memref<2x128x128xf32, #tpu.memory_space<vmem>> -> memref<1x128x128xf32, #tpu.memory_space<vmem>>
      %dma_start3A_217 = tpu.memref_squeeze %dma_start3A_216 : memref<1x128x128xf32, #tpu.memory_space<vmem>> -> memref<128x128xf32, #tpu.memory_space<vmem>>
      %dma_start3A_218 = arith.constant 0 : i32
      %dma_start3A_219 = tpu.memref_slice %arg8[%rem3A_138, %dma_start3A_213, %dma_start3A_218] : memref<2x8x128xi32, #tpu.memory_space<vmem>> -> memref<1x1x128xi32, #tpu.memory_space<vmem>>
      %dma_start3A_220 = tpu.memref_squeeze %dma_start3A_219 : memref<1x1x128xi32, #tpu.memory_space<vmem>> -> memref<128xi32, #tpu.memory_space<vmem>>
      %dma_start3A_221 = arith.constant 0 : i32
      %dma_start3A_222 = arith.constant 0 : i32
      %dma_start3A_223 = tpu.memref_slice %arg12[%dma_start3A_221, %dma_start3A_222] : memref<10240x128xf32, #tpu.memory_space<vmem_shared>> -> memref<10240x128xf32, #tpu.memory_space<vmem_shared>>
      tpu.enqueue_indirect_dma source(%dma_start3A_217 : memref<128x128xf32, #tpu.memory_space<vmem>>) target(%dma_start3A_223 : memref<10240x128xf32, #tpu.memory_space<vmem_shared>>) offsets(%dma_start3A_220 : memref<128xi32, #tpu.memory_space<vmem>>) semaphore(%arg17 : memref<!tpu.dma_semaphore, #tpu.memory_space<semaphore_mem>>) {add = true}
      %dma_wait3A_224 = arith.constant 1 : i32
      %dma_wait3A_225 = arith.constant 0 : i32
      %dma_wait3A_226 = arith.constant 0 : i32
      %dma_wait3A_227 = tpu.memref_slice %arg9[%dma_wait3A_224, %dma_wait3A_225, %dma_wait3A_226] : memref<2x128x128xf32, #tpu.memory_space<vmem>> -> memref<1x128x128xf32, #tpu.memory_space<vmem>>
      %dma_wait3A_228 = tpu.memref_squeeze %dma_wait3A_227 : memref<1x128x128xf32, #tpu.memory_space<vmem>> -> memref<128x128xf32, #tpu.memory_space<vmem>>
      %dma_wait3A_229 = arith.constant 0 : i32
      %dma_wait3A_230 = arith.constant 0 : i32
      %dma_wait3A_231 = tpu.memref_slice %arg12[%dma_wait3A_229, %dma_wait3A_230] : memref<10240x128xf32, #tpu.memory_space<vmem_shared>> -> memref<128x128xf32, #tpu.memory_space<vmem_shared>>
      %dma_wait3A_232 = arith.constant 0 : i32
      %dma_wait3A_233 = arith.constant 0 : i32
      %dma_wait3A_234 = tpu.memref_slice %arg12[%dma_wait3A_232, %dma_wait3A_233] : memref<10240x128xf32, #tpu.memory_space<vmem_shared>> -> memref<128x128xf32, #tpu.memory_space<vmem_shared>>
      %dma_wait3A_235 = arith.constant 0 : i32
      %dma_wait3A_236 = arith.constant 0 : i32
      %dma_wait3A_237 = tpu.memref_slice %arg9[%dma_wait3A_224, %dma_wait3A_235, %dma_wait3A_236] : memref<2x128x128xf32, #tpu.memory_space<vmem>> -> memref<1x128x128xf32, #tpu.memory_space<vmem>>
      %dma_wait3A_238 = tpu.memref_squeeze %dma_wait3A_237 : memref<1x128x128xf32, #tpu.memory_space<vmem>> -> memref<128x128xf32, #tpu.memory_space<vmem>>
      tpu.wait_dma2 semaphore(%arg17 : memref<!tpu.dma_semaphore, #tpu.memory_space<semaphore_mem>>) src(%dma_wait3A_238 : memref<128x128xf32, #tpu.memory_space<vmem>>) dst(%dma_wait3A_234 : memref<128x128xf32, #tpu.memory_space<vmem_shared>>)
      %multiple_of3A_239 = arith.constant 384 : i32
      %multiple_of3A_240 = tpu.assume_multiple %multiple_of3A_239, 128 : i32
      %dma_start3A_241 = arith.constant 1 : i32
      %dma_start3A_242 = arith.constant 0 : i32
      %dma_start3A_243 = arith.constant 0 : i32
      %dma_start3A_244 = tpu.memref_slice %arg9[%dma_start3A_241, %dma_start3A_242, %dma_start3A_243] : memref<2x128x128xf32, #tpu.memory_space<vmem>> -> memref<1x128x128xf32, #tpu.memory_space<vmem>>
      %dma_start3A_245 = tpu.memref_squeeze %dma_start3A_244 : memref<1x128x128xf32, #tpu.memory_space<vmem>> -> memref<128x128xf32, #tpu.memory_space<vmem>>
      %dma_start3A_246 = tpu.memref_slice %arg7[%rem3A_138, %multiple_of3A_240] : memref<2x1024xi32, #tpu.memory_space<vmem>> -> memref<1x128xi32, #tpu.memory_space<vmem>>
      %dma_start3A_247 = tpu.memref_squeeze %dma_start3A_246 : memref<1x128xi32, #tpu.memory_space<vmem>> -> memref<128xi32, #tpu.memory_space<vmem>>
      %dma_start3A_248 = arith.constant 0 : i32
      %dma_start3A_249 = arith.constant 0 : i32
      %dma_start3A_250 = tpu.memref_slice %arg2[%dma_start3A_248, %dma_start3A_249] : memref<10000x128xf32, #tpu.memory_space<hbm>> -> memref<10000x128xf32, #tpu.memory_space<hbm>>
      tpu.enqueue_indirect_dma source(%dma_start3A_250 : memref<10000x128xf32, #tpu.memory_space<hbm>>) target(%dma_start3A_245 : memref<128x128xf32, #tpu.memory_space<vmem>>) offsets(%dma_start3A_247 : memref<128xi32, #tpu.memory_space<vmem>>) semaphore(%arg15 : memref<!tpu.dma_semaphore, #tpu.memory_space<semaphore_mem>>)
      %dma_wait3A_251 = arith.constant 0 : i32
      %dma_wait3A_252 = arith.constant 0 : i32
      %dma_wait3A_253 = arith.constant 0 : i32
      %dma_wait3A_254 = tpu.memref_slice %arg9[%dma_wait3A_251, %dma_wait3A_252, %dma_wait3A_253] : memref<2x128x128xf32, #tpu.memory_space<vmem>> -> memref<1x128x128xf32, #tpu.memory_space<vmem>>
      %dma_wait3A_255 = tpu.memref_squeeze %dma_wait3A_254 : memref<1x128x128xf32, #tpu.memory_space<vmem>> -> memref<128x128xf32, #tpu.memory_space<vmem>>
      %dma_wait3A_256 = arith.constant 0 : i32
      %dma_wait3A_257 = arith.constant 0 : i32
      %dma_wait3A_258 = tpu.memref_slice %arg2[%dma_wait3A_256, %dma_wait3A_257] : memref<10000x128xf32, #tpu.memory_space<hbm>> -> memref<128x128xf32, #tpu.memory_space<hbm>>
      %dma_wait3A_259 = arith.constant 0 : i32
      %dma_wait3A_260 = arith.constant 0 : i32
      %dma_wait3A_261 = tpu.memref_slice %arg9[%dma_wait3A_251, %dma_wait3A_259, %dma_wait3A_260] : memref<2x128x128xf32, #tpu.memory_space<vmem>> -> memref<1x128x128xf32, #tpu.memory_space<vmem>>
      %dma_wait3A_262 = tpu.memref_squeeze %dma_wait3A_261 : memref<1x128x128xf32, #tpu.memory_space<vmem>> -> memref<128x128xf32, #tpu.memory_space<vmem>>
      %dma_wait3A_263 = arith.constant 0 : i32
      %dma_wait3A_264 = arith.constant 0 : i32
      %dma_wait3A_265 = tpu.memref_slice %arg2[%dma_wait3A_263, %dma_wait3A_264] : memref<10000x128xf32, #tpu.memory_space<hbm>> -> memref<128x128xf32, #tpu.memory_space<hbm>>
      tpu.wait_dma2 semaphore(%arg14 : memref<!tpu.dma_semaphore, #tpu.memory_space<semaphore_mem>>) src(%dma_wait3A_265 : memref<128x128xf32, #tpu.memory_space<hbm>>) dst(%dma_wait3A_262 : memref<128x128xf32, #tpu.memory_space<vmem>>)
      %dma_start3A_266 = arith.constant 0 : i32
      %dma_start3A_267 = arith.constant 2 : i32
      %dma_start3A_268 = arith.constant 0 : i32
      %dma_start3A_269 = arith.constant 0 : i32
      %dma_start3A_270 = tpu.memref_slice %arg9[%dma_start3A_266, %dma_start3A_268, %dma_start3A_269] : memref<2x128x128xf32, #tpu.memory_space<vmem>> -> memref<1x128x128xf32, #tpu.memory_space<vmem>>
      %dma_start3A_271 = tpu.memref_squeeze %dma_start3A_270 : memref<1x128x128xf32, #tpu.memory_space<vmem>> -> memref<128x128xf32, #tpu.memory_space<vmem>>
      %dma_start3A_272 = arith.constant 0 : i32
      %dma_start3A_273 = tpu.memref_slice %arg8[%rem3A_138, %dma_start3A_267, %dma_start3A_272] : memref<2x8x128xi32, #tpu.memory_space<vmem>> -> memref<1x1x128xi32, #tpu.memory_space<vmem>>
      %dma_start3A_274 = tpu.memref_squeeze %dma_start3A_273 : memref<1x1x128xi32, #tpu.memory_space<vmem>> -> memref<128xi32, #tpu.memory_space<vmem>>
      %dma_start3A_275 = arith.constant 0 : i32
      %dma_start3A_276 = arith.constant 0 : i32
      %dma_start3A_277 = tpu.memref_slice %arg12[%dma_start3A_275, %dma_start3A_276] : memref<10240x128xf32, #tpu.memory_space<vmem_shared>> -> memref<10240x128xf32, #tpu.memory_space<vmem_shared>>
      tpu.enqueue_indirect_dma source(%dma_start3A_271 : memref<128x128xf32, #tpu.memory_space<vmem>>) target(%dma_start3A_277 : memref<10240x128xf32, #tpu.memory_space<vmem_shared>>) offsets(%dma_start3A_274 : memref<128xi32, #tpu.memory_space<vmem>>) semaphore(%arg16 : memref<!tpu.dma_semaphore, #tpu.memory_space<semaphore_mem>>) {add = true}
      %dma_wait3A_278 = arith.constant 0 : i32
      %dma_wait3A_279 = arith.constant 0 : i32
      %dma_wait3A_280 = arith.constant 0 : i32
      %dma_wait3A_281 = tpu.memref_slice %arg9[%dma_wait3A_278, %dma_wait3A_279, %dma_wait3A_280] : memref<2x128x128xf32, #tpu.memory_space<vmem>> -> memref<1x128x128xf32, #tpu.memory_space<vmem>>
      %dma_wait3A_282 = tpu.memref_squeeze %dma_wait3A_281 : memref<1x128x128xf32, #tpu.memory_space<vmem>> -> memref<128x128xf32, #tpu.memory_space<vmem>>
      %dma_wait3A_283 = arith.constant 0 : i32
      %dma_wait3A_284 = arith.constant 0 : i32
      %dma_wait3A_285 = tpu.memref_slice %arg12[%dma_wait3A_283, %dma_wait3A_284] : memref<10240x128xf32, #tpu.memory_space<vmem_shared>> -> memref<128x128xf32, #tpu.memory_space<vmem_shared>>
      %dma_wait3A_286 = arith.constant 0 : i32
      %dma_wait3A_287 = arith.constant 0 : i32
      %dma_wait3A_288 = tpu.memref_slice %arg12[%dma_wait3A_286, %dma_wait3A_287] : memref<10240x128xf32, #tpu.memory_space<vmem_shared>> -> memref<128x128xf32, #tpu.memory_space<vmem_shared>>
      %dma_wait3A_289 = arith.constant 0 : i32
      %dma_wait3A_290 = arith.constant 0 : i32
      %dma_wait3A_291 = tpu.memref_slice %arg9[%dma_wait3A_278, %dma_wait3A_289, %dma_wait3A_290] : memref<2x128x128xf32, #tpu.memory_space<vmem>> -> memref<1x128x128xf32, #tpu.memory_space<vmem>>
      %dma_wait3A_292 = tpu.memref_squeeze %dma_wait3A_291 : memref<1x128x128xf32, #tpu.memory_space<vmem>> -> memref<128x128xf32, #tpu.memory_space<vmem>>
      tpu.wait_dma2 semaphore(%arg16 : memref<!tpu.dma_semaphore, #tpu.memory_space<semaphore_mem>>) src(%dma_wait3A_292 : memref<128x128xf32, #tpu.memory_space<vmem>>) dst(%dma_wait3A_288 : memref<128x128xf32, #tpu.memory_space<vmem_shared>>)
      %multiple_of3A_293 = arith.constant 512 : i32
      %multiple_of3A_294 = tpu.assume_multiple %multiple_of3A_293, 128 : i32
      %dma_start3A_295 = arith.constant 0 : i32
      %dma_start3A_296 = arith.constant 0 : i32
      %dma_start3A_297 = arith.constant 0 : i32
      %dma_start3A_298 = tpu.memref_slice %arg9[%dma_start3A_295, %dma_start3A_296, %dma_start3A_297] : memref<2x128x128xf32, #tpu.memory_space<vmem>> -> memref<1x128x128xf32, #tpu.memory_space<vmem>>
      %dma_start3A_299 = tpu.memref_squeeze %dma_start3A_298 : memref<1x128x128xf32, #tpu.memory_space<vmem>> -> memref<128x128xf32, #tpu.memory_space<vmem>>
      %dma_start3A_300 = tpu.memref_slice %arg7[%rem3A_138, %multiple_of3A_294] : memref<2x1024xi32, #tpu.memory_space<vmem>> -> memref<1x128xi32, #tpu.memory_space<vmem>>
      %dma_start3A_301 = tpu.memref_squeeze %dma_start3A_300 : memref<1x128xi32, #tpu.memory_space<vmem>> -> memref<128xi32, #tpu.memory_space<vmem>>
      %dma_start3A_302 = arith.constant 0 : i32
      %dma_start3A_303 = arith.constant 0 : i32
      %dma_start3A_304 = tpu.memref_slice %arg2[%dma_start3A_302, %dma_start3A_303] : memref<10000x128xf32, #tpu.memory_space<hbm>> -> memref<10000x128xf32, #tpu.memory_space<hbm>>
      tpu.enqueue_indirect_dma source(%dma_start3A_304 : memref<10000x128xf32, #tpu.memory_space<hbm>>) target(%dma_start3A_299 : memref<128x128xf32, #tpu.memory_space<vmem>>) offsets(%dma_start3A_301 : memref<128xi32, #tpu.memory_space<vmem>>) semaphore(%arg14 : memref<!tpu.dma_semaphore, #tpu.memory_space<semaphore_mem>>)
      %dma_wait3A_305 = arith.constant 1 : i32
      %dma_wait3A_306 = arith.constant 0 : i32
      %dma_wait3A_307 = arith.constant 0 : i32
      %dma_wait3A_308 = tpu.memref_slice %arg9[%dma_wait3A_305, %dma_wait3A_306, %dma_wait3A_307] : memref<2x128x128xf32, #tpu.memory_space<vmem>> -> memref<1x128x128xf32, #tpu.memory_space<vmem>>
      %dma_wait3A_309 = tpu.memref_squeeze %dma_wait3A_308 : memref<1x128x128xf32, #tpu.memory_space<vmem>> -> memref<128x128xf32, #tpu.memory_space<vmem>>
      %dma_wait3A_310 = arith.constant 0 : i32
      %dma_wait3A_311 = arith.constant 0 : i32
      %dma_wait3A_312 = tpu.memref_slice %arg2[%dma_wait3A_310, %dma_wait3A_311] : memref<10000x128xf32, #tpu.memory_space<hbm>> -> memref<128x128xf32, #tpu.memory_space<hbm>>
      %dma_wait3A_313 = arith.constant 0 : i32
      %dma_wait3A_314 = arith.constant 0 : i32
      %dma_wait3A_315 = tpu.memref_slice %arg9[%dma_wait3A_305, %dma_wait3A_313, %dma_wait3A_314] : memref<2x128x128xf32, #tpu.memory_space<vmem>> -> memref<1x128x128xf32, #tpu.memory_space<vmem>>
      %dma_wait3A_316 = tpu.memref_squeeze %dma_wait3A_315 : memref<1x128x128xf32, #tpu.memory_space<vmem>> -> memref<128x128xf32, #tpu.memory_space<vmem>>
      %dma_wait3A_317 = arith.constant 0 : i32
      %dma_wait3A_318 = arith.constant 0 : i32
      %dma_wait3A_319 = tpu.memref_slice %arg2[%dma_wait3A_317, %dma_wait3A_318] : memref<10000x128xf32, #tpu.memory_space<hbm>> -> memref<128x128xf32, #tpu.memory_space<hbm>>
      tpu.wait_dma2 semaphore(%arg15 : memref<!tpu.dma_semaphore, #tpu.memory_space<semaphore_mem>>) src(%dma_wait3A_319 : memref<128x128xf32, #tpu.memory_space<hbm>>) dst(%dma_wait3A_316 : memref<128x128xf32, #tpu.memory_space<vmem>>)
      %dma_start3A_320 = arith.constant 1 : i32
      %dma_start3A_321 = arith.constant 3 : i32
      %dma_start3A_322 = arith.constant 0 : i32
      %dma_start3A_323 = arith.constant 0 : i32
      %dma_start3A_324 = tpu.memref_slice %arg9[%dma_start3A_320, %dma_start3A_322, %dma_start3A_323] : memref<2x128x128xf32, #tpu.memory_space<vmem>> -> memref<1x128x128xf32, #tpu.memory_space<vmem>>
      %dma_start3A_325 = tpu.memref_squeeze %dma_start3A_324 : memref<1x128x128xf32, #tpu.memory_space<vmem>> -> memref<128x128xf32, #tpu.memory_space<vmem>>
      %dma_start3A_326 = arith.constant 0 : i32
      %dma_start3A_327 = tpu.memref_slice %arg8[%rem3A_138, %dma_start3A_321, %dma_start3A_326] : memref<2x8x128xi32, #tpu.memory_space<vmem>> -> memref<1x1x128xi32, #tpu.memory_space<vmem>>
      %dma_start3A_328 = tpu.memref_squeeze %dma_start3A_327 : memref<1x1x128xi32, #tpu.memory_space<vmem>> -> memref<128xi32, #tpu.memory_space<vmem>>
      %dma_start3A_329 = arith.constant 0 : i32
      %dma_start3A_330 = arith.constant 0 : i32
      %dma_start3A_331 = tpu.memref_slice %arg12[%dma_start3A_329, %dma_start3A_330] : memref<10240x128xf32, #tpu.memory_space<vmem_shared>> -> memref<10240x128xf32, #tpu.memory_space<vmem_shared>>
      tpu.enqueue_indirect_dma source(%dma_start3A_325 : memref<128x128xf32, #tpu.memory_space<vmem>>) target(%dma_start3A_331 : memref<10240x128xf32, #tpu.memory_space<vmem_shared>>) offsets(%dma_start3A_328 : memref<128xi32, #tpu.memory_space<vmem>>) semaphore(%arg17 : memref<!tpu.dma_semaphore, #tpu.memory_space<semaphore_mem>>) {add = true}
      %dma_wait3A_332 = arith.constant 1 : i32
      %dma_wait3A_333 = arith.constant 0 : i32
      %dma_wait3A_334 = arith.constant 0 : i32
      %dma_wait3A_335 = tpu.memref_slice %arg9[%dma_wait3A_332, %dma_wait3A_333, %dma_wait3A_334] : memref<2x128x128xf32, #tpu.memory_space<vmem>> -> memref<1x128x128xf32, #tpu.memory_space<vmem>>
      %dma_wait3A_336 = tpu.memref_squeeze %dma_wait3A_335 : memref<1x128x128xf32, #tpu.memory_space<vmem>> -> memref<128x128xf32, #tpu.memory_space<vmem>>
      %dma_wait3A_337 = arith.constant 0 : i32
      %dma_wait3A_338 = arith.constant 0 : i32
      %dma_wait3A_339 = tpu.memref_slice %arg12[%dma_wait3A_337, %dma_wait3A_338] : memref<10240x128xf32, #tpu.memory_space<vmem_shared>> -> memref<128x128xf32, #tpu.memory_space<vmem_shared>>
      %dma_wait3A_340 = arith.constant 0 : i32
      %dma_wait3A_341 = arith.constant 0 : i32
      %dma_wait3A_342 = tpu.memref_slice %arg12[%dma_wait3A_340, %dma_wait3A_341] : memref<10240x128xf32, #tpu.memory_space<vmem_shared>> -> memref<128x128xf32, #tpu.memory_space<vmem_shared>>
      %dma_wait3A_343 = arith.constant 0 : i32
      %dma_wait3A_344 = arith.constant 0 : i32
      %dma_wait3A_345 = tpu.memref_slice %arg9[%dma_wait3A_332, %dma_wait3A_343, %dma_wait3A_344] : memref<2x128x128xf32, #tpu.memory_space<vmem>> -> memref<1x128x128xf32, #tpu.memory_space<vmem>>
      %dma_wait3A_346 = tpu.memref_squeeze %dma_wait3A_345 : memref<1x128x128xf32, #tpu.memory_space<vmem>> -> memref<128x128xf32, #tpu.memory_space<vmem>>
      tpu.wait_dma2 semaphore(%arg17 : memref<!tpu.dma_semaphore, #tpu.memory_space<semaphore_mem>>) src(%dma_wait3A_346 : memref<128x128xf32, #tpu.memory_space<vmem>>) dst(%dma_wait3A_342 : memref<128x128xf32, #tpu.memory_space<vmem_shared>>)
      %multiple_of3A_347 = arith.constant 640 : i32
      %multiple_of3A_348 = tpu.assume_multiple %multiple_of3A_347, 128 : i32
      %dma_start3A_349 = arith.constant 1 : i32
      %dma_start3A_350 = arith.constant 0 : i32
      %dma_start3A_351 = arith.constant 0 : i32
      %dma_start3A_352 = tpu.memref_slice %arg9[%dma_start3A_349, %dma_start3A_350, %dma_start3A_351] : memref<2x128x128xf32, #tpu.memory_space<vmem>> -> memref<1x128x128xf32, #tpu.memory_space<vmem>>
      %dma_start3A_353 = tpu.memref_squeeze %dma_start3A_352 : memref<1x128x128xf32, #tpu.memory_space<vmem>> -> memref<128x128xf32, #tpu.memory_space<vmem>>
      %dma_start3A_354 = tpu.memref_slice %arg7[%rem3A_138, %multiple_of3A_348] : memref<2x1024xi32, #tpu.memory_space<vmem>> -> memref<1x128xi32, #tpu.memory_space<vmem>>
      %dma_start3A_355 = tpu.memref_squeeze %dma_start3A_354 : memref<1x128xi32, #tpu.memory_space<vmem>> -> memref<128xi32, #tpu.memory_space<vmem>>
      %dma_start3A_356 = arith.constant 0 : i32
      %dma_start3A_357 = arith.constant 0 : i32
      %dma_start3A_358 = tpu.memref_slice %arg2[%dma_start3A_356, %dma_start3A_357] : memref<10000x128xf32, #tpu.memory_space<hbm>> -> memref<10000x128xf32, #tpu.memory_space<hbm>>
      tpu.enqueue_indirect_dma source(%dma_start3A_358 : memref<10000x128xf32, #tpu.memory_space<hbm>>) target(%dma_start3A_353 : memref<128x128xf32, #tpu.memory_space<vmem>>) offsets(%dma_start3A_355 : memref<128xi32, #tpu.memory_space<vmem>>) semaphore(%arg15 : memref<!tpu.dma_semaphore, #tpu.memory_space<semaphore_mem>>)
      %dma_wait3A_359 = arith.constant 0 : i32
      %dma_wait3A_360 = arith.constant 0 : i32
      %dma_wait3A_361 = arith.constant 0 : i32
      %dma_wait3A_362 = tpu.memref_slice %arg9[%dma_wait3A_359, %dma_wait3A_360, %dma_wait3A_361] : memref<2x128x128xf32, #tpu.memory_space<vmem>> -> memref<1x128x128xf32, #tpu.memory_space<vmem>>
      %dma_wait3A_363 = tpu.memref_squeeze %dma_wait3A_362 : memref<1x128x128xf32, #tpu.memory_space<vmem>> -> memref<128x128xf32, #tpu.memory_space<vmem>>
      %dma_wait3A_364 = arith.constant 0 : i32
      %dma_wait3A_365 = arith.constant 0 : i32
      %dma_wait3A_366 = tpu.memref_slice %arg2[%dma_wait3A_364, %dma_wait3A_365] : memref<10000x128xf32, #tpu.memory_space<hbm>> -> memref<128x128xf32, #tpu.memory_space<hbm>>
      %dma_wait3A_367 = arith.constant 0 : i32
      %dma_wait3A_368 = arith.constant 0 : i32
      %dma_wait3A_369 = tpu.memref_slice %arg9[%dma_wait3A_359, %dma_wait3A_367, %dma_wait3A_368] : memref<2x128x128xf32, #tpu.memory_space<vmem>> -> memref<1x128x128xf32, #tpu.memory_space<vmem>>
      %dma_wait3A_370 = tpu.memref_squeeze %dma_wait3A_369 : memref<1x128x128xf32, #tpu.memory_space<vmem>> -> memref<128x128xf32, #tpu.memory_space<vmem>>
      %dma_wait3A_371 = arith.constant 0 : i32
      %dma_wait3A_372 = arith.constant 0 : i32
      %dma_wait3A_373 = tpu.memref_slice %arg2[%dma_wait3A_371, %dma_wait3A_372] : memref<10000x128xf32, #tpu.memory_space<hbm>> -> memref<128x128xf32, #tpu.memory_space<hbm>>
      tpu.wait_dma2 semaphore(%arg14 : memref<!tpu.dma_semaphore, #tpu.memory_space<semaphore_mem>>) src(%dma_wait3A_373 : memref<128x128xf32, #tpu.memory_space<hbm>>) dst(%dma_wait3A_370 : memref<128x128xf32, #tpu.memory_space<vmem>>)
      %dma_start3A_374 = arith.constant 0 : i32
      %dma_start3A_375 = arith.constant 4 : i32
      %dma_start3A_376 = arith.constant 0 : i32
      %dma_start3A_377 = arith.constant 0 : i32
      %dma_start3A_378 = tpu.memref_slice %arg9[%dma_start3A_374, %dma_start3A_376, %dma_start3A_377] : memref<2x128x128xf32, #tpu.memory_space<vmem>> -> memref<1x128x128xf32, #tpu.memory_space<vmem>>
      %dma_start3A_379 = tpu.memref_squeeze %dma_start3A_378 : memref<1x128x128xf32, #tpu.memory_space<vmem>> -> memref<128x128xf32, #tpu.memory_space<vmem>>
      %dma_start3A_380 = arith.constant 0 : i32
      %dma_start3A_381 = tpu.memref_slice %arg8[%rem3A_138, %dma_start3A_375, %dma_start3A_380] : memref<2x8x128xi32, #tpu.memory_space<vmem>> -> memref<1x1x128xi32, #tpu.memory_space<vmem>>
      %dma_start3A_382 = tpu.memref_squeeze %dma_start3A_381 : memref<1x1x128xi32, #tpu.memory_space<vmem>> -> memref<128xi32, #tpu.memory_space<vmem>>
      %dma_start3A_383 = arith.constant 0 : i32
      %dma_start3A_384 = arith.constant 0 : i32
      %dma_start3A_385 = tpu.memref_slice %arg12[%dma_start3A_383, %dma_start3A_384] : memref<10240x128xf32, #tpu.memory_space<vmem_shared>> -> memref<10240x128xf32, #tpu.memory_space<vmem_shared>>
      tpu.enqueue_indirect_dma source(%dma_start3A_379 : memref<128x128xf32, #tpu.memory_space<vmem>>) target(%dma_start3A_385 : memref<10240x128xf32, #tpu.memory_space<vmem_shared>>) offsets(%dma_start3A_382 : memref<128xi32, #tpu.memory_space<vmem>>) semaphore(%arg16 : memref<!tpu.dma_semaphore, #tpu.memory_space<semaphore_mem>>) {add = true}
      %dma_wait3A_386 = arith.constant 0 : i32
      %dma_wait3A_387 = arith.constant 0 : i32
      %dma_wait3A_388 = arith.constant 0 : i32
      %dma_wait3A_389 = tpu.memref_slice %arg9[%dma_wait3A_386, %dma_wait3A_387, %dma_wait3A_388] : memref<2x128x128xf32, #tpu.memory_space<vmem>> -> memref<1x128x128xf32, #tpu.memory_space<vmem>>
      %dma_wait3A_390 = tpu.memref_squeeze %dma_wait3A_389 : memref<1x128x128xf32, #tpu.memory_space<vmem>> -> memref<128x128xf32, #tpu.memory_space<vmem>>
      %dma_wait3A_391 = arith.constant 0 : i32
      %dma_wait3A_392 = arith.constant 0 : i32
      %dma_wait3A_393 = tpu.memref_slice %arg12[%dma_wait3A_391, %dma_wait3A_392] : memref<10240x128xf32, #tpu.memory_space<vmem_shared>> -> memref<128x128xf32, #tpu.memory_space<vmem_shared>>
      %dma_wait3A_394 = arith.constant 0 : i32
      %dma_wait3A_395 = arith.constant 0 : i32
      %dma_wait3A_396 = tpu.memref_slice %arg12[%dma_wait3A_394, %dma_wait3A_395] : memref<10240x128xf32, #tpu.memory_space<vmem_shared>> -> memref<128x128xf32, #tpu.memory_space<vmem_shared>>
      %dma_wait3A_397 = arith.constant 0 : i32
      %dma_wait3A_398 = arith.constant 0 : i32
      %dma_wait3A_399 = tpu.memref_slice %arg9[%dma_wait3A_386, %dma_wait3A_397, %dma_wait3A_398] : memref<2x128x128xf32, #tpu.memory_space<vmem>> -> memref<1x128x128xf32, #tpu.memory_space<vmem>>
      %dma_wait3A_400 = tpu.memref_squeeze %dma_wait3A_399 : memref<1x128x128xf32, #tpu.memory_space<vmem>> -> memref<128x128xf32, #tpu.memory_space<vmem>>
      tpu.wait_dma2 semaphore(%arg16 : memref<!tpu.dma_semaphore, #tpu.memory_space<semaphore_mem>>) src(%dma_wait3A_400 : memref<128x128xf32, #tpu.memory_space<vmem>>) dst(%dma_wait3A_396 : memref<128x128xf32, #tpu.memory_space<vmem_shared>>)
      %multiple_of3A_401 = arith.constant 768 : i32
      %multiple_of3A_402 = tpu.assume_multiple %multiple_of3A_401, 128 : i32
      %dma_start3A_403 = arith.constant 0 : i32
      %dma_start3A_404 = arith.constant 0 : i32
      %dma_start3A_405 = arith.constant 0 : i32
      %dma_start3A_406 = tpu.memref_slice %arg9[%dma_start3A_403, %dma_start3A_404, %dma_start3A_405] : memref<2x128x128xf32, #tpu.memory_space<vmem>> -> memref<1x128x128xf32, #tpu.memory_space<vmem>>
      %dma_start3A_407 = tpu.memref_squeeze %dma_start3A_406 : memref<1x128x128xf32, #tpu.memory_space<vmem>> -> memref<128x128xf32, #tpu.memory_space<vmem>>
      %dma_start3A_408 = tpu.memref_slice %arg7[%rem3A_138, %multiple_of3A_402] : memref<2x1024xi32, #tpu.memory_space<vmem>> -> memref<1x128xi32, #tpu.memory_space<vmem>>
      %dma_start3A_409 = tpu.memref_squeeze %dma_start3A_408 : memref<1x128xi32, #tpu.memory_space<vmem>> -> memref<128xi32, #tpu.memory_space<vmem>>
      %dma_start3A_410 = arith.constant 0 : i32
      %dma_start3A_411 = arith.constant 0 : i32
      %dma_start3A_412 = tpu.memref_slice %arg2[%dma_start3A_410, %dma_start3A_411] : memref<10000x128xf32, #tpu.memory_space<hbm>> -> memref<10000x128xf32, #tpu.memory_space<hbm>>
      tpu.enqueue_indirect_dma source(%dma_start3A_412 : memref<10000x128xf32, #tpu.memory_space<hbm>>) target(%dma_start3A_407 : memref<128x128xf32, #tpu.memory_space<vmem>>) offsets(%dma_start3A_409 : memref<128xi32, #tpu.memory_space<vmem>>) semaphore(%arg14 : memref<!tpu.dma_semaphore, #tpu.memory_space<semaphore_mem>>)
      %dma_wait3A_413 = arith.constant 1 : i32
      %dma_wait3A_414 = arith.constant 0 : i32
      %dma_wait3A_415 = arith.constant 0 : i32
      %dma_wait3A_416 = tpu.memref_slice %arg9[%dma_wait3A_413, %dma_wait3A_414, %dma_wait3A_415] : memref<2x128x128xf32, #tpu.memory_space<vmem>> -> memref<1x128x128xf32, #tpu.memory_space<vmem>>
      %dma_wait3A_417 = tpu.memref_squeeze %dma_wait3A_416 : memref<1x128x128xf32, #tpu.memory_space<vmem>> -> memref<128x128xf32, #tpu.memory_space<vmem>>
      %dma_wait3A_418 = arith.constant 0 : i32
      %dma_wait3A_419 = arith.constant 0 : i32
      %dma_wait3A_420 = tpu.memref_slice %arg2[%dma_wait3A_418, %dma_wait3A_419] : memref<10000x128xf32, #tpu.memory_space<hbm>> -> memref<128x128xf32, #tpu.memory_space<hbm>>
      %dma_wait3A_421 = arith.constant 0 : i32
      %dma_wait3A_422 = arith.constant 0 : i32
      %dma_wait3A_423 = tpu.memref_slice %arg9[%dma_wait3A_413, %dma_wait3A_421, %dma_wait3A_422] : memref<2x128x128xf32, #tpu.memory_space<vmem>> -> memref<1x128x128xf32, #tpu.memory_space<vmem>>
      %dma_wait3A_424 = tpu.memref_squeeze %dma_wait3A_423 : memref<1x128x128xf32, #tpu.memory_space<vmem>> -> memref<128x128xf32, #tpu.memory_space<vmem>>
      %dma_wait3A_425 = arith.constant 0 : i32
      %dma_wait3A_426 = arith.constant 0 : i32
      %dma_wait3A_427 = tpu.memref_slice %arg2[%dma_wait3A_425, %dma_wait3A_426] : memref<10000x128xf32, #tpu.memory_space<hbm>> -> memref<128x128xf32, #tpu.memory_space<hbm>>
      tpu.wait_dma2 semaphore(%arg15 : memref<!tpu.dma_semaphore, #tpu.memory_space<semaphore_mem>>) src(%dma_wait3A_427 : memref<128x128xf32, #tpu.memory_space<hbm>>) dst(%dma_wait3A_424 : memref<128x128xf32, #tpu.memory_space<vmem>>)
      %dma_start3A_428 = arith.constant 1 : i32
      %dma_start3A_429 = arith.constant 5 : i32
      %dma_start3A_430 = arith.constant 0 : i32
      %dma_start3A_431 = arith.constant 0 : i32
      %dma_start3A_432 = tpu.memref_slice %arg9[%dma_start3A_428, %dma_start3A_430, %dma_start3A_431] : memref<2x128x128xf32, #tpu.memory_space<vmem>> -> memref<1x128x128xf32, #tpu.memory_space<vmem>>
      %dma_start3A_433 = tpu.memref_squeeze %dma_start3A_432 : memref<1x128x128xf32, #tpu.memory_space<vmem>> -> memref<128x128xf32, #tpu.memory_space<vmem>>
      %dma_start3A_434 = arith.constant 0 : i32
      %dma_start3A_435 = tpu.memref_slice %arg8[%rem3A_138, %dma_start3A_429, %dma_start3A_434] : memref<2x8x128xi32, #tpu.memory_space<vmem>> -> memref<1x1x128xi32, #tpu.memory_space<vmem>>
      %dma_start3A_436 = tpu.memref_squeeze %dma_start3A_435 : memref<1x1x128xi32, #tpu.memory_space<vmem>> -> memref<128xi32, #tpu.memory_space<vmem>>
      %dma_start3A_437 = arith.constant 0 : i32
      %dma_start3A_438 = arith.constant 0 : i32
      %dma_start3A_439 = tpu.memref_slice %arg12[%dma_start3A_437, %dma_start3A_438] : memref<10240x128xf32, #tpu.memory_space<vmem_shared>> -> memref<10240x128xf32, #tpu.memory_space<vmem_shared>>
      tpu.enqueue_indirect_dma source(%dma_start3A_433 : memref<128x128xf32, #tpu.memory_space<vmem>>) target(%dma_start3A_439 : memref<10240x128xf32, #tpu.memory_space<vmem_shared>>) offsets(%dma_start3A_436 : memref<128xi32, #tpu.memory_space<vmem>>) semaphore(%arg17 : memref<!tpu.dma_semaphore, #tpu.memory_space<semaphore_mem>>) {add = true}
      %dma_wait3A_440 = arith.constant 1 : i32
      %dma_wait3A_441 = arith.constant 0 : i32
      %dma_wait3A_442 = arith.constant 0 : i32
      %dma_wait3A_443 = tpu.memref_slice %arg9[%dma_wait3A_440, %dma_wait3A_441, %dma_wait3A_442] : memref<2x128x128xf32, #tpu.memory_space<vmem>> -> memref<1x128x128xf32, #tpu.memory_space<vmem>>
      %dma_wait3A_444 = tpu.memref_squeeze %dma_wait3A_443 : memref<1x128x128xf32, #tpu.memory_space<vmem>> -> memref<128x128xf32, #tpu.memory_space<vmem>>
      %dma_wait3A_445 = arith.constant 0 : i32
      %dma_wait3A_446 = arith.constant 0 : i32
      %dma_wait3A_447 = tpu.memref_slice %arg12[%dma_wait3A_445, %dma_wait3A_446] : memref<10240x128xf32, #tpu.memory_space<vmem_shared>> -> memref<128x128xf32, #tpu.memory_space<vmem_shared>>
      %dma_wait3A_448 = arith.constant 0 : i32
      %dma_wait3A_449 = arith.constant 0 : i32
      %dma_wait3A_450 = tpu.memref_slice %arg12[%dma_wait3A_448, %dma_wait3A_449] : memref<10240x128xf32, #tpu.memory_space<vmem_shared>> -> memref<128x128xf32, #tpu.memory_space<vmem_shared>>
      %dma_wait3A_451 = arith.constant 0 : i32
      %dma_wait3A_452 = arith.constant 0 : i32
      %dma_wait3A_453 = tpu.memref_slice %arg9[%dma_wait3A_440, %dma_wait3A_451, %dma_wait3A_452] : memref<2x128x128xf32, #tpu.memory_space<vmem>> -> memref<1x128x128xf32, #tpu.memory_space<vmem>>
      %dma_wait3A_454 = tpu.memref_squeeze %dma_wait3A_453 : memref<1x128x128xf32, #tpu.memory_space<vmem>> -> memref<128x128xf32, #tpu.memory_space<vmem>>
      tpu.wait_dma2 semaphore(%arg17 : memref<!tpu.dma_semaphore, #tpu.memory_space<semaphore_mem>>) src(%dma_wait3A_454 : memref<128x128xf32, #tpu.memory_space<vmem>>) dst(%dma_wait3A_450 : memref<128x128xf32, #tpu.memory_space<vmem_shared>>)
      %multiple_of3A_455 = arith.constant 896 : i32
      %multiple_of3A_456 = tpu.assume_multiple %multiple_of3A_455, 128 : i32
      %dma_start3A_457 = arith.constant 1 : i32
      %dma_start3A_458 = arith.constant 0 : i32
      %dma_start3A_459 = arith.constant 0 : i32
      %dma_start3A_460 = tpu.memref_slice %arg9[%dma_start3A_457, %dma_start3A_458, %dma_start3A_459] : memref<2x128x128xf32, #tpu.memory_space<vmem>> -> memref<1x128x128xf32, #tpu.memory_space<vmem>>
      %dma_start3A_461 = tpu.memref_squeeze %dma_start3A_460 : memref<1x128x128xf32, #tpu.memory_space<vmem>> -> memref<128x128xf32, #tpu.memory_space<vmem>>
      %dma_start3A_462 = tpu.memref_slice %arg7[%rem3A_138, %multiple_of3A_456] : memref<2x1024xi32, #tpu.memory_space<vmem>> -> memref<1x128xi32, #tpu.memory_space<vmem>>
      %dma_start3A_463 = tpu.memref_squeeze %dma_start3A_462 : memref<1x128xi32, #tpu.memory_space<vmem>> -> memref<128xi32, #tpu.memory_space<vmem>>
      %dma_start3A_464 = arith.constant 0 : i32
      %dma_start3A_465 = arith.constant 0 : i32
      %dma_start3A_466 = tpu.memref_slice %arg2[%dma_start3A_464, %dma_start3A_465] : memref<10000x128xf32, #tpu.memory_space<hbm>> -> memref<10000x128xf32, #tpu.memory_space<hbm>>
      tpu.enqueue_indirect_dma source(%dma_start3A_466 : memref<10000x128xf32, #tpu.memory_space<hbm>>) target(%dma_start3A_461 : memref<128x128xf32, #tpu.memory_space<vmem>>) offsets(%dma_start3A_463 : memref<128xi32, #tpu.memory_space<vmem>>) semaphore(%arg15 : memref<!tpu.dma_semaphore, #tpu.memory_space<semaphore_mem>>)
      %dma_wait3A_467 = arith.constant 0 : i32
      %dma_wait3A_468 = arith.constant 0 : i32
      %dma_wait3A_469 = arith.constant 0 : i32
      %dma_wait3A_470 = tpu.memref_slice %arg9[%dma_wait3A_467, %dma_wait3A_468, %dma_wait3A_469] : memref<2x128x128xf32, #tpu.memory_space<vmem>> -> memref<1x128x128xf32, #tpu.memory_space<vmem>>
      %dma_wait3A_471 = tpu.memref_squeeze %dma_wait3A_470 : memref<1x128x128xf32, #tpu.memory_space<vmem>> -> memref<128x128xf32, #tpu.memory_space<vmem>>
      %dma_wait3A_472 = arith.constant 0 : i32
      %dma_wait3A_473 = arith.constant 0 : i32
      %dma_wait3A_474 = tpu.memref_slice %arg2[%dma_wait3A_472, %dma_wait3A_473] : memref<10000x128xf32, #tpu.memory_space<hbm>> -> memref<128x128xf32, #tpu.memory_space<hbm>>
      %dma_wait3A_475 = arith.constant 0 : i32
      %dma_wait3A_476 = arith.constant 0 : i32
      %dma_wait3A_477 = tpu.memref_slice %arg9[%dma_wait3A_467, %dma_wait3A_475, %dma_wait3A_476] : memref<2x128x128xf32, #tpu.memory_space<vmem>> -> memref<1x128x128xf32, #tpu.memory_space<vmem>>
      %dma_wait3A_478 = tpu.memref_squeeze %dma_wait3A_477 : memref<1x128x128xf32, #tpu.memory_space<vmem>> -> memref<128x128xf32, #tpu.memory_space<vmem>>
      %dma_wait3A_479 = arith.constant 0 : i32
      %dma_wait3A_480 = arith.constant 0 : i32
      %dma_wait3A_481 = tpu.memref_slice %arg2[%dma_wait3A_479, %dma_wait3A_480] : memref<10000x128xf32, #tpu.memory_space<hbm>> -> memref<128x128xf32, #tpu.memory_space<hbm>>
      tpu.wait_dma2 semaphore(%arg14 : memref<!tpu.dma_semaphore, #tpu.memory_space<semaphore_mem>>) src(%dma_wait3A_481 : memref<128x128xf32, #tpu.memory_space<hbm>>) dst(%dma_wait3A_478 : memref<128x128xf32, #tpu.memory_space<vmem>>)
      %dma_start3A_482 = arith.constant 0 : i32
      %dma_start3A_483 = arith.constant 6 : i32
      %dma_start3A_484 = arith.constant 0 : i32
      %dma_start3A_485 = arith.constant 0 : i32
      %dma_start3A_486 = tpu.memref_slice %arg9[%dma_start3A_482, %dma_start3A_484, %dma_start3A_485] : memref<2x128x128xf32, #tpu.memory_space<vmem>> -> memref<1x128x128xf32, #tpu.memory_space<vmem>>
      %dma_start3A_487 = tpu.memref_squeeze %dma_start3A_486 : memref<1x128x128xf32, #tpu.memory_space<vmem>> -> memref<128x128xf32, #tpu.memory_space<vmem>>
      %dma_start3A_488 = arith.constant 0 : i32
      %dma_start3A_489 = tpu.memref_slice %arg8[%rem3A_138, %dma_start3A_483, %dma_start3A_488] : memref<2x8x128xi32, #tpu.memory_space<vmem>> -> memref<1x1x128xi32, #tpu.memory_space<vmem>>
      %dma_start3A_490 = tpu.memref_squeeze %dma_start3A_489 : memref<1x1x128xi32, #tpu.memory_space<vmem>> -> memref<128xi32, #tpu.memory_space<vmem>>
      %dma_start3A_491 = arith.constant 0 : i32
      %dma_start3A_492 = arith.constant 0 : i32
      %dma_start3A_493 = tpu.memref_slice %arg12[%dma_start3A_491, %dma_start3A_492] : memref<10240x128xf32, #tpu.memory_space<vmem_shared>> -> memref<10240x128xf32, #tpu.memory_space<vmem_shared>>
      tpu.enqueue_indirect_dma source(%dma_start3A_487 : memref<128x128xf32, #tpu.memory_space<vmem>>) target(%dma_start3A_493 : memref<10240x128xf32, #tpu.memory_space<vmem_shared>>) offsets(%dma_start3A_490 : memref<128xi32, #tpu.memory_space<vmem>>) semaphore(%arg16 : memref<!tpu.dma_semaphore, #tpu.memory_space<semaphore_mem>>) {add = true}
      %dma_wait3A_494 = arith.constant 0 : i32
      %dma_wait3A_495 = arith.constant 0 : i32
      %dma_wait3A_496 = arith.constant 0 : i32
      %dma_wait3A_497 = tpu.memref_slice %arg9[%dma_wait3A_494, %dma_wait3A_495, %dma_wait3A_496] : memref<2x128x128xf32, #tpu.memory_space<vmem>> -> memref<1x128x128xf32, #tpu.memory_space<vmem>>
      %dma_wait3A_498 = tpu.memref_squeeze %dma_wait3A_497 : memref<1x128x128xf32, #tpu.memory_space<vmem>> -> memref<128x128xf32, #tpu.memory_space<vmem>>
      %dma_wait3A_499 = arith.constant 0 : i32
      %dma_wait3A_500 = arith.constant 0 : i32
      %dma_wait3A_501 = tpu.memref_slice %arg12[%dma_wait3A_499, %dma_wait3A_500] : memref<10240x128xf32, #tpu.memory_space<vmem_shared>> -> memref<128x128xf32, #tpu.memory_space<vmem_shared>>
      %dma_wait3A_502 = arith.constant 0 : i32
      %dma_wait3A_503 = arith.constant 0 : i32
      %dma_wait3A_504 = tpu.memref_slice %arg12[%dma_wait3A_502, %dma_wait3A_503] : memref<10240x128xf32, #tpu.memory_space<vmem_shared>> -> memref<128x128xf32, #tpu.memory_space<vmem_shared>>
      %dma_wait3A_505 = arith.constant 0 : i32
      %dma_wait3A_506 = arith.constant 0 : i32
      %dma_wait3A_507 = tpu.memref_slice %arg9[%dma_wait3A_494, %dma_wait3A_505, %dma_wait3A_506] : memref<2x128x128xf32, #tpu.memory_space<vmem>> -> memref<1x128x128xf32, #tpu.memory_space<vmem>>
      %dma_wait3A_508 = tpu.memref_squeeze %dma_wait3A_507 : memref<1x128x128xf32, #tpu.memory_space<vmem>> -> memref<128x128xf32, #tpu.memory_space<vmem>>
      tpu.wait_dma2 semaphore(%arg16 : memref<!tpu.dma_semaphore, #tpu.memory_space<semaphore_mem>>) src(%dma_wait3A_508 : memref<128x128xf32, #tpu.memory_space<vmem>>) dst(%dma_wait3A_504 : memref<128x128xf32, #tpu.memory_space<vmem_shared>>)
      %not3A_509 = arith.constant true
      %not3A_510 = arith.xori %ge3A, %not3A_509 : i1
      %convert_element_type3A_511 = arith.extui %not3A_510 : i1 to i32
      %cond3A_512 = arith.constant 0 : i32
      %cond3A_513 = arith.cmpi ne, %convert_element_type3A_511, %cond3A_512 : i32
      scf.if %cond3A_513 {
        %sub3A = arith.constant 1 : i32
        %sub3A_561 = arith.subi %sub3A, %rem3A_138 : i32
        %dma_wait3A_562 = arith.constant 0 : i32
        %dma_wait3A_563 = tpu.memref_slice %arg7[%sub3A_561, %dma_wait3A_562] : memref<2x1024xi32, #tpu.memory_space<vmem>> -> memref<1x1024xi32, #tpu.memory_space<vmem>>
        %dma_wait3A_564 = tpu.memref_squeeze %dma_wait3A_563 : memref<1x1024xi32, #tpu.memory_space<vmem>> -> memref<1024xi32, #tpu.memory_space<vmem>>
        %dma_wait3A_565 = arith.constant 0 : i32
        %dma_wait3A_566 = tpu.memref_slice %arg3[%dma_wait3A_565] : memref<327680xi32, #tpu.memory_space<hbm>> -> memref<1024xi32, #tpu.memory_space<hbm>>
        %dma_wait3A_567 = arith.constant 0 : i32
        %dma_wait3A_568 = tpu.memref_slice %arg7[%sub3A_561, %dma_wait3A_567] : memref<2x1024xi32, #tpu.memory_space<vmem>> -> memref<1x1024xi32, #tpu.memory_space<vmem>>
        %dma_wait3A_569 = tpu.memref_squeeze %dma_wait3A_568 : memref<1x1024xi32, #tpu.memory_space<vmem>> -> memref<1024xi32, #tpu.memory_space<vmem>>
        %dma_wait3A_570 = arith.constant 0 : i32
        %dma_wait3A_571 = tpu.memref_slice %arg3[%dma_wait3A_570] : memref<327680xi32, #tpu.memory_space<hbm>> -> memref<1024xi32, #tpu.memory_space<hbm>>
        tpu.wait_dma2 semaphore(%arg18 : memref<!tpu.dma_semaphore, #tpu.memory_space<semaphore_mem>>) src(%dma_wait3A_571 : memref<1024xi32, #tpu.memory_space<hbm>>) dst(%dma_wait3A_569 : memref<1024xi32, #tpu.memory_space<vmem>>)
        %dma_wait3A_572 = arith.constant 0 : i32
        %dma_wait3A_573 = arith.constant 0 : i32
        %dma_wait3A_574 = tpu.memref_slice %arg8[%sub3A_561, %dma_wait3A_572, %dma_wait3A_573] : memref<2x8x128xi32, #tpu.memory_space<vmem>> -> memref<1x8x128xi32, #tpu.memory_space<vmem>>
        %dma_wait3A_575 = tpu.memref_squeeze %dma_wait3A_574 : memref<1x8x128xi32, #tpu.memory_space<vmem>> -> memref<8x128xi32, #tpu.memory_space<vmem>>
        %dma_wait3A_576 = arith.constant 0 : i32
        %dma_wait3A_577 = arith.constant 0 : i32
        %dma_wait3A_578 = tpu.memref_slice %arg4[%dma_wait3A_576, %dma_wait3A_577] : memref<2560x128xi32, #tpu.memory_space<hbm>> -> memref<8x128xi32, #tpu.memory_space<hbm>>
        %dma_wait3A_579 = arith.constant 0 : i32
        %dma_wait3A_580 = arith.constant 0 : i32
        %dma_wait3A_581 = tpu.memref_slice %arg8[%sub3A_561, %dma_wait3A_579, %dma_wait3A_580] : memref<2x8x128xi32, #tpu.memory_space<vmem>> -> memref<1x8x128xi32, #tpu.memory_space<vmem>>
        %dma_wait3A_582 = tpu.memref_squeeze %dma_wait3A_581 : memref<1x8x128xi32, #tpu.memory_space<vmem>> -> memref<8x128xi32, #tpu.memory_space<vmem>>
        %dma_wait3A_583 = arith.constant 0 : i32
        %dma_wait3A_584 = arith.constant 0 : i32
        %dma_wait3A_585 = tpu.memref_slice %arg4[%dma_wait3A_583, %dma_wait3A_584] : memref<2560x128xi32, #tpu.memory_space<hbm>> -> memref<8x128xi32, #tpu.memory_space<hbm>>
        tpu.wait_dma2 semaphore(%arg18 : memref<!tpu.dma_semaphore, #tpu.memory_space<semaphore_mem>>) src(%dma_wait3A_585 : memref<8x128xi32, #tpu.memory_space<hbm>>) dst(%dma_wait3A_582 : memref<8x128xi32, #tpu.memory_space<vmem>>)
        %sub3A_586 = arith.constant 1 : i32
        %sub3A_587 = arith.subi %sub3A_586, %rem3A_138 : i32
        %multiple_of3A_588 = arith.constant 0 : i32
        %multiple_of3A_589 = tpu.assume_multiple %multiple_of3A_588, 128 : i32
        %dma_start3A_590 = arith.constant 0 : i32
        %dma_start3A_591 = arith.constant 0 : i32
        %dma_start3A_592 = arith.constant 0 : i32
        %dma_start3A_593 = tpu.memref_slice %arg9[%dma_start3A_590, %dma_start3A_591, %dma_start3A_592] : memref<2x128x128xf32, #tpu.memory_space<vmem>> -> memref<1x128x128xf32, #tpu.memory_space<vmem>>
        %dma_start3A_594 = tpu.memref_squeeze %dma_start3A_593 : memref<1x128x128xf32, #tpu.memory_space<vmem>> -> memref<128x128xf32, #tpu.memory_space<vmem>>
        %dma_start3A_595 = tpu.memref_slice %arg7[%sub3A_587, %multiple_of3A_589] : memref<2x1024xi32, #tpu.memory_space<vmem>> -> memref<1x128xi32, #tpu.memory_space<vmem>>
        %dma_start3A_596 = tpu.memref_squeeze %dma_start3A_595 : memref<1x128xi32, #tpu.memory_space<vmem>> -> memref<128xi32, #tpu.memory_space<vmem>>
        %dma_start3A_597 = arith.constant 0 : i32
        %dma_start3A_598 = arith.constant 0 : i32
        %dma_start3A_599 = tpu.memref_slice %arg2[%dma_start3A_597, %dma_start3A_598] : memref<10000x128xf32, #tpu.memory_space<hbm>> -> memref<10000x128xf32, #tpu.memory_space<hbm>>
        tpu.enqueue_indirect_dma source(%dma_start3A_599 : memref<10000x128xf32, #tpu.memory_space<hbm>>) target(%dma_start3A_594 : memref<128x128xf32, #tpu.memory_space<vmem>>) offsets(%dma_start3A_596 : memref<128xi32, #tpu.memory_space<vmem>>) semaphore(%arg14 : memref<!tpu.dma_semaphore, #tpu.memory_space<semaphore_mem>>)
      } else {
      }
      %dma_wait3A_514 = arith.constant 1 : i32
      %dma_wait3A_515 = arith.constant 0 : i32
      %dma_wait3A_516 = arith.constant 0 : i32
      %dma_wait3A_517 = tpu.memref_slice %arg9[%dma_wait3A_514, %dma_wait3A_515, %dma_wait3A_516] : memref<2x128x128xf32, #tpu.memory_space<vmem>> -> memref<1x128x128xf32, #tpu.memory_space<vmem>>
      %dma_wait3A_518 = tpu.memref_squeeze %dma_wait3A_517 : memref<1x128x128xf32, #tpu.memory_space<vmem>> -> memref<128x128xf32, #tpu.memory_space<vmem>>
      %dma_wait3A_519 = arith.constant 0 : i32
      %dma_wait3A_520 = arith.constant 0 : i32
      %dma_wait3A_521 = tpu.memref_slice %arg2[%dma_wait3A_519, %dma_wait3A_520] : memref<10000x128xf32, #tpu.memory_space<hbm>> -> memref<128x128xf32, #tpu.memory_space<hbm>>
      %dma_wait3A_522 = arith.constant 0 : i32
      %dma_wait3A_523 = arith.constant 0 : i32
      %dma_wait3A_524 = tpu.memref_slice %arg9[%dma_wait3A_514, %dma_wait3A_522, %dma_wait3A_523] : memref<2x128x128xf32, #tpu.memory_space<vmem>> -> memref<1x128x128xf32, #tpu.memory_space<vmem>>
      %dma_wait3A_525 = tpu.memref_squeeze %dma_wait3A_524 : memref<1x128x128xf32, #tpu.memory_space<vmem>> -> memref<128x128xf32, #tpu.memory_space<vmem>>
      %dma_wait3A_526 = arith.constant 0 : i32
      %dma_wait3A_527 = arith.constant 0 : i32
      %dma_wait3A_528 = tpu.memref_slice %arg2[%dma_wait3A_526, %dma_wait3A_527] : memref<10000x128xf32, #tpu.memory_space<hbm>> -> memref<128x128xf32, #tpu.memory_space<hbm>>
      tpu.wait_dma2 semaphore(%arg15 : memref<!tpu.dma_semaphore, #tpu.memory_space<semaphore_mem>>) src(%dma_wait3A_528 : memref<128x128xf32, #tpu.memory_space<hbm>>) dst(%dma_wait3A_525 : memref<128x128xf32, #tpu.memory_space<vmem>>)
      %dma_start3A_529 = arith.constant 1 : i32
      %dma_start3A_530 = arith.constant 7 : i32
      %dma_start3A_531 = arith.constant 0 : i32
      %dma_start3A_532 = arith.constant 0 : i32
      %dma_start3A_533 = tpu.memref_slice %arg9[%dma_start3A_529, %dma_start3A_531, %dma_start3A_532] : memref<2x128x128xf32, #tpu.memory_space<vmem>> -> memref<1x128x128xf32, #tpu.memory_space<vmem>>
      %dma_start3A_534 = tpu.memref_squeeze %dma_start3A_533 : memref<1x128x128xf32, #tpu.memory_space<vmem>> -> memref<128x128xf32, #tpu.memory_space<vmem>>
      %dma_start3A_535 = arith.constant 0 : i32
      %dma_start3A_536 = tpu.memref_slice %arg8[%rem3A_138, %dma_start3A_530, %dma_start3A_535] : memref<2x8x128xi32, #tpu.memory_space<vmem>> -> memref<1x1x128xi32, #tpu.memory_space<vmem>>
      %dma_start3A_537 = tpu.memref_squeeze %dma_start3A_536 : memref<1x1x128xi32, #tpu.memory_space<vmem>> -> memref<128xi32, #tpu.memory_space<vmem>>
      %dma_start3A_538 = arith.constant 0 : i32
      %dma_start3A_539 = arith.constant 0 : i32
      %dma_start3A_540 = tpu.memref_slice %arg12[%dma_start3A_538, %dma_start3A_539] : memref<10240x128xf32, #tpu.memory_space<vmem_shared>> -> memref<10240x128xf32, #tpu.memory_space<vmem_shared>>
      tpu.enqueue_indirect_dma source(%dma_start3A_534 : memref<128x128xf32, #tpu.memory_space<vmem>>) target(%dma_start3A_540 : memref<10240x128xf32, #tpu.memory_space<vmem_shared>>) offsets(%dma_start3A_537 : memref<128xi32, #tpu.memory_space<vmem>>) semaphore(%arg17 : memref<!tpu.dma_semaphore, #tpu.memory_space<semaphore_mem>>) {add = true}
      %dma_wait3A_541 = arith.constant 1 : i32
      %dma_wait3A_542 = arith.constant 0 : i32
      %dma_wait3A_543 = arith.constant 0 : i32
      %dma_wait3A_544 = tpu.memref_slice %arg9[%dma_wait3A_541, %dma_wait3A_542, %dma_wait3A_543] : memref<2x128x128xf32, #tpu.memory_space<vmem>> -> memref<1x128x128xf32, #tpu.memory_space<vmem>>
      %dma_wait3A_545 = tpu.memref_squeeze %dma_wait3A_544 : memref<1x128x128xf32, #tpu.memory_space<vmem>> -> memref<128x128xf32, #tpu.memory_space<vmem>>
      %dma_wait3A_546 = arith.constant 0 : i32
      %dma_wait3A_547 = arith.constant 0 : i32
      %dma_wait3A_548 = tpu.memref_slice %arg12[%dma_wait3A_546, %dma_wait3A_547] : memref<10240x128xf32, #tpu.memory_space<vmem_shared>> -> memref<128x128xf32, #tpu.memory_space<vmem_shared>>
      %dma_wait3A_549 = arith.constant 0 : i32
      %dma_wait3A_550 = arith.constant 0 : i32
      %dma_wait3A_551 = tpu.memref_slice %arg12[%dma_wait3A_549, %dma_wait3A_550] : memref<10240x128xf32, #tpu.memory_space<vmem_shared>> -> memref<128x128xf32, #tpu.memory_space<vmem_shared>>
      %dma_wait3A_552 = arith.constant 0 : i32
      %dma_wait3A_553 = arith.constant 0 : i32
      %dma_wait3A_554 = tpu.memref_slice %arg9[%dma_wait3A_541, %dma_wait3A_552, %dma_wait3A_553] : memref<2x128x128xf32, #tpu.memory_space<vmem>> -> memref<1x128x128xf32, #tpu.memory_space<vmem>>
      %dma_wait3A_555 = tpu.memref_squeeze %dma_wait3A_554 : memref<1x128x128xf32, #tpu.memory_space<vmem>> -> memref<128x128xf32, #tpu.memory_space<vmem>>
      tpu.wait_dma2 semaphore(%arg17 : memref<!tpu.dma_semaphore, #tpu.memory_space<semaphore_mem>>) src(%dma_wait3A_555 : memref<128x128xf32, #tpu.memory_space<vmem>>) dst(%dma_wait3A_551 : memref<128x128xf32, #tpu.memory_space<vmem_shared>>)
      %not3A_556 = arith.constant true
      %not3A_557 = arith.xori %ge3A, %not3A_556 : i1
      %convert_element_type3A_558 = arith.extui %not3A_557 : i1 to i32
      %cond3A_559 = arith.constant 0 : i32
      %cond3A_560 = arith.cmpi ne, %convert_element_type3A_558, %cond3A_559 : i32
      scf.if %cond3A_560 {
        %sub3A = arith.constant 1 : i32
        %sub3A_561 = arith.subi %sub3A, %rem3A_138 : i32
        %multiple_of3A_562 = arith.constant 128 : i32
        %multiple_of3A_563 = tpu.assume_multiple %multiple_of3A_562, 128 : i32
        %dma_start3A_564 = arith.constant 1 : i32
        %dma_start3A_565 = arith.constant 0 : i32
        %dma_start3A_566 = arith.constant 0 : i32
        %dma_start3A_567 = tpu.memref_slice %arg9[%dma_start3A_564, %dma_start3A_565, %dma_start3A_566] : memref<2x128x128xf32, #tpu.memory_space<vmem>> -> memref<1x128x128xf32, #tpu.memory_space<vmem>>
        %dma_start3A_568 = tpu.memref_squeeze %dma_start3A_567 : memref<1x128x128xf32, #tpu.memory_space<vmem>> -> memref<128x128xf32, #tpu.memory_space<vmem>>
        %dma_start3A_569 = tpu.memref_slice %arg7[%sub3A_561, %multiple_of3A_563] : memref<2x1024xi32, #tpu.memory_space<vmem>> -> memref<1x128xi32, #tpu.memory_space<vmem>>
        %dma_start3A_570 = tpu.memref_squeeze %dma_start3A_569 : memref<1x128xi32, #tpu.memory_space<vmem>> -> memref<128xi32, #tpu.memory_space<vmem>>
        %dma_start3A_571 = arith.constant 0 : i32
        %dma_start3A_572 = arith.constant 0 : i32
        %dma_start3A_573 = tpu.memref_slice %arg2[%dma_start3A_571, %dma_start3A_572] : memref<10000x128xf32, #tpu.memory_space<hbm>> -> memref<10000x128xf32, #tpu.memory_space<hbm>>
        tpu.enqueue_indirect_dma source(%dma_start3A_573 : memref<10000x128xf32, #tpu.memory_space<hbm>>) target(%dma_start3A_568 : memref<128x128xf32, #tpu.memory_space<vmem>>) offsets(%dma_start3A_570 : memref<128xi32, #tpu.memory_space<vmem>>) semaphore(%arg15 : memref<!tpu.dma_semaphore, #tpu.memory_space<semaphore_mem>>)
      } else {
      }
    }
    %while3A_131 = arith.constant 1 : i32
    scf.for %while3A_137 = %while3A_129 to %while3A_125 step %while3A_131  : i32 {
      %rem3A = arith.constant 2 : i32
      %rem3A_138 = arith.remsi %while3A_137, %rem3A : i32
      %add3A_139 = arith.constant 1 : i32
      %add3A_140 = arith.addi %while3A_137, %add3A_139 : i32
      %ge3A = arith.cmpi sge, %add3A_140, %select_n3A : i32
      %dma_wait3A_141 = arith.constant 0 : i32
      %dma_wait3A_142 = arith.constant 0 : i32
      %dma_wait3A_143 = arith.constant 0 : i32
      %dma_wait3A_144 = tpu.memref_slice %arg9[%dma_wait3A_141, %dma_wait3A_142, %dma_wait3A_143] : memref<2x128x128xf32, #tpu.memory_space<vmem>> -> memref<1x128x128xf32, #tpu.memory_space<vmem>>
      %dma_wait3A_145 = tpu.memref_squeeze %dma_wait3A_144 : memref<1x128x128xf32, #tpu.memory_space<vmem>> -> memref<128x128xf32, #tpu.memory_space<vmem>>
      %dma_wait3A_146 = arith.constant 0 : i32
      %dma_wait3A_147 = arith.constant 0 : i32
      %dma_wait3A_148 = tpu.memref_slice %arg2[%dma_wait3A_146, %dma_wait3A_147] : memref<10000x128xf32, #tpu.memory_space<hbm>> -> memref<128x128xf32, #tpu.memory_space<hbm>>
      %dma_wait3A_149 = arith.constant 0 : i32
      %dma_wait3A_150 = arith.constant 0 : i32
      %dma_wait3A_151 = tpu.memref_slice %arg9[%dma_wait3A_141, %dma_wait3A_149, %dma_wait3A_150] : memref<2x128x128xf32, #tpu.memory_space<vmem>> -> memref<1x128x128xf32, #tpu.memory_space<vmem>>
      %dma_wait3A_152 = tpu.memref_squeeze %dma_wait3A_151 : memref<1x128x128xf32, #tpu.memory_space<vmem>> -> memref<128x128xf32, #tpu.memory_space<vmem>>
      %dma_wait3A_153 = arith.constant 0 : i32
      %dma_wait3A_154 = arith.constant 0 : i32
      %dma_wait3A_155 = tpu.memref_slice %arg2[%dma_wait3A_153, %dma_wait3A_154] : memref<10000x128xf32, #tpu.memory_space<hbm>> -> memref<128x128xf32, #tpu.memory_space<hbm>>
      tpu.wait_dma2 semaphore(%arg14 : memref<!tpu.dma_semaphore, #tpu.memory_space<semaphore_mem>>) src(%dma_wait3A_155 : memref<128x128xf32, #tpu.memory_space<hbm>>) dst(%dma_wait3A_152 : memref<128x128xf32, #tpu.memory_space<vmem>>)
      %dma_start3A_156 = arith.constant 0 : i32
      %dma_start3A_157 = arith.constant 0 : i32
      %dma_start3A_158 = arith.constant 0 : i32
      %dma_start3A_159 = arith.constant 0 : i32
      %dma_start3A_160 = tpu.memref_slice %arg9[%dma_start3A_156, %dma_start3A_158, %dma_start3A_159] : memref<2x128x128xf32, #tpu.memory_space<vmem>> -> memref<1x128x128xf32, #tpu.memory_space<vmem>>
      %dma_start3A_161 = tpu.memref_squeeze %dma_start3A_160 : memref<1x128x128xf32, #tpu.memory_space<vmem>> -> memref<128x128xf32, #tpu.memory_space<vmem>>
      %dma_start3A_162 = arith.constant 0 : i32
      %dma_start3A_163 = tpu.memref_slice %arg8[%rem3A_138, %dma_start3A_157, %dma_start3A_162] : memref<2x8x128xi32, #tpu.memory_space<vmem>> -> memref<1x1x128xi32, #tpu.memory_space<vmem>>
      %dma_start3A_164 = tpu.memref_squeeze %dma_start3A_163 : memref<1x1x128xi32, #tpu.memory_space<vmem>> -> memref<128xi32, #tpu.memory_space<vmem>>
      %dma_start3A_165 = arith.constant 0 : i32
      %dma_start3A_166 = arith.constant 0 : i32
      %dma_start3A_167 = tpu.memref_slice %arg12[%dma_start3A_165, %dma_start3A_166] : memref<10240x128xf32, #tpu.memory_space<vmem_shared>> -> memref<10240x128xf32, #tpu.memory_space<vmem_shared>>
      tpu.enqueue_indirect_dma source(%dma_start3A_161 : memref<128x128xf32, #tpu.memory_space<vmem>>) target(%dma_start3A_167 : memref<10240x128xf32, #tpu.memory_space<vmem_shared>>) offsets(%dma_start3A_164 : memref<128xi32, #tpu.memory_space<vmem>>) semaphore(%arg16 : memref<!tpu.dma_semaphore, #tpu.memory_space<semaphore_mem>>) {add = true}
      %dma_wait3A_168 = arith.constant 0 : i32
      %dma_wait3A_169 = arith.constant 0 : i32
      %dma_wait3A_170 = arith.constant 0 : i32
      %dma_wait3A_171 = tpu.memref_slice %arg9[%dma_wait3A_168, %dma_wait3A_169, %dma_wait3A_170] : memref<2x128x128xf32, #tpu.memory_space<vmem>> -> memref<1x128x128xf32, #tpu.memory_space<vmem>>
      %dma_wait3A_172 = tpu.memref_squeeze %dma_wait3A_171 : memref<1x128x128xf32, #tpu.memory_space<vmem>> -> memref<128x128xf32, #tpu.memory_space<vmem>>
      %dma_wait3A_173 = arith.constant 0 : i32
      %dma_wait3A_174 = arith.constant 0 : i32
      %dma_wait3A_175 = tpu.memref_slice %arg12[%dma_wait3A_173, %dma_wait3A_174] : memref<10240x128xf32, #tpu.memory_space<vmem_shared>> -> memref<128x128xf32, #tpu.memory_space<vmem_shared>>
      %dma_wait3A_176 = arith.constant 0 : i32
      %dma_wait3A_177 = arith.constant 0 : i32
      %dma_wait3A_178 = tpu.memref_slice %arg12[%dma_wait3A_176, %dma_wait3A_177] : memref<10240x128xf32, #tpu.memory_space<vmem_shared>> -> memref<128x128xf32, #tpu.memory_space<vmem_shared>>
      %dma_wait3A_179 = arith.constant 0 : i32
      %dma_wait3A_180 = arith.constant 0 : i32
      %dma_wait3A_181 = tpu.memref_slice %arg9[%dma_wait3A_168, %dma_wait3A_179, %dma_wait3A_180] : memref<2x128x128xf32, #tpu.memory_space<vmem>> -> memref<1x128x128xf32, #tpu.memory_space<vmem>>
      %dma_wait3A_182 = tpu.memref_squeeze %dma_wait3A_181 : memref<1x128x128xf32, #tpu.memory_space<vmem>> -> memref<128x128xf32, #tpu.memory_space<vmem>>
      tpu.wait_dma2 semaphore(%arg16 : memref<!tpu.dma_semaphore, #tpu.memory_space<semaphore_mem>>) src(%dma_wait3A_182 : memref<128x128xf32, #tpu.memory_space<vmem>>) dst(%dma_wait3A_178 : memref<128x128xf32, #tpu.memory_space<vmem_shared>>)
      %not3A = arith.constant true
      %not3A_183 = arith.xori %ge3A, %not3A : i1
      %convert_element_type3A = arith.extui %not3A_183 : i1 to i32
      %cond3A = arith.constant 0 : i32
      %cond3A_184 = arith.cmpi ne, %convert_element_type3A, %cond3A : i32
      scf.if %cond3A_184 {
        %add3A_561 = arith.constant 1 : i32
        %add3A_562 = arith.addi %while3A_137, %add3A_561 : i32
        %sub3A = arith.constant 1 : i32
        %sub3A_563 = arith.subi %sub3A, %rem3A_138 : i32
        %add3A_564 = arith.addi %select_n3A_14, %add3A_562 : i32
        %mul3A_565 = arith.constant 8 : i32
        %mul3A_566 = arith.muli %add3A_564, %mul3A_565 : i32
        %multiple_of3A_567 = tpu.assume_multiple %mul3A_566, 8 : i32
        %mul3A_568 = arith.constant 128 : i32
        %mul3A_569 = arith.muli %multiple_of3A_567, %mul3A_568 : i32
        %multiple_of3A_570 = tpu.assume_multiple %mul3A_569, 128 : i32
        %dma_start3A_571 = arith.constant 0 : i32
        %dma_start3A_572 = tpu.memref_slice %arg7[%sub3A_563, %dma_start3A_571] : memref<2x1024xi32, #tpu.memory_space<vmem>> -> memref<1x1024xi32, #tpu.memory_space<vmem>>
        %dma_start3A_573 = tpu.memref_squeeze %dma_start3A_572 : memref<1x1024xi32, #tpu.memory_space<vmem>> -> memref<1024xi32, #tpu.memory_space<vmem>>
        %dma_start3A_574 = tpu.memref_slice %arg3[%multiple_of3A_570] : memref<327680xi32, #tpu.memory_space<hbm>> -> memref<1024xi32, #tpu.memory_space<hbm>>
        %dma_start3A_575 = arith.constant 0 : i32
        %dma_start3A_576 = tpu.memref_slice %arg7[%sub3A_563, %dma_start3A_575] : memref<2x1024xi32, #tpu.memory_space<vmem>> -> memref<1x1024xi32, #tpu.memory_space<vmem>>
        %dma_start3A_577 = tpu.memref_squeeze %dma_start3A_576 : memref<1x1024xi32, #tpu.memory_space<vmem>> -> memref<1024xi32, #tpu.memory_space<vmem>>
        %dma_start3A_578 = tpu.memref_slice %arg3[%multiple_of3A_570] : memref<327680xi32, #tpu.memory_space<hbm>> -> memref<1024xi32, #tpu.memory_space<hbm>>
        tpu.enqueue_dma source(%dma_start3A_578 : memref<1024xi32, #tpu.memory_space<hbm>>) target(%dma_start3A_577 : memref<1024xi32, #tpu.memory_space<vmem>>) target_semaphore(%arg18 : memref<!tpu.dma_semaphore, #tpu.memory_space<semaphore_mem>>)
        %dma_start3A_579 = arith.constant 0 : i32
        %dma_start3A_580 = arith.constant 0 : i32
        %dma_start3A_581 = tpu.memref_slice %arg8[%sub3A_563, %dma_start3A_579, %dma_start3A_580] : memref<2x8x128xi32, #tpu.memory_space<vmem>> -> memref<1x8x128xi32, #tpu.memory_space<vmem>>
        %dma_start3A_582 = tpu.memref_squeeze %dma_start3A_581 : memref<1x8x128xi32, #tpu.memory_space<vmem>> -> memref<8x128xi32, #tpu.memory_space<vmem>>
        %dma_start3A_583 = arith.constant 0 : i32
        %dma_start3A_584 = tpu.memref_slice %arg4[%multiple_of3A_567, %dma_start3A_583] : memref<2560x128xi32, #tpu.memory_space<hbm>> -> memref<8x128xi32, #tpu.memory_space<hbm>>
        %dma_start3A_585 = arith.constant 0 : i32
        %dma_start3A_586 = arith.constant 0 : i32
        %dma_start3A_587 = tpu.memref_slice %arg8[%sub3A_563, %dma_start3A_585, %dma_start3A_586] : memref<2x8x128xi32, #tpu.memory_space<vmem>> -> memref<1x8x128xi32, #tpu.memory_space<vmem>>
        %dma_start3A_588 = tpu.memref_squeeze %dma_start3A_587 : memref<1x8x128xi32, #tpu.memory_space<vmem>> -> memref<8x128xi32, #tpu.memory_space<vmem>>
        %dma_start3A_589 = arith.constant 0 : i32
        %dma_start3A_590 = tpu.memref_slice %arg4[%multiple_of3A_567, %dma_start3A_589] : memref<2560x128xi32, #tpu.memory_space<hbm>> -> memref<8x128xi32, #tpu.memory_space<hbm>>
        tpu.enqueue_dma source(%dma_start3A_590 : memref<8x128xi32, #tpu.memory_space<hbm>>) target(%dma_start3A_588 : memref<8x128xi32, #tpu.memory_space<vmem>>) target_semaphore(%arg18 : memref<!tpu.dma_semaphore, #tpu.memory_space<semaphore_mem>>)
      } else {
      }
      %multiple_of3A_185 = arith.constant 256 : i32
      %multiple_of3A_186 = tpu.assume_multiple %multiple_of3A_185, 128 : i32
      %dma_start3A_187 = arith.constant 0 : i32
      %dma_start3A_188 = arith.constant 0 : i32
      %dma_start3A_189 = arith.constant 0 : i32
      %dma_start3A_190 = tpu.memref_slice %arg9[%dma_start3A_187, %dma_start3A_188, %dma_start3A_189] : memref<2x128x128xf32, #tpu.memory_space<vmem>> -> memref<1x128x128xf32, #tpu.memory_space<vmem>>
      %dma_start3A_191 = tpu.memref_squeeze %dma_start3A_190 : memref<1x128x128xf32, #tpu.memory_space<vmem>> -> memref<128x128xf32, #tpu.memory_space<vmem>>
      %dma_start3A_192 = tpu.memref_slice %arg7[%rem3A_138, %multiple_of3A_186] : memref<2x1024xi32, #tpu.memory_space<vmem>> -> memref<1x128xi32, #tpu.memory_space<vmem>>
      %dma_start3A_193 = tpu.memref_squeeze %dma_start3A_192 : memref<1x128xi32, #tpu.memory_space<vmem>> -> memref<128xi32, #tpu.memory_space<vmem>>
      %dma_start3A_194 = arith.constant 0 : i32
      %dma_start3A_195 = arith.constant 0 : i32
      %dma_start3A_196 = tpu.memref_slice %arg2[%dma_start3A_194, %dma_start3A_195] : memref<10000x128xf32, #tpu.memory_space<hbm>> -> memref<10000x128xf32, #tpu.memory_space<hbm>>
      tpu.enqueue_indirect_dma source(%dma_start3A_196 : memref<10000x128xf32, #tpu.memory_space<hbm>>) target(%dma_start3A_191 : memref<128x128xf32, #tpu.memory_space<vmem>>) offsets(%dma_start3A_193 : memref<128xi32, #tpu.memory_space<vmem>>) semaphore(%arg14 : memref<!tpu.dma_semaphore, #tpu.memory_space<semaphore_mem>>)
      %dma_wait3A_197 = arith.constant 1 : i32
      %dma_wait3A_198 = arith.constant 0 : i32
      %dma_wait3A_199 = arith.constant 0 : i32
      %dma_wait3A_200 = tpu.memref_slice %arg9[%dma_wait3A_197, %dma_wait3A_198, %dma_wait3A_199] : memref<2x128x128xf32, #tpu.memory_space<vmem>> -> memref<1x128x128xf32, #tpu.memory_space<vmem>>
      %dma_wait3A_201 = tpu.memref_squeeze %dma_wait3A_200 : memref<1x128x128xf32, #tpu.memory_space<vmem>> -> memref<128x128xf32, #tpu.memory_space<vmem>>
      %dma_wait3A_202 = arith.constant 0 : i32
      %dma_wait3A_203 = arith.constant 0 : i32
      %dma_wait3A_204 = tpu.memref_slice %arg2[%dma_wait3A_202, %dma_wait3A_203] : memref<10000x128xf32, #tpu.memory_space<hbm>> -> memref<128x128xf32, #tpu.memory_space<hbm>>
      %dma_wait3A_205 = arith.constant 0 : i32
      %dma_wait3A_206 = arith.constant 0 : i32
      %dma_wait3A_207 = tpu.memref_slice %arg9[%dma_wait3A_197, %dma_wait3A_205, %dma_wait3A_206] : memref<2x128x128xf32, #tpu.memory_space<vmem>> -> memref<1x128x128xf32, #tpu.memory_space<vmem>>
      %dma_wait3A_208 = tpu.memref_squeeze %dma_wait3A_207 : memref<1x128x128xf32, #tpu.memory_space<vmem>> -> memref<128x128xf32, #tpu.memory_space<vmem>>
      %dma_wait3A_209 = arith.constant 0 : i32
      %dma_wait3A_210 = arith.constant 0 : i32
      %dma_wait3A_211 = tpu.memref_slice %arg2[%dma_wait3A_209, %dma_wait3A_210] : memref<10000x128xf32, #tpu.memory_space<hbm>> -> memref<128x128xf32, #tpu.memory_space<hbm>>
      tpu.wait_dma2 semaphore(%arg15 : memref<!tpu.dma_semaphore, #tpu.memory_space<semaphore_mem>>) src(%dma_wait3A_211 : memref<128x128xf32, #tpu.memory_space<hbm>>) dst(%dma_wait3A_208 : memref<128x128xf32, #tpu.memory_space<vmem>>)
      %dma_start3A_212 = arith.constant 1 : i32
      %dma_start3A_213 = arith.constant 1 : i32
      %dma_start3A_214 = arith.constant 0 : i32
      %dma_start3A_215 = arith.constant 0 : i32
      %dma_start3A_216 = tpu.memref_slice %arg9[%dma_start3A_212, %dma_start3A_214, %dma_start3A_215] : memref<2x128x128xf32, #tpu.memory_space<vmem>> -> memref<1x128x128xf32, #tpu.memory_space<vmem>>
      %dma_start3A_217 = tpu.memref_squeeze %dma_start3A_216 : memref<1x128x128xf32, #tpu.memory_space<vmem>> -> memref<128x128xf32, #tpu.memory_space<vmem>>
      %dma_start3A_218 = arith.constant 0 : i32
      %dma_start3A_219 = tpu.memref_slice %arg8[%rem3A_138, %dma_start3A_213, %dma_start3A_218] : memref<2x8x128xi32, #tpu.memory_space<vmem>> -> memref<1x1x128xi32, #tpu.memory_space<vmem>>
      %dma_start3A_220 = tpu.memref_squeeze %dma_start3A_219 : memref<1x1x128xi32, #tpu.memory_space<vmem>> -> memref<128xi32, #tpu.memory_space<vmem>>
      %dma_start3A_221 = arith.constant 0 : i32
      %dma_start3A_222 = arith.constant 0 : i32
      %dma_start3A_223 = tpu.memref_slice %arg12[%dma_start3A_221, %dma_start3A_222] : memref<10240x128xf32, #tpu.memory_space<vmem_shared>> -> memref<10240x128xf32, #tpu.memory_space<vmem_shared>>
      tpu.enqueue_indirect_dma source(%dma_start3A_217 : memref<128x128xf32, #tpu.memory_space<vmem>>) target(%dma_start3A_223 : memref<10240x128xf32, #tpu.memory_space<vmem_shared>>) offsets(%dma_start3A_220 : memref<128xi32, #tpu.memory_space<vmem>>) semaphore(%arg17 : memref<!tpu.dma_semaphore, #tpu.memory_space<semaphore_mem>>) {add = true}
      %dma_wait3A_224 = arith.constant 1 : i32
      %dma_wait3A_225 = arith.constant 0 : i32
      %dma_wait3A_226 = arith.constant 0 : i32
      %dma_wait3A_227 = tpu.memref_slice %arg9[%dma_wait3A_224, %dma_wait3A_225, %dma_wait3A_226] : memref<2x128x128xf32, #tpu.memory_space<vmem>> -> memref<1x128x128xf32, #tpu.memory_space<vmem>>
      %dma_wait3A_228 = tpu.memref_squeeze %dma_wait3A_227 : memref<1x128x128xf32, #tpu.memory_space<vmem>> -> memref<128x128xf32, #tpu.memory_space<vmem>>
      %dma_wait3A_229 = arith.constant 0 : i32
      %dma_wait3A_230 = arith.constant 0 : i32
      %dma_wait3A_231 = tpu.memref_slice %arg12[%dma_wait3A_229, %dma_wait3A_230] : memref<10240x128xf32, #tpu.memory_space<vmem_shared>> -> memref<128x128xf32, #tpu.memory_space<vmem_shared>>
      %dma_wait3A_232 = arith.constant 0 : i32
      %dma_wait3A_233 = arith.constant 0 : i32
      %dma_wait3A_234 = tpu.memref_slice %arg12[%dma_wait3A_232, %dma_wait3A_233] : memref<10240x128xf32, #tpu.memory_space<vmem_shared>> -> memref<128x128xf32, #tpu.memory_space<vmem_shared>>
      %dma_wait3A_235 = arith.constant 0 : i32
      %dma_wait3A_236 = arith.constant 0 : i32
      %dma_wait3A_237 = tpu.memref_slice %arg9[%dma_wait3A_224, %dma_wait3A_235, %dma_wait3A_236] : memref<2x128x128xf32, #tpu.memory_space<vmem>> -> memref<1x128x128xf32, #tpu.memory_space<vmem>>
      %dma_wait3A_238 = tpu.memref_squeeze %dma_wait3A_237 : memref<1x128x128xf32, #tpu.memory_space<vmem>> -> memref<128x128xf32, #tpu.memory_space<vmem>>
      tpu.wait_dma2 semaphore(%arg17 : memref<!tpu.dma_semaphore, #tpu.memory_space<semaphore_mem>>) src(%dma_wait3A_238 : memref<128x128xf32, #tpu.memory_space<vmem>>) dst(%dma_wait3A_234 : memref<128x128xf32, #tpu.memory_space<vmem_shared>>)
      %multiple_of3A_239 = arith.constant 384 : i32
      %multiple_of3A_240 = tpu.assume_multiple %multiple_of3A_239, 128 : i32
      %dma_start3A_241 = arith.constant 1 : i32
      %dma_start3A_242 = arith.constant 0 : i32
      %dma_start3A_243 = arith.constant 0 : i32
      %dma_start3A_244 = tpu.memref_slice %arg9[%dma_start3A_241, %dma_start3A_242, %dma_start3A_243] : memref<2x128x128xf32, #tpu.memory_space<vmem>> -> memref<1x128x128xf32, #tpu.memory_space<vmem>>
      %dma_start3A_245 = tpu.memref_squeeze %dma_start3A_244 : memref<1x128x128xf32, #tpu.memory_space<vmem>> -> memref<128x128xf32, #tpu.memory_space<vmem>>
      %dma_start3A_246 = tpu.memref_slice %arg7[%rem3A_138, %multiple_of3A_240] : memref<2x1024xi32, #tpu.memory_space<vmem>> -> memref<1x128xi32, #tpu.memory_space<vmem>>
      %dma_start3A_247 = tpu.memref_squeeze %dma_start3A_246 : memref<1x128xi32, #tpu.memory_space<vmem>> -> memref<128xi32, #tpu.memory_space<vmem>>
      %dma_start3A_248 = arith.constant 0 : i32
      %dma_start3A_249 = arith.constant 0 : i32
      %dma_start3A_250 = tpu.memref_slice %arg2[%dma_start3A_248, %dma_start3A_249] : memref<10000x128xf32, #tpu.memory_space<hbm>> -> memref<10000x128xf32, #tpu.memory_space<hbm>>
      tpu.enqueue_indirect_dma source(%dma_start3A_250 : memref<10000x128xf32, #tpu.memory_space<hbm>>) target(%dma_start3A_245 : memref<128x128xf32, #tpu.memory_space<vmem>>) offsets(%dma_start3A_247 : memref<128xi32, #tpu.memory_space<vmem>>) semaphore(%arg15 : memref<!tpu.dma_semaphore, #tpu.memory_space<semaphore_mem>>)
      %dma_wait3A_251 = arith.constant 0 : i32
      %dma_wait3A_252 = arith.constant 0 : i32
      %dma_wait3A_253 = arith.constant 0 : i32
      %dma_wait3A_254 = tpu.memref_slice %arg9[%dma_wait3A_251, %dma_wait3A_252, %dma_wait3A_253] : memref<2x128x128xf32, #tpu.memory_space<vmem>> -> memref<1x128x128xf32, #tpu.memory_space<vmem>>
      %dma_wait3A_255 = tpu.memref_squeeze %dma_wait3A_254 : memref<1x128x128xf32, #tpu.memory_space<vmem>> -> memref<128x128xf32, #tpu.memory_space<vmem>>
      %dma_wait3A_256 = arith.constant 0 : i32
      %dma_wait3A_257 = arith.constant 0 : i32
      %dma_wait3A_258 = tpu.memref_slice %arg2[%dma_wait3A_256, %dma_wait3A_257] : memref<10000x128xf32, #tpu.memory_space<hbm>> -> memref<128x128xf32, #tpu.memory_space<hbm>>
      %dma_wait3A_259 = arith.constant 0 : i32
      %dma_wait3A_260 = arith.constant 0 : i32
      %dma_wait3A_261 = tpu.memref_slice %arg9[%dma_wait3A_251, %dma_wait3A_259, %dma_wait3A_260] : memref<2x128x128xf32, #tpu.memory_space<vmem>> -> memref<1x128x128xf32, #tpu.memory_space<vmem>>
      %dma_wait3A_262 = tpu.memref_squeeze %dma_wait3A_261 : memref<1x128x128xf32, #tpu.memory_space<vmem>> -> memref<128x128xf32, #tpu.memory_space<vmem>>
      %dma_wait3A_263 = arith.constant 0 : i32
      %dma_wait3A_264 = arith.constant 0 : i32
      %dma_wait3A_265 = tpu.memref_slice %arg2[%dma_wait3A_263, %dma_wait3A_264] : memref<10000x128xf32, #tpu.memory_space<hbm>> -> memref<128x128xf32, #tpu.memory_space<hbm>>
      tpu.wait_dma2 semaphore(%arg14 : memref<!tpu.dma_semaphore, #tpu.memory_space<semaphore_mem>>) src(%dma_wait3A_265 : memref<128x128xf32, #tpu.memory_space<hbm>>) dst(%dma_wait3A_262 : memref<128x128xf32, #tpu.memory_space<vmem>>)
      %dma_start3A_266 = arith.constant 0 : i32
      %dma_start3A_267 = arith.constant 2 : i32
      %dma_start3A_268 = arith.constant 0 : i32
      %dma_start3A_269 = arith.constant 0 : i32
      %dma_start3A_270 = tpu.memref_slice %arg9[%dma_start3A_266, %dma_start3A_268, %dma_start3A_269] : memref<2x128x128xf32, #tpu.memory_space<vmem>> -> memref<1x128x128xf32, #tpu.memory_space<vmem>>
      %dma_start3A_271 = tpu.memref_squeeze %dma_start3A_270 : memref<1x128x128xf32, #tpu.memory_space<vmem>> -> memref<128x128xf32, #tpu.memory_space<vmem>>
      %dma_start3A_272 = arith.constant 0 : i32
      %dma_start3A_273 = tpu.memref_slice %arg8[%rem3A_138, %dma_start3A_267, %dma_start3A_272] : memref<2x8x128xi32, #tpu.memory_space<vmem>> -> memref<1x1x128xi32, #tpu.memory_space<vmem>>
      %dma_start3A_274 = tpu.memref_squeeze %dma_start3A_273 : memref<1x1x128xi32, #tpu.memory_space<vmem>> -> memref<128xi32, #tpu.memory_space<vmem>>
      %dma_start3A_275 = arith.constant 0 : i32
      %dma_start3A_276 = arith.constant 0 : i32
      %dma_start3A_277 = tpu.memref_slice %arg12[%dma_start3A_275, %dma_start3A_276] : memref<10240x128xf32, #tpu.memory_space<vmem_shared>> -> memref<10240x128xf32, #tpu.memory_space<vmem_shared>>
      tpu.enqueue_indirect_dma source(%dma_start3A_271 : memref<128x128xf32, #tpu.memory_space<vmem>>) target(%dma_start3A_277 : memref<10240x128xf32, #tpu.memory_space<vmem_shared>>) offsets(%dma_start3A_274 : memref<128xi32, #tpu.memory_space<vmem>>) semaphore(%arg16 : memref<!tpu.dma_semaphore, #tpu.memory_space<semaphore_mem>>) {add = true}
      %dma_wait3A_278 = arith.constant 0 : i32
      %dma_wait3A_279 = arith.constant 0 : i32
      %dma_wait3A_280 = arith.constant 0 : i32
      %dma_wait3A_281 = tpu.memref_slice %arg9[%dma_wait3A_278, %dma_wait3A_279, %dma_wait3A_280] : memref<2x128x128xf32, #tpu.memory_space<vmem>> -> memref<1x128x128xf32, #tpu.memory_space<vmem>>
      %dma_wait3A_282 = tpu.memref_squeeze %dma_wait3A_281 : memref<1x128x128xf32, #tpu.memory_space<vmem>> -> memref<128x128xf32, #tpu.memory_space<vmem>>
      %dma_wait3A_283 = arith.constant 0 : i32
      %dma_wait3A_284 = arith.constant 0 : i32
      %dma_wait3A_285 = tpu.memref_slice %arg12[%dma_wait3A_283, %dma_wait3A_284] : memref<10240x128xf32, #tpu.memory_space<vmem_shared>> -> memref<128x128xf32, #tpu.memory_space<vmem_shared>>
      %dma_wait3A_286 = arith.constant 0 : i32
      %dma_wait3A_287 = arith.constant 0 : i32
      %dma_wait3A_288 = tpu.memref_slice %arg12[%dma_wait3A_286, %dma_wait3A_287] : memref<10240x128xf32, #tpu.memory_space<vmem_shared>> -> memref<128x128xf32, #tpu.memory_space<vmem_shared>>
      %dma_wait3A_289 = arith.constant 0 : i32
      %dma_wait3A_290 = arith.constant 0 : i32
      %dma_wait3A_291 = tpu.memref_slice %arg9[%dma_wait3A_278, %dma_wait3A_289, %dma_wait3A_290] : memref<2x128x128xf32, #tpu.memory_space<vmem>> -> memref<1x128x128xf32, #tpu.memory_space<vmem>>
      %dma_wait3A_292 = tpu.memref_squeeze %dma_wait3A_291 : memref<1x128x128xf32, #tpu.memory_space<vmem>> -> memref<128x128xf32, #tpu.memory_space<vmem>>
      tpu.wait_dma2 semaphore(%arg16 : memref<!tpu.dma_semaphore, #tpu.memory_space<semaphore_mem>>) src(%dma_wait3A_292 : memref<128x128xf32, #tpu.memory_space<vmem>>) dst(%dma_wait3A_288 : memref<128x128xf32, #tpu.memory_space<vmem_shared>>)
      %multiple_of3A_293 = arith.constant 512 : i32
      %multiple_of3A_294 = tpu.assume_multiple %multiple_of3A_293, 128 : i32
      %dma_start3A_295 = arith.constant 0 : i32
      %dma_start3A_296 = arith.constant 0 : i32
      %dma_start3A_297 = arith.constant 0 : i32
      %dma_start3A_298 = tpu.memref_slice %arg9[%dma_start3A_295, %dma_start3A_296, %dma_start3A_297] : memref<2x128x128xf32, #tpu.memory_space<vmem>> -> memref<1x128x128xf32, #tpu.memory_space<vmem>>
      %dma_start3A_299 = tpu.memref_squeeze %dma_start3A_298 : memref<1x128x128xf32, #tpu.memory_space<vmem>> -> memref<128x128xf32, #tpu.memory_space<vmem>>
      %dma_start3A_300 = tpu.memref_slice %arg7[%rem3A_138, %multiple_of3A_294] : memref<2x1024xi32, #tpu.memory_space<vmem>> -> memref<1x128xi32, #tpu.memory_space<vmem>>
      %dma_start3A_301 = tpu.memref_squeeze %dma_start3A_300 : memref<1x128xi32, #tpu.memory_space<vmem>> -> memref<128xi32, #tpu.memory_space<vmem>>
      %dma_start3A_302 = arith.constant 0 : i32
      %dma_start3A_303 = arith.constant 0 : i32
      %dma_start3A_304 = tpu.memref_slice %arg2[%dma_start3A_302, %dma_start3A_303] : memref<10000x128xf32, #tpu.memory_space<hbm>> -> memref<10000x128xf32, #tpu.memory_space<hbm>>
      tpu.enqueue_indirect_dma source(%dma_start3A_304 : memref<10000x128xf32, #tpu.memory_space<hbm>>) target(%dma_start3A_299 : memref<128x128xf32, #tpu.memory_space<vmem>>) offsets(%dma_start3A_301 : memref<128xi32, #tpu.memory_space<vmem>>) semaphore(%arg14 : memref<!tpu.dma_semaphore, #tpu.memory_space<semaphore_mem>>)
      %dma_wait3A_305 = arith.constant 1 : i32
      %dma_wait3A_306 = arith.constant 0 : i32
      %dma_wait3A_307 = arith.constant 0 : i32
      %dma_wait3A_308 = tpu.memref_slice %arg9[%dma_wait3A_305, %dma_wait3A_306, %dma_wait3A_307] : memref<2x128x128xf32, #tpu.memory_space<vmem>> -> memref<1x128x128xf32, #tpu.memory_space<vmem>>
      %dma_wait3A_309 = tpu.memref_squeeze %dma_wait3A_308 : memref<1x128x128xf32, #tpu.memory_space<vmem>> -> memref<128x128xf32, #tpu.memory_space<vmem>>
      %dma_wait3A_310 = arith.constant 0 : i32
      %dma_wait3A_311 = arith.constant 0 : i32
      %dma_wait3A_312 = tpu.memref_slice %arg2[%dma_wait3A_310, %dma_wait3A_311] : memref<10000x128xf32, #tpu.memory_space<hbm>> -> memref<128x128xf32, #tpu.memory_space<hbm>>
      %dma_wait3A_313 = arith.constant 0 : i32
      %dma_wait3A_314 = arith.constant 0 : i32
      %dma_wait3A_315 = tpu.memref_slice %arg9[%dma_wait3A_305, %dma_wait3A_313, %dma_wait3A_314] : memref<2x128x128xf32, #tpu.memory_space<vmem>> -> memref<1x128x128xf32, #tpu.memory_space<vmem>>
      %dma_wait3A_316 = tpu.memref_squeeze %dma_wait3A_315 : memref<1x128x128xf32, #tpu.memory_space<vmem>> -> memref<128x128xf32, #tpu.memory_space<vmem>>
      %dma_wait3A_317 = arith.constant 0 : i32
      %dma_wait3A_318 = arith.constant 0 : i32
      %dma_wait3A_319 = tpu.memref_slice %arg2[%dma_wait3A_317, %dma_wait3A_318] : memref<10000x128xf32, #tpu.memory_space<hbm>> -> memref<128x128xf32, #tpu.memory_space<hbm>>
      tpu.wait_dma2 semaphore(%arg15 : memref<!tpu.dma_semaphore, #tpu.memory_space<semaphore_mem>>) src(%dma_wait3A_319 : memref<128x128xf32, #tpu.memory_space<hbm>>) dst(%dma_wait3A_316 : memref<128x128xf32, #tpu.memory_space<vmem>>)
      %dma_start3A_320 = arith.constant 1 : i32
      %dma_start3A_321 = arith.constant 3 : i32
      %dma_start3A_322 = arith.constant 0 : i32
      %dma_start3A_323 = arith.constant 0 : i32
      %dma_start3A_324 = tpu.memref_slice %arg9[%dma_start3A_320, %dma_start3A_322, %dma_start3A_323] : memref<2x128x128xf32, #tpu.memory_space<vmem>> -> memref<1x128x128xf32, #tpu.memory_space<vmem>>
      %dma_start3A_325 = tpu.memref_squeeze %dma_start3A_324 : memref<1x128x128xf32, #tpu.memory_space<vmem>> -> memref<128x128xf32, #tpu.memory_space<vmem>>
      %dma_start3A_326 = arith.constant 0 : i32
      %dma_start3A_327 = tpu.memref_slice %arg8[%rem3A_138, %dma_start3A_321, %dma_start3A_326] : memref<2x8x128xi32, #tpu.memory_space<vmem>> -> memref<1x1x128xi32, #tpu.memory_space<vmem>>
      %dma_start3A_328 = tpu.memref_squeeze %dma_start3A_327 : memref<1x1x128xi32, #tpu.memory_space<vmem>> -> memref<128xi32, #tpu.memory_space<vmem>>
      %dma_start3A_329 = arith.constant 0 : i32
      %dma_start3A_330 = arith.constant 0 : i32
      %dma_start3A_331 = tpu.memref_slice %arg12[%dma_start3A_329, %dma_start3A_330] : memref<10240x128xf32, #tpu.memory_space<vmem_shared>> -> memref<10240x128xf32, #tpu.memory_space<vmem_shared>>
      tpu.enqueue_indirect_dma source(%dma_start3A_325 : memref<128x128xf32, #tpu.memory_space<vmem>>) target(%dma_start3A_331 : memref<10240x128xf32, #tpu.memory_space<vmem_shared>>) offsets(%dma_start3A_328 : memref<128xi32, #tpu.memory_space<vmem>>) semaphore(%arg17 : memref<!tpu.dma_semaphore, #tpu.memory_space<semaphore_mem>>) {add = true}
      %dma_wait3A_332 = arith.constant 1 : i32
      %dma_wait3A_333 = arith.constant 0 : i32
      %dma_wait3A_334 = arith.constant 0 : i32
      %dma_wait3A_335 = tpu.memref_slice %arg9[%dma_wait3A_332, %dma_wait3A_333, %dma_wait3A_334] : memref<2x128x128xf32, #tpu.memory_space<vmem>> -> memref<1x128x128xf32, #tpu.memory_space<vmem>>
      %dma_wait3A_336 = tpu.memref_squeeze %dma_wait3A_335 : memref<1x128x128xf32, #tpu.memory_space<vmem>> -> memref<128x128xf32, #tpu.memory_space<vmem>>
      %dma_wait3A_337 = arith.constant 0 : i32
      %dma_wait3A_338 = arith.constant 0 : i32
      %dma_wait3A_339 = tpu.memref_slice %arg12[%dma_wait3A_337, %dma_wait3A_338] : memref<10240x128xf32, #tpu.memory_space<vmem_shared>> -> memref<128x128xf32, #tpu.memory_space<vmem_shared>>
      %dma_wait3A_340 = arith.constant 0 : i32
      %dma_wait3A_341 = arith.constant 0 : i32
      %dma_wait3A_342 = tpu.memref_slice %arg12[%dma_wait3A_340, %dma_wait3A_341] : memref<10240x128xf32, #tpu.memory_space<vmem_shared>> -> memref<128x128xf32, #tpu.memory_space<vmem_shared>>
      %dma_wait3A_343 = arith.constant 0 : i32
      %dma_wait3A_344 = arith.constant 0 : i32
      %dma_wait3A_345 = tpu.memref_slice %arg9[%dma_wait3A_332, %dma_wait3A_343, %dma_wait3A_344] : memref<2x128x128xf32, #tpu.memory_space<vmem>> -> memref<1x128x128xf32, #tpu.memory_space<vmem>>
      %dma_wait3A_346 = tpu.memref_squeeze %dma_wait3A_345 : memref<1x128x128xf32, #tpu.memory_space<vmem>> -> memref<128x128xf32, #tpu.memory_space<vmem>>
      tpu.wait_dma2 semaphore(%arg17 : memref<!tpu.dma_semaphore, #tpu.memory_space<semaphore_mem>>) src(%dma_wait3A_346 : memref<128x128xf32, #tpu.memory_space<vmem>>) dst(%dma_wait3A_342 : memref<128x128xf32, #tpu.memory_space<vmem_shared>>)
      %multiple_of3A_347 = arith.constant 640 : i32
      %multiple_of3A_348 = tpu.assume_multiple %multiple_of3A_347, 128 : i32
      %dma_start3A_349 = arith.constant 1 : i32
      %dma_start3A_350 = arith.constant 0 : i32
      %dma_start3A_351 = arith.constant 0 : i32
      %dma_start3A_352 = tpu.memref_slice %arg9[%dma_start3A_349, %dma_start3A_350, %dma_start3A_351] : memref<2x128x128xf32, #tpu.memory_space<vmem>> -> memref<1x128x128xf32, #tpu.memory_space<vmem>>
      %dma_start3A_353 = tpu.memref_squeeze %dma_start3A_352 : memref<1x128x128xf32, #tpu.memory_space<vmem>> -> memref<128x128xf32, #tpu.memory_space<vmem>>
      %dma_start3A_354 = tpu.memref_slice %arg7[%rem3A_138, %multiple_of3A_348] : memref<2x1024xi32, #tpu.memory_space<vmem>> -> memref<1x128xi32, #tpu.memory_space<vmem>>
      %dma_start3A_355 = tpu.memref_squeeze %dma_start3A_354 : memref<1x128xi32, #tpu.memory_space<vmem>> -> memref<128xi32, #tpu.memory_space<vmem>>
      %dma_start3A_356 = arith.constant 0 : i32
      %dma_start3A_357 = arith.constant 0 : i32
      %dma_start3A_358 = tpu.memref_slice %arg2[%dma_start3A_356, %dma_start3A_357] : memref<10000x128xf32, #tpu.memory_space<hbm>> -> memref<10000x128xf32, #tpu.memory_space<hbm>>
      tpu.enqueue_indirect_dma source(%dma_start3A_358 : memref<10000x128xf32, #tpu.memory_space<hbm>>) target(%dma_start3A_353 : memref<128x128xf32, #tpu.memory_space<vmem>>) offsets(%dma_start3A_355 : memref<128xi32, #tpu.memory_space<vmem>>) semaphore(%arg15 : memref<!tpu.dma_semaphore, #tpu.memory_space<semaphore_mem>>)
      %dma_wait3A_359 = arith.constant 0 : i32
      %dma_wait3A_360 = arith.constant 0 : i32
      %dma_wait3A_361 = arith.constant 0 : i32
      %dma_wait3A_362 = tpu.memref_slice %arg9[%dma_wait3A_359, %dma_wait3A_360, %dma_wait3A_361] : memref<2x128x128xf32, #tpu.memory_space<vmem>> -> memref<1x128x128xf32, #tpu.memory_space<vmem>>
      %dma_wait3A_363 = tpu.memref_squeeze %dma_wait3A_362 : memref<1x128x128xf32, #tpu.memory_space<vmem>> -> memref<128x128xf32, #tpu.memory_space<vmem>>
      %dma_wait3A_364 = arith.constant 0 : i32
      %dma_wait3A_365 = arith.constant 0 : i32
      %dma_wait3A_366 = tpu.memref_slice %arg2[%dma_wait3A_364, %dma_wait3A_365] : memref<10000x128xf32, #tpu.memory_space<hbm>> -> memref<128x128xf32, #tpu.memory_space<hbm>>
      %dma_wait3A_367 = arith.constant 0 : i32
      %dma_wait3A_368 = arith.constant 0 : i32
      %dma_wait3A_369 = tpu.memref_slice %arg9[%dma_wait3A_359, %dma_wait3A_367, %dma_wait3A_368] : memref<2x128x128xf32, #tpu.memory_space<vmem>> -> memref<1x128x128xf32, #tpu.memory_space<vmem>>
      %dma_wait3A_370 = tpu.memref_squeeze %dma_wait3A_369 : memref<1x128x128xf32, #tpu.memory_space<vmem>> -> memref<128x128xf32, #tpu.memory_space<vmem>>
      %dma_wait3A_371 = arith.constant 0 : i32
      %dma_wait3A_372 = arith.constant 0 : i32
      %dma_wait3A_373 = tpu.memref_slice %arg2[%dma_wait3A_371, %dma_wait3A_372] : memref<10000x128xf32, #tpu.memory_space<hbm>> -> memref<128x128xf32, #tpu.memory_space<hbm>>
      tpu.wait_dma2 semaphore(%arg14 : memref<!tpu.dma_semaphore, #tpu.memory_space<semaphore_mem>>) src(%dma_wait3A_373 : memref<128x128xf32, #tpu.memory_space<hbm>>) dst(%dma_wait3A_370 : memref<128x128xf32, #tpu.memory_space<vmem>>)
      %dma_start3A_374 = arith.constant 0 : i32
      %dma_start3A_375 = arith.constant 4 : i32
      %dma_start3A_376 = arith.constant 0 : i32
      %dma_start3A_377 = arith.constant 0 : i32
      %dma_start3A_378 = tpu.memref_slice %arg9[%dma_start3A_374, %dma_start3A_376, %dma_start3A_377] : memref<2x128x128xf32, #tpu.memory_space<vmem>> -> memref<1x128x128xf32, #tpu.memory_space<vmem>>
      %dma_start3A_379 = tpu.memref_squeeze %dma_start3A_378 : memref<1x128x128xf32, #tpu.memory_space<vmem>> -> memref<128x128xf32, #tpu.memory_space<vmem>>
      %dma_start3A_380 = arith.constant 0 : i32
      %dma_start3A_381 = tpu.memref_slice %arg8[%rem3A_138, %dma_start3A_375, %dma_start3A_380] : memref<2x8x128xi32, #tpu.memory_space<vmem>> -> memref<1x1x128xi32, #tpu.memory_space<vmem>>
      %dma_start3A_382 = tpu.memref_squeeze %dma_start3A_381 : memref<1x1x128xi32, #tpu.memory_space<vmem>> -> memref<128xi32, #tpu.memory_space<vmem>>
      %dma_start3A_383 = arith.constant 0 : i32
      %dma_start3A_384 = arith.constant 0 : i32
      %dma_start3A_385 = tpu.memref_slice %arg12[%dma_start3A_383, %dma_start3A_384] : memref<10240x128xf32, #tpu.memory_space<vmem_shared>> -> memref<10240x128xf32, #tpu.memory_space<vmem_shared>>
      tpu.enqueue_indirect_dma source(%dma_start3A_379 : memref<128x128xf32, #tpu.memory_space<vmem>>) target(%dma_start3A_385 : memref<10240x128xf32, #tpu.memory_space<vmem_shared>>) offsets(%dma_start3A_382 : memref<128xi32, #tpu.memory_space<vmem>>) semaphore(%arg16 : memref<!tpu.dma_semaphore, #tpu.memory_space<semaphore_mem>>) {add = true}
      %dma_wait3A_386 = arith.constant 0 : i32
      %dma_wait3A_387 = arith.constant 0 : i32
      %dma_wait3A_388 = arith.constant 0 : i32
      %dma_wait3A_389 = tpu.memref_slice %arg9[%dma_wait3A_386, %dma_wait3A_387, %dma_wait3A_388] : memref<2x128x128xf32, #tpu.memory_space<vmem>> -> memref<1x128x128xf32, #tpu.memory_space<vmem>>
      %dma_wait3A_390 = tpu.memref_squeeze %dma_wait3A_389 : memref<1x128x128xf32, #tpu.memory_space<vmem>> -> memref<128x128xf32, #tpu.memory_space<vmem>>
      %dma_wait3A_391 = arith.constant 0 : i32
      %dma_wait3A_392 = arith.constant 0 : i32
      %dma_wait3A_393 = tpu.memref_slice %arg12[%dma_wait3A_391, %dma_wait3A_392] : memref<10240x128xf32, #tpu.memory_space<vmem_shared>> -> memref<128x128xf32, #tpu.memory_space<vmem_shared>>
      %dma_wait3A_394 = arith.constant 0 : i32
      %dma_wait3A_395 = arith.constant 0 : i32
      %dma_wait3A_396 = tpu.memref_slice %arg12[%dma_wait3A_394, %dma_wait3A_395] : memref<10240x128xf32, #tpu.memory_space<vmem_shared>> -> memref<128x128xf32, #tpu.memory_space<vmem_shared>>
      %dma_wait3A_397 = arith.constant 0 : i32
      %dma_wait3A_398 = arith.constant 0 : i32
      %dma_wait3A_399 = tpu.memref_slice %arg9[%dma_wait3A_386, %dma_wait3A_397, %dma_wait3A_398] : memref<2x128x128xf32, #tpu.memory_space<vmem>> -> memref<1x128x128xf32, #tpu.memory_space<vmem>>
      %dma_wait3A_400 = tpu.memref_squeeze %dma_wait3A_399 : memref<1x128x128xf32, #tpu.memory_space<vmem>> -> memref<128x128xf32, #tpu.memory_space<vmem>>
      tpu.wait_dma2 semaphore(%arg16 : memref<!tpu.dma_semaphore, #tpu.memory_space<semaphore_mem>>) src(%dma_wait3A_400 : memref<128x128xf32, #tpu.memory_space<vmem>>) dst(%dma_wait3A_396 : memref<128x128xf32, #tpu.memory_space<vmem_shared>>)
      %multiple_of3A_401 = arith.constant 768 : i32
      %multiple_of3A_402 = tpu.assume_multiple %multiple_of3A_401, 128 : i32
      %dma_start3A_403 = arith.constant 0 : i32
      %dma_start3A_404 = arith.constant 0 : i32
      %dma_start3A_405 = arith.constant 0 : i32
      %dma_start3A_406 = tpu.memref_slice %arg9[%dma_start3A_403, %dma_start3A_404, %dma_start3A_405] : memref<2x128x128xf32, #tpu.memory_space<vmem>> -> memref<1x128x128xf32, #tpu.memory_space<vmem>>
      %dma_start3A_407 = tpu.memref_squeeze %dma_start3A_406 : memref<1x128x128xf32, #tpu.memory_space<vmem>> -> memref<128x128xf32, #tpu.memory_space<vmem>>
      %dma_start3A_408 = tpu.memref_slice %arg7[%rem3A_138, %multiple_of3A_402] : memref<2x1024xi32, #tpu.memory_space<vmem>> -> memref<1x128xi32, #tpu.memory_space<vmem>>
      %dma_start3A_409 = tpu.memref_squeeze %dma_start3A_408 : memref<1x128xi32, #tpu.memory_space<vmem>> -> memref<128xi32, #tpu.memory_space<vmem>>
      %dma_start3A_410 = arith.constant 0 : i32
      %dma_start3A_411 = arith.constant 0 : i32
      %dma_start3A_412 = tpu.memref_slice %arg2[%dma_start3A_410, %dma_start3A_411] : memref<10000x128xf32, #tpu.memory_space<hbm>> -> memref<10000x128xf32, #tpu.memory_space<hbm>>
      tpu.enqueue_indirect_dma source(%dma_start3A_412 : memref<10000x128xf32, #tpu.memory_space<hbm>>) target(%dma_start3A_407 : memref<128x128xf32, #tpu.memory_space<vmem>>) offsets(%dma_start3A_409 : memref<128xi32, #tpu.memory_space<vmem>>) semaphore(%arg14 : memref<!tpu.dma_semaphore, #tpu.memory_space<semaphore_mem>>)
      %dma_wait3A_413 = arith.constant 1 : i32
      %dma_wait3A_414 = arith.constant 0 : i32
      %dma_wait3A_415 = arith.constant 0 : i32
      %dma_wait3A_416 = tpu.memref_slice %arg9[%dma_wait3A_413, %dma_wait3A_414, %dma_wait3A_415] : memref<2x128x128xf32, #tpu.memory_space<vmem>> -> memref<1x128x128xf32, #tpu.memory_space<vmem>>
      %dma_wait3A_417 = tpu.memref_squeeze %dma_wait3A_416 : memref<1x128x128xf32, #tpu.memory_space<vmem>> -> memref<128x128xf32, #tpu.memory_space<vmem>>
      %dma_wait3A_418 = arith.constant 0 : i32
      %dma_wait3A_419 = arith.constant 0 : i32
      %dma_wait3A_420 = tpu.memref_slice %arg2[%dma_wait3A_418, %dma_wait3A_419] : memref<10000x128xf32, #tpu.memory_space<hbm>> -> memref<128x128xf32, #tpu.memory_space<hbm>>
      %dma_wait3A_421 = arith.constant 0 : i32
      %dma_wait3A_422 = arith.constant 0 : i32
      %dma_wait3A_423 = tpu.memref_slice %arg9[%dma_wait3A_413, %dma_wait3A_421, %dma_wait3A_422] : memref<2x128x128xf32, #tpu.memory_space<vmem>> -> memref<1x128x128xf32, #tpu.memory_space<vmem>>
      %dma_wait3A_424 = tpu.memref_squeeze %dma_wait3A_423 : memref<1x128x128xf32, #tpu.memory_space<vmem>> -> memref<128x128xf32, #tpu.memory_space<vmem>>
      %dma_wait3A_425 = arith.constant 0 : i32
      %dma_wait3A_426 = arith.constant 0 : i32
      %dma_wait3A_427 = tpu.memref_slice %arg2[%dma_wait3A_425, %dma_wait3A_426] : memref<10000x128xf32, #tpu.memory_space<hbm>> -> memref<128x128xf32, #tpu.memory_space<hbm>>
      tpu.wait_dma2 semaphore(%arg15 : memref<!tpu.dma_semaphore, #tpu.memory_space<semaphore_mem>>) src(%dma_wait3A_427 : memref<128x128xf32, #tpu.memory_space<hbm>>) dst(%dma_wait3A_424 : memref<128x128xf32, #tpu.memory_space<vmem>>)
      %dma_start3A_428 = arith.constant 1 : i32
      %dma_start3A_429 = arith.constant 5 : i32
      %dma_start3A_430 = arith.constant 0 : i32
      %dma_start3A_431 = arith.constant 0 : i32
      %dma_start3A_432 = tpu.memref_slice %arg9[%dma_start3A_428, %dma_start3A_430, %dma_start3A_431] : memref<2x128x128xf32, #tpu.memory_space<vmem>> -> memref<1x128x128xf32, #tpu.memory_space<vmem>>
      %dma_start3A_433 = tpu.memref_squeeze %dma_start3A_432 : memref<1x128x128xf32, #tpu.memory_space<vmem>> -> memref<128x128xf32, #tpu.memory_space<vmem>>
      %dma_start3A_434 = arith.constant 0 : i32
      %dma_start3A_435 = tpu.memref_slice %arg8[%rem3A_138, %dma_start3A_429, %dma_start3A_434] : memref<2x8x128xi32, #tpu.memory_space<vmem>> -> memref<1x1x128xi32, #tpu.memory_space<vmem>>
      %dma_start3A_436 = tpu.memref_squeeze %dma_start3A_435 : memref<1x1x128xi32, #tpu.memory_space<vmem>> -> memref<128xi32, #tpu.memory_space<vmem>>
      %dma_start3A_437 = arith.constant 0 : i32
      %dma_start3A_438 = arith.constant 0 : i32
      %dma_start3A_439 = tpu.memref_slice %arg12[%dma_start3A_437, %dma_start3A_438] : memref<10240x128xf32, #tpu.memory_space<vmem_shared>> -> memref<10240x128xf32, #tpu.memory_space<vmem_shared>>
      tpu.enqueue_indirect_dma source(%dma_start3A_433 : memref<128x128xf32, #tpu.memory_space<vmem>>) target(%dma_start3A_439 : memref<10240x128xf32, #tpu.memory_space<vmem_shared>>) offsets(%dma_start3A_436 : memref<128xi32, #tpu.memory_space<vmem>>) semaphore(%arg17 : memref<!tpu.dma_semaphore, #tpu.memory_space<semaphore_mem>>) {add = true}
      %dma_wait3A_440 = arith.constant 1 : i32
      %dma_wait3A_441 = arith.constant 0 : i32
      %dma_wait3A_442 = arith.constant 0 : i32
      %dma_wait3A_443 = tpu.memref_slice %arg9[%dma_wait3A_440, %dma_wait3A_441, %dma_wait3A_442] : memref<2x128x128xf32, #tpu.memory_space<vmem>> -> memref<1x128x128xf32, #tpu.memory_space<vmem>>
      %dma_wait3A_444 = tpu.memref_squeeze %dma_wait3A_443 : memref<1x128x128xf32, #tpu.memory_space<vmem>> -> memref<128x128xf32, #tpu.memory_space<vmem>>
      %dma_wait3A_445 = arith.constant 0 : i32
      %dma_wait3A_446 = arith.constant 0 : i32
      %dma_wait3A_447 = tpu.memref_slice %arg12[%dma_wait3A_445, %dma_wait3A_446] : memref<10240x128xf32, #tpu.memory_space<vmem_shared>> -> memref<128x128xf32, #tpu.memory_space<vmem_shared>>
      %dma_wait3A_448 = arith.constant 0 : i32
      %dma_wait3A_449 = arith.constant 0 : i32
      %dma_wait3A_450 = tpu.memref_slice %arg12[%dma_wait3A_448, %dma_wait3A_449] : memref<10240x128xf32, #tpu.memory_space<vmem_shared>> -> memref<128x128xf32, #tpu.memory_space<vmem_shared>>
      %dma_wait3A_451 = arith.constant 0 : i32
      %dma_wait3A_452 = arith.constant 0 : i32
      %dma_wait3A_453 = tpu.memref_slice %arg9[%dma_wait3A_440, %dma_wait3A_451, %dma_wait3A_452] : memref<2x128x128xf32, #tpu.memory_space<vmem>> -> memref<1x128x128xf32, #tpu.memory_space<vmem>>
      %dma_wait3A_454 = tpu.memref_squeeze %dma_wait3A_453 : memref<1x128x128xf32, #tpu.memory_space<vmem>> -> memref<128x128xf32, #tpu.memory_space<vmem>>
      tpu.wait_dma2 semaphore(%arg17 : memref<!tpu.dma_semaphore, #tpu.memory_space<semaphore_mem>>) src(%dma_wait3A_454 : memref<128x128xf32, #tpu.memory_space<vmem>>) dst(%dma_wait3A_450 : memref<128x128xf32, #tpu.memory_space<vmem_shared>>)
      %multiple_of3A_455 = arith.constant 896 : i32
      %multiple_of3A_456 = tpu.assume_multiple %multiple_of3A_455, 128 : i32
      %dma_start3A_457 = arith.constant 1 : i32
      %dma_start3A_458 = arith.constant 0 : i32
      %dma_start3A_459 = arith.constant 0 : i32
      %dma_start3A_460 = tpu.memref_slice %arg9[%dma_start3A_457, %dma_start3A_458, %dma_start3A_459] : memref<2x128x128xf32, #tpu.memory_space<vmem>> -> memref<1x128x128xf32, #tpu.memory_space<vmem>>
      %dma_start3A_461 = tpu.memref_squeeze %dma_start3A_460 : memref<1x128x128xf32, #tpu.memory_space<vmem>> -> memref<128x128xf32, #tpu.memory_space<vmem>>
      %dma_start3A_462 = tpu.memref_slice %arg7[%rem3A_138, %multiple_of3A_456] : memref<2x1024xi32, #tpu.memory_space<vmem>> -> memref<1x128xi32, #tpu.memory_space<vmem>>
      %dma_start3A_463 = tpu.memref_squeeze %dma_start3A_462 : memref<1x128xi32, #tpu.memory_space<vmem>> -> memref<128xi32, #tpu.memory_space<vmem>>
      %dma_start3A_464 = arith.constant 0 : i32
      %dma_start3A_465 = arith.constant 0 : i32
      %dma_start3A_466 = tpu.memref_slice %arg2[%dma_start3A_464, %dma_start3A_465] : memref<10000x128xf32, #tpu.memory_space<hbm>> -> memref<10000x128xf32, #tpu.memory_space<hbm>>
      tpu.enqueue_indirect_dma source(%dma_start3A_466 : memref<10000x128xf32, #tpu.memory_space<hbm>>) target(%dma_start3A_461 : memref<128x128xf32, #tpu.memory_space<vmem>>) offsets(%dma_start3A_463 : memref<128xi32, #tpu.memory_space<vmem>>) semaphore(%arg15 : memref<!tpu.dma_semaphore, #tpu.memory_space<semaphore_mem>>)
      %dma_wait3A_467 = arith.constant 0 : i32
      %dma_wait3A_468 = arith.constant 0 : i32
      %dma_wait3A_469 = arith.constant 0 : i32
      %dma_wait3A_470 = tpu.memref_slice %arg9[%dma_wait3A_467, %dma_wait3A_468, %dma_wait3A_469] : memref<2x128x128xf32, #tpu.memory_space<vmem>> -> memref<1x128x128xf32, #tpu.memory_space<vmem>>
      %dma_wait3A_471 = tpu.memref_squeeze %dma_wait3A_470 : memref<1x128x128xf32, #tpu.memory_space<vmem>> -> memref<128x128xf32, #tpu.memory_space<vmem>>
      %dma_wait3A_472 = arith.constant 0 : i32
      %dma_wait3A_473 = arith.constant 0 : i32
      %dma_wait3A_474 = tpu.memref_slice %arg2[%dma_wait3A_472, %dma_wait3A_473] : memref<10000x128xf32, #tpu.memory_space<hbm>> -> memref<128x128xf32, #tpu.memory_space<hbm>>
      %dma_wait3A_475 = arith.constant 0 : i32
      %dma_wait3A_476 = arith.constant 0 : i32
      %dma_wait3A_477 = tpu.memref_slice %arg9[%dma_wait3A_467, %dma_wait3A_475, %dma_wait3A_476] : memref<2x128x128xf32, #tpu.memory_space<vmem>> -> memref<1x128x128xf32, #tpu.memory_space<vmem>>
      %dma_wait3A_478 = tpu.memref_squeeze %dma_wait3A_477 : memref<1x128x128xf32, #tpu.memory_space<vmem>> -> memref<128x128xf32, #tpu.memory_space<vmem>>
      %dma_wait3A_479 = arith.constant 0 : i32
      %dma_wait3A_480 = arith.constant 0 : i32
      %dma_wait3A_481 = tpu.memref_slice %arg2[%dma_wait3A_479, %dma_wait3A_480] : memref<10000x128xf32, #tpu.memory_space<hbm>> -> memref<128x128xf32, #tpu.memory_space<hbm>>
      tpu.wait_dma2 semaphore(%arg14 : memref<!tpu.dma_semaphore, #tpu.memory_space<semaphore_mem>>) src(%dma_wait3A_481 : memref<128x128xf32, #tpu.memory_space<hbm>>) dst(%dma_wait3A_478 : memref<128x128xf32, #tpu.memory_space<vmem>>)
      %dma_start3A_482 = arith.constant 0 : i32
      %dma_start3A_483 = arith.constant 6 : i32
      %dma_start3A_484 = arith.constant 0 : i32
      %dma_start3A_485 = arith.constant 0 : i32
      %dma_start3A_486 = tpu.memref_slice %arg9[%dma_start3A_482, %dma_start3A_484, %dma_start3A_485] : memref<2x128x128xf32, #tpu.memory_space<vmem>> -> memref<1x128x128xf32, #tpu.memory_space<vmem>>
      %dma_start3A_487 = tpu.memref_squeeze %dma_start3A_486 : memref<1x128x128xf32, #tpu.memory_space<vmem>> -> memref<128x128xf32, #tpu.memory_space<vmem>>
      %dma_start3A_488 = arith.constant 0 : i32
      %dma_start3A_489 = tpu.memref_slice %arg8[%rem3A_138, %dma_start3A_483, %dma_start3A_488] : memref<2x8x128xi32, #tpu.memory_space<vmem>> -> memref<1x1x128xi32, #tpu.memory_space<vmem>>
      %dma_start3A_490 = tpu.memref_squeeze %dma_start3A_489 : memref<1x1x128xi32, #tpu.memory_space<vmem>> -> memref<128xi32, #tpu.memory_space<vmem>>
      %dma_start3A_491 = arith.constant 0 : i32
      %dma_start3A_492 = arith.constant 0 : i32
      %dma_start3A_493 = tpu.memref_slice %arg12[%dma_start3A_491, %dma_start3A_492] : memref<10240x128xf32, #tpu.memory_space<vmem_shared>> -> memref<10240x128xf32, #tpu.memory_space<vmem_shared>>
      tpu.enqueue_indirect_dma source(%dma_start3A_487 : memref<128x128xf32, #tpu.memory_space<vmem>>) target(%dma_start3A_493 : memref<10240x128xf32, #tpu.memory_space<vmem_shared>>) offsets(%dma_start3A_490 : memref<128xi32, #tpu.memory_space<vmem>>) semaphore(%arg16 : memref<!tpu.dma_semaphore, #tpu.memory_space<semaphore_mem>>) {add = true}
      %dma_wait3A_494 = arith.constant 0 : i32
      %dma_wait3A_495 = arith.constant 0 : i32
      %dma_wait3A_496 = arith.constant 0 : i32
      %dma_wait3A_497 = tpu.memref_slice %arg9[%dma_wait3A_494, %dma_wait3A_495, %dma_wait3A_496] : memref<2x128x128xf32, #tpu.memory_space<vmem>> -> memref<1x128x128xf32, #tpu.memory_space<vmem>>
      %dma_wait3A_498 = tpu.memref_squeeze %dma_wait3A_497 : memref<1x128x128xf32, #tpu.memory_space<vmem>> -> memref<128x128xf32, #tpu.memory_space<vmem>>
      %dma_wait3A_499 = arith.constant 0 : i32
      %dma_wait3A_500 = arith.constant 0 : i32
      %dma_wait3A_501 = tpu.memref_slice %arg12[%dma_wait3A_499, %dma_wait3A_500] : memref<10240x128xf32, #tpu.memory_space<vmem_shared>> -> memref<128x128xf32, #tpu.memory_space<vmem_shared>>
      %dma_wait3A_502 = arith.constant 0 : i32
      %dma_wait3A_503 = arith.constant 0 : i32
      %dma_wait3A_504 = tpu.memref_slice %arg12[%dma_wait3A_502, %dma_wait3A_503] : memref<10240x128xf32, #tpu.memory_space<vmem_shared>> -> memref<128x128xf32, #tpu.memory_space<vmem_shared>>
      %dma_wait3A_505 = arith.constant 0 : i32
      %dma_wait3A_506 = arith.constant 0 : i32
      %dma_wait3A_507 = tpu.memref_slice %arg9[%dma_wait3A_494, %dma_wait3A_505, %dma_wait3A_506] : memref<2x128x128xf32, #tpu.memory_space<vmem>> -> memref<1x128x128xf32, #tpu.memory_space<vmem>>
      %dma_wait3A_508 = tpu.memref_squeeze %dma_wait3A_507 : memref<1x128x128xf32, #tpu.memory_space<vmem>> -> memref<128x128xf32, #tpu.memory_space<vmem>>
      tpu.wait_dma2 semaphore(%arg16 : memref<!tpu.dma_semaphore, #tpu.memory_space<semaphore_mem>>) src(%dma_wait3A_508 : memref<128x128xf32, #tpu.memory_space<vmem>>) dst(%dma_wait3A_504 : memref<128x128xf32, #tpu.memory_space<vmem_shared>>)
      %not3A_509 = arith.constant true
      %not3A_510 = arith.xori %ge3A, %not3A_509 : i1
      %convert_element_type3A_511 = arith.extui %not3A_510 : i1 to i32
      %cond3A_512 = arith.constant 0 : i32
      %cond3A_513 = arith.cmpi ne, %convert_element_type3A_511, %cond3A_512 : i32
      scf.if %cond3A_513 {
        %sub3A = arith.constant 1 : i32
        %sub3A_561 = arith.subi %sub3A, %rem3A_138 : i32
        %dma_wait3A_562 = arith.constant 0 : i32
        %dma_wait3A_563 = tpu.memref_slice %arg7[%sub3A_561, %dma_wait3A_562] : memref<2x1024xi32, #tpu.memory_space<vmem>> -> memref<1x1024xi32, #tpu.memory_space<vmem>>
        %dma_wait3A_564 = tpu.memref_squeeze %dma_wait3A_563 : memref<1x1024xi32, #tpu.memory_space<vmem>> -> memref<1024xi32, #tpu.memory_space<vmem>>
        %dma_wait3A_565 = arith.constant 0 : i32
        %dma_wait3A_566 = tpu.memref_slice %arg3[%dma_wait3A_565] : memref<327680xi32, #tpu.memory_space<hbm>> -> memref<1024xi32, #tpu.memory_space<hbm>>
        %dma_wait3A_567 = arith.constant 0 : i32
        %dma_wait3A_568 = tpu.memref_slice %arg7[%sub3A_561, %dma_wait3A_567] : memref<2x1024xi32, #tpu.memory_space<vmem>> -> memref<1x1024xi32, #tpu.memory_space<vmem>>
        %dma_wait3A_569 = tpu.memref_squeeze %dma_wait3A_568 : memref<1x1024xi32, #tpu.memory_space<vmem>> -> memref<1024xi32, #tpu.memory_space<vmem>>
        %dma_wait3A_570 = arith.constant 0 : i32
        %dma_wait3A_571 = tpu.memref_slice %arg3[%dma_wait3A_570] : memref<327680xi32, #tpu.memory_space<hbm>> -> memref<1024xi32, #tpu.memory_space<hbm>>
        tpu.wait_dma2 semaphore(%arg18 : memref<!tpu.dma_semaphore, #tpu.memory_space<semaphore_mem>>) src(%dma_wait3A_571 : memref<1024xi32, #tpu.memory_space<hbm>>) dst(%dma_wait3A_569 : memref<1024xi32, #tpu.memory_space<vmem>>)
        %dma_wait3A_572 = arith.constant 0 : i32
        %dma_wait3A_573 = arith.constant 0 : i32
        %dma_wait3A_574 = tpu.memref_slice %arg8[%sub3A_561, %dma_wait3A_572, %dma_wait3A_573] : memref<2x8x128xi32, #tpu.memory_space<vmem>> -> memref<1x8x128xi32, #tpu.memory_space<vmem>>
        %dma_wait3A_575 = tpu.memref_squeeze %dma_wait3A_574 : memref<1x8x128xi32, #tpu.memory_space<vmem>> -> memref<8x128xi32, #tpu.memory_space<vmem>>
        %dma_wait3A_576 = arith.constant 0 : i32
        %dma_wait3A_577 = arith.constant 0 : i32
        %dma_wait3A_578 = tpu.memref_slice %arg4[%dma_wait3A_576, %dma_wait3A_577] : memref<2560x128xi32, #tpu.memory_space<hbm>> -> memref<8x128xi32, #tpu.memory_space<hbm>>
        %dma_wait3A_579 = arith.constant 0 : i32
        %dma_wait3A_580 = arith.constant 0 : i32
        %dma_wait3A_581 = tpu.memref_slice %arg8[%sub3A_561, %dma_wait3A_579, %dma_wait3A_580] : memref<2x8x128xi32, #tpu.memory_space<vmem>> -> memref<1x8x128xi32, #tpu.memory_space<vmem>>
        %dma_wait3A_582 = tpu.memref_squeeze %dma_wait3A_581 : memref<1x8x128xi32, #tpu.memory_space<vmem>> -> memref<8x128xi32, #tpu.memory_space<vmem>>
        %dma_wait3A_583 = arith.constant 0 : i32
        %dma_wait3A_584 = arith.constant 0 : i32
        %dma_wait3A_585 = tpu.memref_slice %arg4[%dma_wait3A_583, %dma_wait3A_584] : memref<2560x128xi32, #tpu.memory_space<hbm>> -> memref<8x128xi32, #tpu.memory_space<hbm>>
        tpu.wait_dma2 semaphore(%arg18 : memref<!tpu.dma_semaphore, #tpu.memory_space<semaphore_mem>>) src(%dma_wait3A_585 : memref<8x128xi32, #tpu.memory_space<hbm>>) dst(%dma_wait3A_582 : memref<8x128xi32, #tpu.memory_space<vmem>>)
        %sub3A_586 = arith.constant 1 : i32
        %sub3A_587 = arith.subi %sub3A_586, %rem3A_138 : i32
        %multiple_of3A_588 = arith.constant 0 : i32
        %multiple_of3A_589 = tpu.assume_multiple %multiple_of3A_588, 128 : i32
        %dma_start3A_590 = arith.constant 0 : i32
        %dma_start3A_591 = arith.constant 0 : i32
        %dma_start3A_592 = arith.constant 0 : i32
        %dma_start3A_593 = tpu.memref_slice %arg9[%dma_start3A_590, %dma_start3A_591, %dma_start3A_592] : memref<2x128x128xf32, #tpu.memory_space<vmem>> -> memref<1x128x128xf32, #tpu.memory_space<vmem>>
        %dma_start3A_594 = tpu.memref_squeeze %dma_start3A_593 : memref<1x128x128xf32, #tpu.memory_space<vmem>> -> memref<128x128xf32, #tpu.memory_space<vmem>>
        %dma_start3A_595 = tpu.memref_slice %arg7[%sub3A_587, %multiple_of3A_589] : memref<2x1024xi32, #tpu.memory_space<vmem>> -> memref<1x128xi32, #tpu.memory_space<vmem>>
        %dma_start3A_596 = tpu.memref_squeeze %dma_start3A_595 : memref<1x128xi32, #tpu.memory_space<vmem>> -> memref<128xi32, #tpu.memory_space<vmem>>
        %dma_start3A_597 = arith.constant 0 : i32
        %dma_start3A_598 = arith.constant 0 : i32
        %dma_start3A_599 = tpu.memref_slice %arg2[%dma_start3A_597, %dma_start3A_598] : memref<10000x128xf32, #tpu.memory_space<hbm>> -> memref<10000x128xf32, #tpu.memory_space<hbm>>
        tpu.enqueue_indirect_dma source(%dma_start3A_599 : memref<10000x128xf32, #tpu.memory_space<hbm>>) target(%dma_start3A_594 : memref<128x128xf32, #tpu.memory_space<vmem>>) offsets(%dma_start3A_596 : memref<128xi32, #tpu.memory_space<vmem>>) semaphore(%arg14 : memref<!tpu.dma_semaphore, #tpu.memory_space<semaphore_mem>>)
      } else {
      }
      %dma_wait3A_514 = arith.constant 1 : i32
      %dma_wait3A_515 = arith.constant 0 : i32
      %dma_wait3A_516 = arith.constant 0 : i32
      %dma_wait3A_517 = tpu.memref_slice %arg9[%dma_wait3A_514, %dma_wait3A_515, %dma_wait3A_516] : memref<2x128x128xf32, #tpu.memory_space<vmem>> -> memref<1x128x128xf32, #tpu.memory_space<vmem>>
      %dma_wait3A_518 = tpu.memref_squeeze %dma_wait3A_517 : memref<1x128x128xf32, #tpu.memory_space<vmem>> -> memref<128x128xf32, #tpu.memory_space<vmem>>
      %dma_wait3A_519 = arith.constant 0 : i32
      %dma_wait3A_520 = arith.constant 0 : i32
      %dma_wait3A_521 = tpu.memref_slice %arg2[%dma_wait3A_519, %dma_wait3A_520] : memref<10000x128xf32, #tpu.memory_space<hbm>> -> memref<128x128xf32, #tpu.memory_space<hbm>>
      %dma_wait3A_522 = arith.constant 0 : i32
      %dma_wait3A_523 = arith.constant 0 : i32
      %dma_wait3A_524 = tpu.memref_slice %arg9[%dma_wait3A_514, %dma_wait3A_522, %dma_wait3A_523] : memref<2x128x128xf32, #tpu.memory_space<vmem>> -> memref<1x128x128xf32, #tpu.memory_space<vmem>>
      %dma_wait3A_525 = tpu.memref_squeeze %dma_wait3A_524 : memref<1x128x128xf32, #tpu.memory_space<vmem>> -> memref<128x128xf32, #tpu.memory_space<vmem>>
      %dma_wait3A_526 = arith.constant 0 : i32
      %dma_wait3A_527 = arith.constant 0 : i32
      %dma_wait3A_528 = tpu.memref_slice %arg2[%dma_wait3A_526, %dma_wait3A_527] : memref<10000x128xf32, #tpu.memory_space<hbm>> -> memref<128x128xf32, #tpu.memory_space<hbm>>
      tpu.wait_dma2 semaphore(%arg15 : memref<!tpu.dma_semaphore, #tpu.memory_space<semaphore_mem>>) src(%dma_wait3A_528 : memref<128x128xf32, #tpu.memory_space<hbm>>) dst(%dma_wait3A_525 : memref<128x128xf32, #tpu.memory_space<vmem>>)
      %dma_start3A_529 = arith.constant 1 : i32
      %dma_start3A_530 = arith.constant 7 : i32
      %dma_start3A_531 = arith.constant 0 : i32
      %dma_start3A_532 = arith.constant 0 : i32
      %dma_start3A_533 = tpu.memref_slice %arg9[%dma_start3A_529, %dma_start3A_531, %dma_start3A_532] : memref<2x128x128xf32, #tpu.memory_space<vmem>> -> memref<1x128x128xf32, #tpu.memory_space<vmem>>
      %dma_start3A_534 = tpu.memref_squeeze %dma_start3A_533 : memref<1x128x128xf32, #tpu.memory_space<vmem>> -> memref<128x128xf32, #tpu.memory_space<vmem>>
      %dma_start3A_535 = arith.constant 0 : i32
      %dma_start3A_536 = tpu.memref_slice %arg8[%rem3A_138, %dma_start3A_530, %dma_start3A_535] : memref<2x8x128xi32, #tpu.memory_space<vmem>> -> memref<1x1x128xi32, #tpu.memory_space<vmem>>
      %dma_start3A_537 = tpu.memref_squeeze %dma_start3A_536 : memref<1x1x128xi32, #tpu.memory_space<vmem>> -> memref<128xi32, #tpu.memory_space<vmem>>
      %dma_start3A_538 = arith.constant 0 : i32
      %dma_start3A_539 = arith.constant 0 : i32
      %dma_start3A_540 = tpu.memref_slice %arg12[%dma_start3A_538, %dma_start3A_539] : memref<10240x128xf32, #tpu.memory_space<vmem_shared>> -> memref<10240x128xf32, #tpu.memory_space<vmem_shared>>
      tpu.enqueue_indirect_dma source(%dma_start3A_534 : memref<128x128xf32, #tpu.memory_space<vmem>>) target(%dma_start3A_540 : memref<10240x128xf32, #tpu.memory_space<vmem_shared>>) offsets(%dma_start3A_537 : memref<128xi32, #tpu.memory_space<vmem>>) semaphore(%arg17 : memref<!tpu.dma_semaphore, #tpu.memory_space<semaphore_mem>>) {add = true}
      %dma_wait3A_541 = arith.constant 1 : i32
      %dma_wait3A_542 = arith.constant 0 : i32
      %dma_wait3A_543 = arith.constant 0 : i32
      %dma_wait3A_544 = tpu.memref_slice %arg9[%dma_wait3A_541, %dma_wait3A_542, %dma_wait3A_543] : memref<2x128x128xf32, #tpu.memory_space<vmem>> -> memref<1x128x128xf32, #tpu.memory_space<vmem>>
      %dma_wait3A_545 = tpu.memref_squeeze %dma_wait3A_544 : memref<1x128x128xf32, #tpu.memory_space<vmem>> -> memref<128x128xf32, #tpu.memory_space<vmem>>
      %dma_wait3A_546 = arith.constant 0 : i32
      %dma_wait3A_547 = arith.constant 0 : i32
      %dma_wait3A_548 = tpu.memref_slice %arg12[%dma_wait3A_546, %dma_wait3A_547] : memref<10240x128xf32, #tpu.memory_space<vmem_shared>> -> memref<128x128xf32, #tpu.memory_space<vmem_shared>>
      %dma_wait3A_549 = arith.constant 0 : i32
      %dma_wait3A_550 = arith.constant 0 : i32
      %dma_wait3A_551 = tpu.memref_slice %arg12[%dma_wait3A_549, %dma_wait3A_550] : memref<10240x128xf32, #tpu.memory_space<vmem_shared>> -> memref<128x128xf32, #tpu.memory_space<vmem_shared>>
      %dma_wait3A_552 = arith.constant 0 : i32
      %dma_wait3A_553 = arith.constant 0 : i32
      %dma_wait3A_554 = tpu.memref_slice %arg9[%dma_wait3A_541, %dma_wait3A_552, %dma_wait3A_553] : memref<2x128x128xf32, #tpu.memory_space<vmem>> -> memref<1x128x128xf32, #tpu.memory_space<vmem>>
      %dma_wait3A_555 = tpu.memref_squeeze %dma_wait3A_554 : memref<1x128x128xf32, #tpu.memory_space<vmem>> -> memref<128x128xf32, #tpu.memory_space<vmem>>
      tpu.wait_dma2 semaphore(%arg17 : memref<!tpu.dma_semaphore, #tpu.memory_space<semaphore_mem>>) src(%dma_wait3A_555 : memref<128x128xf32, #tpu.memory_space<vmem>>) dst(%dma_wait3A_551 : memref<128x128xf32, #tpu.memory_space<vmem_shared>>)
      %not3A_556 = arith.constant true
      %not3A_557 = arith.xori %ge3A, %not3A_556 : i1
      %convert_element_type3A_558 = arith.extui %not3A_557 : i1 to i32
      %cond3A_559 = arith.constant 0 : i32
      %cond3A_560 = arith.cmpi ne, %convert_element_type3A_558, %cond3A_559 : i32
      scf.if %cond3A_560 {
        %sub3A = arith.constant 1 : i32
        %sub3A_561 = arith.subi %sub3A, %rem3A_138 : i32
        %multiple_of3A_562 = arith.constant 128 : i32
        %multiple_of3A_563 = tpu.assume_multiple %multiple_of3A_562, 128 : i32
        %dma_start3A_564 = arith.constant 1 : i32
        %dma_start3A_565 = arith.constant 0 : i32
        %dma_start3A_566 = arith.constant 0 : i32
        %dma_start3A_567 = tpu.memref_slice %arg9[%dma_start3A_564, %dma_start3A_565, %dma_start3A_566] : memref<2x128x128xf32, #tpu.memory_space<vmem>> -> memref<1x128x128xf32, #tpu.memory_space<vmem>>
        %dma_start3A_568 = tpu.memref_squeeze %dma_start3A_567 : memref<1x128x128xf32, #tpu.memory_space<vmem>> -> memref<128x128xf32, #tpu.memory_space<vmem>>
        %dma_start3A_569 = tpu.memref_slice %arg7[%sub3A_561, %multiple_of3A_563] : memref<2x1024xi32, #tpu.memory_space<vmem>> -> memref<1x128xi32, #tpu.memory_space<vmem>>
        %dma_start3A_570 = tpu.memref_squeeze %dma_start3A_569 : memref<1x128xi32, #tpu.memory_space<vmem>> -> memref<128xi32, #tpu.memory_space<vmem>>
        %dma_start3A_571 = arith.constant 0 : i32
        %dma_start3A_572 = arith.constant 0 : i32
        %dma_start3A_573 = tpu.memref_slice %arg2[%dma_start3A_571, %dma_start3A_572] : memref<10000x128xf32, #tpu.memory_space<hbm>> -> memref<10000x128xf32, #tpu.memory_space<hbm>>
        tpu.enqueue_indirect_dma source(%dma_start3A_573 : memref<10000x128xf32, #tpu.memory_space<hbm>>) target(%dma_start3A_568 : memref<128x128xf32, #tpu.memory_space<vmem>>) offsets(%dma_start3A_570 : memref<128xi32, #tpu.memory_space<vmem>>) semaphore(%arg15 : memref<!tpu.dma_semaphore, #tpu.memory_space<semaphore_mem>>)
      } else {
      }
    }
    %barrier3A_132 = arith.constant 0 : index
    tpu.barrier barrier_id(%barrier3A_132)
    %mul3A_133 = arith.constant 640 : i32
    %mul3A_134 = arith.muli %arg1, %mul3A_133 : i32
    %mul3A_135 = arith.constant 640 : i32
    %mul3A_136 = arith.muli %arg1, %mul3A_135 : i32
    "tpu.region"() ({
      %run_scoped3A_137 = tpu.sem_alloc : memref<!tpu.dma_semaphore, #tpu.memory_space<semaphore_mem>>
      %dma_start3A_138 = arith.constant 0 : i32
      %dma_start3A_139 = tpu.memref_slice %arg5[%arg0, %mul3A_136, %dma_start3A_138] : memref<2x10240x128xf32, #tpu.memory_space<hbm>> -> memref<1x640x128xf32, #tpu.memory_space<hbm>>
      %dma_start3A_140 = tpu.memref_squeeze %dma_start3A_139 : memref<1x640x128xf32, #tpu.memory_space<hbm>> -> memref<640x128xf32, #tpu.memory_space<hbm>>
      %dma_start3A_141 = arith.constant 0 : i32
      %dma_start3A_142 = tpu.memref_slice %arg12[%mul3A_134, %dma_start3A_141] : memref<10240x128xf32, #tpu.memory_space<vmem_shared>> -> memref<640x128xf32, #tpu.memory_space<vmem_shared>>
      tpu.enqueue_dma source(%dma_start3A_142 : memref<640x128xf32, #tpu.memory_space<vmem_shared>>) target(%dma_start3A_140 : memref<640x128xf32, #tpu.memory_space<hbm>>) target_semaphore(%run_scoped3A_137 : memref<!tpu.dma_semaphore, #tpu.memory_space<semaphore_mem>>)
      %dma_wait3A_143 = arith.constant 0 : i32
      %dma_wait3A_144 = tpu.memref_slice %arg5[%arg0, %mul3A_136, %dma_wait3A_143] : memref<2x10240x128xf32, #tpu.memory_space<hbm>> -> memref<1x640x128xf32, #tpu.memory_space<hbm>>
      %dma_wait3A_145 = tpu.memref_squeeze %dma_wait3A_144 : memref<1x640x128xf32, #tpu.memory_space<hbm>> -> memref<640x128xf32, #tpu.memory_space<hbm>>
      %dma_wait3A_146 = arith.constant 0 : i32
      %dma_wait3A_147 = tpu.memref_slice %arg12[%mul3A_134, %dma_wait3A_146] : memref<10240x128xf32, #tpu.memory_space<vmem_shared>> -> memref<640x128xf32, #tpu.memory_space<vmem_shared>>
      tpu.wait_dma2 semaphore(%run_scoped3A_137 : memref<!tpu.dma_semaphore, #tpu.memory_space<semaphore_mem>>) src(%dma_wait3A_147 : memref<640x128xf32, #tpu.memory_space<vmem_shared>>) dst(%dma_wait3A_145 : memref<640x128xf32, #tpu.memory_space<hbm>>)
      tpu.yield
    }) : () -> ()
    return
  }
}

#map = affine_map<(d0, d1) -> (0, 0)>
#map1 = affine_map<(d0, d1) -> (0)>
#map2 = affine_map<(d0, d1) -> (0, 0, 0)>
module attributes {stable_mosaic.version = 14 : i64} {
  func.func @_sc_aggregate_body(%arg0: i32, %arg1: i32, %arg2: memref<10000x128xf32, #tpu.memory_space<hbm>>, %arg3: memref<327680xi32, #tpu.memory_space<hbm>>, %arg4: memref<2560x128xi32, #tpu.memory_space<hbm>>, %arg5: memref<2x10240x128xf32, #tpu.memory_space<hbm>>, %arg6: memref<20480xf32, #tpu.memory_space<hbm>>, %arg7: memref<2x1024xi32, #tpu.memory_space<vmem>>, %arg8: memref<2x8x128xi32, #tpu.memory_space<vmem>>, %arg9: memref<2x128x128xf32, #tpu.memory_space<vmem>>, %arg10: memref<128xf32, #tpu.memory_space<vmem>>, %arg11: memref<640xf32, #tpu.memory_space<vmem>>, %arg12: memref<10240x128xf32, #tpu.memory_space<vmem_shared>>, %arg13: memref<10240xf32, #tpu.memory_space<vmem_shared>>, %arg14: memref<!tpu.dma_semaphore, #tpu.memory_space<semaphore_mem>>, %arg15: memref<!tpu.dma_semaphore, #tpu.memory_space<semaphore_mem>>, %arg16: memref<!tpu.dma_semaphore, #tpu.memory_space<semaphore_mem>>, %arg17: memref<!tpu.dma_semaphore, #tpu.memory_space<semaphore_mem>>, %arg18: memref<!tpu.dma_semaphore, #tpu.memory_space<semaphore_mem>>) attributes {dimension_semantics = [#tpu.dimension_semantics<core_parallel>, #tpu.dimension_semantics<subcore_parallel>], iteration_bounds = array<i64: 2, 16>, scalar_prefetch = 0 : i64, scratch_operands = 12 : i64, tpu.core_type = #tpu.core_type<sc_vector_subcore>, window_params = [{transform_indices = #map}, {transform_indices = #map1}, {transform_indices = #map}, {transform_indices = #map2}, {transform_indices = #map1}]} {
    %mul3A = arith.constant 2 : i32
    %mul3A_0 = arith.muli %arg1, %mul3A : i32
    %add3A = arith.addi %mul3A_0, %arg0 : i32
    %broadcast_in_dim3A = arith.constant 0.000000e+00 : f32
    %broadcast_in_dim3A_1 = vector.broadcast %broadcast_in_dim3A : f32 to vector<16xf32>
    %broadcast_in_dim3A_2 = arith.constant 1.000000e+00 : f32
    %broadcast_in_dim3A_3 = vector.broadcast %broadcast_in_dim3A_2 : f32 to vector<16xf32>
    %eq3A = arith.constant 0 : i32
    %eq3A_4 = arith.cmpi eq, %arg0, %eq3A : i32
    %jit3A = arith.constant 19 : i32
    %jit3A_5 = arith.constant 1 : i32
    %select_n3A = arith.select %eq3A_4, %jit3A, %jit3A_5 : i32
    %eq3A_6 = arith.constant 0 : i32
    %eq3A_7 = arith.cmpi eq, %arg0, %eq3A_6 : i32
    %mul3A_8 = arith.constant 19 : i32
    %mul3A_9 = arith.muli %arg1, %mul3A_8 : i32
    %mul3A_10 = arith.constant 1 : i32
    %mul3A_11 = arith.muli %arg1, %mul3A_10 : i32
    %add3A_12 = arith.constant 304 : i32
    %add3A_13 = arith.addi %add3A_12, %mul3A_11 : i32
    %select_n3A_14 = arith.select %eq3A_7, %mul3A_9, %add3A_13 : i32
    %add3A_15 = arith.constant 0 : i32
    %add3A_16 = arith.addi %select_n3A_14, %add3A_15 : i32
    %mul3A_17 = arith.constant 8 : i32
    %mul3A_18 = arith.muli %add3A_16, %mul3A_17 : i32
    %multiple_of3A = tpu.assume_multiple %mul3A_18, 8 : i32
    %mul3A_19 = arith.constant 128 : i32
    %mul3A_20 = arith.muli %multiple_of3A, %mul3A_19 : i32
    %multiple_of3A_21 = tpu.assume_multiple %mul3A_20, 128 : i32
    %dma_start3A = arith.constant 0 : i32
    %dma_start3A_22 = arith.constant 0 : i32
    %dma_start3A_23 = tpu.memref_slice %arg7[%dma_start3A, %dma_start3A_22] : memref<2x1024xi32, #tpu.memory_space<vmem>> -> memref<1x1024xi32, #tpu.memory_space<vmem>>
    %dma_start3A_24 = tpu.memref_squeeze %dma_start3A_23 : memref<1x1024xi32, #tpu.memory_space<vmem>> -> memref<1024xi32, #tpu.memory_space<vmem>>
    %dma_start3A_25 = tpu.memref_slice %arg3[%multiple_of3A_21] : memref<327680xi32, #tpu.memory_space<hbm>> -> memref<1024xi32, #tpu.memory_space<hbm>>
    %dma_start3A_26 = arith.constant 0 : i32
    %dma_start3A_27 = tpu.memref_slice %arg7[%dma_start3A, %dma_start3A_26] : memref<2x1024xi32, #tpu.memory_space<vmem>> -> memref<1x1024xi32, #tpu.memory_space<vmem>>
    %dma_start3A_28 = tpu.memref_squeeze %dma_start3A_27 : memref<1x1024xi32, #tpu.memory_space<vmem>> -> memref<1024xi32, #tpu.memory_space<vmem>>
    %dma_start3A_29 = tpu.memref_slice %arg3[%multiple_of3A_21] : memref<327680xi32, #tpu.memory_space<hbm>> -> memref<1024xi32, #tpu.memory_space<hbm>>
    tpu.enqueue_dma source(%dma_start3A_29 : memref<1024xi32, #tpu.memory_space<hbm>>) target(%dma_start3A_28 : memref<1024xi32, #tpu.memory_space<vmem>>) target_semaphore(%arg18 : memref<!tpu.dma_semaphore, #tpu.memory_space<semaphore_mem>>)
    %dma_start3A_30 = arith.constant 0 : i32
    %dma_start3A_31 = arith.constant 0 : i32
    %dma_start3A_32 = arith.constant 0 : i32
    %dma_start3A_33 = tpu.memref_slice %arg8[%dma_start3A_30, %dma_start3A_31, %dma_start3A_32] : memref<2x8x128xi32, #tpu.memory_space<vmem>> -> memref<1x8x128xi32, #tpu.memory_space<vmem>>
    %dma_start3A_34 = tpu.memref_squeeze %dma_start3A_33 : memref<1x8x128xi32, #tpu.memory_space<vmem>> -> memref<8x128xi32, #tpu.memory_space<vmem>>
    %dma_start3A_35 = arith.constant 0 : i32
    %dma_start3A_36 = tpu.memref_slice %arg4[%multiple_of3A, %dma_start3A_35] : memref<2560x128xi32, #tpu.memory_space<hbm>> -> memref<8x128xi32, #tpu.memory_space<hbm>>
    %dma_start3A_37 = arith.constant 0 : i32
    %dma_start3A_38 = arith.constant 0 : i32
    %dma_start3A_39 = tpu.memref_slice %arg8[%dma_start3A_30, %dma_start3A_37, %dma_start3A_38] : memref<2x8x128xi32, #tpu.memory_space<vmem>> -> memref<1x8x128xi32, #tpu.memory_space<vmem>>
    %dma_start3A_40 = tpu.memref_squeeze %dma_start3A_39 : memref<1x8x128xi32, #tpu.memory_space<vmem>> -> memref<8x128xi32, #tpu.memory_space<vmem>>
    %dma_start3A_41 = arith.constant 0 : i32
    %dma_start3A_42 = tpu.memref_slice %arg4[%multiple_of3A, %dma_start3A_41] : memref<2560x128xi32, #tpu.memory_space<hbm>> -> memref<8x128xi32, #tpu.memory_space<hbm>>
    tpu.enqueue_dma source(%dma_start3A_42 : memref<8x128xi32, #tpu.memory_space<hbm>>) target(%dma_start3A_40 : memref<8x128xi32, #tpu.memory_space<vmem>>) target_semaphore(%arg18 : memref<!tpu.dma_semaphore, #tpu.memory_space<semaphore_mem>>)
    %scan3A = arith.constant 0 : i32
    %scan3A_43 = arith.constant 0 : i32
    %scan3A_44 = arith.constant 8 : i32
    %scan3A_45 = arith.addi %scan3A_43, %scan3A_44 : i32
    %scan3A_46 = arith.constant 1 : i32
    scf.for %scan3A_159 = %scan3A_43 to %scan3A_45 step %scan3A_46  : i32 {
      %mul3A_160 = arith.constant 16 : i32
      %mul3A_161 = arith.muli %scan3A_159, %mul3A_160 : i32
      %swap3A = arith.index_cast %mul3A_161 : i32 to index
      %swap3A_162 = tpu.vector_load %arg10[%swap3A] {strides = array<i32>} : memref<128xf32, #tpu.memory_space<vmem>>, vector<16xf32>,
      %swap3A_163 = vector.shape_cast %swap3A_162 : vector<16xf32> to vector<16xf32>
      %swap3A_164 = vector.shape_cast %broadcast_in_dim3A_3 : vector<16xf32> to vector<16xf32>
      tpu.vector_store %arg10[%swap3A], %swap3A_164 {strides = array<i32>} : memref<128xf32, #tpu.memory_space<vmem>>, vector<16xf32>,
    }
    %scan3A_47 = arith.constant 8 : i32
    %scan3A_48 = arith.constant 0 : i32
    %scan3A_49 = arith.constant 0 : i32
    %scan3A_50 = arith.constant 40 : i32
    %scan3A_51 = arith.addi %scan3A_49, %scan3A_50 : i32
    %scan3A_52 = arith.constant 1 : i32
    scf.for %scan3A_159 = %scan3A_49 to %scan3A_51 step %scan3A_52  : i32 {
      %mul3A_160 = arith.constant 16 : i32
      %mul3A_161 = arith.muli %scan3A_159, %mul3A_160 : i32
      %swap3A = arith.index_cast %mul3A_161 : i32 to index
      %swap3A_162 = tpu.vector_load %arg11[%swap3A] {strides = array<i32>} : memref<640xf32, #tpu.memory_space<vmem>>, vector<16xf32>,
      %swap3A_163 = vector.shape_cast %swap3A_162 : vector<16xf32> to vector<16xf32>
      %swap3A_164 = vector.shape_cast %broadcast_in_dim3A_1 : vector<16xf32> to vector<16xf32>
      tpu.vector_store %arg11[%swap3A], %swap3A_164 {strides = array<i32>} : memref<640xf32, #tpu.memory_space<vmem>>, vector<16xf32>,
    }
    %scan3A_53 = arith.constant 40 : i32
    %mul3A_54 = arith.constant 640 : i32
    %mul3A_55 = arith.muli %arg1, %mul3A_54 : i32
    "tpu.region"() ({
      %run_scoped3A_159 = tpu.sem_alloc : memref<!tpu.dma_semaphore, #tpu.memory_space<semaphore_mem>>
      %dma_start3A_160 = tpu.memref_slice %arg13[%mul3A_55] : memref<10240xf32, #tpu.memory_space<vmem_shared>> -> memref<640xf32, #tpu.memory_space<vmem_shared>>
      %dma_start3A_161 = tpu.memref_slice %arg13[%mul3A_55] : memref<10240xf32, #tpu.memory_space<vmem_shared>> -> memref<640xf32, #tpu.memory_space<vmem_shared>>
      tpu.enqueue_dma source(%arg11 : memref<640xf32, #tpu.memory_space<vmem>>) target(%dma_start3A_161 : memref<640xf32, #tpu.memory_space<vmem_shared>>) target_semaphore(%run_scoped3A_159 : memref<!tpu.dma_semaphore, #tpu.memory_space<semaphore_mem>>)
      %dma_wait3A_162 = tpu.memref_slice %arg13[%mul3A_55] : memref<10240xf32, #tpu.memory_space<vmem_shared>> -> memref<640xf32, #tpu.memory_space<vmem_shared>>
      %dma_wait3A_163 = tpu.memref_slice %arg13[%mul3A_55] : memref<10240xf32, #tpu.memory_space<vmem_shared>> -> memref<640xf32, #tpu.memory_space<vmem_shared>>
      tpu.wait_dma2 semaphore(%run_scoped3A_159 : memref<!tpu.dma_semaphore, #tpu.memory_space<semaphore_mem>>) src(%arg11 : memref<640xf32, #tpu.memory_space<vmem>>) dst(%dma_wait3A_163 : memref<640xf32, #tpu.memory_space<vmem_shared>>)
      tpu.yield
    }) : () -> ()
    %scan3A_56 = arith.constant 0 : i32
    %scan3A_57 = arith.constant 0 : i32
    %scan3A_58 = arith.constant 1024 : i32
    %scan3A_59 = arith.addi %scan3A_57, %scan3A_58 : i32
    %scan3A_60 = arith.constant 1 : i32
    scf.for %scan3A_159 = %scan3A_57 to %scan3A_59 step %scan3A_60  : i32 {
      %jit3A_160 = arith.constant 8 : i32
      %div3A = arith.divsi %scan3A_159, %jit3A_160 : i32
      %sign3A = arith.constant 0 : i32
      %sign3A_161 = arith.cmpi sgt, %scan3A_159, %sign3A : i32
      %sign3A_162 = arith.extui %sign3A_161 : i1 to i32
      %sign3A_163 = arith.constant 0 : i32
      %sign3A_164 = arith.cmpi slt, %scan3A_159, %sign3A_163 : i32
      %sign3A_165 = arith.extui %sign3A_164 : i1 to i32
      %sign3A_166 = arith.subi %sign3A_162, %sign3A_165 : i32
      %sign3A_167 = arith.constant 0 : i32
      %sign3A_168 = arith.cmpi sgt, %jit3A_160, %sign3A_167 : i32
      %sign3A_169 = arith.extui %sign3A_168 : i1 to i32
      %sign3A_170 = arith.constant 0 : i32
      %sign3A_171 = arith.cmpi slt, %jit3A_160, %sign3A_170 : i32
      %sign3A_172 = arith.extui %sign3A_171 : i1 to i32
      %sign3A_173 = arith.subi %sign3A_169, %sign3A_172 : i32
      %ne3A = arith.cmpi ne, %sign3A_166, %sign3A_173 : i32
      %rem3A = arith.remsi %scan3A_159, %jit3A_160 : i32
      %ne3A_174 = arith.constant 0 : i32
      %ne3A_175 = arith.cmpi ne, %rem3A, %ne3A_174 : i32
      %and3A = arith.andi %ne3A, %ne3A_175 : i1
      %sub3A = arith.constant 1 : i32
      %sub3A_176 = arith.subi %div3A, %sub3A : i32
      %select_n3A_177 = arith.select %and3A, %sub3A_176, %div3A : i32
      %jit3A_178 = arith.constant 8 : i32
      %eq3A_179 = arith.constant 0 : i32
      %eq3A_180 = arith.cmpi eq, %jit3A_178, %eq3A_179 : i32
      %jit3A_181 = arith.constant 1 : i32
      %select_n3A_182 = arith.select %eq3A_180, %jit3A_181, %jit3A_178 : i32
      %rem3A_183 = arith.remsi %scan3A_159, %select_n3A_182 : i32
      %ne3A_184 = arith.constant 0 : i32
      %ne3A_185 = arith.cmpi ne, %rem3A_183, %ne3A_184 : i32
      %lt3A = arith.constant 0 : i32
      %lt3A_186 = arith.cmpi slt, %rem3A_183, %lt3A : i32
      %lt3A_187 = arith.constant 0 : i32
      %lt3A_188 = arith.cmpi slt, %select_n3A_182, %lt3A_187 : i32
      %ne3A_189 = arith.xori %lt3A_186, %lt3A_188 : i1
      %and3A_190 = arith.andi %ne3A_189, %ne3A_185 : i1
      %add3A_191 = arith.addi %rem3A_183, %select_n3A_182 : i32
      %select_n3A_192 = arith.select %and3A_190, %add3A_191, %rem3A_183 : i32
      %mul3A_193 = arith.constant 16 : i32
      %mul3A_194 = arith.muli %select_n3A_192, %mul3A_193 : i32
      %swap3A = arith.constant 0 : i32
      %swap3A_195 = arith.index_cast %swap3A : i32 to index
      %swap3A_196 = arith.index_cast %select_n3A_177 : i32 to index
      %swap3A_197 = arith.index_cast %mul3A_194 : i32 to index
      %swap3A_198 = tpu.vector_load %arg9[%swap3A_195, %swap3A_196, %swap3A_197] {strides = array<i32>} : memref<2x128x128xf32, #tpu.memory_space<vmem>>, vector<1x1x16xf32>,
      %swap3A_199 = vector.shape_cast %swap3A_198 : vector<1x1x16xf32> to vector<16xf32>
      %swap3A_200 = vector.shape_cast %broadcast_in_dim3A_1 : vector<16xf32> to vector<1x1x16xf32>
      tpu.vector_store %arg9[%swap3A_195, %swap3A_196, %swap3A_197], %swap3A_200 {strides = array<i32>} : memref<2x128x128xf32, #tpu.memory_space<vmem>>, vector<1x1x16xf32>,
    }
    %scan3A_61 = arith.constant 1024 : i32
    %mul3A_62 = arith.constant 640 : i32
    %mul3A_63 = arith.muli %arg1, %mul3A_62 : i32
    %add3A_64 = arith.constant 0 : i32
    %add3A_65 = arith.addi %mul3A_63, %add3A_64 : i32
    %run_scoped3A = arith.constant 0 : i32
    "tpu.region"() ({
      %run_scoped3A_159 = tpu.sem_alloc : memref<!tpu.dma_semaphore, #tpu.memory_space<semaphore_mem>>
      %dma_start3A_160 = arith.constant 0 : i32
      %dma_start3A_161 = arith.constant 0 : i32
      %dma_start3A_162 = tpu.memref_slice %arg9[%run_scoped3A, %dma_start3A_160, %dma_start3A_161] : memref<2x128x128xf32, #tpu.memory_space<vmem>> -> memref<1x128x128xf32, #tpu.memory_space<vmem>>
      %dma_start3A_163 = tpu.memref_squeeze %dma_start3A_162 : memref<1x128x128xf32, #tpu.memory_space<vmem>> -> memref<128x128xf32, #tpu.memory_space<vmem>>
      %dma_start3A_164 = arith.constant 0 : i32
      %dma_start3A_165 = tpu.memref_slice %arg12[%add3A_65, %dma_start3A_164] : memref<10240x128xf32, #tpu.memory_space<vmem_shared>> -> memref<128x128xf32, #tpu.memory_space<vmem_shared>>
      %dma_start3A_166 = arith.constant 0 : i32
      %dma_start3A_167 = tpu.memref_slice %arg12[%add3A_65, %dma_start3A_166] : memref<10240x128xf32, #tpu.memory_space<vmem_shared>> -> memref<128x128xf32, #tpu.memory_space<vmem_shared>>
      %dma_start3A_168 = arith.constant 0 : i32
      %dma_start3A_169 = arith.constant 0 : i32
      %dma_start3A_170 = tpu.memref_slice %arg9[%run_scoped3A, %dma_start3A_168, %dma_start3A_169] : memref<2x128x128xf32, #tpu.memory_space<vmem>> -> memref<1x128x128xf32, #tpu.memory_space<vmem>>
      %dma_start3A_171 = tpu.memref_squeeze %dma_start3A_170 : memref<1x128x128xf32, #tpu.memory_space<vmem>> -> memref<128x128xf32, #tpu.memory_space<vmem>>
      tpu.enqueue_dma source(%dma_start3A_171 : memref<128x128xf32, #tpu.memory_space<vmem>>) target(%dma_start3A_167 : memref<128x128xf32, #tpu.memory_space<vmem_shared>>) target_semaphore(%run_scoped3A_159 : memref<!tpu.dma_semaphore, #tpu.memory_space<semaphore_mem>>)
      %dma_wait3A_172 = arith.constant 0 : i32
      %dma_wait3A_173 = arith.constant 0 : i32
      %dma_wait3A_174 = tpu.memref_slice %arg9[%run_scoped3A, %dma_wait3A_172, %dma_wait3A_173] : memref<2x128x128xf32, #tpu.memory_space<vmem>> -> memref<1x128x128xf32, #tpu.memory_space<vmem>>
      %dma_wait3A_175 = tpu.memref_squeeze %dma_wait3A_174 : memref<1x128x128xf32, #tpu.memory_space<vmem>> -> memref<128x128xf32, #tpu.memory_space<vmem>>
      %dma_wait3A_176 = arith.constant 0 : i32
      %dma_wait3A_177 = tpu.memref_slice %arg12[%add3A_65, %dma_wait3A_176] : memref<10240x128xf32, #tpu.memory_space<vmem_shared>> -> memref<128x128xf32, #tpu.memory_space<vmem_shared>>
      %dma_wait3A_178 = arith.constant 0 : i32
      %dma_wait3A_179 = tpu.memref_slice %arg12[%add3A_65, %dma_wait3A_178] : memref<10240x128xf32, #tpu.memory_space<vmem_shared>> -> memref<128x128xf32, #tpu.memory_space<vmem_shared>>
      %dma_wait3A_180 = arith.constant 0 : i32
      %dma_wait3A_181 = arith.constant 0 : i32
      %dma_wait3A_182 = tpu.memref_slice %arg9[%run_scoped3A, %dma_wait3A_180, %dma_wait3A_181] : memref<2x128x128xf32, #tpu.memory_space<vmem>> -> memref<1x128x128xf32, #tpu.memory_space<vmem>>
      %dma_wait3A_183 = tpu.memref_squeeze %dma_wait3A_182 : memref<1x128x128xf32, #tpu.memory_space<vmem>> -> memref<128x128xf32, #tpu.memory_space<vmem>>
      tpu.wait_dma2 semaphore(%run_scoped3A_159 : memref<!tpu.dma_semaphore, #tpu.memory_space<semaphore_mem>>) src(%dma_wait3A_183 : memref<128x128xf32, #tpu.memory_space<vmem>>) dst(%dma_wait3A_179 : memref<128x128xf32, #tpu.memory_space<vmem_shared>>)
      tpu.yield
    }) : () -> ()
    %mul3A_66 = arith.constant 640 : i32
    %mul3A_67 = arith.muli %arg1, %mul3A_66 : i32
    %add3A_68 = arith.constant 128 : i32
    %add3A_69 = arith.addi %mul3A_67, %add3A_68 : i32
    %run_scoped3A_70 = arith.constant 0 : i32
    "tpu.region"() ({
      %run_scoped3A_159 = tpu.sem_alloc : memref<!tpu.dma_semaphore, #tpu.memory_space<semaphore_mem>>
      %dma_start3A_160 = arith.constant 0 : i32
      %dma_start3A_161 = arith.constant 0 : i32
      %dma_start3A_162 = tpu.memref_slice %arg9[%run_scoped3A_70, %dma_start3A_160, %dma_start3A_161] : memref<2x128x128xf32, #tpu.memory_space<vmem>> -> memref<1x128x128xf32, #tpu.memory_space<vmem>>
      %dma_start3A_163 = tpu.memref_squeeze %dma_start3A_162 : memref<1x128x128xf32, #tpu.memory_space<vmem>> -> memref<128x128xf32, #tpu.memory_space<vmem>>
      %dma_start3A_164 = arith.constant 0 : i32
      %dma_start3A_165 = tpu.memref_slice %arg12[%add3A_69, %dma_start3A_164] : memref<10240x128xf32, #tpu.memory_space<vmem_shared>> -> memref<128x128xf32, #tpu.memory_space<vmem_shared>>
      %dma_start3A_166 = arith.constant 0 : i32
      %dma_start3A_167 = tpu.memref_slice %arg12[%add3A_69, %dma_start3A_166] : memref<10240x128xf32, #tpu.memory_space<vmem_shared>> -> memref<128x128xf32, #tpu.memory_space<vmem_shared>>
      %dma_start3A_168 = arith.constant 0 : i32
      %dma_start3A_169 = arith.constant 0 : i32
      %dma_start3A_170 = tpu.memref_slice %arg9[%run_scoped3A_70, %dma_start3A_168, %dma_start3A_169] : memref<2x128x128xf32, #tpu.memory_space<vmem>> -> memref<1x128x128xf32, #tpu.memory_space<vmem>>
      %dma_start3A_171 = tpu.memref_squeeze %dma_start3A_170 : memref<1x128x128xf32, #tpu.memory_space<vmem>> -> memref<128x128xf32, #tpu.memory_space<vmem>>
      tpu.enqueue_dma source(%dma_start3A_171 : memref<128x128xf32, #tpu.memory_space<vmem>>) target(%dma_start3A_167 : memref<128x128xf32, #tpu.memory_space<vmem_shared>>) target_semaphore(%run_scoped3A_159 : memref<!tpu.dma_semaphore, #tpu.memory_space<semaphore_mem>>)
      %dma_wait3A_172 = arith.constant 0 : i32
      %dma_wait3A_173 = arith.constant 0 : i32
      %dma_wait3A_174 = tpu.memref_slice %arg9[%run_scoped3A_70, %dma_wait3A_172, %dma_wait3A_173] : memref<2x128x128xf32, #tpu.memory_space<vmem>> -> memref<1x128x128xf32, #tpu.memory_space<vmem>>
      %dma_wait3A_175 = tpu.memref_squeeze %dma_wait3A_174 : memref<1x128x128xf32, #tpu.memory_space<vmem>> -> memref<128x128xf32, #tpu.memory_space<vmem>>
      %dma_wait3A_176 = arith.constant 0 : i32
      %dma_wait3A_177 = tpu.memref_slice %arg12[%add3A_69, %dma_wait3A_176] : memref<10240x128xf32, #tpu.memory_space<vmem_shared>> -> memref<128x128xf32, #tpu.memory_space<vmem_shared>>
      %dma_wait3A_178 = arith.constant 0 : i32
      %dma_wait3A_179 = tpu.memref_slice %arg12[%add3A_69, %dma_wait3A_178] : memref<10240x128xf32, #tpu.memory_space<vmem_shared>> -> memref<128x128xf32, #tpu.memory_space<vmem_shared>>
      %dma_wait3A_180 = arith.constant 0 : i32
      %dma_wait3A_181 = arith.constant 0 : i32
      %dma_wait3A_182 = tpu.memref_slice %arg9[%run_scoped3A_70, %dma_wait3A_180, %dma_wait3A_181] : memref<2x128x128xf32, #tpu.memory_space<vmem>> -> memref<1x128x128xf32, #tpu.memory_space<vmem>>
      %dma_wait3A_183 = tpu.memref_squeeze %dma_wait3A_182 : memref<1x128x128xf32, #tpu.memory_space<vmem>> -> memref<128x128xf32, #tpu.memory_space<vmem>>
      tpu.wait_dma2 semaphore(%run_scoped3A_159 : memref<!tpu.dma_semaphore, #tpu.memory_space<semaphore_mem>>) src(%dma_wait3A_183 : memref<128x128xf32, #tpu.memory_space<vmem>>) dst(%dma_wait3A_179 : memref<128x128xf32, #tpu.memory_space<vmem_shared>>)
      tpu.yield
    }) : () -> ()
    %mul3A_71 = arith.constant 640 : i32
    %mul3A_72 = arith.muli %arg1, %mul3A_71 : i32
    %add3A_73 = arith.constant 256 : i32
    %add3A_74 = arith.addi %mul3A_72, %add3A_73 : i32
    %run_scoped3A_75 = arith.constant 0 : i32
    "tpu.region"() ({
      %run_scoped3A_159 = tpu.sem_alloc : memref<!tpu.dma_semaphore, #tpu.memory_space<semaphore_mem>>
      %dma_start3A_160 = arith.constant 0 : i32
      %dma_start3A_161 = arith.constant 0 : i32
      %dma_start3A_162 = tpu.memref_slice %arg9[%run_scoped3A_75, %dma_start3A_160, %dma_start3A_161] : memref<2x128x128xf32, #tpu.memory_space<vmem>> -> memref<1x128x128xf32, #tpu.memory_space<vmem>>
      %dma_start3A_163 = tpu.memref_squeeze %dma_start3A_162 : memref<1x128x128xf32, #tpu.memory_space<vmem>> -> memref<128x128xf32, #tpu.memory_space<vmem>>
      %dma_start3A_164 = arith.constant 0 : i32
      %dma_start3A_165 = tpu.memref_slice %arg12[%add3A_74, %dma_start3A_164] : memref<10240x128xf32, #tpu.memory_space<vmem_shared>> -> memref<128x128xf32, #tpu.memory_space<vmem_shared>>
      %dma_start3A_166 = arith.constant 0 : i32
      %dma_start3A_167 = tpu.memref_slice %arg12[%add3A_74, %dma_start3A_166] : memref<10240x128xf32, #tpu.memory_space<vmem_shared>> -> memref<128x128xf32, #tpu.memory_space<vmem_shared>>
      %dma_start3A_168 = arith.constant 0 : i32
      %dma_start3A_169 = arith.constant 0 : i32
      %dma_start3A_170 = tpu.memref_slice %arg9[%run_scoped3A_75, %dma_start3A_168, %dma_start3A_169] : memref<2x128x128xf32, #tpu.memory_space<vmem>> -> memref<1x128x128xf32, #tpu.memory_space<vmem>>
      %dma_start3A_171 = tpu.memref_squeeze %dma_start3A_170 : memref<1x128x128xf32, #tpu.memory_space<vmem>> -> memref<128x128xf32, #tpu.memory_space<vmem>>
      tpu.enqueue_dma source(%dma_start3A_171 : memref<128x128xf32, #tpu.memory_space<vmem>>) target(%dma_start3A_167 : memref<128x128xf32, #tpu.memory_space<vmem_shared>>) target_semaphore(%run_scoped3A_159 : memref<!tpu.dma_semaphore, #tpu.memory_space<semaphore_mem>>)
      %dma_wait3A_172 = arith.constant 0 : i32
      %dma_wait3A_173 = arith.constant 0 : i32
      %dma_wait3A_174 = tpu.memref_slice %arg9[%run_scoped3A_75, %dma_wait3A_172, %dma_wait3A_173] : memref<2x128x128xf32, #tpu.memory_space<vmem>> -> memref<1x128x128xf32, #tpu.memory_space<vmem>>
      %dma_wait3A_175 = tpu.memref_squeeze %dma_wait3A_174 : memref<1x128x128xf32, #tpu.memory_space<vmem>> -> memref<128x128xf32, #tpu.memory_space<vmem>>
      %dma_wait3A_176 = arith.constant 0 : i32
      %dma_wait3A_177 = tpu.memref_slice %arg12[%add3A_74, %dma_wait3A_176] : memref<10240x128xf32, #tpu.memory_space<vmem_shared>> -> memref<128x128xf32, #tpu.memory_space<vmem_shared>>
      %dma_wait3A_178 = arith.constant 0 : i32
      %dma_wait3A_179 = tpu.memref_slice %arg12[%add3A_74, %dma_wait3A_178] : memref<10240x128xf32, #tpu.memory_space<vmem_shared>> -> memref<128x128xf32, #tpu.memory_space<vmem_shared>>
      %dma_wait3A_180 = arith.constant 0 : i32
      %dma_wait3A_181 = arith.constant 0 : i32
      %dma_wait3A_182 = tpu.memref_slice %arg9[%run_scoped3A_75, %dma_wait3A_180, %dma_wait3A_181] : memref<2x128x128xf32, #tpu.memory_space<vmem>> -> memref<1x128x128xf32, #tpu.memory_space<vmem>>
      %dma_wait3A_183 = tpu.memref_squeeze %dma_wait3A_182 : memref<1x128x128xf32, #tpu.memory_space<vmem>> -> memref<128x128xf32, #tpu.memory_space<vmem>>
      tpu.wait_dma2 semaphore(%run_scoped3A_159 : memref<!tpu.dma_semaphore, #tpu.memory_space<semaphore_mem>>) src(%dma_wait3A_183 : memref<128x128xf32, #tpu.memory_space<vmem>>) dst(%dma_wait3A_179 : memref<128x128xf32, #tpu.memory_space<vmem_shared>>)
      tpu.yield
    }) : () -> ()
    %mul3A_76 = arith.constant 640 : i32
    %mul3A_77 = arith.muli %arg1, %mul3A_76 : i32
    %add3A_78 = arith.constant 384 : i32
    %add3A_79 = arith.addi %mul3A_77, %add3A_78 : i32
    %run_scoped3A_80 = arith.constant 0 : i32
    "tpu.region"() ({
      %run_scoped3A_159 = tpu.sem_alloc : memref<!tpu.dma_semaphore, #tpu.memory_space<semaphore_mem>>
      %dma_start3A_160 = arith.constant 0 : i32
      %dma_start3A_161 = arith.constant 0 : i32
      %dma_start3A_162 = tpu.memref_slice %arg9[%run_scoped3A_80, %dma_start3A_160, %dma_start3A_161] : memref<2x128x128xf32, #tpu.memory_space<vmem>> -> memref<1x128x128xf32, #tpu.memory_space<vmem>>
      %dma_start3A_163 = tpu.memref_squeeze %dma_start3A_162 : memref<1x128x128xf32, #tpu.memory_space<vmem>> -> memref<128x128xf32, #tpu.memory_space<vmem>>
      %dma_start3A_164 = arith.constant 0 : i32
      %dma_start3A_165 = tpu.memref_slice %arg12[%add3A_79, %dma_start3A_164] : memref<10240x128xf32, #tpu.memory_space<vmem_shared>> -> memref<128x128xf32, #tpu.memory_space<vmem_shared>>
      %dma_start3A_166 = arith.constant 0 : i32
      %dma_start3A_167 = tpu.memref_slice %arg12[%add3A_79, %dma_start3A_166] : memref<10240x128xf32, #tpu.memory_space<vmem_shared>> -> memref<128x128xf32, #tpu.memory_space<vmem_shared>>
      %dma_start3A_168 = arith.constant 0 : i32
      %dma_start3A_169 = arith.constant 0 : i32
      %dma_start3A_170 = tpu.memref_slice %arg9[%run_scoped3A_80, %dma_start3A_168, %dma_start3A_169] : memref<2x128x128xf32, #tpu.memory_space<vmem>> -> memref<1x128x128xf32, #tpu.memory_space<vmem>>
      %dma_start3A_171 = tpu.memref_squeeze %dma_start3A_170 : memref<1x128x128xf32, #tpu.memory_space<vmem>> -> memref<128x128xf32, #tpu.memory_space<vmem>>
      tpu.enqueue_dma source(%dma_start3A_171 : memref<128x128xf32, #tpu.memory_space<vmem>>) target(%dma_start3A_167 : memref<128x128xf32, #tpu.memory_space<vmem_shared>>) target_semaphore(%run_scoped3A_159 : memref<!tpu.dma_semaphore, #tpu.memory_space<semaphore_mem>>)
      %dma_wait3A_172 = arith.constant 0 : i32
      %dma_wait3A_173 = arith.constant 0 : i32
      %dma_wait3A_174 = tpu.memref_slice %arg9[%run_scoped3A_80, %dma_wait3A_172, %dma_wait3A_173] : memref<2x128x128xf32, #tpu.memory_space<vmem>> -> memref<1x128x128xf32, #tpu.memory_space<vmem>>
      %dma_wait3A_175 = tpu.memref_squeeze %dma_wait3A_174 : memref<1x128x128xf32, #tpu.memory_space<vmem>> -> memref<128x128xf32, #tpu.memory_space<vmem>>
      %dma_wait3A_176 = arith.constant 0 : i32
      %dma_wait3A_177 = tpu.memref_slice %arg12[%add3A_79, %dma_wait3A_176] : memref<10240x128xf32, #tpu.memory_space<vmem_shared>> -> memref<128x128xf32, #tpu.memory_space<vmem_shared>>
      %dma_wait3A_178 = arith.constant 0 : i32
      %dma_wait3A_179 = tpu.memref_slice %arg12[%add3A_79, %dma_wait3A_178] : memref<10240x128xf32, #tpu.memory_space<vmem_shared>> -> memref<128x128xf32, #tpu.memory_space<vmem_shared>>
      %dma_wait3A_180 = arith.constant 0 : i32
      %dma_wait3A_181 = arith.constant 0 : i32
      %dma_wait3A_182 = tpu.memref_slice %arg9[%run_scoped3A_80, %dma_wait3A_180, %dma_wait3A_181] : memref<2x128x128xf32, #tpu.memory_space<vmem>> -> memref<1x128x128xf32, #tpu.memory_space<vmem>>
      %dma_wait3A_183 = tpu.memref_squeeze %dma_wait3A_182 : memref<1x128x128xf32, #tpu.memory_space<vmem>> -> memref<128x128xf32, #tpu.memory_space<vmem>>
      tpu.wait_dma2 semaphore(%run_scoped3A_159 : memref<!tpu.dma_semaphore, #tpu.memory_space<semaphore_mem>>) src(%dma_wait3A_183 : memref<128x128xf32, #tpu.memory_space<vmem>>) dst(%dma_wait3A_179 : memref<128x128xf32, #tpu.memory_space<vmem_shared>>)
      tpu.yield
    }) : () -> ()
    %mul3A_81 = arith.constant 640 : i32
    %mul3A_82 = arith.muli %arg1, %mul3A_81 : i32
    %add3A_83 = arith.constant 512 : i32
    %add3A_84 = arith.addi %mul3A_82, %add3A_83 : i32
    %run_scoped3A_85 = arith.constant 0 : i32
    "tpu.region"() ({
      %run_scoped3A_159 = tpu.sem_alloc : memref<!tpu.dma_semaphore, #tpu.memory_space<semaphore_mem>>
      %dma_start3A_160 = arith.constant 0 : i32
      %dma_start3A_161 = arith.constant 0 : i32
      %dma_start3A_162 = tpu.memref_slice %arg9[%run_scoped3A_85, %dma_start3A_160, %dma_start3A_161] : memref<2x128x128xf32, #tpu.memory_space<vmem>> -> memref<1x128x128xf32, #tpu.memory_space<vmem>>
      %dma_start3A_163 = tpu.memref_squeeze %dma_start3A_162 : memref<1x128x128xf32, #tpu.memory_space<vmem>> -> memref<128x128xf32, #tpu.memory_space<vmem>>
      %dma_start3A_164 = arith.constant 0 : i32
      %dma_start3A_165 = tpu.memref_slice %arg12[%add3A_84, %dma_start3A_164] : memref<10240x128xf32, #tpu.memory_space<vmem_shared>> -> memref<128x128xf32, #tpu.memory_space<vmem_shared>>
      %dma_start3A_166 = arith.constant 0 : i32
      %dma_start3A_167 = tpu.memref_slice %arg12[%add3A_84, %dma_start3A_166] : memref<10240x128xf32, #tpu.memory_space<vmem_shared>> -> memref<128x128xf32, #tpu.memory_space<vmem_shared>>
      %dma_start3A_168 = arith.constant 0 : i32
      %dma_start3A_169 = arith.constant 0 : i32
      %dma_start3A_170 = tpu.memref_slice %arg9[%run_scoped3A_85, %dma_start3A_168, %dma_start3A_169] : memref<2x128x128xf32, #tpu.memory_space<vmem>> -> memref<1x128x128xf32, #tpu.memory_space<vmem>>
      %dma_start3A_171 = tpu.memref_squeeze %dma_start3A_170 : memref<1x128x128xf32, #tpu.memory_space<vmem>> -> memref<128x128xf32, #tpu.memory_space<vmem>>
      tpu.enqueue_dma source(%dma_start3A_171 : memref<128x128xf32, #tpu.memory_space<vmem>>) target(%dma_start3A_167 : memref<128x128xf32, #tpu.memory_space<vmem_shared>>) target_semaphore(%run_scoped3A_159 : memref<!tpu.dma_semaphore, #tpu.memory_space<semaphore_mem>>)
      %dma_wait3A_172 = arith.constant 0 : i32
      %dma_wait3A_173 = arith.constant 0 : i32
      %dma_wait3A_174 = tpu.memref_slice %arg9[%run_scoped3A_85, %dma_wait3A_172, %dma_wait3A_173] : memref<2x128x128xf32, #tpu.memory_space<vmem>> -> memref<1x128x128xf32, #tpu.memory_space<vmem>>
      %dma_wait3A_175 = tpu.memref_squeeze %dma_wait3A_174 : memref<1x128x128xf32, #tpu.memory_space<vmem>> -> memref<128x128xf32, #tpu.memory_space<vmem>>
      %dma_wait3A_176 = arith.constant 0 : i32
      %dma_wait3A_177 = tpu.memref_slice %arg12[%add3A_84, %dma_wait3A_176] : memref<10240x128xf32, #tpu.memory_space<vmem_shared>> -> memref<128x128xf32, #tpu.memory_space<vmem_shared>>
      %dma_wait3A_178 = arith.constant 0 : i32
      %dma_wait3A_179 = tpu.memref_slice %arg12[%add3A_84, %dma_wait3A_178] : memref<10240x128xf32, #tpu.memory_space<vmem_shared>> -> memref<128x128xf32, #tpu.memory_space<vmem_shared>>
      %dma_wait3A_180 = arith.constant 0 : i32
      %dma_wait3A_181 = arith.constant 0 : i32
      %dma_wait3A_182 = tpu.memref_slice %arg9[%run_scoped3A_85, %dma_wait3A_180, %dma_wait3A_181] : memref<2x128x128xf32, #tpu.memory_space<vmem>> -> memref<1x128x128xf32, #tpu.memory_space<vmem>>
      %dma_wait3A_183 = tpu.memref_squeeze %dma_wait3A_182 : memref<1x128x128xf32, #tpu.memory_space<vmem>> -> memref<128x128xf32, #tpu.memory_space<vmem>>
      tpu.wait_dma2 semaphore(%run_scoped3A_159 : memref<!tpu.dma_semaphore, #tpu.memory_space<semaphore_mem>>) src(%dma_wait3A_183 : memref<128x128xf32, #tpu.memory_space<vmem>>) dst(%dma_wait3A_179 : memref<128x128xf32, #tpu.memory_space<vmem_shared>>)
      tpu.yield
    }) : () -> ()
    %dma_wait3A = arith.constant 0 : i32
    %dma_wait3A_86 = arith.constant 0 : i32
    %dma_wait3A_87 = tpu.memref_slice %arg7[%dma_wait3A, %dma_wait3A_86] : memref<2x1024xi32, #tpu.memory_space<vmem>> -> memref<1x1024xi32, #tpu.memory_space<vmem>>
    %dma_wait3A_88 = tpu.memref_squeeze %dma_wait3A_87 : memref<1x1024xi32, #tpu.memory_space<vmem>> -> memref<1024xi32, #tpu.memory_space<vmem>>
    %dma_wait3A_89 = arith.constant 0 : i32
    %dma_wait3A_90 = tpu.memref_slice %arg3[%dma_wait3A_89] : memref<327680xi32, #tpu.memory_space<hbm>> -> memref<1024xi32, #tpu.memory_space<hbm>>
    %dma_wait3A_91 = arith.constant 0 : i32
    %dma_wait3A_92 = tpu.memref_slice %arg7[%dma_wait3A, %dma_wait3A_91] : memref<2x1024xi32, #tpu.memory_space<vmem>> -> memref<1x1024xi32, #tpu.memory_space<vmem>>
    %dma_wait3A_93 = tpu.memref_squeeze %dma_wait3A_92 : memref<1x1024xi32, #tpu.memory_space<vmem>> -> memref<1024xi32, #tpu.memory_space<vmem>>
    %dma_wait3A_94 = arith.constant 0 : i32
    %dma_wait3A_95 = tpu.memref_slice %arg3[%dma_wait3A_94] : memref<327680xi32, #tpu.memory_space<hbm>> -> memref<1024xi32, #tpu.memory_space<hbm>>
    tpu.wait_dma2 semaphore(%arg18 : memref<!tpu.dma_semaphore, #tpu.memory_space<semaphore_mem>>) src(%dma_wait3A_95 : memref<1024xi32, #tpu.memory_space<hbm>>) dst(%dma_wait3A_93 : memref<1024xi32, #tpu.memory_space<vmem>>)
    %dma_wait3A_96 = arith.constant 0 : i32
    %dma_wait3A_97 = arith.constant 0 : i32
    %dma_wait3A_98 = arith.constant 0 : i32
    %dma_wait3A_99 = tpu.memref_slice %arg8[%dma_wait3A_96, %dma_wait3A_97, %dma_wait3A_98] : memref<2x8x128xi32, #tpu.memory_space<vmem>> -> memref<1x8x128xi32, #tpu.memory_space<vmem>>
    %dma_wait3A_100 = tpu.memref_squeeze %dma_wait3A_99 : memref<1x8x128xi32, #tpu.memory_space<vmem>> -> memref<8x128xi32, #tpu.memory_space<vmem>>
    %dma_wait3A_101 = arith.constant 0 : i32
    %dma_wait3A_102 = arith.constant 0 : i32
    %dma_wait3A_103 = tpu.memref_slice %arg4[%dma_wait3A_101, %dma_wait3A_102] : memref<2560x128xi32, #tpu.memory_space<hbm>> -> memref<8x128xi32, #tpu.memory_space<hbm>>
    %dma_wait3A_104 = arith.constant 0 : i32
    %dma_wait3A_105 = arith.constant 0 : i32
    %dma_wait3A_106 = tpu.memref_slice %arg8[%dma_wait3A_96, %dma_wait3A_104, %dma_wait3A_105] : memref<2x8x128xi32, #tpu.memory_space<vmem>> -> memref<1x8x128xi32, #tpu.memory_space<vmem>>
    %dma_wait3A_107 = tpu.memref_squeeze %dma_wait3A_106 : memref<1x8x128xi32, #tpu.memory_space<vmem>> -> memref<8x128xi32, #tpu.memory_space<vmem>>
    %dma_wait3A_108 = arith.constant 0 : i32
    %dma_wait3A_109 = arith.constant 0 : i32
    %dma_wait3A_110 = tpu.memref_slice %arg4[%dma_wait3A_108, %dma_wait3A_109] : memref<2560x128xi32, #tpu.memory_space<hbm>> -> memref<8x128xi32, #tpu.memory_space<hbm>>
    tpu.wait_dma2 semaphore(%arg18 : memref<!tpu.dma_semaphore, #tpu.memory_space<semaphore_mem>>) src(%dma_wait3A_110 : memref<8x128xi32, #tpu.memory_space<hbm>>) dst(%dma_wait3A_107 : memref<8x128xi32, #tpu.memory_space<vmem>>)
    %multiple_of3A_111 = arith.constant 0 : i32
    %multiple_of3A_112 = tpu.assume_multiple %multiple_of3A_111, 128 : i32
    %dma_start3A_113 = arith.constant 0 : i32
    %dma_start3A_114 = arith.constant 0 : i32
    %dma_start3A_115 = arith.constant 0 : i32
    %dma_start3A_116 = arith.constant 0 : i32
    %dma_start3A_117 = tpu.memref_slice %arg9[%dma_start3A_114, %dma_start3A_115, %dma_start3A_116] : memref<2x128x128xf32, #tpu.memory_space<vmem>> -> memref<1x128x128xf32, #tpu.memory_space<vmem>>
    %dma_start3A_118 = tpu.memref_squeeze %dma_start3A_117 : memref<1x128x128xf32, #tpu.memory_space<vmem>> -> memref<128x128xf32, #tpu.memory_space<vmem>>
    %dma_start3A_119 = tpu.memref_slice %arg7[%dma_start3A_113, %multiple_of3A_112] : memref<2x1024xi32, #tpu.memory_space<vmem>> -> memref<1x128xi32, #tpu.memory_space<vmem>>
    %dma_start3A_120 = tpu.memref_squeeze %dma_start3A_119 : memref<1x128xi32, #tpu.memory_space<vmem>> -> memref<128xi32, #tpu.memory_space<vmem>>
    %dma_start3A_121 = arith.constant 0 : i32
    %dma_start3A_122 = arith.constant 0 : i32
    %dma_start3A_123 = tpu.memref_slice %arg2[%dma_start3A_121, %dma_start3A_122] : memref<10000x128xf32, #tpu.memory_space<hbm>> -> memref<10000x128xf32, #tpu.memory_space<hbm>>
    tpu.enqueue_indirect_dma source(%dma_start3A_123 : memref<10000x128xf32, #tpu.memory_space<hbm>>) target(%dma_start3A_118 : memref<128x128xf32, #tpu.memory_space<vmem>>) offsets(%dma_start3A_120 : memref<128xi32, #tpu.memory_space<vmem>>) semaphore(%arg14 : memref<!tpu.dma_semaphore, #tpu.memory_space<semaphore_mem>>)
    %multiple_of3A_124 = arith.constant 128 : i32
    %multiple_of3A_125 = tpu.assume_multiple %multiple_of3A_124, 128 : i32
    %dma_start3A_126 = arith.constant 0 : i32
    %dma_start3A_127 = arith.constant 1 : i32
    %dma_start3A_128 = arith.constant 0 : i32
    %dma_start3A_129 = arith.constant 0 : i32
    %dma_start3A_130 = tpu.memref_slice %arg9[%dma_start3A_127, %dma_start3A_128, %dma_start3A_129] : memref<2x128x128xf32, #tpu.memory_space<vmem>> -> memref<1x128x128xf32, #tpu.memory_space<vmem>>
    %dma_start3A_131 = tpu.memref_squeeze %dma_start3A_130 : memref<1x128x128xf32, #tpu.memory_space<vmem>> -> memref<128x128xf32, #tpu.memory_space<vmem>>
    %dma_start3A_132 = tpu.memref_slice %arg7[%dma_start3A_126, %multiple_of3A_125] : memref<2x1024xi32, #tpu.memory_space<vmem>> -> memref<1x128xi32, #tpu.memory_space<vmem>>
    %dma_start3A_133 = tpu.memref_squeeze %dma_start3A_132 : memref<1x128xi32, #tpu.memory_space<vmem>> -> memref<128xi32, #tpu.memory_space<vmem>>
    %dma_start3A_134 = arith.constant 0 : i32
    %dma_start3A_135 = arith.constant 0 : i32
    %dma_start3A_136 = tpu.memref_slice %arg2[%dma_start3A_134, %dma_start3A_135] : memref<10000x128xf32, #tpu.memory_space<hbm>> -> memref<10000x128xf32, #tpu.memory_space<hbm>>
    tpu.enqueue_indirect_dma source(%dma_start3A_136 : memref<10000x128xf32, #tpu.memory_space<hbm>>) target(%dma_start3A_131 : memref<128x128xf32, #tpu.memory_space<vmem>>) offsets(%dma_start3A_133 : memref<128xi32, #tpu.memory_space<vmem>>) semaphore(%arg15 : memref<!tpu.dma_semaphore, #tpu.memory_space<semaphore_mem>>)
    %barrier3A = arith.constant 0 : index
    tpu.barrier barrier_id(%barrier3A)
    %while3A = arith.constant 0 : i32
    %while3A_137 = arith.constant 0 : i32
    %while3A_138 = arith.subi %select_n3A, %while3A_137 : i32
    %while3A_139 = arith.addi %while3A_137, %while3A_138 : i32
    %while3A_140 = arith.constant 1 : i32
    %while3A_141 = arith.divsi %while3A_138, %while3A_140 : i32
    %while3A_142 = arith.muli %while3A_141, %while3A_140 : i32
    %while3A_143 = arith.addi %while3A_137, %while3A_142 : i32
    %while3A_144 = arith.constant 1 : i32
    scf.for %while3A_159 = %while3A_137 to %while3A_143 step %while3A_144  : i32 {
      %rem3A = arith.constant 2 : i32
      %rem3A_160 = arith.remsi %while3A_159, %rem3A : i32
      %add3A_161 = arith.constant 1 : i32
      %add3A_162 = arith.addi %while3A_159, %add3A_161 : i32
      %ge3A = arith.cmpi sge, %add3A_162, %select_n3A : i32
      %dma_wait3A_163 = arith.constant 0 : i32
      %dma_wait3A_164 = arith.constant 0 : i32
      %dma_wait3A_165 = arith.constant 0 : i32
      %dma_wait3A_166 = tpu.memref_slice %arg9[%dma_wait3A_163, %dma_wait3A_164, %dma_wait3A_165] : memref<2x128x128xf32, #tpu.memory_space<vmem>> -> memref<1x128x128xf32, #tpu.memory_space<vmem>>
      %dma_wait3A_167 = tpu.memref_squeeze %dma_wait3A_166 : memref<1x128x128xf32, #tpu.memory_space<vmem>> -> memref<128x128xf32, #tpu.memory_space<vmem>>
      %dma_wait3A_168 = arith.constant 0 : i32
      %dma_wait3A_169 = arith.constant 0 : i32
      %dma_wait3A_170 = tpu.memref_slice %arg2[%dma_wait3A_168, %dma_wait3A_169] : memref<10000x128xf32, #tpu.memory_space<hbm>> -> memref<128x128xf32, #tpu.memory_space<hbm>>
      %dma_wait3A_171 = arith.constant 0 : i32
      %dma_wait3A_172 = arith.constant 0 : i32
      %dma_wait3A_173 = tpu.memref_slice %arg9[%dma_wait3A_163, %dma_wait3A_171, %dma_wait3A_172] : memref<2x128x128xf32, #tpu.memory_space<vmem>> -> memref<1x128x128xf32, #tpu.memory_space<vmem>>
      %dma_wait3A_174 = tpu.memref_squeeze %dma_wait3A_173 : memref<1x128x128xf32, #tpu.memory_space<vmem>> -> memref<128x128xf32, #tpu.memory_space<vmem>>
      %dma_wait3A_175 = arith.constant 0 : i32
      %dma_wait3A_176 = arith.constant 0 : i32
      %dma_wait3A_177 = tpu.memref_slice %arg2[%dma_wait3A_175, %dma_wait3A_176] : memref<10000x128xf32, #tpu.memory_space<hbm>> -> memref<128x128xf32, #tpu.memory_space<hbm>>
      tpu.wait_dma2 semaphore(%arg14 : memref<!tpu.dma_semaphore, #tpu.memory_space<semaphore_mem>>) src(%dma_wait3A_177 : memref<128x128xf32, #tpu.memory_space<hbm>>) dst(%dma_wait3A_174 : memref<128x128xf32, #tpu.memory_space<vmem>>)
      %dma_start3A_178 = arith.constant 0 : i32
      %dma_start3A_179 = arith.constant 0 : i32
      %dma_start3A_180 = arith.constant 0 : i32
      %dma_start3A_181 = arith.constant 0 : i32
      %dma_start3A_182 = tpu.memref_slice %arg9[%dma_start3A_178, %dma_start3A_180, %dma_start3A_181] : memref<2x128x128xf32, #tpu.memory_space<vmem>> -> memref<1x128x128xf32, #tpu.memory_space<vmem>>
      %dma_start3A_183 = tpu.memref_squeeze %dma_start3A_182 : memref<1x128x128xf32, #tpu.memory_space<vmem>> -> memref<128x128xf32, #tpu.memory_space<vmem>>
      %dma_start3A_184 = arith.constant 0 : i32
      %dma_start3A_185 = tpu.memref_slice %arg8[%rem3A_160, %dma_start3A_179, %dma_start3A_184] : memref<2x8x128xi32, #tpu.memory_space<vmem>> -> memref<1x1x128xi32, #tpu.memory_space<vmem>>
      %dma_start3A_186 = tpu.memref_squeeze %dma_start3A_185 : memref<1x1x128xi32, #tpu.memory_space<vmem>> -> memref<128xi32, #tpu.memory_space<vmem>>
      %dma_start3A_187 = arith.constant 0 : i32
      %dma_start3A_188 = arith.constant 0 : i32
      %dma_start3A_189 = tpu.memref_slice %arg12[%dma_start3A_187, %dma_start3A_188] : memref<10240x128xf32, #tpu.memory_space<vmem_shared>> -> memref<10240x128xf32, #tpu.memory_space<vmem_shared>>
      tpu.enqueue_indirect_dma source(%dma_start3A_183 : memref<128x128xf32, #tpu.memory_space<vmem>>) target(%dma_start3A_189 : memref<10240x128xf32, #tpu.memory_space<vmem_shared>>) offsets(%dma_start3A_186 : memref<128xi32, #tpu.memory_space<vmem>>) semaphore(%arg16 : memref<!tpu.dma_semaphore, #tpu.memory_space<semaphore_mem>>) {add = true}
      %dma_start3A_190 = arith.constant 0 : i32
      %dma_start3A_191 = arith.constant 0 : i32
      %dma_start3A_192 = tpu.memref_slice %arg8[%rem3A_160, %dma_start3A_190, %dma_start3A_191] : memref<2x8x128xi32, #tpu.memory_space<vmem>> -> memref<1x1x128xi32, #tpu.memory_space<vmem>>
      %dma_start3A_193 = tpu.memref_squeeze %dma_start3A_192 : memref<1x1x128xi32, #tpu.memory_space<vmem>> -> memref<128xi32, #tpu.memory_space<vmem>>
      %dma_start3A_194 = arith.constant 0 : i32
      %dma_start3A_195 = tpu.memref_slice %arg13[%dma_start3A_194] : memref<10240xf32, #tpu.memory_space<vmem_shared>> -> memref<10240xf32, #tpu.memory_space<vmem_shared>>
      tpu.enqueue_indirect_dma source(%arg10 : memref<128xf32, #tpu.memory_space<vmem>>) target(%dma_start3A_195 : memref<10240xf32, #tpu.memory_space<vmem_shared>>) offsets(%dma_start3A_193 : memref<128xi32, #tpu.memory_space<vmem>>) semaphore(%arg16 : memref<!tpu.dma_semaphore, #tpu.memory_space<semaphore_mem>>) {add = true}
      %dma_wait3A_196 = arith.constant 0 : i32
      %dma_wait3A_197 = arith.constant 0 : i32
      %dma_wait3A_198 = arith.constant 0 : i32
      %dma_wait3A_199 = tpu.memref_slice %arg9[%dma_wait3A_196, %dma_wait3A_197, %dma_wait3A_198] : memref<2x128x128xf32, #tpu.memory_space<vmem>> -> memref<1x128x128xf32, #tpu.memory_space<vmem>>
      %dma_wait3A_200 = tpu.memref_squeeze %dma_wait3A_199 : memref<1x128x128xf32, #tpu.memory_space<vmem>> -> memref<128x128xf32, #tpu.memory_space<vmem>>
      %dma_wait3A_201 = arith.constant 0 : i32
      %dma_wait3A_202 = arith.constant 0 : i32
      %dma_wait3A_203 = tpu.memref_slice %arg12[%dma_wait3A_201, %dma_wait3A_202] : memref<10240x128xf32, #tpu.memory_space<vmem_shared>> -> memref<128x128xf32, #tpu.memory_space<vmem_shared>>
      %dma_wait3A_204 = arith.constant 0 : i32
      %dma_wait3A_205 = arith.constant 0 : i32
      %dma_wait3A_206 = tpu.memref_slice %arg12[%dma_wait3A_204, %dma_wait3A_205] : memref<10240x128xf32, #tpu.memory_space<vmem_shared>> -> memref<128x128xf32, #tpu.memory_space<vmem_shared>>
      %dma_wait3A_207 = arith.constant 0 : i32
      %dma_wait3A_208 = arith.constant 0 : i32
      %dma_wait3A_209 = tpu.memref_slice %arg9[%dma_wait3A_196, %dma_wait3A_207, %dma_wait3A_208] : memref<2x128x128xf32, #tpu.memory_space<vmem>> -> memref<1x128x128xf32, #tpu.memory_space<vmem>>
      %dma_wait3A_210 = tpu.memref_squeeze %dma_wait3A_209 : memref<1x128x128xf32, #tpu.memory_space<vmem>> -> memref<128x128xf32, #tpu.memory_space<vmem>>
      tpu.wait_dma2 semaphore(%arg16 : memref<!tpu.dma_semaphore, #tpu.memory_space<semaphore_mem>>) src(%dma_wait3A_210 : memref<128x128xf32, #tpu.memory_space<vmem>>) dst(%dma_wait3A_206 : memref<128x128xf32, #tpu.memory_space<vmem_shared>>)
      %dma_wait3A_211 = arith.constant 0 : i32
      %dma_wait3A_212 = tpu.memref_slice %arg13[%dma_wait3A_211] : memref<10240xf32, #tpu.memory_space<vmem_shared>> -> memref<128xf32, #tpu.memory_space<vmem_shared>>
      %dma_wait3A_213 = arith.constant 0 : i32
      %dma_wait3A_214 = tpu.memref_slice %arg13[%dma_wait3A_213] : memref<10240xf32, #tpu.memory_space<vmem_shared>> -> memref<128xf32, #tpu.memory_space<vmem_shared>>
      tpu.wait_dma2 semaphore(%arg16 : memref<!tpu.dma_semaphore, #tpu.memory_space<semaphore_mem>>) src(%arg10 : memref<128xf32, #tpu.memory_space<vmem>>) dst(%dma_wait3A_214 : memref<128xf32, #tpu.memory_space<vmem_shared>>)
      %not3A = arith.constant true
      %not3A_215 = arith.xori %ge3A, %not3A : i1
      %convert_element_type3A = arith.extui %not3A_215 : i1 to i32
      %cond3A = arith.constant 0 : i32
      %cond3A_216 = arith.cmpi ne, %convert_element_type3A, %cond3A : i32
      scf.if %cond3A_216 {
        %add3A_663 = arith.constant 1 : i32
        %add3A_664 = arith.addi %while3A_159, %add3A_663 : i32
        %sub3A = arith.constant 1 : i32
        %sub3A_665 = arith.subi %sub3A, %rem3A_160 : i32
        %add3A_666 = arith.addi %select_n3A_14, %add3A_664 : i32
        %mul3A_667 = arith.constant 8 : i32
        %mul3A_668 = arith.muli %add3A_666, %mul3A_667 : i32
        %multiple_of3A_669 = tpu.assume_multiple %mul3A_668, 8 : i32
        %mul3A_670 = arith.constant 128 : i32
        %mul3A_671 = arith.muli %multiple_of3A_669, %mul3A_670 : i32
        %multiple_of3A_672 = tpu.assume_multiple %mul3A_671, 128 : i32
        %dma_start3A_673 = arith.constant 0 : i32
        %dma_start3A_674 = tpu.memref_slice %arg7[%sub3A_665, %dma_start3A_673] : memref<2x1024xi32, #tpu.memory_space<vmem>> -> memref<1x1024xi32, #tpu.memory_space<vmem>>
        %dma_start3A_675 = tpu.memref_squeeze %dma_start3A_674 : memref<1x1024xi32, #tpu.memory_space<vmem>> -> memref<1024xi32, #tpu.memory_space<vmem>>
        %dma_start3A_676 = tpu.memref_slice %arg3[%multiple_of3A_672] : memref<327680xi32, #tpu.memory_space<hbm>> -> memref<1024xi32, #tpu.memory_space<hbm>>
        %dma_start3A_677 = arith.constant 0 : i32
        %dma_start3A_678 = tpu.memref_slice %arg7[%sub3A_665, %dma_start3A_677] : memref<2x1024xi32, #tpu.memory_space<vmem>> -> memref<1x1024xi32, #tpu.memory_space<vmem>>
        %dma_start3A_679 = tpu.memref_squeeze %dma_start3A_678 : memref<1x1024xi32, #tpu.memory_space<vmem>> -> memref<1024xi32, #tpu.memory_space<vmem>>
        %dma_start3A_680 = tpu.memref_slice %arg3[%multiple_of3A_672] : memref<327680xi32, #tpu.memory_space<hbm>> -> memref<1024xi32, #tpu.memory_space<hbm>>
        tpu.enqueue_dma source(%dma_start3A_680 : memref<1024xi32, #tpu.memory_space<hbm>>) target(%dma_start3A_679 : memref<1024xi32, #tpu.memory_space<vmem>>) target_semaphore(%arg18 : memref<!tpu.dma_semaphore, #tpu.memory_space<semaphore_mem>>)
        %dma_start3A_681 = arith.constant 0 : i32
        %dma_start3A_682 = arith.constant 0 : i32
        %dma_start3A_683 = tpu.memref_slice %arg8[%sub3A_665, %dma_start3A_681, %dma_start3A_682] : memref<2x8x128xi32, #tpu.memory_space<vmem>> -> memref<1x8x128xi32, #tpu.memory_space<vmem>>
        %dma_start3A_684 = tpu.memref_squeeze %dma_start3A_683 : memref<1x8x128xi32, #tpu.memory_space<vmem>> -> memref<8x128xi32, #tpu.memory_space<vmem>>
        %dma_start3A_685 = arith.constant 0 : i32
        %dma_start3A_686 = tpu.memref_slice %arg4[%multiple_of3A_669, %dma_start3A_685] : memref<2560x128xi32, #tpu.memory_space<hbm>> -> memref<8x128xi32, #tpu.memory_space<hbm>>
        %dma_start3A_687 = arith.constant 0 : i32
        %dma_start3A_688 = arith.constant 0 : i32
        %dma_start3A_689 = tpu.memref_slice %arg8[%sub3A_665, %dma_start3A_687, %dma_start3A_688] : memref<2x8x128xi32, #tpu.memory_space<vmem>> -> memref<1x8x128xi32, #tpu.memory_space<vmem>>
        %dma_start3A_690 = tpu.memref_squeeze %dma_start3A_689 : memref<1x8x128xi32, #tpu.memory_space<vmem>> -> memref<8x128xi32, #tpu.memory_space<vmem>>
        %dma_start3A_691 = arith.constant 0 : i32
        %dma_start3A_692 = tpu.memref_slice %arg4[%multiple_of3A_669, %dma_start3A_691] : memref<2560x128xi32, #tpu.memory_space<hbm>> -> memref<8x128xi32, #tpu.memory_space<hbm>>
        tpu.enqueue_dma source(%dma_start3A_692 : memref<8x128xi32, #tpu.memory_space<hbm>>) target(%dma_start3A_690 : memref<8x128xi32, #tpu.memory_space<vmem>>) target_semaphore(%arg18 : memref<!tpu.dma_semaphore, #tpu.memory_space<semaphore_mem>>)
      } else {
      }
      %multiple_of3A_217 = arith.constant 256 : i32
      %multiple_of3A_218 = tpu.assume_multiple %multiple_of3A_217, 128 : i32
      %dma_start3A_219 = arith.constant 0 : i32
      %dma_start3A_220 = arith.constant 0 : i32
      %dma_start3A_221 = arith.constant 0 : i32
      %dma_start3A_222 = tpu.memref_slice %arg9[%dma_start3A_219, %dma_start3A_220, %dma_start3A_221] : memref<2x128x128xf32, #tpu.memory_space<vmem>> -> memref<1x128x128xf32, #tpu.memory_space<vmem>>
      %dma_start3A_223 = tpu.memref_squeeze %dma_start3A_222 : memref<1x128x128xf32, #tpu.memory_space<vmem>> -> memref<128x128xf32, #tpu.memory_space<vmem>>
      %dma_start3A_224 = tpu.memref_slice %arg7[%rem3A_160, %multiple_of3A_218] : memref<2x1024xi32, #tpu.memory_space<vmem>> -> memref<1x128xi32, #tpu.memory_space<vmem>>
      %dma_start3A_225 = tpu.memref_squeeze %dma_start3A_224 : memref<1x128xi32, #tpu.memory_space<vmem>> -> memref<128xi32, #tpu.memory_space<vmem>>
      %dma_start3A_226 = arith.constant 0 : i32
      %dma_start3A_227 = arith.constant 0 : i32
      %dma_start3A_228 = tpu.memref_slice %arg2[%dma_start3A_226, %dma_start3A_227] : memref<10000x128xf32, #tpu.memory_space<hbm>> -> memref<10000x128xf32, #tpu.memory_space<hbm>>
      tpu.enqueue_indirect_dma source(%dma_start3A_228 : memref<10000x128xf32, #tpu.memory_space<hbm>>) target(%dma_start3A_223 : memref<128x128xf32, #tpu.memory_space<vmem>>) offsets(%dma_start3A_225 : memref<128xi32, #tpu.memory_space<vmem>>) semaphore(%arg14 : memref<!tpu.dma_semaphore, #tpu.memory_space<semaphore_mem>>)
      %dma_wait3A_229 = arith.constant 1 : i32
      %dma_wait3A_230 = arith.constant 0 : i32
      %dma_wait3A_231 = arith.constant 0 : i32
      %dma_wait3A_232 = tpu.memref_slice %arg9[%dma_wait3A_229, %dma_wait3A_230, %dma_wait3A_231] : memref<2x128x128xf32, #tpu.memory_space<vmem>> -> memref<1x128x128xf32, #tpu.memory_space<vmem>>
      %dma_wait3A_233 = tpu.memref_squeeze %dma_wait3A_232 : memref<1x128x128xf32, #tpu.memory_space<vmem>> -> memref<128x128xf32, #tpu.memory_space<vmem>>
      %dma_wait3A_234 = arith.constant 0 : i32
      %dma_wait3A_235 = arith.constant 0 : i32
      %dma_wait3A_236 = tpu.memref_slice %arg2[%dma_wait3A_234, %dma_wait3A_235] : memref<10000x128xf32, #tpu.memory_space<hbm>> -> memref<128x128xf32, #tpu.memory_space<hbm>>
      %dma_wait3A_237 = arith.constant 0 : i32
      %dma_wait3A_238 = arith.constant 0 : i32
      %dma_wait3A_239 = tpu.memref_slice %arg9[%dma_wait3A_229, %dma_wait3A_237, %dma_wait3A_238] : memref<2x128x128xf32, #tpu.memory_space<vmem>> -> memref<1x128x128xf32, #tpu.memory_space<vmem>>
      %dma_wait3A_240 = tpu.memref_squeeze %dma_wait3A_239 : memref<1x128x128xf32, #tpu.memory_space<vmem>> -> memref<128x128xf32, #tpu.memory_space<vmem>>
      %dma_wait3A_241 = arith.constant 0 : i32
      %dma_wait3A_242 = arith.constant 0 : i32
      %dma_wait3A_243 = tpu.memref_slice %arg2[%dma_wait3A_241, %dma_wait3A_242] : memref<10000x128xf32, #tpu.memory_space<hbm>> -> memref<128x128xf32, #tpu.memory_space<hbm>>
      tpu.wait_dma2 semaphore(%arg15 : memref<!tpu.dma_semaphore, #tpu.memory_space<semaphore_mem>>) src(%dma_wait3A_243 : memref<128x128xf32, #tpu.memory_space<hbm>>) dst(%dma_wait3A_240 : memref<128x128xf32, #tpu.memory_space<vmem>>)
      %dma_start3A_244 = arith.constant 1 : i32
      %dma_start3A_245 = arith.constant 1 : i32
      %dma_start3A_246 = arith.constant 0 : i32
      %dma_start3A_247 = arith.constant 0 : i32
      %dma_start3A_248 = tpu.memref_slice %arg9[%dma_start3A_244, %dma_start3A_246, %dma_start3A_247] : memref<2x128x128xf32, #tpu.memory_space<vmem>> -> memref<1x128x128xf32, #tpu.memory_space<vmem>>
      %dma_start3A_249 = tpu.memref_squeeze %dma_start3A_248 : memref<1x128x128xf32, #tpu.memory_space<vmem>> -> memref<128x128xf32, #tpu.memory_space<vmem>>
      %dma_start3A_250 = arith.constant 0 : i32
      %dma_start3A_251 = tpu.memref_slice %arg8[%rem3A_160, %dma_start3A_245, %dma_start3A_250] : memref<2x8x128xi32, #tpu.memory_space<vmem>> -> memref<1x1x128xi32, #tpu.memory_space<vmem>>
      %dma_start3A_252 = tpu.memref_squeeze %dma_start3A_251 : memref<1x1x128xi32, #tpu.memory_space<vmem>> -> memref<128xi32, #tpu.memory_space<vmem>>
      %dma_start3A_253 = arith.constant 0 : i32
      %dma_start3A_254 = arith.constant 0 : i32
      %dma_start3A_255 = tpu.memref_slice %arg12[%dma_start3A_253, %dma_start3A_254] : memref<10240x128xf32, #tpu.memory_space<vmem_shared>> -> memref<10240x128xf32, #tpu.memory_space<vmem_shared>>
      tpu.enqueue_indirect_dma source(%dma_start3A_249 : memref<128x128xf32, #tpu.memory_space<vmem>>) target(%dma_start3A_255 : memref<10240x128xf32, #tpu.memory_space<vmem_shared>>) offsets(%dma_start3A_252 : memref<128xi32, #tpu.memory_space<vmem>>) semaphore(%arg17 : memref<!tpu.dma_semaphore, #tpu.memory_space<semaphore_mem>>) {add = true}
      %dma_start3A_256 = arith.constant 1 : i32
      %dma_start3A_257 = arith.constant 0 : i32
      %dma_start3A_258 = tpu.memref_slice %arg8[%rem3A_160, %dma_start3A_256, %dma_start3A_257] : memref<2x8x128xi32, #tpu.memory_space<vmem>> -> memref<1x1x128xi32, #tpu.memory_space<vmem>>
      %dma_start3A_259 = tpu.memref_squeeze %dma_start3A_258 : memref<1x1x128xi32, #tpu.memory_space<vmem>> -> memref<128xi32, #tpu.memory_space<vmem>>
      %dma_start3A_260 = arith.constant 0 : i32
      %dma_start3A_261 = tpu.memref_slice %arg13[%dma_start3A_260] : memref<10240xf32, #tpu.memory_space<vmem_shared>> -> memref<10240xf32, #tpu.memory_space<vmem_shared>>
      tpu.enqueue_indirect_dma source(%arg10 : memref<128xf32, #tpu.memory_space<vmem>>) target(%dma_start3A_261 : memref<10240xf32, #tpu.memory_space<vmem_shared>>) offsets(%dma_start3A_259 : memref<128xi32, #tpu.memory_space<vmem>>) semaphore(%arg17 : memref<!tpu.dma_semaphore, #tpu.memory_space<semaphore_mem>>) {add = true}
      %dma_wait3A_262 = arith.constant 1 : i32
      %dma_wait3A_263 = arith.constant 0 : i32
      %dma_wait3A_264 = arith.constant 0 : i32
      %dma_wait3A_265 = tpu.memref_slice %arg9[%dma_wait3A_262, %dma_wait3A_263, %dma_wait3A_264] : memref<2x128x128xf32, #tpu.memory_space<vmem>> -> memref<1x128x128xf32, #tpu.memory_space<vmem>>
      %dma_wait3A_266 = tpu.memref_squeeze %dma_wait3A_265 : memref<1x128x128xf32, #tpu.memory_space<vmem>> -> memref<128x128xf32, #tpu.memory_space<vmem>>
      %dma_wait3A_267 = arith.constant 0 : i32
      %dma_wait3A_268 = arith.constant 0 : i32
      %dma_wait3A_269 = tpu.memref_slice %arg12[%dma_wait3A_267, %dma_wait3A_268] : memref<10240x128xf32, #tpu.memory_space<vmem_shared>> -> memref<128x128xf32, #tpu.memory_space<vmem_shared>>
      %dma_wait3A_270 = arith.constant 0 : i32
      %dma_wait3A_271 = arith.constant 0 : i32
      %dma_wait3A_272 = tpu.memref_slice %arg12[%dma_wait3A_270, %dma_wait3A_271] : memref<10240x128xf32, #tpu.memory_space<vmem_shared>> -> memref<128x128xf32, #tpu.memory_space<vmem_shared>>
      %dma_wait3A_273 = arith.constant 0 : i32
      %dma_wait3A_274 = arith.constant 0 : i32
      %dma_wait3A_275 = tpu.memref_slice %arg9[%dma_wait3A_262, %dma_wait3A_273, %dma_wait3A_274] : memref<2x128x128xf32, #tpu.memory_space<vmem>> -> memref<1x128x128xf32, #tpu.memory_space<vmem>>
      %dma_wait3A_276 = tpu.memref_squeeze %dma_wait3A_275 : memref<1x128x128xf32, #tpu.memory_space<vmem>> -> memref<128x128xf32, #tpu.memory_space<vmem>>
      tpu.wait_dma2 semaphore(%arg17 : memref<!tpu.dma_semaphore, #tpu.memory_space<semaphore_mem>>) src(%dma_wait3A_276 : memref<128x128xf32, #tpu.memory_space<vmem>>) dst(%dma_wait3A_272 : memref<128x128xf32, #tpu.memory_space<vmem_shared>>)
      %dma_wait3A_277 = arith.constant 0 : i32
      %dma_wait3A_278 = tpu.memref_slice %arg13[%dma_wait3A_277] : memref<10240xf32, #tpu.memory_space<vmem_shared>> -> memref<128xf32, #tpu.memory_space<vmem_shared>>
      %dma_wait3A_279 = arith.constant 0 : i32
      %dma_wait3A_280 = tpu.memref_slice %arg13[%dma_wait3A_279] : memref<10240xf32, #tpu.memory_space<vmem_shared>> -> memref<128xf32, #tpu.memory_space<vmem_shared>>
      tpu.wait_dma2 semaphore(%arg17 : memref<!tpu.dma_semaphore, #tpu.memory_space<semaphore_mem>>) src(%arg10 : memref<128xf32, #tpu.memory_space<vmem>>) dst(%dma_wait3A_280 : memref<128xf32, #tpu.memory_space<vmem_shared>>)
      %multiple_of3A_281 = arith.constant 384 : i32
      %multiple_of3A_282 = tpu.assume_multiple %multiple_of3A_281, 128 : i32
      %dma_start3A_283 = arith.constant 1 : i32
      %dma_start3A_284 = arith.constant 0 : i32
      %dma_start3A_285 = arith.constant 0 : i32
      %dma_start3A_286 = tpu.memref_slice %arg9[%dma_start3A_283, %dma_start3A_284, %dma_start3A_285] : memref<2x128x128xf32, #tpu.memory_space<vmem>> -> memref<1x128x128xf32, #tpu.memory_space<vmem>>
      %dma_start3A_287 = tpu.memref_squeeze %dma_start3A_286 : memref<1x128x128xf32, #tpu.memory_space<vmem>> -> memref<128x128xf32, #tpu.memory_space<vmem>>
      %dma_start3A_288 = tpu.memref_slice %arg7[%rem3A_160, %multiple_of3A_282] : memref<2x1024xi32, #tpu.memory_space<vmem>> -> memref<1x128xi32, #tpu.memory_space<vmem>>
      %dma_start3A_289 = tpu.memref_squeeze %dma_start3A_288 : memref<1x128xi32, #tpu.memory_space<vmem>> -> memref<128xi32, #tpu.memory_space<vmem>>
      %dma_start3A_290 = arith.constant 0 : i32
      %dma_start3A_291 = arith.constant 0 : i32
      %dma_start3A_292 = tpu.memref_slice %arg2[%dma_start3A_290, %dma_start3A_291] : memref<10000x128xf32, #tpu.memory_space<hbm>> -> memref<10000x128xf32, #tpu.memory_space<hbm>>
      tpu.enqueue_indirect_dma source(%dma_start3A_292 : memref<10000x128xf32, #tpu.memory_space<hbm>>) target(%dma_start3A_287 : memref<128x128xf32, #tpu.memory_space<vmem>>) offsets(%dma_start3A_289 : memref<128xi32, #tpu.memory_space<vmem>>) semaphore(%arg15 : memref<!tpu.dma_semaphore, #tpu.memory_space<semaphore_mem>>)
      %dma_wait3A_293 = arith.constant 0 : i32
      %dma_wait3A_294 = arith.constant 0 : i32
      %dma_wait3A_295 = arith.constant 0 : i32
      %dma_wait3A_296 = tpu.memref_slice %arg9[%dma_wait3A_293, %dma_wait3A_294, %dma_wait3A_295] : memref<2x128x128xf32, #tpu.memory_space<vmem>> -> memref<1x128x128xf32, #tpu.memory_space<vmem>>
      %dma_wait3A_297 = tpu.memref_squeeze %dma_wait3A_296 : memref<1x128x128xf32, #tpu.memory_space<vmem>> -> memref<128x128xf32, #tpu.memory_space<vmem>>
      %dma_wait3A_298 = arith.constant 0 : i32
      %dma_wait3A_299 = arith.constant 0 : i32
      %dma_wait3A_300 = tpu.memref_slice %arg2[%dma_wait3A_298, %dma_wait3A_299] : memref<10000x128xf32, #tpu.memory_space<hbm>> -> memref<128x128xf32, #tpu.memory_space<hbm>>
      %dma_wait3A_301 = arith.constant 0 : i32
      %dma_wait3A_302 = arith.constant 0 : i32
      %dma_wait3A_303 = tpu.memref_slice %arg9[%dma_wait3A_293, %dma_wait3A_301, %dma_wait3A_302] : memref<2x128x128xf32, #tpu.memory_space<vmem>> -> memref<1x128x128xf32, #tpu.memory_space<vmem>>
      %dma_wait3A_304 = tpu.memref_squeeze %dma_wait3A_303 : memref<1x128x128xf32, #tpu.memory_space<vmem>> -> memref<128x128xf32, #tpu.memory_space<vmem>>
      %dma_wait3A_305 = arith.constant 0 : i32
      %dma_wait3A_306 = arith.constant 0 : i32
      %dma_wait3A_307 = tpu.memref_slice %arg2[%dma_wait3A_305, %dma_wait3A_306] : memref<10000x128xf32, #tpu.memory_space<hbm>> -> memref<128x128xf32, #tpu.memory_space<hbm>>
      tpu.wait_dma2 semaphore(%arg14 : memref<!tpu.dma_semaphore, #tpu.memory_space<semaphore_mem>>) src(%dma_wait3A_307 : memref<128x128xf32, #tpu.memory_space<hbm>>) dst(%dma_wait3A_304 : memref<128x128xf32, #tpu.memory_space<vmem>>)
      %dma_start3A_308 = arith.constant 0 : i32
      %dma_start3A_309 = arith.constant 2 : i32
      %dma_start3A_310 = arith.constant 0 : i32
      %dma_start3A_311 = arith.constant 0 : i32
      %dma_start3A_312 = tpu.memref_slice %arg9[%dma_start3A_308, %dma_start3A_310, %dma_start3A_311] : memref<2x128x128xf32, #tpu.memory_space<vmem>> -> memref<1x128x128xf32, #tpu.memory_space<vmem>>
      %dma_start3A_313 = tpu.memref_squeeze %dma_start3A_312 : memref<1x128x128xf32, #tpu.memory_space<vmem>> -> memref<128x128xf32, #tpu.memory_space<vmem>>
      %dma_start3A_314 = arith.constant 0 : i32
      %dma_start3A_315 = tpu.memref_slice %arg8[%rem3A_160, %dma_start3A_309, %dma_start3A_314] : memref<2x8x128xi32, #tpu.memory_space<vmem>> -> memref<1x1x128xi32, #tpu.memory_space<vmem>>
      %dma_start3A_316 = tpu.memref_squeeze %dma_start3A_315 : memref<1x1x128xi32, #tpu.memory_space<vmem>> -> memref<128xi32, #tpu.memory_space<vmem>>
      %dma_start3A_317 = arith.constant 0 : i32
      %dma_start3A_318 = arith.constant 0 : i32
      %dma_start3A_319 = tpu.memref_slice %arg12[%dma_start3A_317, %dma_start3A_318] : memref<10240x128xf32, #tpu.memory_space<vmem_shared>> -> memref<10240x128xf32, #tpu.memory_space<vmem_shared>>
      tpu.enqueue_indirect_dma source(%dma_start3A_313 : memref<128x128xf32, #tpu.memory_space<vmem>>) target(%dma_start3A_319 : memref<10240x128xf32, #tpu.memory_space<vmem_shared>>) offsets(%dma_start3A_316 : memref<128xi32, #tpu.memory_space<vmem>>) semaphore(%arg16 : memref<!tpu.dma_semaphore, #tpu.memory_space<semaphore_mem>>) {add = true}
      %dma_start3A_320 = arith.constant 2 : i32
      %dma_start3A_321 = arith.constant 0 : i32
      %dma_start3A_322 = tpu.memref_slice %arg8[%rem3A_160, %dma_start3A_320, %dma_start3A_321] : memref<2x8x128xi32, #tpu.memory_space<vmem>> -> memref<1x1x128xi32, #tpu.memory_space<vmem>>
      %dma_start3A_323 = tpu.memref_squeeze %dma_start3A_322 : memref<1x1x128xi32, #tpu.memory_space<vmem>> -> memref<128xi32, #tpu.memory_space<vmem>>
      %dma_start3A_324 = arith.constant 0 : i32
      %dma_start3A_325 = tpu.memref_slice %arg13[%dma_start3A_324] : memref<10240xf32, #tpu.memory_space<vmem_shared>> -> memref<10240xf32, #tpu.memory_space<vmem_shared>>
      tpu.enqueue_indirect_dma source(%arg10 : memref<128xf32, #tpu.memory_space<vmem>>) target(%dma_start3A_325 : memref<10240xf32, #tpu.memory_space<vmem_shared>>) offsets(%dma_start3A_323 : memref<128xi32, #tpu.memory_space<vmem>>) semaphore(%arg16 : memref<!tpu.dma_semaphore, #tpu.memory_space<semaphore_mem>>) {add = true}
      %dma_wait3A_326 = arith.constant 0 : i32
      %dma_wait3A_327 = arith.constant 0 : i32
      %dma_wait3A_328 = arith.constant 0 : i32
      %dma_wait3A_329 = tpu.memref_slice %arg9[%dma_wait3A_326, %dma_wait3A_327, %dma_wait3A_328] : memref<2x128x128xf32, #tpu.memory_space<vmem>> -> memref<1x128x128xf32, #tpu.memory_space<vmem>>
      %dma_wait3A_330 = tpu.memref_squeeze %dma_wait3A_329 : memref<1x128x128xf32, #tpu.memory_space<vmem>> -> memref<128x128xf32, #tpu.memory_space<vmem>>
      %dma_wait3A_331 = arith.constant 0 : i32
      %dma_wait3A_332 = arith.constant 0 : i32
      %dma_wait3A_333 = tpu.memref_slice %arg12[%dma_wait3A_331, %dma_wait3A_332] : memref<10240x128xf32, #tpu.memory_space<vmem_shared>> -> memref<128x128xf32, #tpu.memory_space<vmem_shared>>
      %dma_wait3A_334 = arith.constant 0 : i32
      %dma_wait3A_335 = arith.constant 0 : i32
      %dma_wait3A_336 = tpu.memref_slice %arg12[%dma_wait3A_334, %dma_wait3A_335] : memref<10240x128xf32, #tpu.memory_space<vmem_shared>> -> memref<128x128xf32, #tpu.memory_space<vmem_shared>>
      %dma_wait3A_337 = arith.constant 0 : i32
      %dma_wait3A_338 = arith.constant 0 : i32
      %dma_wait3A_339 = tpu.memref_slice %arg9[%dma_wait3A_326, %dma_wait3A_337, %dma_wait3A_338] : memref<2x128x128xf32, #tpu.memory_space<vmem>> -> memref<1x128x128xf32, #tpu.memory_space<vmem>>
      %dma_wait3A_340 = tpu.memref_squeeze %dma_wait3A_339 : memref<1x128x128xf32, #tpu.memory_space<vmem>> -> memref<128x128xf32, #tpu.memory_space<vmem>>
      tpu.wait_dma2 semaphore(%arg16 : memref<!tpu.dma_semaphore, #tpu.memory_space<semaphore_mem>>) src(%dma_wait3A_340 : memref<128x128xf32, #tpu.memory_space<vmem>>) dst(%dma_wait3A_336 : memref<128x128xf32, #tpu.memory_space<vmem_shared>>)
      %dma_wait3A_341 = arith.constant 0 : i32
      %dma_wait3A_342 = tpu.memref_slice %arg13[%dma_wait3A_341] : memref<10240xf32, #tpu.memory_space<vmem_shared>> -> memref<128xf32, #tpu.memory_space<vmem_shared>>
      %dma_wait3A_343 = arith.constant 0 : i32
      %dma_wait3A_344 = tpu.memref_slice %arg13[%dma_wait3A_343] : memref<10240xf32, #tpu.memory_space<vmem_shared>> -> memref<128xf32, #tpu.memory_space<vmem_shared>>
      tpu.wait_dma2 semaphore(%arg16 : memref<!tpu.dma_semaphore, #tpu.memory_space<semaphore_mem>>) src(%arg10 : memref<128xf32, #tpu.memory_space<vmem>>) dst(%dma_wait3A_344 : memref<128xf32, #tpu.memory_space<vmem_shared>>)
      %multiple_of3A_345 = arith.constant 512 : i32
      %multiple_of3A_346 = tpu.assume_multiple %multiple_of3A_345, 128 : i32
      %dma_start3A_347 = arith.constant 0 : i32
      %dma_start3A_348 = arith.constant 0 : i32
      %dma_start3A_349 = arith.constant 0 : i32
      %dma_start3A_350 = tpu.memref_slice %arg9[%dma_start3A_347, %dma_start3A_348, %dma_start3A_349] : memref<2x128x128xf32, #tpu.memory_space<vmem>> -> memref<1x128x128xf32, #tpu.memory_space<vmem>>
      %dma_start3A_351 = tpu.memref_squeeze %dma_start3A_350 : memref<1x128x128xf32, #tpu.memory_space<vmem>> -> memref<128x128xf32, #tpu.memory_space<vmem>>
      %dma_start3A_352 = tpu.memref_slice %arg7[%rem3A_160, %multiple_of3A_346] : memref<2x1024xi32, #tpu.memory_space<vmem>> -> memref<1x128xi32, #tpu.memory_space<vmem>>
      %dma_start3A_353 = tpu.memref_squeeze %dma_start3A_352 : memref<1x128xi32, #tpu.memory_space<vmem>> -> memref<128xi32, #tpu.memory_space<vmem>>
      %dma_start3A_354 = arith.constant 0 : i32
      %dma_start3A_355 = arith.constant 0 : i32
      %dma_start3A_356 = tpu.memref_slice %arg2[%dma_start3A_354, %dma_start3A_355] : memref<10000x128xf32, #tpu.memory_space<hbm>> -> memref<10000x128xf32, #tpu.memory_space<hbm>>
      tpu.enqueue_indirect_dma source(%dma_start3A_356 : memref<10000x128xf32, #tpu.memory_space<hbm>>) target(%dma_start3A_351 : memref<128x128xf32, #tpu.memory_space<vmem>>) offsets(%dma_start3A_353 : memref<128xi32, #tpu.memory_space<vmem>>) semaphore(%arg14 : memref<!tpu.dma_semaphore, #tpu.memory_space<semaphore_mem>>)
      %dma_wait3A_357 = arith.constant 1 : i32
      %dma_wait3A_358 = arith.constant 0 : i32
      %dma_wait3A_359 = arith.constant 0 : i32
      %dma_wait3A_360 = tpu.memref_slice %arg9[%dma_wait3A_357, %dma_wait3A_358, %dma_wait3A_359] : memref<2x128x128xf32, #tpu.memory_space<vmem>> -> memref<1x128x128xf32, #tpu.memory_space<vmem>>
      %dma_wait3A_361 = tpu.memref_squeeze %dma_wait3A_360 : memref<1x128x128xf32, #tpu.memory_space<vmem>> -> memref<128x128xf32, #tpu.memory_space<vmem>>
      %dma_wait3A_362 = arith.constant 0 : i32
      %dma_wait3A_363 = arith.constant 0 : i32
      %dma_wait3A_364 = tpu.memref_slice %arg2[%dma_wait3A_362, %dma_wait3A_363] : memref<10000x128xf32, #tpu.memory_space<hbm>> -> memref<128x128xf32, #tpu.memory_space<hbm>>
      %dma_wait3A_365 = arith.constant 0 : i32
      %dma_wait3A_366 = arith.constant 0 : i32
      %dma_wait3A_367 = tpu.memref_slice %arg9[%dma_wait3A_357, %dma_wait3A_365, %dma_wait3A_366] : memref<2x128x128xf32, #tpu.memory_space<vmem>> -> memref<1x128x128xf32, #tpu.memory_space<vmem>>
      %dma_wait3A_368 = tpu.memref_squeeze %dma_wait3A_367 : memref<1x128x128xf32, #tpu.memory_space<vmem>> -> memref<128x128xf32, #tpu.memory_space<vmem>>
      %dma_wait3A_369 = arith.constant 0 : i32
      %dma_wait3A_370 = arith.constant 0 : i32
      %dma_wait3A_371 = tpu.memref_slice %arg2[%dma_wait3A_369, %dma_wait3A_370] : memref<10000x128xf32, #tpu.memory_space<hbm>> -> memref<128x128xf32, #tpu.memory_space<hbm>>
      tpu.wait_dma2 semaphore(%arg15 : memref<!tpu.dma_semaphore, #tpu.memory_space<semaphore_mem>>) src(%dma_wait3A_371 : memref<128x128xf32, #tpu.memory_space<hbm>>) dst(%dma_wait3A_368 : memref<128x128xf32, #tpu.memory_space<vmem>>)
      %dma_start3A_372 = arith.constant 1 : i32
      %dma_start3A_373 = arith.constant 3 : i32
      %dma_start3A_374 = arith.constant 0 : i32
      %dma_start3A_375 = arith.constant 0 : i32
      %dma_start3A_376 = tpu.memref_slice %arg9[%dma_start3A_372, %dma_start3A_374, %dma_start3A_375] : memref<2x128x128xf32, #tpu.memory_space<vmem>> -> memref<1x128x128xf32, #tpu.memory_space<vmem>>
      %dma_start3A_377 = tpu.memref_squeeze %dma_start3A_376 : memref<1x128x128xf32, #tpu.memory_space<vmem>> -> memref<128x128xf32, #tpu.memory_space<vmem>>
      %dma_start3A_378 = arith.constant 0 : i32
      %dma_start3A_379 = tpu.memref_slice %arg8[%rem3A_160, %dma_start3A_373, %dma_start3A_378] : memref<2x8x128xi32, #tpu.memory_space<vmem>> -> memref<1x1x128xi32, #tpu.memory_space<vmem>>
      %dma_start3A_380 = tpu.memref_squeeze %dma_start3A_379 : memref<1x1x128xi32, #tpu.memory_space<vmem>> -> memref<128xi32, #tpu.memory_space<vmem>>
      %dma_start3A_381 = arith.constant 0 : i32
      %dma_start3A_382 = arith.constant 0 : i32
      %dma_start3A_383 = tpu.memref_slice %arg12[%dma_start3A_381, %dma_start3A_382] : memref<10240x128xf32, #tpu.memory_space<vmem_shared>> -> memref<10240x128xf32, #tpu.memory_space<vmem_shared>>
      tpu.enqueue_indirect_dma source(%dma_start3A_377 : memref<128x128xf32, #tpu.memory_space<vmem>>) target(%dma_start3A_383 : memref<10240x128xf32, #tpu.memory_space<vmem_shared>>) offsets(%dma_start3A_380 : memref<128xi32, #tpu.memory_space<vmem>>) semaphore(%arg17 : memref<!tpu.dma_semaphore, #tpu.memory_space<semaphore_mem>>) {add = true}
      %dma_start3A_384 = arith.constant 3 : i32
      %dma_start3A_385 = arith.constant 0 : i32
      %dma_start3A_386 = tpu.memref_slice %arg8[%rem3A_160, %dma_start3A_384, %dma_start3A_385] : memref<2x8x128xi32, #tpu.memory_space<vmem>> -> memref<1x1x128xi32, #tpu.memory_space<vmem>>
      %dma_start3A_387 = tpu.memref_squeeze %dma_start3A_386 : memref<1x1x128xi32, #tpu.memory_space<vmem>> -> memref<128xi32, #tpu.memory_space<vmem>>
      %dma_start3A_388 = arith.constant 0 : i32
      %dma_start3A_389 = tpu.memref_slice %arg13[%dma_start3A_388] : memref<10240xf32, #tpu.memory_space<vmem_shared>> -> memref<10240xf32, #tpu.memory_space<vmem_shared>>
      tpu.enqueue_indirect_dma source(%arg10 : memref<128xf32, #tpu.memory_space<vmem>>) target(%dma_start3A_389 : memref<10240xf32, #tpu.memory_space<vmem_shared>>) offsets(%dma_start3A_387 : memref<128xi32, #tpu.memory_space<vmem>>) semaphore(%arg17 : memref<!tpu.dma_semaphore, #tpu.memory_space<semaphore_mem>>) {add = true}
      %dma_wait3A_390 = arith.constant 1 : i32
      %dma_wait3A_391 = arith.constant 0 : i32
      %dma_wait3A_392 = arith.constant 0 : i32
      %dma_wait3A_393 = tpu.memref_slice %arg9[%dma_wait3A_390, %dma_wait3A_391, %dma_wait3A_392] : memref<2x128x128xf32, #tpu.memory_space<vmem>> -> memref<1x128x128xf32, #tpu.memory_space<vmem>>
      %dma_wait3A_394 = tpu.memref_squeeze %dma_wait3A_393 : memref<1x128x128xf32, #tpu.memory_space<vmem>> -> memref<128x128xf32, #tpu.memory_space<vmem>>
      %dma_wait3A_395 = arith.constant 0 : i32
      %dma_wait3A_396 = arith.constant 0 : i32
      %dma_wait3A_397 = tpu.memref_slice %arg12[%dma_wait3A_395, %dma_wait3A_396] : memref<10240x128xf32, #tpu.memory_space<vmem_shared>> -> memref<128x128xf32, #tpu.memory_space<vmem_shared>>
      %dma_wait3A_398 = arith.constant 0 : i32
      %dma_wait3A_399 = arith.constant 0 : i32
      %dma_wait3A_400 = tpu.memref_slice %arg12[%dma_wait3A_398, %dma_wait3A_399] : memref<10240x128xf32, #tpu.memory_space<vmem_shared>> -> memref<128x128xf32, #tpu.memory_space<vmem_shared>>
      %dma_wait3A_401 = arith.constant 0 : i32
      %dma_wait3A_402 = arith.constant 0 : i32
      %dma_wait3A_403 = tpu.memref_slice %arg9[%dma_wait3A_390, %dma_wait3A_401, %dma_wait3A_402] : memref<2x128x128xf32, #tpu.memory_space<vmem>> -> memref<1x128x128xf32, #tpu.memory_space<vmem>>
      %dma_wait3A_404 = tpu.memref_squeeze %dma_wait3A_403 : memref<1x128x128xf32, #tpu.memory_space<vmem>> -> memref<128x128xf32, #tpu.memory_space<vmem>>
      tpu.wait_dma2 semaphore(%arg17 : memref<!tpu.dma_semaphore, #tpu.memory_space<semaphore_mem>>) src(%dma_wait3A_404 : memref<128x128xf32, #tpu.memory_space<vmem>>) dst(%dma_wait3A_400 : memref<128x128xf32, #tpu.memory_space<vmem_shared>>)
      %dma_wait3A_405 = arith.constant 0 : i32
      %dma_wait3A_406 = tpu.memref_slice %arg13[%dma_wait3A_405] : memref<10240xf32, #tpu.memory_space<vmem_shared>> -> memref<128xf32, #tpu.memory_space<vmem_shared>>
      %dma_wait3A_407 = arith.constant 0 : i32
      %dma_wait3A_408 = tpu.memref_slice %arg13[%dma_wait3A_407] : memref<10240xf32, #tpu.memory_space<vmem_shared>> -> memref<128xf32, #tpu.memory_space<vmem_shared>>
      tpu.wait_dma2 semaphore(%arg17 : memref<!tpu.dma_semaphore, #tpu.memory_space<semaphore_mem>>) src(%arg10 : memref<128xf32, #tpu.memory_space<vmem>>) dst(%dma_wait3A_408 : memref<128xf32, #tpu.memory_space<vmem_shared>>)
      %multiple_of3A_409 = arith.constant 640 : i32
      %multiple_of3A_410 = tpu.assume_multiple %multiple_of3A_409, 128 : i32
      %dma_start3A_411 = arith.constant 1 : i32
      %dma_start3A_412 = arith.constant 0 : i32
      %dma_start3A_413 = arith.constant 0 : i32
      %dma_start3A_414 = tpu.memref_slice %arg9[%dma_start3A_411, %dma_start3A_412, %dma_start3A_413] : memref<2x128x128xf32, #tpu.memory_space<vmem>> -> memref<1x128x128xf32, #tpu.memory_space<vmem>>
      %dma_start3A_415 = tpu.memref_squeeze %dma_start3A_414 : memref<1x128x128xf32, #tpu.memory_space<vmem>> -> memref<128x128xf32, #tpu.memory_space<vmem>>
      %dma_start3A_416 = tpu.memref_slice %arg7[%rem3A_160, %multiple_of3A_410] : memref<2x1024xi32, #tpu.memory_space<vmem>> -> memref<1x128xi32, #tpu.memory_space<vmem>>
      %dma_start3A_417 = tpu.memref_squeeze %dma_start3A_416 : memref<1x128xi32, #tpu.memory_space<vmem>> -> memref<128xi32, #tpu.memory_space<vmem>>
      %dma_start3A_418 = arith.constant 0 : i32
      %dma_start3A_419 = arith.constant 0 : i32
      %dma_start3A_420 = tpu.memref_slice %arg2[%dma_start3A_418, %dma_start3A_419] : memref<10000x128xf32, #tpu.memory_space<hbm>> -> memref<10000x128xf32, #tpu.memory_space<hbm>>
      tpu.enqueue_indirect_dma source(%dma_start3A_420 : memref<10000x128xf32, #tpu.memory_space<hbm>>) target(%dma_start3A_415 : memref<128x128xf32, #tpu.memory_space<vmem>>) offsets(%dma_start3A_417 : memref<128xi32, #tpu.memory_space<vmem>>) semaphore(%arg15 : memref<!tpu.dma_semaphore, #tpu.memory_space<semaphore_mem>>)
      %dma_wait3A_421 = arith.constant 0 : i32
      %dma_wait3A_422 = arith.constant 0 : i32
      %dma_wait3A_423 = arith.constant 0 : i32
      %dma_wait3A_424 = tpu.memref_slice %arg9[%dma_wait3A_421, %dma_wait3A_422, %dma_wait3A_423] : memref<2x128x128xf32, #tpu.memory_space<vmem>> -> memref<1x128x128xf32, #tpu.memory_space<vmem>>
      %dma_wait3A_425 = tpu.memref_squeeze %dma_wait3A_424 : memref<1x128x128xf32, #tpu.memory_space<vmem>> -> memref<128x128xf32, #tpu.memory_space<vmem>>
      %dma_wait3A_426 = arith.constant 0 : i32
      %dma_wait3A_427 = arith.constant 0 : i32
      %dma_wait3A_428 = tpu.memref_slice %arg2[%dma_wait3A_426, %dma_wait3A_427] : memref<10000x128xf32, #tpu.memory_space<hbm>> -> memref<128x128xf32, #tpu.memory_space<hbm>>
      %dma_wait3A_429 = arith.constant 0 : i32
      %dma_wait3A_430 = arith.constant 0 : i32
      %dma_wait3A_431 = tpu.memref_slice %arg9[%dma_wait3A_421, %dma_wait3A_429, %dma_wait3A_430] : memref<2x128x128xf32, #tpu.memory_space<vmem>> -> memref<1x128x128xf32, #tpu.memory_space<vmem>>
      %dma_wait3A_432 = tpu.memref_squeeze %dma_wait3A_431 : memref<1x128x128xf32, #tpu.memory_space<vmem>> -> memref<128x128xf32, #tpu.memory_space<vmem>>
      %dma_wait3A_433 = arith.constant 0 : i32
      %dma_wait3A_434 = arith.constant 0 : i32
      %dma_wait3A_435 = tpu.memref_slice %arg2[%dma_wait3A_433, %dma_wait3A_434] : memref<10000x128xf32, #tpu.memory_space<hbm>> -> memref<128x128xf32, #tpu.memory_space<hbm>>
      tpu.wait_dma2 semaphore(%arg14 : memref<!tpu.dma_semaphore, #tpu.memory_space<semaphore_mem>>) src(%dma_wait3A_435 : memref<128x128xf32, #tpu.memory_space<hbm>>) dst(%dma_wait3A_432 : memref<128x128xf32, #tpu.memory_space<vmem>>)
      %dma_start3A_436 = arith.constant 0 : i32
      %dma_start3A_437 = arith.constant 4 : i32
      %dma_start3A_438 = arith.constant 0 : i32
      %dma_start3A_439 = arith.constant 0 : i32
      %dma_start3A_440 = tpu.memref_slice %arg9[%dma_start3A_436, %dma_start3A_438, %dma_start3A_439] : memref<2x128x128xf32, #tpu.memory_space<vmem>> -> memref<1x128x128xf32, #tpu.memory_space<vmem>>
      %dma_start3A_441 = tpu.memref_squeeze %dma_start3A_440 : memref<1x128x128xf32, #tpu.memory_space<vmem>> -> memref<128x128xf32, #tpu.memory_space<vmem>>
      %dma_start3A_442 = arith.constant 0 : i32
      %dma_start3A_443 = tpu.memref_slice %arg8[%rem3A_160, %dma_start3A_437, %dma_start3A_442] : memref<2x8x128xi32, #tpu.memory_space<vmem>> -> memref<1x1x128xi32, #tpu.memory_space<vmem>>
      %dma_start3A_444 = tpu.memref_squeeze %dma_start3A_443 : memref<1x1x128xi32, #tpu.memory_space<vmem>> -> memref<128xi32, #tpu.memory_space<vmem>>
      %dma_start3A_445 = arith.constant 0 : i32
      %dma_start3A_446 = arith.constant 0 : i32
      %dma_start3A_447 = tpu.memref_slice %arg12[%dma_start3A_445, %dma_start3A_446] : memref<10240x128xf32, #tpu.memory_space<vmem_shared>> -> memref<10240x128xf32, #tpu.memory_space<vmem_shared>>
      tpu.enqueue_indirect_dma source(%dma_start3A_441 : memref<128x128xf32, #tpu.memory_space<vmem>>) target(%dma_start3A_447 : memref<10240x128xf32, #tpu.memory_space<vmem_shared>>) offsets(%dma_start3A_444 : memref<128xi32, #tpu.memory_space<vmem>>) semaphore(%arg16 : memref<!tpu.dma_semaphore, #tpu.memory_space<semaphore_mem>>) {add = true}
      %dma_start3A_448 = arith.constant 4 : i32
      %dma_start3A_449 = arith.constant 0 : i32
      %dma_start3A_450 = tpu.memref_slice %arg8[%rem3A_160, %dma_start3A_448, %dma_start3A_449] : memref<2x8x128xi32, #tpu.memory_space<vmem>> -> memref<1x1x128xi32, #tpu.memory_space<vmem>>
      %dma_start3A_451 = tpu.memref_squeeze %dma_start3A_450 : memref<1x1x128xi32, #tpu.memory_space<vmem>> -> memref<128xi32, #tpu.memory_space<vmem>>
      %dma_start3A_452 = arith.constant 0 : i32
      %dma_start3A_453 = tpu.memref_slice %arg13[%dma_start3A_452] : memref<10240xf32, #tpu.memory_space<vmem_shared>> -> memref<10240xf32, #tpu.memory_space<vmem_shared>>
      tpu.enqueue_indirect_dma source(%arg10 : memref<128xf32, #tpu.memory_space<vmem>>) target(%dma_start3A_453 : memref<10240xf32, #tpu.memory_space<vmem_shared>>) offsets(%dma_start3A_451 : memref<128xi32, #tpu.memory_space<vmem>>) semaphore(%arg16 : memref<!tpu.dma_semaphore, #tpu.memory_space<semaphore_mem>>) {add = true}
      %dma_wait3A_454 = arith.constant 0 : i32
      %dma_wait3A_455 = arith.constant 0 : i32
      %dma_wait3A_456 = arith.constant 0 : i32
      %dma_wait3A_457 = tpu.memref_slice %arg9[%dma_wait3A_454, %dma_wait3A_455, %dma_wait3A_456] : memref<2x128x128xf32, #tpu.memory_space<vmem>> -> memref<1x128x128xf32, #tpu.memory_space<vmem>>
      %dma_wait3A_458 = tpu.memref_squeeze %dma_wait3A_457 : memref<1x128x128xf32, #tpu.memory_space<vmem>> -> memref<128x128xf32, #tpu.memory_space<vmem>>
      %dma_wait3A_459 = arith.constant 0 : i32
      %dma_wait3A_460 = arith.constant 0 : i32
      %dma_wait3A_461 = tpu.memref_slice %arg12[%dma_wait3A_459, %dma_wait3A_460] : memref<10240x128xf32, #tpu.memory_space<vmem_shared>> -> memref<128x128xf32, #tpu.memory_space<vmem_shared>>
      %dma_wait3A_462 = arith.constant 0 : i32
      %dma_wait3A_463 = arith.constant 0 : i32
      %dma_wait3A_464 = tpu.memref_slice %arg12[%dma_wait3A_462, %dma_wait3A_463] : memref<10240x128xf32, #tpu.memory_space<vmem_shared>> -> memref<128x128xf32, #tpu.memory_space<vmem_shared>>
      %dma_wait3A_465 = arith.constant 0 : i32
      %dma_wait3A_466 = arith.constant 0 : i32
      %dma_wait3A_467 = tpu.memref_slice %arg9[%dma_wait3A_454, %dma_wait3A_465, %dma_wait3A_466] : memref<2x128x128xf32, #tpu.memory_space<vmem>> -> memref<1x128x128xf32, #tpu.memory_space<vmem>>
      %dma_wait3A_468 = tpu.memref_squeeze %dma_wait3A_467 : memref<1x128x128xf32, #tpu.memory_space<vmem>> -> memref<128x128xf32, #tpu.memory_space<vmem>>
      tpu.wait_dma2 semaphore(%arg16 : memref<!tpu.dma_semaphore, #tpu.memory_space<semaphore_mem>>) src(%dma_wait3A_468 : memref<128x128xf32, #tpu.memory_space<vmem>>) dst(%dma_wait3A_464 : memref<128x128xf32, #tpu.memory_space<vmem_shared>>)
      %dma_wait3A_469 = arith.constant 0 : i32
      %dma_wait3A_470 = tpu.memref_slice %arg13[%dma_wait3A_469] : memref<10240xf32, #tpu.memory_space<vmem_shared>> -> memref<128xf32, #tpu.memory_space<vmem_shared>>
      %dma_wait3A_471 = arith.constant 0 : i32
      %dma_wait3A_472 = tpu.memref_slice %arg13[%dma_wait3A_471] : memref<10240xf32, #tpu.memory_space<vmem_shared>> -> memref<128xf32, #tpu.memory_space<vmem_shared>>
      tpu.wait_dma2 semaphore(%arg16 : memref<!tpu.dma_semaphore, #tpu.memory_space<semaphore_mem>>) src(%arg10 : memref<128xf32, #tpu.memory_space<vmem>>) dst(%dma_wait3A_472 : memref<128xf32, #tpu.memory_space<vmem_shared>>)
      %multiple_of3A_473 = arith.constant 768 : i32
      %multiple_of3A_474 = tpu.assume_multiple %multiple_of3A_473, 128 : i32
      %dma_start3A_475 = arith.constant 0 : i32
      %dma_start3A_476 = arith.constant 0 : i32
      %dma_start3A_477 = arith.constant 0 : i32
      %dma_start3A_478 = tpu.memref_slice %arg9[%dma_start3A_475, %dma_start3A_476, %dma_start3A_477] : memref<2x128x128xf32, #tpu.memory_space<vmem>> -> memref<1x128x128xf32, #tpu.memory_space<vmem>>
      %dma_start3A_479 = tpu.memref_squeeze %dma_start3A_478 : memref<1x128x128xf32, #tpu.memory_space<vmem>> -> memref<128x128xf32, #tpu.memory_space<vmem>>
      %dma_start3A_480 = tpu.memref_slice %arg7[%rem3A_160, %multiple_of3A_474] : memref<2x1024xi32, #tpu.memory_space<vmem>> -> memref<1x128xi32, #tpu.memory_space<vmem>>
      %dma_start3A_481 = tpu.memref_squeeze %dma_start3A_480 : memref<1x128xi32, #tpu.memory_space<vmem>> -> memref<128xi32, #tpu.memory_space<vmem>>
      %dma_start3A_482 = arith.constant 0 : i32
      %dma_start3A_483 = arith.constant 0 : i32
      %dma_start3A_484 = tpu.memref_slice %arg2[%dma_start3A_482, %dma_start3A_483] : memref<10000x128xf32, #tpu.memory_space<hbm>> -> memref<10000x128xf32, #tpu.memory_space<hbm>>
      tpu.enqueue_indirect_dma source(%dma_start3A_484 : memref<10000x128xf32, #tpu.memory_space<hbm>>) target(%dma_start3A_479 : memref<128x128xf32, #tpu.memory_space<vmem>>) offsets(%dma_start3A_481 : memref<128xi32, #tpu.memory_space<vmem>>) semaphore(%arg14 : memref<!tpu.dma_semaphore, #tpu.memory_space<semaphore_mem>>)
      %dma_wait3A_485 = arith.constant 1 : i32
      %dma_wait3A_486 = arith.constant 0 : i32
      %dma_wait3A_487 = arith.constant 0 : i32
      %dma_wait3A_488 = tpu.memref_slice %arg9[%dma_wait3A_485, %dma_wait3A_486, %dma_wait3A_487] : memref<2x128x128xf32, #tpu.memory_space<vmem>> -> memref<1x128x128xf32, #tpu.memory_space<vmem>>
      %dma_wait3A_489 = tpu.memref_squeeze %dma_wait3A_488 : memref<1x128x128xf32, #tpu.memory_space<vmem>> -> memref<128x128xf32, #tpu.memory_space<vmem>>
      %dma_wait3A_490 = arith.constant 0 : i32
      %dma_wait3A_491 = arith.constant 0 : i32
      %dma_wait3A_492 = tpu.memref_slice %arg2[%dma_wait3A_490, %dma_wait3A_491] : memref<10000x128xf32, #tpu.memory_space<hbm>> -> memref<128x128xf32, #tpu.memory_space<hbm>>
      %dma_wait3A_493 = arith.constant 0 : i32
      %dma_wait3A_494 = arith.constant 0 : i32
      %dma_wait3A_495 = tpu.memref_slice %arg9[%dma_wait3A_485, %dma_wait3A_493, %dma_wait3A_494] : memref<2x128x128xf32, #tpu.memory_space<vmem>> -> memref<1x128x128xf32, #tpu.memory_space<vmem>>
      %dma_wait3A_496 = tpu.memref_squeeze %dma_wait3A_495 : memref<1x128x128xf32, #tpu.memory_space<vmem>> -> memref<128x128xf32, #tpu.memory_space<vmem>>
      %dma_wait3A_497 = arith.constant 0 : i32
      %dma_wait3A_498 = arith.constant 0 : i32
      %dma_wait3A_499 = tpu.memref_slice %arg2[%dma_wait3A_497, %dma_wait3A_498] : memref<10000x128xf32, #tpu.memory_space<hbm>> -> memref<128x128xf32, #tpu.memory_space<hbm>>
      tpu.wait_dma2 semaphore(%arg15 : memref<!tpu.dma_semaphore, #tpu.memory_space<semaphore_mem>>) src(%dma_wait3A_499 : memref<128x128xf32, #tpu.memory_space<hbm>>) dst(%dma_wait3A_496 : memref<128x128xf32, #tpu.memory_space<vmem>>)
      %dma_start3A_500 = arith.constant 1 : i32
      %dma_start3A_501 = arith.constant 5 : i32
      %dma_start3A_502 = arith.constant 0 : i32
      %dma_start3A_503 = arith.constant 0 : i32
      %dma_start3A_504 = tpu.memref_slice %arg9[%dma_start3A_500, %dma_start3A_502, %dma_start3A_503] : memref<2x128x128xf32, #tpu.memory_space<vmem>> -> memref<1x128x128xf32, #tpu.memory_space<vmem>>
      %dma_start3A_505 = tpu.memref_squeeze %dma_start3A_504 : memref<1x128x128xf32, #tpu.memory_space<vmem>> -> memref<128x128xf32, #tpu.memory_space<vmem>>
      %dma_start3A_506 = arith.constant 0 : i32
      %dma_start3A_507 = tpu.memref_slice %arg8[%rem3A_160, %dma_start3A_501, %dma_start3A_506] : memref<2x8x128xi32, #tpu.memory_space<vmem>> -> memref<1x1x128xi32, #tpu.memory_space<vmem>>
      %dma_start3A_508 = tpu.memref_squeeze %dma_start3A_507 : memref<1x1x128xi32, #tpu.memory_space<vmem>> -> memref<128xi32, #tpu.memory_space<vmem>>
      %dma_start3A_509 = arith.constant 0 : i32
      %dma_start3A_510 = arith.constant 0 : i32
      %dma_start3A_511 = tpu.memref_slice %arg12[%dma_start3A_509, %dma_start3A_510] : memref<10240x128xf32, #tpu.memory_space<vmem_shared>> -> memref<10240x128xf32, #tpu.memory_space<vmem_shared>>
      tpu.enqueue_indirect_dma source(%dma_start3A_505 : memref<128x128xf32, #tpu.memory_space<vmem>>) target(%dma_start3A_511 : memref<10240x128xf32, #tpu.memory_space<vmem_shared>>) offsets(%dma_start3A_508 : memref<128xi32, #tpu.memory_space<vmem>>) semaphore(%arg17 : memref<!tpu.dma_semaphore, #tpu.memory_space<semaphore_mem>>) {add = true}
      %dma_start3A_512 = arith.constant 5 : i32
      %dma_start3A_513 = arith.constant 0 : i32
      %dma_start3A_514 = tpu.memref_slice %arg8[%rem3A_160, %dma_start3A_512, %dma_start3A_513] : memref<2x8x128xi32, #tpu.memory_space<vmem>> -> memref<1x1x128xi32, #tpu.memory_space<vmem>>
      %dma_start3A_515 = tpu.memref_squeeze %dma_start3A_514 : memref<1x1x128xi32, #tpu.memory_space<vmem>> -> memref<128xi32, #tpu.memory_space<vmem>>
      %dma_start3A_516 = arith.constant 0 : i32
      %dma_start3A_517 = tpu.memref_slice %arg13[%dma_start3A_516] : memref<10240xf32, #tpu.memory_space<vmem_shared>> -> memref<10240xf32, #tpu.memory_space<vmem_shared>>
      tpu.enqueue_indirect_dma source(%arg10 : memref<128xf32, #tpu.memory_space<vmem>>) target(%dma_start3A_517 : memref<10240xf32, #tpu.memory_space<vmem_shared>>) offsets(%dma_start3A_515 : memref<128xi32, #tpu.memory_space<vmem>>) semaphore(%arg17 : memref<!tpu.dma_semaphore, #tpu.memory_space<semaphore_mem>>) {add = true}
      %dma_wait3A_518 = arith.constant 1 : i32
      %dma_wait3A_519 = arith.constant 0 : i32
      %dma_wait3A_520 = arith.constant 0 : i32
      %dma_wait3A_521 = tpu.memref_slice %arg9[%dma_wait3A_518, %dma_wait3A_519, %dma_wait3A_520] : memref<2x128x128xf32, #tpu.memory_space<vmem>> -> memref<1x128x128xf32, #tpu.memory_space<vmem>>
      %dma_wait3A_522 = tpu.memref_squeeze %dma_wait3A_521 : memref<1x128x128xf32, #tpu.memory_space<vmem>> -> memref<128x128xf32, #tpu.memory_space<vmem>>
      %dma_wait3A_523 = arith.constant 0 : i32
      %dma_wait3A_524 = arith.constant 0 : i32
      %dma_wait3A_525 = tpu.memref_slice %arg12[%dma_wait3A_523, %dma_wait3A_524] : memref<10240x128xf32, #tpu.memory_space<vmem_shared>> -> memref<128x128xf32, #tpu.memory_space<vmem_shared>>
      %dma_wait3A_526 = arith.constant 0 : i32
      %dma_wait3A_527 = arith.constant 0 : i32
      %dma_wait3A_528 = tpu.memref_slice %arg12[%dma_wait3A_526, %dma_wait3A_527] : memref<10240x128xf32, #tpu.memory_space<vmem_shared>> -> memref<128x128xf32, #tpu.memory_space<vmem_shared>>
      %dma_wait3A_529 = arith.constant 0 : i32
      %dma_wait3A_530 = arith.constant 0 : i32
      %dma_wait3A_531 = tpu.memref_slice %arg9[%dma_wait3A_518, %dma_wait3A_529, %dma_wait3A_530] : memref<2x128x128xf32, #tpu.memory_space<vmem>> -> memref<1x128x128xf32, #tpu.memory_space<vmem>>
      %dma_wait3A_532 = tpu.memref_squeeze %dma_wait3A_531 : memref<1x128x128xf32, #tpu.memory_space<vmem>> -> memref<128x128xf32, #tpu.memory_space<vmem>>
      tpu.wait_dma2 semaphore(%arg17 : memref<!tpu.dma_semaphore, #tpu.memory_space<semaphore_mem>>) src(%dma_wait3A_532 : memref<128x128xf32, #tpu.memory_space<vmem>>) dst(%dma_wait3A_528 : memref<128x128xf32, #tpu.memory_space<vmem_shared>>)
      %dma_wait3A_533 = arith.constant 0 : i32
      %dma_wait3A_534 = tpu.memref_slice %arg13[%dma_wait3A_533] : memref<10240xf32, #tpu.memory_space<vmem_shared>> -> memref<128xf32, #tpu.memory_space<vmem_shared>>
      %dma_wait3A_535 = arith.constant 0 : i32
      %dma_wait3A_536 = tpu.memref_slice %arg13[%dma_wait3A_535] : memref<10240xf32, #tpu.memory_space<vmem_shared>> -> memref<128xf32, #tpu.memory_space<vmem_shared>>
      tpu.wait_dma2 semaphore(%arg17 : memref<!tpu.dma_semaphore, #tpu.memory_space<semaphore_mem>>) src(%arg10 : memref<128xf32, #tpu.memory_space<vmem>>) dst(%dma_wait3A_536 : memref<128xf32, #tpu.memory_space<vmem_shared>>)
      %multiple_of3A_537 = arith.constant 896 : i32
      %multiple_of3A_538 = tpu.assume_multiple %multiple_of3A_537, 128 : i32
      %dma_start3A_539 = arith.constant 1 : i32
      %dma_start3A_540 = arith.constant 0 : i32
      %dma_start3A_541 = arith.constant 0 : i32
      %dma_start3A_542 = tpu.memref_slice %arg9[%dma_start3A_539, %dma_start3A_540, %dma_start3A_541] : memref<2x128x128xf32, #tpu.memory_space<vmem>> -> memref<1x128x128xf32, #tpu.memory_space<vmem>>
      %dma_start3A_543 = tpu.memref_squeeze %dma_start3A_542 : memref<1x128x128xf32, #tpu.memory_space<vmem>> -> memref<128x128xf32, #tpu.memory_space<vmem>>
      %dma_start3A_544 = tpu.memref_slice %arg7[%rem3A_160, %multiple_of3A_538] : memref<2x1024xi32, #tpu.memory_space<vmem>> -> memref<1x128xi32, #tpu.memory_space<vmem>>
      %dma_start3A_545 = tpu.memref_squeeze %dma_start3A_544 : memref<1x128xi32, #tpu.memory_space<vmem>> -> memref<128xi32, #tpu.memory_space<vmem>>
      %dma_start3A_546 = arith.constant 0 : i32
      %dma_start3A_547 = arith.constant 0 : i32
      %dma_start3A_548 = tpu.memref_slice %arg2[%dma_start3A_546, %dma_start3A_547] : memref<10000x128xf32, #tpu.memory_space<hbm>> -> memref<10000x128xf32, #tpu.memory_space<hbm>>
      tpu.enqueue_indirect_dma source(%dma_start3A_548 : memref<10000x128xf32, #tpu.memory_space<hbm>>) target(%dma_start3A_543 : memref<128x128xf32, #tpu.memory_space<vmem>>) offsets(%dma_start3A_545 : memref<128xi32, #tpu.memory_space<vmem>>) semaphore(%arg15 : memref<!tpu.dma_semaphore, #tpu.memory_space<semaphore_mem>>)
      %dma_wait3A_549 = arith.constant 0 : i32
      %dma_wait3A_550 = arith.constant 0 : i32
      %dma_wait3A_551 = arith.constant 0 : i32
      %dma_wait3A_552 = tpu.memref_slice %arg9[%dma_wait3A_549, %dma_wait3A_550, %dma_wait3A_551] : memref<2x128x128xf32, #tpu.memory_space<vmem>> -> memref<1x128x128xf32, #tpu.memory_space<vmem>>
      %dma_wait3A_553 = tpu.memref_squeeze %dma_wait3A_552 : memref<1x128x128xf32, #tpu.memory_space<vmem>> -> memref<128x128xf32, #tpu.memory_space<vmem>>
      %dma_wait3A_554 = arith.constant 0 : i32
      %dma_wait3A_555 = arith.constant 0 : i32
      %dma_wait3A_556 = tpu.memref_slice %arg2[%dma_wait3A_554, %dma_wait3A_555] : memref<10000x128xf32, #tpu.memory_space<hbm>> -> memref<128x128xf32, #tpu.memory_space<hbm>>
      %dma_wait3A_557 = arith.constant 0 : i32
      %dma_wait3A_558 = arith.constant 0 : i32
      %dma_wait3A_559 = tpu.memref_slice %arg9[%dma_wait3A_549, %dma_wait3A_557, %dma_wait3A_558] : memref<2x128x128xf32, #tpu.memory_space<vmem>> -> memref<1x128x128xf32, #tpu.memory_space<vmem>>
      %dma_wait3A_560 = tpu.memref_squeeze %dma_wait3A_559 : memref<1x128x128xf32, #tpu.memory_space<vmem>> -> memref<128x128xf32, #tpu.memory_space<vmem>>
      %dma_wait3A_561 = arith.constant 0 : i32
      %dma_wait3A_562 = arith.constant 0 : i32
      %dma_wait3A_563 = tpu.memref_slice %arg2[%dma_wait3A_561, %dma_wait3A_562] : memref<10000x128xf32, #tpu.memory_space<hbm>> -> memref<128x128xf32, #tpu.memory_space<hbm>>
      tpu.wait_dma2 semaphore(%arg14 : memref<!tpu.dma_semaphore, #tpu.memory_space<semaphore_mem>>) src(%dma_wait3A_563 : memref<128x128xf32, #tpu.memory_space<hbm>>) dst(%dma_wait3A_560 : memref<128x128xf32, #tpu.memory_space<vmem>>)
      %dma_start3A_564 = arith.constant 0 : i32
      %dma_start3A_565 = arith.constant 6 : i32
      %dma_start3A_566 = arith.constant 0 : i32
      %dma_start3A_567 = arith.constant 0 : i32
      %dma_start3A_568 = tpu.memref_slice %arg9[%dma_start3A_564, %dma_start3A_566, %dma_start3A_567] : memref<2x128x128xf32, #tpu.memory_space<vmem>> -> memref<1x128x128xf32, #tpu.memory_space<vmem>>
      %dma_start3A_569 = tpu.memref_squeeze %dma_start3A_568 : memref<1x128x128xf32, #tpu.memory_space<vmem>> -> memref<128x128xf32, #tpu.memory_space<vmem>>
      %dma_start3A_570 = arith.constant 0 : i32
      %dma_start3A_571 = tpu.memref_slice %arg8[%rem3A_160, %dma_start3A_565, %dma_start3A_570] : memref<2x8x128xi32, #tpu.memory_space<vmem>> -> memref<1x1x128xi32, #tpu.memory_space<vmem>>
      %dma_start3A_572 = tpu.memref_squeeze %dma_start3A_571 : memref<1x1x128xi32, #tpu.memory_space<vmem>> -> memref<128xi32, #tpu.memory_space<vmem>>
      %dma_start3A_573 = arith.constant 0 : i32
      %dma_start3A_574 = arith.constant 0 : i32
      %dma_start3A_575 = tpu.memref_slice %arg12[%dma_start3A_573, %dma_start3A_574] : memref<10240x128xf32, #tpu.memory_space<vmem_shared>> -> memref<10240x128xf32, #tpu.memory_space<vmem_shared>>
      tpu.enqueue_indirect_dma source(%dma_start3A_569 : memref<128x128xf32, #tpu.memory_space<vmem>>) target(%dma_start3A_575 : memref<10240x128xf32, #tpu.memory_space<vmem_shared>>) offsets(%dma_start3A_572 : memref<128xi32, #tpu.memory_space<vmem>>) semaphore(%arg16 : memref<!tpu.dma_semaphore, #tpu.memory_space<semaphore_mem>>) {add = true}
      %dma_start3A_576 = arith.constant 6 : i32
      %dma_start3A_577 = arith.constant 0 : i32
      %dma_start3A_578 = tpu.memref_slice %arg8[%rem3A_160, %dma_start3A_576, %dma_start3A_577] : memref<2x8x128xi32, #tpu.memory_space<vmem>> -> memref<1x1x128xi32, #tpu.memory_space<vmem>>
      %dma_start3A_579 = tpu.memref_squeeze %dma_start3A_578 : memref<1x1x128xi32, #tpu.memory_space<vmem>> -> memref<128xi32, #tpu.memory_space<vmem>>
      %dma_start3A_580 = arith.constant 0 : i32
      %dma_start3A_581 = tpu.memref_slice %arg13[%dma_start3A_580] : memref<10240xf32, #tpu.memory_space<vmem_shared>> -> memref<10240xf32, #tpu.memory_space<vmem_shared>>
      tpu.enqueue_indirect_dma source(%arg10 : memref<128xf32, #tpu.memory_space<vmem>>) target(%dma_start3A_581 : memref<10240xf32, #tpu.memory_space<vmem_shared>>) offsets(%dma_start3A_579 : memref<128xi32, #tpu.memory_space<vmem>>) semaphore(%arg16 : memref<!tpu.dma_semaphore, #tpu.memory_space<semaphore_mem>>) {add = true}
      %dma_wait3A_582 = arith.constant 0 : i32
      %dma_wait3A_583 = arith.constant 0 : i32
      %dma_wait3A_584 = arith.constant 0 : i32
      %dma_wait3A_585 = tpu.memref_slice %arg9[%dma_wait3A_582, %dma_wait3A_583, %dma_wait3A_584] : memref<2x128x128xf32, #tpu.memory_space<vmem>> -> memref<1x128x128xf32, #tpu.memory_space<vmem>>
      %dma_wait3A_586 = tpu.memref_squeeze %dma_wait3A_585 : memref<1x128x128xf32, #tpu.memory_space<vmem>> -> memref<128x128xf32, #tpu.memory_space<vmem>>
      %dma_wait3A_587 = arith.constant 0 : i32
      %dma_wait3A_588 = arith.constant 0 : i32
      %dma_wait3A_589 = tpu.memref_slice %arg12[%dma_wait3A_587, %dma_wait3A_588] : memref<10240x128xf32, #tpu.memory_space<vmem_shared>> -> memref<128x128xf32, #tpu.memory_space<vmem_shared>>
      %dma_wait3A_590 = arith.constant 0 : i32
      %dma_wait3A_591 = arith.constant 0 : i32
      %dma_wait3A_592 = tpu.memref_slice %arg12[%dma_wait3A_590, %dma_wait3A_591] : memref<10240x128xf32, #tpu.memory_space<vmem_shared>> -> memref<128x128xf32, #tpu.memory_space<vmem_shared>>
      %dma_wait3A_593 = arith.constant 0 : i32
      %dma_wait3A_594 = arith.constant 0 : i32
      %dma_wait3A_595 = tpu.memref_slice %arg9[%dma_wait3A_582, %dma_wait3A_593, %dma_wait3A_594] : memref<2x128x128xf32, #tpu.memory_space<vmem>> -> memref<1x128x128xf32, #tpu.memory_space<vmem>>
      %dma_wait3A_596 = tpu.memref_squeeze %dma_wait3A_595 : memref<1x128x128xf32, #tpu.memory_space<vmem>> -> memref<128x128xf32, #tpu.memory_space<vmem>>
      tpu.wait_dma2 semaphore(%arg16 : memref<!tpu.dma_semaphore, #tpu.memory_space<semaphore_mem>>) src(%dma_wait3A_596 : memref<128x128xf32, #tpu.memory_space<vmem>>) dst(%dma_wait3A_592 : memref<128x128xf32, #tpu.memory_space<vmem_shared>>)
      %dma_wait3A_597 = arith.constant 0 : i32
      %dma_wait3A_598 = tpu.memref_slice %arg13[%dma_wait3A_597] : memref<10240xf32, #tpu.memory_space<vmem_shared>> -> memref<128xf32, #tpu.memory_space<vmem_shared>>
      %dma_wait3A_599 = arith.constant 0 : i32
      %dma_wait3A_600 = tpu.memref_slice %arg13[%dma_wait3A_599] : memref<10240xf32, #tpu.memory_space<vmem_shared>> -> memref<128xf32, #tpu.memory_space<vmem_shared>>
      tpu.wait_dma2 semaphore(%arg16 : memref<!tpu.dma_semaphore, #tpu.memory_space<semaphore_mem>>) src(%arg10 : memref<128xf32, #tpu.memory_space<vmem>>) dst(%dma_wait3A_600 : memref<128xf32, #tpu.memory_space<vmem_shared>>)
      %not3A_601 = arith.constant true
      %not3A_602 = arith.xori %ge3A, %not3A_601 : i1
      %convert_element_type3A_603 = arith.extui %not3A_602 : i1 to i32
      %cond3A_604 = arith.constant 0 : i32
      %cond3A_605 = arith.cmpi ne, %convert_element_type3A_603, %cond3A_604 : i32
      scf.if %cond3A_605 {
        %sub3A = arith.constant 1 : i32
        %sub3A_663 = arith.subi %sub3A, %rem3A_160 : i32
        %dma_wait3A_664 = arith.constant 0 : i32
        %dma_wait3A_665 = tpu.memref_slice %arg7[%sub3A_663, %dma_wait3A_664] : memref<2x1024xi32, #tpu.memory_space<vmem>> -> memref<1x1024xi32, #tpu.memory_space<vmem>>
        %dma_wait3A_666 = tpu.memref_squeeze %dma_wait3A_665 : memref<1x1024xi32, #tpu.memory_space<vmem>> -> memref<1024xi32, #tpu.memory_space<vmem>>
        %dma_wait3A_667 = arith.constant 0 : i32
        %dma_wait3A_668 = tpu.memref_slice %arg3[%dma_wait3A_667] : memref<327680xi32, #tpu.memory_space<hbm>> -> memref<1024xi32, #tpu.memory_space<hbm>>
        %dma_wait3A_669 = arith.constant 0 : i32
        %dma_wait3A_670 = tpu.memref_slice %arg7[%sub3A_663, %dma_wait3A_669] : memref<2x1024xi32, #tpu.memory_space<vmem>> -> memref<1x1024xi32, #tpu.memory_space<vmem>>
        %dma_wait3A_671 = tpu.memref_squeeze %dma_wait3A_670 : memref<1x1024xi32, #tpu.memory_space<vmem>> -> memref<1024xi32, #tpu.memory_space<vmem>>
        %dma_wait3A_672 = arith.constant 0 : i32
        %dma_wait3A_673 = tpu.memref_slice %arg3[%dma_wait3A_672] : memref<327680xi32, #tpu.memory_space<hbm>> -> memref<1024xi32, #tpu.memory_space<hbm>>
        tpu.wait_dma2 semaphore(%arg18 : memref<!tpu.dma_semaphore, #tpu.memory_space<semaphore_mem>>) src(%dma_wait3A_673 : memref<1024xi32, #tpu.memory_space<hbm>>) dst(%dma_wait3A_671 : memref<1024xi32, #tpu.memory_space<vmem>>)
        %dma_wait3A_674 = arith.constant 0 : i32
        %dma_wait3A_675 = arith.constant 0 : i32
        %dma_wait3A_676 = tpu.memref_slice %arg8[%sub3A_663, %dma_wait3A_674, %dma_wait3A_675] : memref<2x8x128xi32, #tpu.memory_space<vmem>> -> memref<1x8x128xi32, #tpu.memory_space<vmem>>
        %dma_wait3A_677 = tpu.memref_squeeze %dma_wait3A_676 : memref<1x8x128xi32, #tpu.memory_space<vmem>> -> memref<8x128xi32, #tpu.memory_space<vmem>>
        %dma_wait3A_678 = arith.constant 0 : i32
        %dma_wait3A_679 = arith.constant 0 : i32
        %dma_wait3A_680 = tpu.memref_slice %arg4[%dma_wait3A_678, %dma_wait3A_679] : memref<2560x128xi32, #tpu.memory_space<hbm>> -> memref<8x128xi32, #tpu.memory_space<hbm>>
        %dma_wait3A_681 = arith.constant 0 : i32
        %dma_wait3A_682 = arith.constant 0 : i32
        %dma_wait3A_683 = tpu.memref_slice %arg8[%sub3A_663, %dma_wait3A_681, %dma_wait3A_682] : memref<2x8x128xi32, #tpu.memory_space<vmem>> -> memref<1x8x128xi32, #tpu.memory_space<vmem>>
        %dma_wait3A_684 = tpu.memref_squeeze %dma_wait3A_683 : memref<1x8x128xi32, #tpu.memory_space<vmem>> -> memref<8x128xi32, #tpu.memory_space<vmem>>
        %dma_wait3A_685 = arith.constant 0 : i32
        %dma_wait3A_686 = arith.constant 0 : i32
        %dma_wait3A_687 = tpu.memref_slice %arg4[%dma_wait3A_685, %dma_wait3A_686] : memref<2560x128xi32, #tpu.memory_space<hbm>> -> memref<8x128xi32, #tpu.memory_space<hbm>>
        tpu.wait_dma2 semaphore(%arg18 : memref<!tpu.dma_semaphore, #tpu.memory_space<semaphore_mem>>) src(%dma_wait3A_687 : memref<8x128xi32, #tpu.memory_space<hbm>>) dst(%dma_wait3A_684 : memref<8x128xi32, #tpu.memory_space<vmem>>)
        %sub3A_688 = arith.constant 1 : i32
        %sub3A_689 = arith.subi %sub3A_688, %rem3A_160 : i32
        %multiple_of3A_690 = arith.constant 0 : i32
        %multiple_of3A_691 = tpu.assume_multiple %multiple_of3A_690, 128 : i32
        %dma_start3A_692 = arith.constant 0 : i32
        %dma_start3A_693 = arith.constant 0 : i32
        %dma_start3A_694 = arith.constant 0 : i32
        %dma_start3A_695 = tpu.memref_slice %arg9[%dma_start3A_692, %dma_start3A_693, %dma_start3A_694] : memref<2x128x128xf32, #tpu.memory_space<vmem>> -> memref<1x128x128xf32, #tpu.memory_space<vmem>>
        %dma_start3A_696 = tpu.memref_squeeze %dma_start3A_695 : memref<1x128x128xf32, #tpu.memory_space<vmem>> -> memref<128x128xf32, #tpu.memory_space<vmem>>
        %dma_start3A_697 = tpu.memref_slice %arg7[%sub3A_689, %multiple_of3A_691] : memref<2x1024xi32, #tpu.memory_space<vmem>> -> memref<1x128xi32, #tpu.memory_space<vmem>>
        %dma_start3A_698 = tpu.memref_squeeze %dma_start3A_697 : memref<1x128xi32, #tpu.memory_space<vmem>> -> memref<128xi32, #tpu.memory_space<vmem>>
        %dma_start3A_699 = arith.constant 0 : i32
        %dma_start3A_700 = arith.constant 0 : i32
        %dma_start3A_701 = tpu.memref_slice %arg2[%dma_start3A_699, %dma_start3A_700] : memref<10000x128xf32, #tpu.memory_space<hbm>> -> memref<10000x128xf32, #tpu.memory_space<hbm>>
        tpu.enqueue_indirect_dma source(%dma_start3A_701 : memref<10000x128xf32, #tpu.memory_space<hbm>>) target(%dma_start3A_696 : memref<128x128xf32, #tpu.memory_space<vmem>>) offsets(%dma_start3A_698 : memref<128xi32, #tpu.memory_space<vmem>>) semaphore(%arg14 : memref<!tpu.dma_semaphore, #tpu.memory_space<semaphore_mem>>)
      } else {
      }
      %dma_wait3A_606 = arith.constant 1 : i32
      %dma_wait3A_607 = arith.constant 0 : i32
      %dma_wait3A_608 = arith.constant 0 : i32
      %dma_wait3A_609 = tpu.memref_slice %arg9[%dma_wait3A_606, %dma_wait3A_607, %dma_wait3A_608] : memref<2x128x128xf32, #tpu.memory_space<vmem>> -> memref<1x128x128xf32, #tpu.memory_space<vmem>>
      %dma_wait3A_610 = tpu.memref_squeeze %dma_wait3A_609 : memref<1x128x128xf32, #tpu.memory_space<vmem>> -> memref<128x128xf32, #tpu.memory_space<vmem>>
      %dma_wait3A_611 = arith.constant 0 : i32
      %dma_wait3A_612 = arith.constant 0 : i32
      %dma_wait3A_613 = tpu.memref_slice %arg2[%dma_wait3A_611, %dma_wait3A_612] : memref<10000x128xf32, #tpu.memory_space<hbm>> -> memref<128x128xf32, #tpu.memory_space<hbm>>
      %dma_wait3A_614 = arith.constant 0 : i32
      %dma_wait3A_615 = arith.constant 0 : i32
      %dma_wait3A_616 = tpu.memref_slice %arg9[%dma_wait3A_606, %dma_wait3A_614, %dma_wait3A_615] : memref<2x128x128xf32, #tpu.memory_space<vmem>> -> memref<1x128x128xf32, #tpu.memory_space<vmem>>
      %dma_wait3A_617 = tpu.memref_squeeze %dma_wait3A_616 : memref<1x128x128xf32, #tpu.memory_space<vmem>> -> memref<128x128xf32, #tpu.memory_space<vmem>>
      %dma_wait3A_618 = arith.constant 0 : i32
      %dma_wait3A_619 = arith.constant 0 : i32
      %dma_wait3A_620 = tpu.memref_slice %arg2[%dma_wait3A_618, %dma_wait3A_619] : memref<10000x128xf32, #tpu.memory_space<hbm>> -> memref<128x128xf32, #tpu.memory_space<hbm>>
      tpu.wait_dma2 semaphore(%arg15 : memref<!tpu.dma_semaphore, #tpu.memory_space<semaphore_mem>>) src(%dma_wait3A_620 : memref<128x128xf32, #tpu.memory_space<hbm>>) dst(%dma_wait3A_617 : memref<128x128xf32, #tpu.memory_space<vmem>>)
      %dma_start3A_621 = arith.constant 1 : i32
      %dma_start3A_622 = arith.constant 7 : i32
      %dma_start3A_623 = arith.constant 0 : i32
      %dma_start3A_624 = arith.constant 0 : i32
      %dma_start3A_625 = tpu.memref_slice %arg9[%dma_start3A_621, %dma_start3A_623, %dma_start3A_624] : memref<2x128x128xf32, #tpu.memory_space<vmem>> -> memref<1x128x128xf32, #tpu.memory_space<vmem>>
      %dma_start3A_626 = tpu.memref_squeeze %dma_start3A_625 : memref<1x128x128xf32, #tpu.memory_space<vmem>> -> memref<128x128xf32, #tpu.memory_space<vmem>>
      %dma_start3A_627 = arith.constant 0 : i32
      %dma_start3A_628 = tpu.memref_slice %arg8[%rem3A_160, %dma_start3A_622, %dma_start3A_627] : memref<2x8x128xi32, #tpu.memory_space<vmem>> -> memref<1x1x128xi32, #tpu.memory_space<vmem>>
      %dma_start3A_629 = tpu.memref_squeeze %dma_start3A_628 : memref<1x1x128xi32, #tpu.memory_space<vmem>> -> memref<128xi32, #tpu.memory_space<vmem>>
      %dma_start3A_630 = arith.constant 0 : i32
      %dma_start3A_631 = arith.constant 0 : i32
      %dma_start3A_632 = tpu.memref_slice %arg12[%dma_start3A_630, %dma_start3A_631] : memref<10240x128xf32, #tpu.memory_space<vmem_shared>> -> memref<10240x128xf32, #tpu.memory_space<vmem_shared>>
      tpu.enqueue_indirect_dma source(%dma_start3A_626 : memref<128x128xf32, #tpu.memory_space<vmem>>) target(%dma_start3A_632 : memref<10240x128xf32, #tpu.memory_space<vmem_shared>>) offsets(%dma_start3A_629 : memref<128xi32, #tpu.memory_space<vmem>>) semaphore(%arg17 : memref<!tpu.dma_semaphore, #tpu.memory_space<semaphore_mem>>) {add = true}
      %dma_start3A_633 = arith.constant 7 : i32
      %dma_start3A_634 = arith.constant 0 : i32
      %dma_start3A_635 = tpu.memref_slice %arg8[%rem3A_160, %dma_start3A_633, %dma_start3A_634] : memref<2x8x128xi32, #tpu.memory_space<vmem>> -> memref<1x1x128xi32, #tpu.memory_space<vmem>>
      %dma_start3A_636 = tpu.memref_squeeze %dma_start3A_635 : memref<1x1x128xi32, #tpu.memory_space<vmem>> -> memref<128xi32, #tpu.memory_space<vmem>>
      %dma_start3A_637 = arith.constant 0 : i32
      %dma_start3A_638 = tpu.memref_slice %arg13[%dma_start3A_637] : memref<10240xf32, #tpu.memory_space<vmem_shared>> -> memref<10240xf32, #tpu.memory_space<vmem_shared>>
      tpu.enqueue_indirect_dma source(%arg10 : memref<128xf32, #tpu.memory_space<vmem>>) target(%dma_start3A_638 : memref<10240xf32, #tpu.memory_space<vmem_shared>>) offsets(%dma_start3A_636 : memref<128xi32, #tpu.memory_space<vmem>>) semaphore(%arg17 : memref<!tpu.dma_semaphore, #tpu.memory_space<semaphore_mem>>) {add = true}
      %dma_wait3A_639 = arith.constant 1 : i32
      %dma_wait3A_640 = arith.constant 0 : i32
      %dma_wait3A_641 = arith.constant 0 : i32
      %dma_wait3A_642 = tpu.memref_slice %arg9[%dma_wait3A_639, %dma_wait3A_640, %dma_wait3A_641] : memref<2x128x128xf32, #tpu.memory_space<vmem>> -> memref<1x128x128xf32, #tpu.memory_space<vmem>>
      %dma_wait3A_643 = tpu.memref_squeeze %dma_wait3A_642 : memref<1x128x128xf32, #tpu.memory_space<vmem>> -> memref<128x128xf32, #tpu.memory_space<vmem>>
      %dma_wait3A_644 = arith.constant 0 : i32
      %dma_wait3A_645 = arith.constant 0 : i32
      %dma_wait3A_646 = tpu.memref_slice %arg12[%dma_wait3A_644, %dma_wait3A_645] : memref<10240x128xf32, #tpu.memory_space<vmem_shared>> -> memref<128x128xf32, #tpu.memory_space<vmem_shared>>
      %dma_wait3A_647 = arith.constant 0 : i32
      %dma_wait3A_648 = arith.constant 0 : i32
      %dma_wait3A_649 = tpu.memref_slice %arg12[%dma_wait3A_647, %dma_wait3A_648] : memref<10240x128xf32, #tpu.memory_space<vmem_shared>> -> memref<128x128xf32, #tpu.memory_space<vmem_shared>>
      %dma_wait3A_650 = arith.constant 0 : i32
      %dma_wait3A_651 = arith.constant 0 : i32
      %dma_wait3A_652 = tpu.memref_slice %arg9[%dma_wait3A_639, %dma_wait3A_650, %dma_wait3A_651] : memref<2x128x128xf32, #tpu.memory_space<vmem>> -> memref<1x128x128xf32, #tpu.memory_space<vmem>>
      %dma_wait3A_653 = tpu.memref_squeeze %dma_wait3A_652 : memref<1x128x128xf32, #tpu.memory_space<vmem>> -> memref<128x128xf32, #tpu.memory_space<vmem>>
      tpu.wait_dma2 semaphore(%arg17 : memref<!tpu.dma_semaphore, #tpu.memory_space<semaphore_mem>>) src(%dma_wait3A_653 : memref<128x128xf32, #tpu.memory_space<vmem>>) dst(%dma_wait3A_649 : memref<128x128xf32, #tpu.memory_space<vmem_shared>>)
      %dma_wait3A_654 = arith.constant 0 : i32
      %dma_wait3A_655 = tpu.memref_slice %arg13[%dma_wait3A_654] : memref<10240xf32, #tpu.memory_space<vmem_shared>> -> memref<128xf32, #tpu.memory_space<vmem_shared>>
      %dma_wait3A_656 = arith.constant 0 : i32
      %dma_wait3A_657 = tpu.memref_slice %arg13[%dma_wait3A_656] : memref<10240xf32, #tpu.memory_space<vmem_shared>> -> memref<128xf32, #tpu.memory_space<vmem_shared>>
      tpu.wait_dma2 semaphore(%arg17 : memref<!tpu.dma_semaphore, #tpu.memory_space<semaphore_mem>>) src(%arg10 : memref<128xf32, #tpu.memory_space<vmem>>) dst(%dma_wait3A_657 : memref<128xf32, #tpu.memory_space<vmem_shared>>)
      %not3A_658 = arith.constant true
      %not3A_659 = arith.xori %ge3A, %not3A_658 : i1
      %convert_element_type3A_660 = arith.extui %not3A_659 : i1 to i32
      %cond3A_661 = arith.constant 0 : i32
      %cond3A_662 = arith.cmpi ne, %convert_element_type3A_660, %cond3A_661 : i32
      scf.if %cond3A_662 {
        %sub3A = arith.constant 1 : i32
        %sub3A_663 = arith.subi %sub3A, %rem3A_160 : i32
        %multiple_of3A_664 = arith.constant 128 : i32
        %multiple_of3A_665 = tpu.assume_multiple %multiple_of3A_664, 128 : i32
        %dma_start3A_666 = arith.constant 1 : i32
        %dma_start3A_667 = arith.constant 0 : i32
        %dma_start3A_668 = arith.constant 0 : i32
        %dma_start3A_669 = tpu.memref_slice %arg9[%dma_start3A_666, %dma_start3A_667, %dma_start3A_668] : memref<2x128x128xf32, #tpu.memory_space<vmem>> -> memref<1x128x128xf32, #tpu.memory_space<vmem>>
        %dma_start3A_670 = tpu.memref_squeeze %dma_start3A_669 : memref<1x128x128xf32, #tpu.memory_space<vmem>> -> memref<128x128xf32, #tpu.memory_space<vmem>>
        %dma_start3A_671 = tpu.memref_slice %arg7[%sub3A_663, %multiple_of3A_665] : memref<2x1024xi32, #tpu.memory_space<vmem>> -> memref<1x128xi32, #tpu.memory_space<vmem>>
        %dma_start3A_672 = tpu.memref_squeeze %dma_start3A_671 : memref<1x128xi32, #tpu.memory_space<vmem>> -> memref<128xi32, #tpu.memory_space<vmem>>
        %dma_start3A_673 = arith.constant 0 : i32
        %dma_start3A_674 = arith.constant 0 : i32
        %dma_start3A_675 = tpu.memref_slice %arg2[%dma_start3A_673, %dma_start3A_674] : memref<10000x128xf32, #tpu.memory_space<hbm>> -> memref<10000x128xf32, #tpu.memory_space<hbm>>
        tpu.enqueue_indirect_dma source(%dma_start3A_675 : memref<10000x128xf32, #tpu.memory_space<hbm>>) target(%dma_start3A_670 : memref<128x128xf32, #tpu.memory_space<vmem>>) offsets(%dma_start3A_672 : memref<128xi32, #tpu.memory_space<vmem>>) semaphore(%arg15 : memref<!tpu.dma_semaphore, #tpu.memory_space<semaphore_mem>>)
      } else {
      }
    }
    %while3A_145 = arith.constant 1 : i32
    scf.for %while3A_159 = %while3A_143 to %while3A_139 step %while3A_145  : i32 {
      %rem3A = arith.constant 2 : i32
      %rem3A_160 = arith.remsi %while3A_159, %rem3A : i32
      %add3A_161 = arith.constant 1 : i32
      %add3A_162 = arith.addi %while3A_159, %add3A_161 : i32
      %ge3A = arith.cmpi sge, %add3A_162, %select_n3A : i32
      %dma_wait3A_163 = arith.constant 0 : i32
      %dma_wait3A_164 = arith.constant 0 : i32
      %dma_wait3A_165 = arith.constant 0 : i32
      %dma_wait3A_166 = tpu.memref_slice %arg9[%dma_wait3A_163, %dma_wait3A_164, %dma_wait3A_165] : memref<2x128x128xf32, #tpu.memory_space<vmem>> -> memref<1x128x128xf32, #tpu.memory_space<vmem>>
      %dma_wait3A_167 = tpu.memref_squeeze %dma_wait3A_166 : memref<1x128x128xf32, #tpu.memory_space<vmem>> -> memref<128x128xf32, #tpu.memory_space<vmem>>
      %dma_wait3A_168 = arith.constant 0 : i32
      %dma_wait3A_169 = arith.constant 0 : i32
      %dma_wait3A_170 = tpu.memref_slice %arg2[%dma_wait3A_168, %dma_wait3A_169] : memref<10000x128xf32, #tpu.memory_space<hbm>> -> memref<128x128xf32, #tpu.memory_space<hbm>>
      %dma_wait3A_171 = arith.constant 0 : i32
      %dma_wait3A_172 = arith.constant 0 : i32
      %dma_wait3A_173 = tpu.memref_slice %arg9[%dma_wait3A_163, %dma_wait3A_171, %dma_wait3A_172] : memref<2x128x128xf32, #tpu.memory_space<vmem>> -> memref<1x128x128xf32, #tpu.memory_space<vmem>>
      %dma_wait3A_174 = tpu.memref_squeeze %dma_wait3A_173 : memref<1x128x128xf32, #tpu.memory_space<vmem>> -> memref<128x128xf32, #tpu.memory_space<vmem>>
      %dma_wait3A_175 = arith.constant 0 : i32
      %dma_wait3A_176 = arith.constant 0 : i32
      %dma_wait3A_177 = tpu.memref_slice %arg2[%dma_wait3A_175, %dma_wait3A_176] : memref<10000x128xf32, #tpu.memory_space<hbm>> -> memref<128x128xf32, #tpu.memory_space<hbm>>
      tpu.wait_dma2 semaphore(%arg14 : memref<!tpu.dma_semaphore, #tpu.memory_space<semaphore_mem>>) src(%dma_wait3A_177 : memref<128x128xf32, #tpu.memory_space<hbm>>) dst(%dma_wait3A_174 : memref<128x128xf32, #tpu.memory_space<vmem>>)
      %dma_start3A_178 = arith.constant 0 : i32
      %dma_start3A_179 = arith.constant 0 : i32
      %dma_start3A_180 = arith.constant 0 : i32
      %dma_start3A_181 = arith.constant 0 : i32
      %dma_start3A_182 = tpu.memref_slice %arg9[%dma_start3A_178, %dma_start3A_180, %dma_start3A_181] : memref<2x128x128xf32, #tpu.memory_space<vmem>> -> memref<1x128x128xf32, #tpu.memory_space<vmem>>
      %dma_start3A_183 = tpu.memref_squeeze %dma_start3A_182 : memref<1x128x128xf32, #tpu.memory_space<vmem>> -> memref<128x128xf32, #tpu.memory_space<vmem>>
      %dma_start3A_184 = arith.constant 0 : i32
      %dma_start3A_185 = tpu.memref_slice %arg8[%rem3A_160, %dma_start3A_179, %dma_start3A_184] : memref<2x8x128xi32, #tpu.memory_space<vmem>> -> memref<1x1x128xi32, #tpu.memory_space<vmem>>
      %dma_start3A_186 = tpu.memref_squeeze %dma_start3A_185 : memref<1x1x128xi32, #tpu.memory_space<vmem>> -> memref<128xi32, #tpu.memory_space<vmem>>
      %dma_start3A_187 = arith.constant 0 : i32
      %dma_start3A_188 = arith.constant 0 : i32
      %dma_start3A_189 = tpu.memref_slice %arg12[%dma_start3A_187, %dma_start3A_188] : memref<10240x128xf32, #tpu.memory_space<vmem_shared>> -> memref<10240x128xf32, #tpu.memory_space<vmem_shared>>
      tpu.enqueue_indirect_dma source(%dma_start3A_183 : memref<128x128xf32, #tpu.memory_space<vmem>>) target(%dma_start3A_189 : memref<10240x128xf32, #tpu.memory_space<vmem_shared>>) offsets(%dma_start3A_186 : memref<128xi32, #tpu.memory_space<vmem>>) semaphore(%arg16 : memref<!tpu.dma_semaphore, #tpu.memory_space<semaphore_mem>>) {add = true}
      %dma_start3A_190 = arith.constant 0 : i32
      %dma_start3A_191 = arith.constant 0 : i32
      %dma_start3A_192 = tpu.memref_slice %arg8[%rem3A_160, %dma_start3A_190, %dma_start3A_191] : memref<2x8x128xi32, #tpu.memory_space<vmem>> -> memref<1x1x128xi32, #tpu.memory_space<vmem>>
      %dma_start3A_193 = tpu.memref_squeeze %dma_start3A_192 : memref<1x1x128xi32, #tpu.memory_space<vmem>> -> memref<128xi32, #tpu.memory_space<vmem>>
      %dma_start3A_194 = arith.constant 0 : i32
      %dma_start3A_195 = tpu.memref_slice %arg13[%dma_start3A_194] : memref<10240xf32, #tpu.memory_space<vmem_shared>> -> memref<10240xf32, #tpu.memory_space<vmem_shared>>
      tpu.enqueue_indirect_dma source(%arg10 : memref<128xf32, #tpu.memory_space<vmem>>) target(%dma_start3A_195 : memref<10240xf32, #tpu.memory_space<vmem_shared>>) offsets(%dma_start3A_193 : memref<128xi32, #tpu.memory_space<vmem>>) semaphore(%arg16 : memref<!tpu.dma_semaphore, #tpu.memory_space<semaphore_mem>>) {add = true}
      %dma_wait3A_196 = arith.constant 0 : i32
      %dma_wait3A_197 = arith.constant 0 : i32
      %dma_wait3A_198 = arith.constant 0 : i32
      %dma_wait3A_199 = tpu.memref_slice %arg9[%dma_wait3A_196, %dma_wait3A_197, %dma_wait3A_198] : memref<2x128x128xf32, #tpu.memory_space<vmem>> -> memref<1x128x128xf32, #tpu.memory_space<vmem>>
      %dma_wait3A_200 = tpu.memref_squeeze %dma_wait3A_199 : memref<1x128x128xf32, #tpu.memory_space<vmem>> -> memref<128x128xf32, #tpu.memory_space<vmem>>
      %dma_wait3A_201 = arith.constant 0 : i32
      %dma_wait3A_202 = arith.constant 0 : i32
      %dma_wait3A_203 = tpu.memref_slice %arg12[%dma_wait3A_201, %dma_wait3A_202] : memref<10240x128xf32, #tpu.memory_space<vmem_shared>> -> memref<128x128xf32, #tpu.memory_space<vmem_shared>>
      %dma_wait3A_204 = arith.constant 0 : i32
      %dma_wait3A_205 = arith.constant 0 : i32
      %dma_wait3A_206 = tpu.memref_slice %arg12[%dma_wait3A_204, %dma_wait3A_205] : memref<10240x128xf32, #tpu.memory_space<vmem_shared>> -> memref<128x128xf32, #tpu.memory_space<vmem_shared>>
      %dma_wait3A_207 = arith.constant 0 : i32
      %dma_wait3A_208 = arith.constant 0 : i32
      %dma_wait3A_209 = tpu.memref_slice %arg9[%dma_wait3A_196, %dma_wait3A_207, %dma_wait3A_208] : memref<2x128x128xf32, #tpu.memory_space<vmem>> -> memref<1x128x128xf32, #tpu.memory_space<vmem>>
      %dma_wait3A_210 = tpu.memref_squeeze %dma_wait3A_209 : memref<1x128x128xf32, #tpu.memory_space<vmem>> -> memref<128x128xf32, #tpu.memory_space<vmem>>
      tpu.wait_dma2 semaphore(%arg16 : memref<!tpu.dma_semaphore, #tpu.memory_space<semaphore_mem>>) src(%dma_wait3A_210 : memref<128x128xf32, #tpu.memory_space<vmem>>) dst(%dma_wait3A_206 : memref<128x128xf32, #tpu.memory_space<vmem_shared>>)
      %dma_wait3A_211 = arith.constant 0 : i32
      %dma_wait3A_212 = tpu.memref_slice %arg13[%dma_wait3A_211] : memref<10240xf32, #tpu.memory_space<vmem_shared>> -> memref<128xf32, #tpu.memory_space<vmem_shared>>
      %dma_wait3A_213 = arith.constant 0 : i32
      %dma_wait3A_214 = tpu.memref_slice %arg13[%dma_wait3A_213] : memref<10240xf32, #tpu.memory_space<vmem_shared>> -> memref<128xf32, #tpu.memory_space<vmem_shared>>
      tpu.wait_dma2 semaphore(%arg16 : memref<!tpu.dma_semaphore, #tpu.memory_space<semaphore_mem>>) src(%arg10 : memref<128xf32, #tpu.memory_space<vmem>>) dst(%dma_wait3A_214 : memref<128xf32, #tpu.memory_space<vmem_shared>>)
      %not3A = arith.constant true
      %not3A_215 = arith.xori %ge3A, %not3A : i1
      %convert_element_type3A = arith.extui %not3A_215 : i1 to i32
      %cond3A = arith.constant 0 : i32
      %cond3A_216 = arith.cmpi ne, %convert_element_type3A, %cond3A : i32
      scf.if %cond3A_216 {
        %add3A_663 = arith.constant 1 : i32
        %add3A_664 = arith.addi %while3A_159, %add3A_663 : i32
        %sub3A = arith.constant 1 : i32
        %sub3A_665 = arith.subi %sub3A, %rem3A_160 : i32
        %add3A_666 = arith.addi %select_n3A_14, %add3A_664 : i32
        %mul3A_667 = arith.constant 8 : i32
        %mul3A_668 = arith.muli %add3A_666, %mul3A_667 : i32
        %multiple_of3A_669 = tpu.assume_multiple %mul3A_668, 8 : i32
        %mul3A_670 = arith.constant 128 : i32
        %mul3A_671 = arith.muli %multiple_of3A_669, %mul3A_670 : i32
        %multiple_of3A_672 = tpu.assume_multiple %mul3A_671, 128 : i32
        %dma_start3A_673 = arith.constant 0 : i32
        %dma_start3A_674 = tpu.memref_slice %arg7[%sub3A_665, %dma_start3A_673] : memref<2x1024xi32, #tpu.memory_space<vmem>> -> memref<1x1024xi32, #tpu.memory_space<vmem>>
        %dma_start3A_675 = tpu.memref_squeeze %dma_start3A_674 : memref<1x1024xi32, #tpu.memory_space<vmem>> -> memref<1024xi32, #tpu.memory_space<vmem>>
        %dma_start3A_676 = tpu.memref_slice %arg3[%multiple_of3A_672] : memref<327680xi32, #tpu.memory_space<hbm>> -> memref<1024xi32, #tpu.memory_space<hbm>>
        %dma_start3A_677 = arith.constant 0 : i32
        %dma_start3A_678 = tpu.memref_slice %arg7[%sub3A_665, %dma_start3A_677] : memref<2x1024xi32, #tpu.memory_space<vmem>> -> memref<1x1024xi32, #tpu.memory_space<vmem>>
        %dma_start3A_679 = tpu.memref_squeeze %dma_start3A_678 : memref<1x1024xi32, #tpu.memory_space<vmem>> -> memref<1024xi32, #tpu.memory_space<vmem>>
        %dma_start3A_680 = tpu.memref_slice %arg3[%multiple_of3A_672] : memref<327680xi32, #tpu.memory_space<hbm>> -> memref<1024xi32, #tpu.memory_space<hbm>>
        tpu.enqueue_dma source(%dma_start3A_680 : memref<1024xi32, #tpu.memory_space<hbm>>) target(%dma_start3A_679 : memref<1024xi32, #tpu.memory_space<vmem>>) target_semaphore(%arg18 : memref<!tpu.dma_semaphore, #tpu.memory_space<semaphore_mem>>)
        %dma_start3A_681 = arith.constant 0 : i32
        %dma_start3A_682 = arith.constant 0 : i32
        %dma_start3A_683 = tpu.memref_slice %arg8[%sub3A_665, %dma_start3A_681, %dma_start3A_682] : memref<2x8x128xi32, #tpu.memory_space<vmem>> -> memref<1x8x128xi32, #tpu.memory_space<vmem>>
        %dma_start3A_684 = tpu.memref_squeeze %dma_start3A_683 : memref<1x8x128xi32, #tpu.memory_space<vmem>> -> memref<8x128xi32, #tpu.memory_space<vmem>>
        %dma_start3A_685 = arith.constant 0 : i32
        %dma_start3A_686 = tpu.memref_slice %arg4[%multiple_of3A_669, %dma_start3A_685] : memref<2560x128xi32, #tpu.memory_space<hbm>> -> memref<8x128xi32, #tpu.memory_space<hbm>>
        %dma_start3A_687 = arith.constant 0 : i32
        %dma_start3A_688 = arith.constant 0 : i32
        %dma_start3A_689 = tpu.memref_slice %arg8[%sub3A_665, %dma_start3A_687, %dma_start3A_688] : memref<2x8x128xi32, #tpu.memory_space<vmem>> -> memref<1x8x128xi32, #tpu.memory_space<vmem>>
        %dma_start3A_690 = tpu.memref_squeeze %dma_start3A_689 : memref<1x8x128xi32, #tpu.memory_space<vmem>> -> memref<8x128xi32, #tpu.memory_space<vmem>>
        %dma_start3A_691 = arith.constant 0 : i32
        %dma_start3A_692 = tpu.memref_slice %arg4[%multiple_of3A_669, %dma_start3A_691] : memref<2560x128xi32, #tpu.memory_space<hbm>> -> memref<8x128xi32, #tpu.memory_space<hbm>>
        tpu.enqueue_dma source(%dma_start3A_692 : memref<8x128xi32, #tpu.memory_space<hbm>>) target(%dma_start3A_690 : memref<8x128xi32, #tpu.memory_space<vmem>>) target_semaphore(%arg18 : memref<!tpu.dma_semaphore, #tpu.memory_space<semaphore_mem>>)
      } else {
      }
      %multiple_of3A_217 = arith.constant 256 : i32
      %multiple_of3A_218 = tpu.assume_multiple %multiple_of3A_217, 128 : i32
      %dma_start3A_219 = arith.constant 0 : i32
      %dma_start3A_220 = arith.constant 0 : i32
      %dma_start3A_221 = arith.constant 0 : i32
      %dma_start3A_222 = tpu.memref_slice %arg9[%dma_start3A_219, %dma_start3A_220, %dma_start3A_221] : memref<2x128x128xf32, #tpu.memory_space<vmem>> -> memref<1x128x128xf32, #tpu.memory_space<vmem>>
      %dma_start3A_223 = tpu.memref_squeeze %dma_start3A_222 : memref<1x128x128xf32, #tpu.memory_space<vmem>> -> memref<128x128xf32, #tpu.memory_space<vmem>>
      %dma_start3A_224 = tpu.memref_slice %arg7[%rem3A_160, %multiple_of3A_218] : memref<2x1024xi32, #tpu.memory_space<vmem>> -> memref<1x128xi32, #tpu.memory_space<vmem>>
      %dma_start3A_225 = tpu.memref_squeeze %dma_start3A_224 : memref<1x128xi32, #tpu.memory_space<vmem>> -> memref<128xi32, #tpu.memory_space<vmem>>
      %dma_start3A_226 = arith.constant 0 : i32
      %dma_start3A_227 = arith.constant 0 : i32
      %dma_start3A_228 = tpu.memref_slice %arg2[%dma_start3A_226, %dma_start3A_227] : memref<10000x128xf32, #tpu.memory_space<hbm>> -> memref<10000x128xf32, #tpu.memory_space<hbm>>
      tpu.enqueue_indirect_dma source(%dma_start3A_228 : memref<10000x128xf32, #tpu.memory_space<hbm>>) target(%dma_start3A_223 : memref<128x128xf32, #tpu.memory_space<vmem>>) offsets(%dma_start3A_225 : memref<128xi32, #tpu.memory_space<vmem>>) semaphore(%arg14 : memref<!tpu.dma_semaphore, #tpu.memory_space<semaphore_mem>>)
      %dma_wait3A_229 = arith.constant 1 : i32
      %dma_wait3A_230 = arith.constant 0 : i32
      %dma_wait3A_231 = arith.constant 0 : i32
      %dma_wait3A_232 = tpu.memref_slice %arg9[%dma_wait3A_229, %dma_wait3A_230, %dma_wait3A_231] : memref<2x128x128xf32, #tpu.memory_space<vmem>> -> memref<1x128x128xf32, #tpu.memory_space<vmem>>
      %dma_wait3A_233 = tpu.memref_squeeze %dma_wait3A_232 : memref<1x128x128xf32, #tpu.memory_space<vmem>> -> memref<128x128xf32, #tpu.memory_space<vmem>>
      %dma_wait3A_234 = arith.constant 0 : i32
      %dma_wait3A_235 = arith.constant 0 : i32
      %dma_wait3A_236 = tpu.memref_slice %arg2[%dma_wait3A_234, %dma_wait3A_235] : memref<10000x128xf32, #tpu.memory_space<hbm>> -> memref<128x128xf32, #tpu.memory_space<hbm>>
      %dma_wait3A_237 = arith.constant 0 : i32
      %dma_wait3A_238 = arith.constant 0 : i32
      %dma_wait3A_239 = tpu.memref_slice %arg9[%dma_wait3A_229, %dma_wait3A_237, %dma_wait3A_238] : memref<2x128x128xf32, #tpu.memory_space<vmem>> -> memref<1x128x128xf32, #tpu.memory_space<vmem>>
      %dma_wait3A_240 = tpu.memref_squeeze %dma_wait3A_239 : memref<1x128x128xf32, #tpu.memory_space<vmem>> -> memref<128x128xf32, #tpu.memory_space<vmem>>
      %dma_wait3A_241 = arith.constant 0 : i32
      %dma_wait3A_242 = arith.constant 0 : i32
      %dma_wait3A_243 = tpu.memref_slice %arg2[%dma_wait3A_241, %dma_wait3A_242] : memref<10000x128xf32, #tpu.memory_space<hbm>> -> memref<128x128xf32, #tpu.memory_space<hbm>>
      tpu.wait_dma2 semaphore(%arg15 : memref<!tpu.dma_semaphore, #tpu.memory_space<semaphore_mem>>) src(%dma_wait3A_243 : memref<128x128xf32, #tpu.memory_space<hbm>>) dst(%dma_wait3A_240 : memref<128x128xf32, #tpu.memory_space<vmem>>)
      %dma_start3A_244 = arith.constant 1 : i32
      %dma_start3A_245 = arith.constant 1 : i32
      %dma_start3A_246 = arith.constant 0 : i32
      %dma_start3A_247 = arith.constant 0 : i32
      %dma_start3A_248 = tpu.memref_slice %arg9[%dma_start3A_244, %dma_start3A_246, %dma_start3A_247] : memref<2x128x128xf32, #tpu.memory_space<vmem>> -> memref<1x128x128xf32, #tpu.memory_space<vmem>>
      %dma_start3A_249 = tpu.memref_squeeze %dma_start3A_248 : memref<1x128x128xf32, #tpu.memory_space<vmem>> -> memref<128x128xf32, #tpu.memory_space<vmem>>
      %dma_start3A_250 = arith.constant 0 : i32
      %dma_start3A_251 = tpu.memref_slice %arg8[%rem3A_160, %dma_start3A_245, %dma_start3A_250] : memref<2x8x128xi32, #tpu.memory_space<vmem>> -> memref<1x1x128xi32, #tpu.memory_space<vmem>>
      %dma_start3A_252 = tpu.memref_squeeze %dma_start3A_251 : memref<1x1x128xi32, #tpu.memory_space<vmem>> -> memref<128xi32, #tpu.memory_space<vmem>>
      %dma_start3A_253 = arith.constant 0 : i32
      %dma_start3A_254 = arith.constant 0 : i32
      %dma_start3A_255 = tpu.memref_slice %arg12[%dma_start3A_253, %dma_start3A_254] : memref<10240x128xf32, #tpu.memory_space<vmem_shared>> -> memref<10240x128xf32, #tpu.memory_space<vmem_shared>>
      tpu.enqueue_indirect_dma source(%dma_start3A_249 : memref<128x128xf32, #tpu.memory_space<vmem>>) target(%dma_start3A_255 : memref<10240x128xf32, #tpu.memory_space<vmem_shared>>) offsets(%dma_start3A_252 : memref<128xi32, #tpu.memory_space<vmem>>) semaphore(%arg17 : memref<!tpu.dma_semaphore, #tpu.memory_space<semaphore_mem>>) {add = true}
      %dma_start3A_256 = arith.constant 1 : i32
      %dma_start3A_257 = arith.constant 0 : i32
      %dma_start3A_258 = tpu.memref_slice %arg8[%rem3A_160, %dma_start3A_256, %dma_start3A_257] : memref<2x8x128xi32, #tpu.memory_space<vmem>> -> memref<1x1x128xi32, #tpu.memory_space<vmem>>
      %dma_start3A_259 = tpu.memref_squeeze %dma_start3A_258 : memref<1x1x128xi32, #tpu.memory_space<vmem>> -> memref<128xi32, #tpu.memory_space<vmem>>
      %dma_start3A_260 = arith.constant 0 : i32
      %dma_start3A_261 = tpu.memref_slice %arg13[%dma_start3A_260] : memref<10240xf32, #tpu.memory_space<vmem_shared>> -> memref<10240xf32, #tpu.memory_space<vmem_shared>>
      tpu.enqueue_indirect_dma source(%arg10 : memref<128xf32, #tpu.memory_space<vmem>>) target(%dma_start3A_261 : memref<10240xf32, #tpu.memory_space<vmem_shared>>) offsets(%dma_start3A_259 : memref<128xi32, #tpu.memory_space<vmem>>) semaphore(%arg17 : memref<!tpu.dma_semaphore, #tpu.memory_space<semaphore_mem>>) {add = true}
      %dma_wait3A_262 = arith.constant 1 : i32
      %dma_wait3A_263 = arith.constant 0 : i32
      %dma_wait3A_264 = arith.constant 0 : i32
      %dma_wait3A_265 = tpu.memref_slice %arg9[%dma_wait3A_262, %dma_wait3A_263, %dma_wait3A_264] : memref<2x128x128xf32, #tpu.memory_space<vmem>> -> memref<1x128x128xf32, #tpu.memory_space<vmem>>
      %dma_wait3A_266 = tpu.memref_squeeze %dma_wait3A_265 : memref<1x128x128xf32, #tpu.memory_space<vmem>> -> memref<128x128xf32, #tpu.memory_space<vmem>>
      %dma_wait3A_267 = arith.constant 0 : i32
      %dma_wait3A_268 = arith.constant 0 : i32
      %dma_wait3A_269 = tpu.memref_slice %arg12[%dma_wait3A_267, %dma_wait3A_268] : memref<10240x128xf32, #tpu.memory_space<vmem_shared>> -> memref<128x128xf32, #tpu.memory_space<vmem_shared>>
      %dma_wait3A_270 = arith.constant 0 : i32
      %dma_wait3A_271 = arith.constant 0 : i32
      %dma_wait3A_272 = tpu.memref_slice %arg12[%dma_wait3A_270, %dma_wait3A_271] : memref<10240x128xf32, #tpu.memory_space<vmem_shared>> -> memref<128x128xf32, #tpu.memory_space<vmem_shared>>
      %dma_wait3A_273 = arith.constant 0 : i32
      %dma_wait3A_274 = arith.constant 0 : i32
      %dma_wait3A_275 = tpu.memref_slice %arg9[%dma_wait3A_262, %dma_wait3A_273, %dma_wait3A_274] : memref<2x128x128xf32, #tpu.memory_space<vmem>> -> memref<1x128x128xf32, #tpu.memory_space<vmem>>
      %dma_wait3A_276 = tpu.memref_squeeze %dma_wait3A_275 : memref<1x128x128xf32, #tpu.memory_space<vmem>> -> memref<128x128xf32, #tpu.memory_space<vmem>>
      tpu.wait_dma2 semaphore(%arg17 : memref<!tpu.dma_semaphore, #tpu.memory_space<semaphore_mem>>) src(%dma_wait3A_276 : memref<128x128xf32, #tpu.memory_space<vmem>>) dst(%dma_wait3A_272 : memref<128x128xf32, #tpu.memory_space<vmem_shared>>)
      %dma_wait3A_277 = arith.constant 0 : i32
      %dma_wait3A_278 = tpu.memref_slice %arg13[%dma_wait3A_277] : memref<10240xf32, #tpu.memory_space<vmem_shared>> -> memref<128xf32, #tpu.memory_space<vmem_shared>>
      %dma_wait3A_279 = arith.constant 0 : i32
      %dma_wait3A_280 = tpu.memref_slice %arg13[%dma_wait3A_279] : memref<10240xf32, #tpu.memory_space<vmem_shared>> -> memref<128xf32, #tpu.memory_space<vmem_shared>>
      tpu.wait_dma2 semaphore(%arg17 : memref<!tpu.dma_semaphore, #tpu.memory_space<semaphore_mem>>) src(%arg10 : memref<128xf32, #tpu.memory_space<vmem>>) dst(%dma_wait3A_280 : memref<128xf32, #tpu.memory_space<vmem_shared>>)
      %multiple_of3A_281 = arith.constant 384 : i32
      %multiple_of3A_282 = tpu.assume_multiple %multiple_of3A_281, 128 : i32
      %dma_start3A_283 = arith.constant 1 : i32
      %dma_start3A_284 = arith.constant 0 : i32
      %dma_start3A_285 = arith.constant 0 : i32
      %dma_start3A_286 = tpu.memref_slice %arg9[%dma_start3A_283, %dma_start3A_284, %dma_start3A_285] : memref<2x128x128xf32, #tpu.memory_space<vmem>> -> memref<1x128x128xf32, #tpu.memory_space<vmem>>
      %dma_start3A_287 = tpu.memref_squeeze %dma_start3A_286 : memref<1x128x128xf32, #tpu.memory_space<vmem>> -> memref<128x128xf32, #tpu.memory_space<vmem>>
      %dma_start3A_288 = tpu.memref_slice %arg7[%rem3A_160, %multiple_of3A_282] : memref<2x1024xi32, #tpu.memory_space<vmem>> -> memref<1x128xi32, #tpu.memory_space<vmem>>
      %dma_start3A_289 = tpu.memref_squeeze %dma_start3A_288 : memref<1x128xi32, #tpu.memory_space<vmem>> -> memref<128xi32, #tpu.memory_space<vmem>>
      %dma_start3A_290 = arith.constant 0 : i32
      %dma_start3A_291 = arith.constant 0 : i32
      %dma_start3A_292 = tpu.memref_slice %arg2[%dma_start3A_290, %dma_start3A_291] : memref<10000x128xf32, #tpu.memory_space<hbm>> -> memref<10000x128xf32, #tpu.memory_space<hbm>>
      tpu.enqueue_indirect_dma source(%dma_start3A_292 : memref<10000x128xf32, #tpu.memory_space<hbm>>) target(%dma_start3A_287 : memref<128x128xf32, #tpu.memory_space<vmem>>) offsets(%dma_start3A_289 : memref<128xi32, #tpu.memory_space<vmem>>) semaphore(%arg15 : memref<!tpu.dma_semaphore, #tpu.memory_space<semaphore_mem>>)
      %dma_wait3A_293 = arith.constant 0 : i32
      %dma_wait3A_294 = arith.constant 0 : i32
      %dma_wait3A_295 = arith.constant 0 : i32
      %dma_wait3A_296 = tpu.memref_slice %arg9[%dma_wait3A_293, %dma_wait3A_294, %dma_wait3A_295] : memref<2x128x128xf32, #tpu.memory_space<vmem>> -> memref<1x128x128xf32, #tpu.memory_space<vmem>>
      %dma_wait3A_297 = tpu.memref_squeeze %dma_wait3A_296 : memref<1x128x128xf32, #tpu.memory_space<vmem>> -> memref<128x128xf32, #tpu.memory_space<vmem>>
      %dma_wait3A_298 = arith.constant 0 : i32
      %dma_wait3A_299 = arith.constant 0 : i32
      %dma_wait3A_300 = tpu.memref_slice %arg2[%dma_wait3A_298, %dma_wait3A_299] : memref<10000x128xf32, #tpu.memory_space<hbm>> -> memref<128x128xf32, #tpu.memory_space<hbm>>
      %dma_wait3A_301 = arith.constant 0 : i32
      %dma_wait3A_302 = arith.constant 0 : i32
      %dma_wait3A_303 = tpu.memref_slice %arg9[%dma_wait3A_293, %dma_wait3A_301, %dma_wait3A_302] : memref<2x128x128xf32, #tpu.memory_space<vmem>> -> memref<1x128x128xf32, #tpu.memory_space<vmem>>
      %dma_wait3A_304 = tpu.memref_squeeze %dma_wait3A_303 : memref<1x128x128xf32, #tpu.memory_space<vmem>> -> memref<128x128xf32, #tpu.memory_space<vmem>>
      %dma_wait3A_305 = arith.constant 0 : i32
      %dma_wait3A_306 = arith.constant 0 : i32
      %dma_wait3A_307 = tpu.memref_slice %arg2[%dma_wait3A_305, %dma_wait3A_306] : memref<10000x128xf32, #tpu.memory_space<hbm>> -> memref<128x128xf32, #tpu.memory_space<hbm>>
      tpu.wait_dma2 semaphore(%arg14 : memref<!tpu.dma_semaphore, #tpu.memory_space<semaphore_mem>>) src(%dma_wait3A_307 : memref<128x128xf32, #tpu.memory_space<hbm>>) dst(%dma_wait3A_304 : memref<128x128xf32, #tpu.memory_space<vmem>>)
      %dma_start3A_308 = arith.constant 0 : i32
      %dma_start3A_309 = arith.constant 2 : i32
      %dma_start3A_310 = arith.constant 0 : i32
      %dma_start3A_311 = arith.constant 0 : i32
      %dma_start3A_312 = tpu.memref_slice %arg9[%dma_start3A_308, %dma_start3A_310, %dma_start3A_311] : memref<2x128x128xf32, #tpu.memory_space<vmem>> -> memref<1x128x128xf32, #tpu.memory_space<vmem>>
      %dma_start3A_313 = tpu.memref_squeeze %dma_start3A_312 : memref<1x128x128xf32, #tpu.memory_space<vmem>> -> memref<128x128xf32, #tpu.memory_space<vmem>>
      %dma_start3A_314 = arith.constant 0 : i32
      %dma_start3A_315 = tpu.memref_slice %arg8[%rem3A_160, %dma_start3A_309, %dma_start3A_314] : memref<2x8x128xi32, #tpu.memory_space<vmem>> -> memref<1x1x128xi32, #tpu.memory_space<vmem>>
      %dma_start3A_316 = tpu.memref_squeeze %dma_start3A_315 : memref<1x1x128xi32, #tpu.memory_space<vmem>> -> memref<128xi32, #tpu.memory_space<vmem>>
      %dma_start3A_317 = arith.constant 0 : i32
      %dma_start3A_318 = arith.constant 0 : i32
      %dma_start3A_319 = tpu.memref_slice %arg12[%dma_start3A_317, %dma_start3A_318] : memref<10240x128xf32, #tpu.memory_space<vmem_shared>> -> memref<10240x128xf32, #tpu.memory_space<vmem_shared>>
      tpu.enqueue_indirect_dma source(%dma_start3A_313 : memref<128x128xf32, #tpu.memory_space<vmem>>) target(%dma_start3A_319 : memref<10240x128xf32, #tpu.memory_space<vmem_shared>>) offsets(%dma_start3A_316 : memref<128xi32, #tpu.memory_space<vmem>>) semaphore(%arg16 : memref<!tpu.dma_semaphore, #tpu.memory_space<semaphore_mem>>) {add = true}
      %dma_start3A_320 = arith.constant 2 : i32
      %dma_start3A_321 = arith.constant 0 : i32
      %dma_start3A_322 = tpu.memref_slice %arg8[%rem3A_160, %dma_start3A_320, %dma_start3A_321] : memref<2x8x128xi32, #tpu.memory_space<vmem>> -> memref<1x1x128xi32, #tpu.memory_space<vmem>>
      %dma_start3A_323 = tpu.memref_squeeze %dma_start3A_322 : memref<1x1x128xi32, #tpu.memory_space<vmem>> -> memref<128xi32, #tpu.memory_space<vmem>>
      %dma_start3A_324 = arith.constant 0 : i32
      %dma_start3A_325 = tpu.memref_slice %arg13[%dma_start3A_324] : memref<10240xf32, #tpu.memory_space<vmem_shared>> -> memref<10240xf32, #tpu.memory_space<vmem_shared>>
      tpu.enqueue_indirect_dma source(%arg10 : memref<128xf32, #tpu.memory_space<vmem>>) target(%dma_start3A_325 : memref<10240xf32, #tpu.memory_space<vmem_shared>>) offsets(%dma_start3A_323 : memref<128xi32, #tpu.memory_space<vmem>>) semaphore(%arg16 : memref<!tpu.dma_semaphore, #tpu.memory_space<semaphore_mem>>) {add = true}
      %dma_wait3A_326 = arith.constant 0 : i32
      %dma_wait3A_327 = arith.constant 0 : i32
      %dma_wait3A_328 = arith.constant 0 : i32
      %dma_wait3A_329 = tpu.memref_slice %arg9[%dma_wait3A_326, %dma_wait3A_327, %dma_wait3A_328] : memref<2x128x128xf32, #tpu.memory_space<vmem>> -> memref<1x128x128xf32, #tpu.memory_space<vmem>>
      %dma_wait3A_330 = tpu.memref_squeeze %dma_wait3A_329 : memref<1x128x128xf32, #tpu.memory_space<vmem>> -> memref<128x128xf32, #tpu.memory_space<vmem>>
      %dma_wait3A_331 = arith.constant 0 : i32
      %dma_wait3A_332 = arith.constant 0 : i32
      %dma_wait3A_333 = tpu.memref_slice %arg12[%dma_wait3A_331, %dma_wait3A_332] : memref<10240x128xf32, #tpu.memory_space<vmem_shared>> -> memref<128x128xf32, #tpu.memory_space<vmem_shared>>
      %dma_wait3A_334 = arith.constant 0 : i32
      %dma_wait3A_335 = arith.constant 0 : i32
      %dma_wait3A_336 = tpu.memref_slice %arg12[%dma_wait3A_334, %dma_wait3A_335] : memref<10240x128xf32, #tpu.memory_space<vmem_shared>> -> memref<128x128xf32, #tpu.memory_space<vmem_shared>>
      %dma_wait3A_337 = arith.constant 0 : i32
      %dma_wait3A_338 = arith.constant 0 : i32
      %dma_wait3A_339 = tpu.memref_slice %arg9[%dma_wait3A_326, %dma_wait3A_337, %dma_wait3A_338] : memref<2x128x128xf32, #tpu.memory_space<vmem>> -> memref<1x128x128xf32, #tpu.memory_space<vmem>>
      %dma_wait3A_340 = tpu.memref_squeeze %dma_wait3A_339 : memref<1x128x128xf32, #tpu.memory_space<vmem>> -> memref<128x128xf32, #tpu.memory_space<vmem>>
      tpu.wait_dma2 semaphore(%arg16 : memref<!tpu.dma_semaphore, #tpu.memory_space<semaphore_mem>>) src(%dma_wait3A_340 : memref<128x128xf32, #tpu.memory_space<vmem>>) dst(%dma_wait3A_336 : memref<128x128xf32, #tpu.memory_space<vmem_shared>>)
      %dma_wait3A_341 = arith.constant 0 : i32
      %dma_wait3A_342 = tpu.memref_slice %arg13[%dma_wait3A_341] : memref<10240xf32, #tpu.memory_space<vmem_shared>> -> memref<128xf32, #tpu.memory_space<vmem_shared>>
      %dma_wait3A_343 = arith.constant 0 : i32
      %dma_wait3A_344 = tpu.memref_slice %arg13[%dma_wait3A_343] : memref<10240xf32, #tpu.memory_space<vmem_shared>> -> memref<128xf32, #tpu.memory_space<vmem_shared>>
      tpu.wait_dma2 semaphore(%arg16 : memref<!tpu.dma_semaphore, #tpu.memory_space<semaphore_mem>>) src(%arg10 : memref<128xf32, #tpu.memory_space<vmem>>) dst(%dma_wait3A_344 : memref<128xf32, #tpu.memory_space<vmem_shared>>)
      %multiple_of3A_345 = arith.constant 512 : i32
      %multiple_of3A_346 = tpu.assume_multiple %multiple_of3A_345, 128 : i32
      %dma_start3A_347 = arith.constant 0 : i32
      %dma_start3A_348 = arith.constant 0 : i32
      %dma_start3A_349 = arith.constant 0 : i32
      %dma_start3A_350 = tpu.memref_slice %arg9[%dma_start3A_347, %dma_start3A_348, %dma_start3A_349] : memref<2x128x128xf32, #tpu.memory_space<vmem>> -> memref<1x128x128xf32, #tpu.memory_space<vmem>>
      %dma_start3A_351 = tpu.memref_squeeze %dma_start3A_350 : memref<1x128x128xf32, #tpu.memory_space<vmem>> -> memref<128x128xf32, #tpu.memory_space<vmem>>
      %dma_start3A_352 = tpu.memref_slice %arg7[%rem3A_160, %multiple_of3A_346] : memref<2x1024xi32, #tpu.memory_space<vmem>> -> memref<1x128xi32, #tpu.memory_space<vmem>>
      %dma_start3A_353 = tpu.memref_squeeze %dma_start3A_352 : memref<1x128xi32, #tpu.memory_space<vmem>> -> memref<128xi32, #tpu.memory_space<vmem>>
      %dma_start3A_354 = arith.constant 0 : i32
      %dma_start3A_355 = arith.constant 0 : i32
      %dma_start3A_356 = tpu.memref_slice %arg2[%dma_start3A_354, %dma_start3A_355] : memref<10000x128xf32, #tpu.memory_space<hbm>> -> memref<10000x128xf32, #tpu.memory_space<hbm>>
      tpu.enqueue_indirect_dma source(%dma_start3A_356 : memref<10000x128xf32, #tpu.memory_space<hbm>>) target(%dma_start3A_351 : memref<128x128xf32, #tpu.memory_space<vmem>>) offsets(%dma_start3A_353 : memref<128xi32, #tpu.memory_space<vmem>>) semaphore(%arg14 : memref<!tpu.dma_semaphore, #tpu.memory_space<semaphore_mem>>)
      %dma_wait3A_357 = arith.constant 1 : i32
      %dma_wait3A_358 = arith.constant 0 : i32
      %dma_wait3A_359 = arith.constant 0 : i32
      %dma_wait3A_360 = tpu.memref_slice %arg9[%dma_wait3A_357, %dma_wait3A_358, %dma_wait3A_359] : memref<2x128x128xf32, #tpu.memory_space<vmem>> -> memref<1x128x128xf32, #tpu.memory_space<vmem>>
      %dma_wait3A_361 = tpu.memref_squeeze %dma_wait3A_360 : memref<1x128x128xf32, #tpu.memory_space<vmem>> -> memref<128x128xf32, #tpu.memory_space<vmem>>
      %dma_wait3A_362 = arith.constant 0 : i32
      %dma_wait3A_363 = arith.constant 0 : i32
      %dma_wait3A_364 = tpu.memref_slice %arg2[%dma_wait3A_362, %dma_wait3A_363] : memref<10000x128xf32, #tpu.memory_space<hbm>> -> memref<128x128xf32, #tpu.memory_space<hbm>>
      %dma_wait3A_365 = arith.constant 0 : i32
      %dma_wait3A_366 = arith.constant 0 : i32
      %dma_wait3A_367 = tpu.memref_slice %arg9[%dma_wait3A_357, %dma_wait3A_365, %dma_wait3A_366] : memref<2x128x128xf32, #tpu.memory_space<vmem>> -> memref<1x128x128xf32, #tpu.memory_space<vmem>>
      %dma_wait3A_368 = tpu.memref_squeeze %dma_wait3A_367 : memref<1x128x128xf32, #tpu.memory_space<vmem>> -> memref<128x128xf32, #tpu.memory_space<vmem>>
      %dma_wait3A_369 = arith.constant 0 : i32
      %dma_wait3A_370 = arith.constant 0 : i32
      %dma_wait3A_371 = tpu.memref_slice %arg2[%dma_wait3A_369, %dma_wait3A_370] : memref<10000x128xf32, #tpu.memory_space<hbm>> -> memref<128x128xf32, #tpu.memory_space<hbm>>
      tpu.wait_dma2 semaphore(%arg15 : memref<!tpu.dma_semaphore, #tpu.memory_space<semaphore_mem>>) src(%dma_wait3A_371 : memref<128x128xf32, #tpu.memory_space<hbm>>) dst(%dma_wait3A_368 : memref<128x128xf32, #tpu.memory_space<vmem>>)
      %dma_start3A_372 = arith.constant 1 : i32
      %dma_start3A_373 = arith.constant 3 : i32
      %dma_start3A_374 = arith.constant 0 : i32
      %dma_start3A_375 = arith.constant 0 : i32
      %dma_start3A_376 = tpu.memref_slice %arg9[%dma_start3A_372, %dma_start3A_374, %dma_start3A_375] : memref<2x128x128xf32, #tpu.memory_space<vmem>> -> memref<1x128x128xf32, #tpu.memory_space<vmem>>
      %dma_start3A_377 = tpu.memref_squeeze %dma_start3A_376 : memref<1x128x128xf32, #tpu.memory_space<vmem>> -> memref<128x128xf32, #tpu.memory_space<vmem>>
      %dma_start3A_378 = arith.constant 0 : i32
      %dma_start3A_379 = tpu.memref_slice %arg8[%rem3A_160, %dma_start3A_373, %dma_start3A_378] : memref<2x8x128xi32, #tpu.memory_space<vmem>> -> memref<1x1x128xi32, #tpu.memory_space<vmem>>
      %dma_start3A_380 = tpu.memref_squeeze %dma_start3A_379 : memref<1x1x128xi32, #tpu.memory_space<vmem>> -> memref<128xi32, #tpu.memory_space<vmem>>
      %dma_start3A_381 = arith.constant 0 : i32
      %dma_start3A_382 = arith.constant 0 : i32
      %dma_start3A_383 = tpu.memref_slice %arg12[%dma_start3A_381, %dma_start3A_382] : memref<10240x128xf32, #tpu.memory_space<vmem_shared>> -> memref<10240x128xf32, #tpu.memory_space<vmem_shared>>
      tpu.enqueue_indirect_dma source(%dma_start3A_377 : memref<128x128xf32, #tpu.memory_space<vmem>>) target(%dma_start3A_383 : memref<10240x128xf32, #tpu.memory_space<vmem_shared>>) offsets(%dma_start3A_380 : memref<128xi32, #tpu.memory_space<vmem>>) semaphore(%arg17 : memref<!tpu.dma_semaphore, #tpu.memory_space<semaphore_mem>>) {add = true}
      %dma_start3A_384 = arith.constant 3 : i32
      %dma_start3A_385 = arith.constant 0 : i32
      %dma_start3A_386 = tpu.memref_slice %arg8[%rem3A_160, %dma_start3A_384, %dma_start3A_385] : memref<2x8x128xi32, #tpu.memory_space<vmem>> -> memref<1x1x128xi32, #tpu.memory_space<vmem>>
      %dma_start3A_387 = tpu.memref_squeeze %dma_start3A_386 : memref<1x1x128xi32, #tpu.memory_space<vmem>> -> memref<128xi32, #tpu.memory_space<vmem>>
      %dma_start3A_388 = arith.constant 0 : i32
      %dma_start3A_389 = tpu.memref_slice %arg13[%dma_start3A_388] : memref<10240xf32, #tpu.memory_space<vmem_shared>> -> memref<10240xf32, #tpu.memory_space<vmem_shared>>
      tpu.enqueue_indirect_dma source(%arg10 : memref<128xf32, #tpu.memory_space<vmem>>) target(%dma_start3A_389 : memref<10240xf32, #tpu.memory_space<vmem_shared>>) offsets(%dma_start3A_387 : memref<128xi32, #tpu.memory_space<vmem>>) semaphore(%arg17 : memref<!tpu.dma_semaphore, #tpu.memory_space<semaphore_mem>>) {add = true}
      %dma_wait3A_390 = arith.constant 1 : i32
      %dma_wait3A_391 = arith.constant 0 : i32
      %dma_wait3A_392 = arith.constant 0 : i32
      %dma_wait3A_393 = tpu.memref_slice %arg9[%dma_wait3A_390, %dma_wait3A_391, %dma_wait3A_392] : memref<2x128x128xf32, #tpu.memory_space<vmem>> -> memref<1x128x128xf32, #tpu.memory_space<vmem>>
      %dma_wait3A_394 = tpu.memref_squeeze %dma_wait3A_393 : memref<1x128x128xf32, #tpu.memory_space<vmem>> -> memref<128x128xf32, #tpu.memory_space<vmem>>
      %dma_wait3A_395 = arith.constant 0 : i32
      %dma_wait3A_396 = arith.constant 0 : i32
      %dma_wait3A_397 = tpu.memref_slice %arg12[%dma_wait3A_395, %dma_wait3A_396] : memref<10240x128xf32, #tpu.memory_space<vmem_shared>> -> memref<128x128xf32, #tpu.memory_space<vmem_shared>>
      %dma_wait3A_398 = arith.constant 0 : i32
      %dma_wait3A_399 = arith.constant 0 : i32
      %dma_wait3A_400 = tpu.memref_slice %arg12[%dma_wait3A_398, %dma_wait3A_399] : memref<10240x128xf32, #tpu.memory_space<vmem_shared>> -> memref<128x128xf32, #tpu.memory_space<vmem_shared>>
      %dma_wait3A_401 = arith.constant 0 : i32
      %dma_wait3A_402 = arith.constant 0 : i32
      %dma_wait3A_403 = tpu.memref_slice %arg9[%dma_wait3A_390, %dma_wait3A_401, %dma_wait3A_402] : memref<2x128x128xf32, #tpu.memory_space<vmem>> -> memref<1x128x128xf32, #tpu.memory_space<vmem>>
      %dma_wait3A_404 = tpu.memref_squeeze %dma_wait3A_403 : memref<1x128x128xf32, #tpu.memory_space<vmem>> -> memref<128x128xf32, #tpu.memory_space<vmem>>
      tpu.wait_dma2 semaphore(%arg17 : memref<!tpu.dma_semaphore, #tpu.memory_space<semaphore_mem>>) src(%dma_wait3A_404 : memref<128x128xf32, #tpu.memory_space<vmem>>) dst(%dma_wait3A_400 : memref<128x128xf32, #tpu.memory_space<vmem_shared>>)
      %dma_wait3A_405 = arith.constant 0 : i32
      %dma_wait3A_406 = tpu.memref_slice %arg13[%dma_wait3A_405] : memref<10240xf32, #tpu.memory_space<vmem_shared>> -> memref<128xf32, #tpu.memory_space<vmem_shared>>
      %dma_wait3A_407 = arith.constant 0 : i32
      %dma_wait3A_408 = tpu.memref_slice %arg13[%dma_wait3A_407] : memref<10240xf32, #tpu.memory_space<vmem_shared>> -> memref<128xf32, #tpu.memory_space<vmem_shared>>
      tpu.wait_dma2 semaphore(%arg17 : memref<!tpu.dma_semaphore, #tpu.memory_space<semaphore_mem>>) src(%arg10 : memref<128xf32, #tpu.memory_space<vmem>>) dst(%dma_wait3A_408 : memref<128xf32, #tpu.memory_space<vmem_shared>>)
      %multiple_of3A_409 = arith.constant 640 : i32
      %multiple_of3A_410 = tpu.assume_multiple %multiple_of3A_409, 128 : i32
      %dma_start3A_411 = arith.constant 1 : i32
      %dma_start3A_412 = arith.constant 0 : i32
      %dma_start3A_413 = arith.constant 0 : i32
      %dma_start3A_414 = tpu.memref_slice %arg9[%dma_start3A_411, %dma_start3A_412, %dma_start3A_413] : memref<2x128x128xf32, #tpu.memory_space<vmem>> -> memref<1x128x128xf32, #tpu.memory_space<vmem>>
      %dma_start3A_415 = tpu.memref_squeeze %dma_start3A_414 : memref<1x128x128xf32, #tpu.memory_space<vmem>> -> memref<128x128xf32, #tpu.memory_space<vmem>>
      %dma_start3A_416 = tpu.memref_slice %arg7[%rem3A_160, %multiple_of3A_410] : memref<2x1024xi32, #tpu.memory_space<vmem>> -> memref<1x128xi32, #tpu.memory_space<vmem>>
      %dma_start3A_417 = tpu.memref_squeeze %dma_start3A_416 : memref<1x128xi32, #tpu.memory_space<vmem>> -> memref<128xi32, #tpu.memory_space<vmem>>
      %dma_start3A_418 = arith.constant 0 : i32
      %dma_start3A_419 = arith.constant 0 : i32
      %dma_start3A_420 = tpu.memref_slice %arg2[%dma_start3A_418, %dma_start3A_419] : memref<10000x128xf32, #tpu.memory_space<hbm>> -> memref<10000x128xf32, #tpu.memory_space<hbm>>
      tpu.enqueue_indirect_dma source(%dma_start3A_420 : memref<10000x128xf32, #tpu.memory_space<hbm>>) target(%dma_start3A_415 : memref<128x128xf32, #tpu.memory_space<vmem>>) offsets(%dma_start3A_417 : memref<128xi32, #tpu.memory_space<vmem>>) semaphore(%arg15 : memref<!tpu.dma_semaphore, #tpu.memory_space<semaphore_mem>>)
      %dma_wait3A_421 = arith.constant 0 : i32
      %dma_wait3A_422 = arith.constant 0 : i32
      %dma_wait3A_423 = arith.constant 0 : i32
      %dma_wait3A_424 = tpu.memref_slice %arg9[%dma_wait3A_421, %dma_wait3A_422, %dma_wait3A_423] : memref<2x128x128xf32, #tpu.memory_space<vmem>> -> memref<1x128x128xf32, #tpu.memory_space<vmem>>
      %dma_wait3A_425 = tpu.memref_squeeze %dma_wait3A_424 : memref<1x128x128xf32, #tpu.memory_space<vmem>> -> memref<128x128xf32, #tpu.memory_space<vmem>>
      %dma_wait3A_426 = arith.constant 0 : i32
      %dma_wait3A_427 = arith.constant 0 : i32
      %dma_wait3A_428 = tpu.memref_slice %arg2[%dma_wait3A_426, %dma_wait3A_427] : memref<10000x128xf32, #tpu.memory_space<hbm>> -> memref<128x128xf32, #tpu.memory_space<hbm>>
      %dma_wait3A_429 = arith.constant 0 : i32
      %dma_wait3A_430 = arith.constant 0 : i32
      %dma_wait3A_431 = tpu.memref_slice %arg9[%dma_wait3A_421, %dma_wait3A_429, %dma_wait3A_430] : memref<2x128x128xf32, #tpu.memory_space<vmem>> -> memref<1x128x128xf32, #tpu.memory_space<vmem>>
      %dma_wait3A_432 = tpu.memref_squeeze %dma_wait3A_431 : memref<1x128x128xf32, #tpu.memory_space<vmem>> -> memref<128x128xf32, #tpu.memory_space<vmem>>
      %dma_wait3A_433 = arith.constant 0 : i32
      %dma_wait3A_434 = arith.constant 0 : i32
      %dma_wait3A_435 = tpu.memref_slice %arg2[%dma_wait3A_433, %dma_wait3A_434] : memref<10000x128xf32, #tpu.memory_space<hbm>> -> memref<128x128xf32, #tpu.memory_space<hbm>>
      tpu.wait_dma2 semaphore(%arg14 : memref<!tpu.dma_semaphore, #tpu.memory_space<semaphore_mem>>) src(%dma_wait3A_435 : memref<128x128xf32, #tpu.memory_space<hbm>>) dst(%dma_wait3A_432 : memref<128x128xf32, #tpu.memory_space<vmem>>)
      %dma_start3A_436 = arith.constant 0 : i32
      %dma_start3A_437 = arith.constant 4 : i32
      %dma_start3A_438 = arith.constant 0 : i32
      %dma_start3A_439 = arith.constant 0 : i32
      %dma_start3A_440 = tpu.memref_slice %arg9[%dma_start3A_436, %dma_start3A_438, %dma_start3A_439] : memref<2x128x128xf32, #tpu.memory_space<vmem>> -> memref<1x128x128xf32, #tpu.memory_space<vmem>>
      %dma_start3A_441 = tpu.memref_squeeze %dma_start3A_440 : memref<1x128x128xf32, #tpu.memory_space<vmem>> -> memref<128x128xf32, #tpu.memory_space<vmem>>
      %dma_start3A_442 = arith.constant 0 : i32
      %dma_start3A_443 = tpu.memref_slice %arg8[%rem3A_160, %dma_start3A_437, %dma_start3A_442] : memref<2x8x128xi32, #tpu.memory_space<vmem>> -> memref<1x1x128xi32, #tpu.memory_space<vmem>>
      %dma_start3A_444 = tpu.memref_squeeze %dma_start3A_443 : memref<1x1x128xi32, #tpu.memory_space<vmem>> -> memref<128xi32, #tpu.memory_space<vmem>>
      %dma_start3A_445 = arith.constant 0 : i32
      %dma_start3A_446 = arith.constant 0 : i32
      %dma_start3A_447 = tpu.memref_slice %arg12[%dma_start3A_445, %dma_start3A_446] : memref<10240x128xf32, #tpu.memory_space<vmem_shared>> -> memref<10240x128xf32, #tpu.memory_space<vmem_shared>>
      tpu.enqueue_indirect_dma source(%dma_start3A_441 : memref<128x128xf32, #tpu.memory_space<vmem>>) target(%dma_start3A_447 : memref<10240x128xf32, #tpu.memory_space<vmem_shared>>) offsets(%dma_start3A_444 : memref<128xi32, #tpu.memory_space<vmem>>) semaphore(%arg16 : memref<!tpu.dma_semaphore, #tpu.memory_space<semaphore_mem>>) {add = true}
      %dma_start3A_448 = arith.constant 4 : i32
      %dma_start3A_449 = arith.constant 0 : i32
      %dma_start3A_450 = tpu.memref_slice %arg8[%rem3A_160, %dma_start3A_448, %dma_start3A_449] : memref<2x8x128xi32, #tpu.memory_space<vmem>> -> memref<1x1x128xi32, #tpu.memory_space<vmem>>
      %dma_start3A_451 = tpu.memref_squeeze %dma_start3A_450 : memref<1x1x128xi32, #tpu.memory_space<vmem>> -> memref<128xi32, #tpu.memory_space<vmem>>
      %dma_start3A_452 = arith.constant 0 : i32
      %dma_start3A_453 = tpu.memref_slice %arg13[%dma_start3A_452] : memref<10240xf32, #tpu.memory_space<vmem_shared>> -> memref<10240xf32, #tpu.memory_space<vmem_shared>>
      tpu.enqueue_indirect_dma source(%arg10 : memref<128xf32, #tpu.memory_space<vmem>>) target(%dma_start3A_453 : memref<10240xf32, #tpu.memory_space<vmem_shared>>) offsets(%dma_start3A_451 : memref<128xi32, #tpu.memory_space<vmem>>) semaphore(%arg16 : memref<!tpu.dma_semaphore, #tpu.memory_space<semaphore_mem>>) {add = true}
      %dma_wait3A_454 = arith.constant 0 : i32
      %dma_wait3A_455 = arith.constant 0 : i32
      %dma_wait3A_456 = arith.constant 0 : i32
      %dma_wait3A_457 = tpu.memref_slice %arg9[%dma_wait3A_454, %dma_wait3A_455, %dma_wait3A_456] : memref<2x128x128xf32, #tpu.memory_space<vmem>> -> memref<1x128x128xf32, #tpu.memory_space<vmem>>
      %dma_wait3A_458 = tpu.memref_squeeze %dma_wait3A_457 : memref<1x128x128xf32, #tpu.memory_space<vmem>> -> memref<128x128xf32, #tpu.memory_space<vmem>>
      %dma_wait3A_459 = arith.constant 0 : i32
      %dma_wait3A_460 = arith.constant 0 : i32
      %dma_wait3A_461 = tpu.memref_slice %arg12[%dma_wait3A_459, %dma_wait3A_460] : memref<10240x128xf32, #tpu.memory_space<vmem_shared>> -> memref<128x128xf32, #tpu.memory_space<vmem_shared>>
      %dma_wait3A_462 = arith.constant 0 : i32
      %dma_wait3A_463 = arith.constant 0 : i32
      %dma_wait3A_464 = tpu.memref_slice %arg12[%dma_wait3A_462, %dma_wait3A_463] : memref<10240x128xf32, #tpu.memory_space<vmem_shared>> -> memref<128x128xf32, #tpu.memory_space<vmem_shared>>
      %dma_wait3A_465 = arith.constant 0 : i32
      %dma_wait3A_466 = arith.constant 0 : i32
      %dma_wait3A_467 = tpu.memref_slice %arg9[%dma_wait3A_454, %dma_wait3A_465, %dma_wait3A_466] : memref<2x128x128xf32, #tpu.memory_space<vmem>> -> memref<1x128x128xf32, #tpu.memory_space<vmem>>
      %dma_wait3A_468 = tpu.memref_squeeze %dma_wait3A_467 : memref<1x128x128xf32, #tpu.memory_space<vmem>> -> memref<128x128xf32, #tpu.memory_space<vmem>>
      tpu.wait_dma2 semaphore(%arg16 : memref<!tpu.dma_semaphore, #tpu.memory_space<semaphore_mem>>) src(%dma_wait3A_468 : memref<128x128xf32, #tpu.memory_space<vmem>>) dst(%dma_wait3A_464 : memref<128x128xf32, #tpu.memory_space<vmem_shared>>)
      %dma_wait3A_469 = arith.constant 0 : i32
      %dma_wait3A_470 = tpu.memref_slice %arg13[%dma_wait3A_469] : memref<10240xf32, #tpu.memory_space<vmem_shared>> -> memref<128xf32, #tpu.memory_space<vmem_shared>>
      %dma_wait3A_471 = arith.constant 0 : i32
      %dma_wait3A_472 = tpu.memref_slice %arg13[%dma_wait3A_471] : memref<10240xf32, #tpu.memory_space<vmem_shared>> -> memref<128xf32, #tpu.memory_space<vmem_shared>>
      tpu.wait_dma2 semaphore(%arg16 : memref<!tpu.dma_semaphore, #tpu.memory_space<semaphore_mem>>) src(%arg10 : memref<128xf32, #tpu.memory_space<vmem>>) dst(%dma_wait3A_472 : memref<128xf32, #tpu.memory_space<vmem_shared>>)
      %multiple_of3A_473 = arith.constant 768 : i32
      %multiple_of3A_474 = tpu.assume_multiple %multiple_of3A_473, 128 : i32
      %dma_start3A_475 = arith.constant 0 : i32
      %dma_start3A_476 = arith.constant 0 : i32
      %dma_start3A_477 = arith.constant 0 : i32
      %dma_start3A_478 = tpu.memref_slice %arg9[%dma_start3A_475, %dma_start3A_476, %dma_start3A_477] : memref<2x128x128xf32, #tpu.memory_space<vmem>> -> memref<1x128x128xf32, #tpu.memory_space<vmem>>
      %dma_start3A_479 = tpu.memref_squeeze %dma_start3A_478 : memref<1x128x128xf32, #tpu.memory_space<vmem>> -> memref<128x128xf32, #tpu.memory_space<vmem>>
      %dma_start3A_480 = tpu.memref_slice %arg7[%rem3A_160, %multiple_of3A_474] : memref<2x1024xi32, #tpu.memory_space<vmem>> -> memref<1x128xi32, #tpu.memory_space<vmem>>
      %dma_start3A_481 = tpu.memref_squeeze %dma_start3A_480 : memref<1x128xi32, #tpu.memory_space<vmem>> -> memref<128xi32, #tpu.memory_space<vmem>>
      %dma_start3A_482 = arith.constant 0 : i32
      %dma_start3A_483 = arith.constant 0 : i32
      %dma_start3A_484 = tpu.memref_slice %arg2[%dma_start3A_482, %dma_start3A_483] : memref<10000x128xf32, #tpu.memory_space<hbm>> -> memref<10000x128xf32, #tpu.memory_space<hbm>>
      tpu.enqueue_indirect_dma source(%dma_start3A_484 : memref<10000x128xf32, #tpu.memory_space<hbm>>) target(%dma_start3A_479 : memref<128x128xf32, #tpu.memory_space<vmem>>) offsets(%dma_start3A_481 : memref<128xi32, #tpu.memory_space<vmem>>) semaphore(%arg14 : memref<!tpu.dma_semaphore, #tpu.memory_space<semaphore_mem>>)
      %dma_wait3A_485 = arith.constant 1 : i32
      %dma_wait3A_486 = arith.constant 0 : i32
      %dma_wait3A_487 = arith.constant 0 : i32
      %dma_wait3A_488 = tpu.memref_slice %arg9[%dma_wait3A_485, %dma_wait3A_486, %dma_wait3A_487] : memref<2x128x128xf32, #tpu.memory_space<vmem>> -> memref<1x128x128xf32, #tpu.memory_space<vmem>>
      %dma_wait3A_489 = tpu.memref_squeeze %dma_wait3A_488 : memref<1x128x128xf32, #tpu.memory_space<vmem>> -> memref<128x128xf32, #tpu.memory_space<vmem>>
      %dma_wait3A_490 = arith.constant 0 : i32
      %dma_wait3A_491 = arith.constant 0 : i32
      %dma_wait3A_492 = tpu.memref_slice %arg2[%dma_wait3A_490, %dma_wait3A_491] : memref<10000x128xf32, #tpu.memory_space<hbm>> -> memref<128x128xf32, #tpu.memory_space<hbm>>
      %dma_wait3A_493 = arith.constant 0 : i32
      %dma_wait3A_494 = arith.constant 0 : i32
      %dma_wait3A_495 = tpu.memref_slice %arg9[%dma_wait3A_485, %dma_wait3A_493, %dma_wait3A_494] : memref<2x128x128xf32, #tpu.memory_space<vmem>> -> memref<1x128x128xf32, #tpu.memory_space<vmem>>
      %dma_wait3A_496 = tpu.memref_squeeze %dma_wait3A_495 : memref<1x128x128xf32, #tpu.memory_space<vmem>> -> memref<128x128xf32, #tpu.memory_space<vmem>>
      %dma_wait3A_497 = arith.constant 0 : i32
      %dma_wait3A_498 = arith.constant 0 : i32
      %dma_wait3A_499 = tpu.memref_slice %arg2[%dma_wait3A_497, %dma_wait3A_498] : memref<10000x128xf32, #tpu.memory_space<hbm>> -> memref<128x128xf32, #tpu.memory_space<hbm>>
      tpu.wait_dma2 semaphore(%arg15 : memref<!tpu.dma_semaphore, #tpu.memory_space<semaphore_mem>>) src(%dma_wait3A_499 : memref<128x128xf32, #tpu.memory_space<hbm>>) dst(%dma_wait3A_496 : memref<128x128xf32, #tpu.memory_space<vmem>>)
      %dma_start3A_500 = arith.constant 1 : i32
      %dma_start3A_501 = arith.constant 5 : i32
      %dma_start3A_502 = arith.constant 0 : i32
      %dma_start3A_503 = arith.constant 0 : i32
      %dma_start3A_504 = tpu.memref_slice %arg9[%dma_start3A_500, %dma_start3A_502, %dma_start3A_503] : memref<2x128x128xf32, #tpu.memory_space<vmem>> -> memref<1x128x128xf32, #tpu.memory_space<vmem>>
      %dma_start3A_505 = tpu.memref_squeeze %dma_start3A_504 : memref<1x128x128xf32, #tpu.memory_space<vmem>> -> memref<128x128xf32, #tpu.memory_space<vmem>>
      %dma_start3A_506 = arith.constant 0 : i32
      %dma_start3A_507 = tpu.memref_slice %arg8[%rem3A_160, %dma_start3A_501, %dma_start3A_506] : memref<2x8x128xi32, #tpu.memory_space<vmem>> -> memref<1x1x128xi32, #tpu.memory_space<vmem>>
      %dma_start3A_508 = tpu.memref_squeeze %dma_start3A_507 : memref<1x1x128xi32, #tpu.memory_space<vmem>> -> memref<128xi32, #tpu.memory_space<vmem>>
      %dma_start3A_509 = arith.constant 0 : i32
      %dma_start3A_510 = arith.constant 0 : i32
      %dma_start3A_511 = tpu.memref_slice %arg12[%dma_start3A_509, %dma_start3A_510] : memref<10240x128xf32, #tpu.memory_space<vmem_shared>> -> memref<10240x128xf32, #tpu.memory_space<vmem_shared>>
      tpu.enqueue_indirect_dma source(%dma_start3A_505 : memref<128x128xf32, #tpu.memory_space<vmem>>) target(%dma_start3A_511 : memref<10240x128xf32, #tpu.memory_space<vmem_shared>>) offsets(%dma_start3A_508 : memref<128xi32, #tpu.memory_space<vmem>>) semaphore(%arg17 : memref<!tpu.dma_semaphore, #tpu.memory_space<semaphore_mem>>) {add = true}
      %dma_start3A_512 = arith.constant 5 : i32
      %dma_start3A_513 = arith.constant 0 : i32
      %dma_start3A_514 = tpu.memref_slice %arg8[%rem3A_160, %dma_start3A_512, %dma_start3A_513] : memref<2x8x128xi32, #tpu.memory_space<vmem>> -> memref<1x1x128xi32, #tpu.memory_space<vmem>>
      %dma_start3A_515 = tpu.memref_squeeze %dma_start3A_514 : memref<1x1x128xi32, #tpu.memory_space<vmem>> -> memref<128xi32, #tpu.memory_space<vmem>>
      %dma_start3A_516 = arith.constant 0 : i32
      %dma_start3A_517 = tpu.memref_slice %arg13[%dma_start3A_516] : memref<10240xf32, #tpu.memory_space<vmem_shared>> -> memref<10240xf32, #tpu.memory_space<vmem_shared>>
      tpu.enqueue_indirect_dma source(%arg10 : memref<128xf32, #tpu.memory_space<vmem>>) target(%dma_start3A_517 : memref<10240xf32, #tpu.memory_space<vmem_shared>>) offsets(%dma_start3A_515 : memref<128xi32, #tpu.memory_space<vmem>>) semaphore(%arg17 : memref<!tpu.dma_semaphore, #tpu.memory_space<semaphore_mem>>) {add = true}
      %dma_wait3A_518 = arith.constant 1 : i32
      %dma_wait3A_519 = arith.constant 0 : i32
      %dma_wait3A_520 = arith.constant 0 : i32
      %dma_wait3A_521 = tpu.memref_slice %arg9[%dma_wait3A_518, %dma_wait3A_519, %dma_wait3A_520] : memref<2x128x128xf32, #tpu.memory_space<vmem>> -> memref<1x128x128xf32, #tpu.memory_space<vmem>>
      %dma_wait3A_522 = tpu.memref_squeeze %dma_wait3A_521 : memref<1x128x128xf32, #tpu.memory_space<vmem>> -> memref<128x128xf32, #tpu.memory_space<vmem>>
      %dma_wait3A_523 = arith.constant 0 : i32
      %dma_wait3A_524 = arith.constant 0 : i32
      %dma_wait3A_525 = tpu.memref_slice %arg12[%dma_wait3A_523, %dma_wait3A_524] : memref<10240x128xf32, #tpu.memory_space<vmem_shared>> -> memref<128x128xf32, #tpu.memory_space<vmem_shared>>
      %dma_wait3A_526 = arith.constant 0 : i32
      %dma_wait3A_527 = arith.constant 0 : i32
      %dma_wait3A_528 = tpu.memref_slice %arg12[%dma_wait3A_526, %dma_wait3A_527] : memref<10240x128xf32, #tpu.memory_space<vmem_shared>> -> memref<128x128xf32, #tpu.memory_space<vmem_shared>>
      %dma_wait3A_529 = arith.constant 0 : i32
      %dma_wait3A_530 = arith.constant 0 : i32
      %dma_wait3A_531 = tpu.memref_slice %arg9[%dma_wait3A_518, %dma_wait3A_529, %dma_wait3A_530] : memref<2x128x128xf32, #tpu.memory_space<vmem>> -> memref<1x128x128xf32, #tpu.memory_space<vmem>>
      %dma_wait3A_532 = tpu.memref_squeeze %dma_wait3A_531 : memref<1x128x128xf32, #tpu.memory_space<vmem>> -> memref<128x128xf32, #tpu.memory_space<vmem>>
      tpu.wait_dma2 semaphore(%arg17 : memref<!tpu.dma_semaphore, #tpu.memory_space<semaphore_mem>>) src(%dma_wait3A_532 : memref<128x128xf32, #tpu.memory_space<vmem>>) dst(%dma_wait3A_528 : memref<128x128xf32, #tpu.memory_space<vmem_shared>>)
      %dma_wait3A_533 = arith.constant 0 : i32
      %dma_wait3A_534 = tpu.memref_slice %arg13[%dma_wait3A_533] : memref<10240xf32, #tpu.memory_space<vmem_shared>> -> memref<128xf32, #tpu.memory_space<vmem_shared>>
      %dma_wait3A_535 = arith.constant 0 : i32
      %dma_wait3A_536 = tpu.memref_slice %arg13[%dma_wait3A_535] : memref<10240xf32, #tpu.memory_space<vmem_shared>> -> memref<128xf32, #tpu.memory_space<vmem_shared>>
      tpu.wait_dma2 semaphore(%arg17 : memref<!tpu.dma_semaphore, #tpu.memory_space<semaphore_mem>>) src(%arg10 : memref<128xf32, #tpu.memory_space<vmem>>) dst(%dma_wait3A_536 : memref<128xf32, #tpu.memory_space<vmem_shared>>)
      %multiple_of3A_537 = arith.constant 896 : i32
      %multiple_of3A_538 = tpu.assume_multiple %multiple_of3A_537, 128 : i32
      %dma_start3A_539 = arith.constant 1 : i32
      %dma_start3A_540 = arith.constant 0 : i32
      %dma_start3A_541 = arith.constant 0 : i32
      %dma_start3A_542 = tpu.memref_slice %arg9[%dma_start3A_539, %dma_start3A_540, %dma_start3A_541] : memref<2x128x128xf32, #tpu.memory_space<vmem>> -> memref<1x128x128xf32, #tpu.memory_space<vmem>>
      %dma_start3A_543 = tpu.memref_squeeze %dma_start3A_542 : memref<1x128x128xf32, #tpu.memory_space<vmem>> -> memref<128x128xf32, #tpu.memory_space<vmem>>
      %dma_start3A_544 = tpu.memref_slice %arg7[%rem3A_160, %multiple_of3A_538] : memref<2x1024xi32, #tpu.memory_space<vmem>> -> memref<1x128xi32, #tpu.memory_space<vmem>>
      %dma_start3A_545 = tpu.memref_squeeze %dma_start3A_544 : memref<1x128xi32, #tpu.memory_space<vmem>> -> memref<128xi32, #tpu.memory_space<vmem>>
      %dma_start3A_546 = arith.constant 0 : i32
      %dma_start3A_547 = arith.constant 0 : i32
      %dma_start3A_548 = tpu.memref_slice %arg2[%dma_start3A_546, %dma_start3A_547] : memref<10000x128xf32, #tpu.memory_space<hbm>> -> memref<10000x128xf32, #tpu.memory_space<hbm>>
      tpu.enqueue_indirect_dma source(%dma_start3A_548 : memref<10000x128xf32, #tpu.memory_space<hbm>>) target(%dma_start3A_543 : memref<128x128xf32, #tpu.memory_space<vmem>>) offsets(%dma_start3A_545 : memref<128xi32, #tpu.memory_space<vmem>>) semaphore(%arg15 : memref<!tpu.dma_semaphore, #tpu.memory_space<semaphore_mem>>)
      %dma_wait3A_549 = arith.constant 0 : i32
      %dma_wait3A_550 = arith.constant 0 : i32
      %dma_wait3A_551 = arith.constant 0 : i32
      %dma_wait3A_552 = tpu.memref_slice %arg9[%dma_wait3A_549, %dma_wait3A_550, %dma_wait3A_551] : memref<2x128x128xf32, #tpu.memory_space<vmem>> -> memref<1x128x128xf32, #tpu.memory_space<vmem>>
      %dma_wait3A_553 = tpu.memref_squeeze %dma_wait3A_552 : memref<1x128x128xf32, #tpu.memory_space<vmem>> -> memref<128x128xf32, #tpu.memory_space<vmem>>
      %dma_wait3A_554 = arith.constant 0 : i32
      %dma_wait3A_555 = arith.constant 0 : i32
      %dma_wait3A_556 = tpu.memref_slice %arg2[%dma_wait3A_554, %dma_wait3A_555] : memref<10000x128xf32, #tpu.memory_space<hbm>> -> memref<128x128xf32, #tpu.memory_space<hbm>>
      %dma_wait3A_557 = arith.constant 0 : i32
      %dma_wait3A_558 = arith.constant 0 : i32
      %dma_wait3A_559 = tpu.memref_slice %arg9[%dma_wait3A_549, %dma_wait3A_557, %dma_wait3A_558] : memref<2x128x128xf32, #tpu.memory_space<vmem>> -> memref<1x128x128xf32, #tpu.memory_space<vmem>>
      %dma_wait3A_560 = tpu.memref_squeeze %dma_wait3A_559 : memref<1x128x128xf32, #tpu.memory_space<vmem>> -> memref<128x128xf32, #tpu.memory_space<vmem>>
      %dma_wait3A_561 = arith.constant 0 : i32
      %dma_wait3A_562 = arith.constant 0 : i32
      %dma_wait3A_563 = tpu.memref_slice %arg2[%dma_wait3A_561, %dma_wait3A_562] : memref<10000x128xf32, #tpu.memory_space<hbm>> -> memref<128x128xf32, #tpu.memory_space<hbm>>
      tpu.wait_dma2 semaphore(%arg14 : memref<!tpu.dma_semaphore, #tpu.memory_space<semaphore_mem>>) src(%dma_wait3A_563 : memref<128x128xf32, #tpu.memory_space<hbm>>) dst(%dma_wait3A_560 : memref<128x128xf32, #tpu.memory_space<vmem>>)
      %dma_start3A_564 = arith.constant 0 : i32
      %dma_start3A_565 = arith.constant 6 : i32
      %dma_start3A_566 = arith.constant 0 : i32
      %dma_start3A_567 = arith.constant 0 : i32
      %dma_start3A_568 = tpu.memref_slice %arg9[%dma_start3A_564, %dma_start3A_566, %dma_start3A_567] : memref<2x128x128xf32, #tpu.memory_space<vmem>> -> memref<1x128x128xf32, #tpu.memory_space<vmem>>
      %dma_start3A_569 = tpu.memref_squeeze %dma_start3A_568 : memref<1x128x128xf32, #tpu.memory_space<vmem>> -> memref<128x128xf32, #tpu.memory_space<vmem>>
      %dma_start3A_570 = arith.constant 0 : i32
      %dma_start3A_571 = tpu.memref_slice %arg8[%rem3A_160, %dma_start3A_565, %dma_start3A_570] : memref<2x8x128xi32, #tpu.memory_space<vmem>> -> memref<1x1x128xi32, #tpu.memory_space<vmem>>
      %dma_start3A_572 = tpu.memref_squeeze %dma_start3A_571 : memref<1x1x128xi32, #tpu.memory_space<vmem>> -> memref<128xi32, #tpu.memory_space<vmem>>
      %dma_start3A_573 = arith.constant 0 : i32
      %dma_start3A_574 = arith.constant 0 : i32
      %dma_start3A_575 = tpu.memref_slice %arg12[%dma_start3A_573, %dma_start3A_574] : memref<10240x128xf32, #tpu.memory_space<vmem_shared>> -> memref<10240x128xf32, #tpu.memory_space<vmem_shared>>
      tpu.enqueue_indirect_dma source(%dma_start3A_569 : memref<128x128xf32, #tpu.memory_space<vmem>>) target(%dma_start3A_575 : memref<10240x128xf32, #tpu.memory_space<vmem_shared>>) offsets(%dma_start3A_572 : memref<128xi32, #tpu.memory_space<vmem>>) semaphore(%arg16 : memref<!tpu.dma_semaphore, #tpu.memory_space<semaphore_mem>>) {add = true}
      %dma_start3A_576 = arith.constant 6 : i32
      %dma_start3A_577 = arith.constant 0 : i32
      %dma_start3A_578 = tpu.memref_slice %arg8[%rem3A_160, %dma_start3A_576, %dma_start3A_577] : memref<2x8x128xi32, #tpu.memory_space<vmem>> -> memref<1x1x128xi32, #tpu.memory_space<vmem>>
      %dma_start3A_579 = tpu.memref_squeeze %dma_start3A_578 : memref<1x1x128xi32, #tpu.memory_space<vmem>> -> memref<128xi32, #tpu.memory_space<vmem>>
      %dma_start3A_580 = arith.constant 0 : i32
      %dma_start3A_581 = tpu.memref_slice %arg13[%dma_start3A_580] : memref<10240xf32, #tpu.memory_space<vmem_shared>> -> memref<10240xf32, #tpu.memory_space<vmem_shared>>
      tpu.enqueue_indirect_dma source(%arg10 : memref<128xf32, #tpu.memory_space<vmem>>) target(%dma_start3A_581 : memref<10240xf32, #tpu.memory_space<vmem_shared>>) offsets(%dma_start3A_579 : memref<128xi32, #tpu.memory_space<vmem>>) semaphore(%arg16 : memref<!tpu.dma_semaphore, #tpu.memory_space<semaphore_mem>>) {add = true}
      %dma_wait3A_582 = arith.constant 0 : i32
      %dma_wait3A_583 = arith.constant 0 : i32
      %dma_wait3A_584 = arith.constant 0 : i32
      %dma_wait3A_585 = tpu.memref_slice %arg9[%dma_wait3A_582, %dma_wait3A_583, %dma_wait3A_584] : memref<2x128x128xf32, #tpu.memory_space<vmem>> -> memref<1x128x128xf32, #tpu.memory_space<vmem>>
      %dma_wait3A_586 = tpu.memref_squeeze %dma_wait3A_585 : memref<1x128x128xf32, #tpu.memory_space<vmem>> -> memref<128x128xf32, #tpu.memory_space<vmem>>
      %dma_wait3A_587 = arith.constant 0 : i32
      %dma_wait3A_588 = arith.constant 0 : i32
      %dma_wait3A_589 = tpu.memref_slice %arg12[%dma_wait3A_587, %dma_wait3A_588] : memref<10240x128xf32, #tpu.memory_space<vmem_shared>> -> memref<128x128xf32, #tpu.memory_space<vmem_shared>>
      %dma_wait3A_590 = arith.constant 0 : i32
      %dma_wait3A_591 = arith.constant 0 : i32
      %dma_wait3A_592 = tpu.memref_slice %arg12[%dma_wait3A_590, %dma_wait3A_591] : memref<10240x128xf32, #tpu.memory_space<vmem_shared>> -> memref<128x128xf32, #tpu.memory_space<vmem_shared>>
      %dma_wait3A_593 = arith.constant 0 : i32
      %dma_wait3A_594 = arith.constant 0 : i32
      %dma_wait3A_595 = tpu.memref_slice %arg9[%dma_wait3A_582, %dma_wait3A_593, %dma_wait3A_594] : memref<2x128x128xf32, #tpu.memory_space<vmem>> -> memref<1x128x128xf32, #tpu.memory_space<vmem>>
      %dma_wait3A_596 = tpu.memref_squeeze %dma_wait3A_595 : memref<1x128x128xf32, #tpu.memory_space<vmem>> -> memref<128x128xf32, #tpu.memory_space<vmem>>
      tpu.wait_dma2 semaphore(%arg16 : memref<!tpu.dma_semaphore, #tpu.memory_space<semaphore_mem>>) src(%dma_wait3A_596 : memref<128x128xf32, #tpu.memory_space<vmem>>) dst(%dma_wait3A_592 : memref<128x128xf32, #tpu.memory_space<vmem_shared>>)
      %dma_wait3A_597 = arith.constant 0 : i32
      %dma_wait3A_598 = tpu.memref_slice %arg13[%dma_wait3A_597] : memref<10240xf32, #tpu.memory_space<vmem_shared>> -> memref<128xf32, #tpu.memory_space<vmem_shared>>
      %dma_wait3A_599 = arith.constant 0 : i32
      %dma_wait3A_600 = tpu.memref_slice %arg13[%dma_wait3A_599] : memref<10240xf32, #tpu.memory_space<vmem_shared>> -> memref<128xf32, #tpu.memory_space<vmem_shared>>
      tpu.wait_dma2 semaphore(%arg16 : memref<!tpu.dma_semaphore, #tpu.memory_space<semaphore_mem>>) src(%arg10 : memref<128xf32, #tpu.memory_space<vmem>>) dst(%dma_wait3A_600 : memref<128xf32, #tpu.memory_space<vmem_shared>>)
      %not3A_601 = arith.constant true
      %not3A_602 = arith.xori %ge3A, %not3A_601 : i1
      %convert_element_type3A_603 = arith.extui %not3A_602 : i1 to i32
      %cond3A_604 = arith.constant 0 : i32
      %cond3A_605 = arith.cmpi ne, %convert_element_type3A_603, %cond3A_604 : i32
      scf.if %cond3A_605 {
        %sub3A = arith.constant 1 : i32
        %sub3A_663 = arith.subi %sub3A, %rem3A_160 : i32
        %dma_wait3A_664 = arith.constant 0 : i32
        %dma_wait3A_665 = tpu.memref_slice %arg7[%sub3A_663, %dma_wait3A_664] : memref<2x1024xi32, #tpu.memory_space<vmem>> -> memref<1x1024xi32, #tpu.memory_space<vmem>>
        %dma_wait3A_666 = tpu.memref_squeeze %dma_wait3A_665 : memref<1x1024xi32, #tpu.memory_space<vmem>> -> memref<1024xi32, #tpu.memory_space<vmem>>
        %dma_wait3A_667 = arith.constant 0 : i32
        %dma_wait3A_668 = tpu.memref_slice %arg3[%dma_wait3A_667] : memref<327680xi32, #tpu.memory_space<hbm>> -> memref<1024xi32, #tpu.memory_space<hbm>>
        %dma_wait3A_669 = arith.constant 0 : i32
        %dma_wait3A_670 = tpu.memref_slice %arg7[%sub3A_663, %dma_wait3A_669] : memref<2x1024xi32, #tpu.memory_space<vmem>> -> memref<1x1024xi32, #tpu.memory_space<vmem>>
        %dma_wait3A_671 = tpu.memref_squeeze %dma_wait3A_670 : memref<1x1024xi32, #tpu.memory_space<vmem>> -> memref<1024xi32, #tpu.memory_space<vmem>>
        %dma_wait3A_672 = arith.constant 0 : i32
        %dma_wait3A_673 = tpu.memref_slice %arg3[%dma_wait3A_672] : memref<327680xi32, #tpu.memory_space<hbm>> -> memref<1024xi32, #tpu.memory_space<hbm>>
        tpu.wait_dma2 semaphore(%arg18 : memref<!tpu.dma_semaphore, #tpu.memory_space<semaphore_mem>>) src(%dma_wait3A_673 : memref<1024xi32, #tpu.memory_space<hbm>>) dst(%dma_wait3A_671 : memref<1024xi32, #tpu.memory_space<vmem>>)
        %dma_wait3A_674 = arith.constant 0 : i32
        %dma_wait3A_675 = arith.constant 0 : i32
        %dma_wait3A_676 = tpu.memref_slice %arg8[%sub3A_663, %dma_wait3A_674, %dma_wait3A_675] : memref<2x8x128xi32, #tpu.memory_space<vmem>> -> memref<1x8x128xi32, #tpu.memory_space<vmem>>
        %dma_wait3A_677 = tpu.memref_squeeze %dma_wait3A_676 : memref<1x8x128xi32, #tpu.memory_space<vmem>> -> memref<8x128xi32, #tpu.memory_space<vmem>>
        %dma_wait3A_678 = arith.constant 0 : i32
        %dma_wait3A_679 = arith.constant 0 : i32
        %dma_wait3A_680 = tpu.memref_slice %arg4[%dma_wait3A_678, %dma_wait3A_679] : memref<2560x128xi32, #tpu.memory_space<hbm>> -> memref<8x128xi32, #tpu.memory_space<hbm>>
        %dma_wait3A_681 = arith.constant 0 : i32
        %dma_wait3A_682 = arith.constant 0 : i32
        %dma_wait3A_683 = tpu.memref_slice %arg8[%sub3A_663, %dma_wait3A_681, %dma_wait3A_682] : memref<2x8x128xi32, #tpu.memory_space<vmem>> -> memref<1x8x128xi32, #tpu.memory_space<vmem>>
        %dma_wait3A_684 = tpu.memref_squeeze %dma_wait3A_683 : memref<1x8x128xi32, #tpu.memory_space<vmem>> -> memref<8x128xi32, #tpu.memory_space<vmem>>
        %dma_wait3A_685 = arith.constant 0 : i32
        %dma_wait3A_686 = arith.constant 0 : i32
        %dma_wait3A_687 = tpu.memref_slice %arg4[%dma_wait3A_685, %dma_wait3A_686] : memref<2560x128xi32, #tpu.memory_space<hbm>> -> memref<8x128xi32, #tpu.memory_space<hbm>>
        tpu.wait_dma2 semaphore(%arg18 : memref<!tpu.dma_semaphore, #tpu.memory_space<semaphore_mem>>) src(%dma_wait3A_687 : memref<8x128xi32, #tpu.memory_space<hbm>>) dst(%dma_wait3A_684 : memref<8x128xi32, #tpu.memory_space<vmem>>)
        %sub3A_688 = arith.constant 1 : i32
        %sub3A_689 = arith.subi %sub3A_688, %rem3A_160 : i32
        %multiple_of3A_690 = arith.constant 0 : i32
        %multiple_of3A_691 = tpu.assume_multiple %multiple_of3A_690, 128 : i32
        %dma_start3A_692 = arith.constant 0 : i32
        %dma_start3A_693 = arith.constant 0 : i32
        %dma_start3A_694 = arith.constant 0 : i32
        %dma_start3A_695 = tpu.memref_slice %arg9[%dma_start3A_692, %dma_start3A_693, %dma_start3A_694] : memref<2x128x128xf32, #tpu.memory_space<vmem>> -> memref<1x128x128xf32, #tpu.memory_space<vmem>>
        %dma_start3A_696 = tpu.memref_squeeze %dma_start3A_695 : memref<1x128x128xf32, #tpu.memory_space<vmem>> -> memref<128x128xf32, #tpu.memory_space<vmem>>
        %dma_start3A_697 = tpu.memref_slice %arg7[%sub3A_689, %multiple_of3A_691] : memref<2x1024xi32, #tpu.memory_space<vmem>> -> memref<1x128xi32, #tpu.memory_space<vmem>>
        %dma_start3A_698 = tpu.memref_squeeze %dma_start3A_697 : memref<1x128xi32, #tpu.memory_space<vmem>> -> memref<128xi32, #tpu.memory_space<vmem>>
        %dma_start3A_699 = arith.constant 0 : i32
        %dma_start3A_700 = arith.constant 0 : i32
        %dma_start3A_701 = tpu.memref_slice %arg2[%dma_start3A_699, %dma_start3A_700] : memref<10000x128xf32, #tpu.memory_space<hbm>> -> memref<10000x128xf32, #tpu.memory_space<hbm>>
        tpu.enqueue_indirect_dma source(%dma_start3A_701 : memref<10000x128xf32, #tpu.memory_space<hbm>>) target(%dma_start3A_696 : memref<128x128xf32, #tpu.memory_space<vmem>>) offsets(%dma_start3A_698 : memref<128xi32, #tpu.memory_space<vmem>>) semaphore(%arg14 : memref<!tpu.dma_semaphore, #tpu.memory_space<semaphore_mem>>)
      } else {
      }
      %dma_wait3A_606 = arith.constant 1 : i32
      %dma_wait3A_607 = arith.constant 0 : i32
      %dma_wait3A_608 = arith.constant 0 : i32
      %dma_wait3A_609 = tpu.memref_slice %arg9[%dma_wait3A_606, %dma_wait3A_607, %dma_wait3A_608] : memref<2x128x128xf32, #tpu.memory_space<vmem>> -> memref<1x128x128xf32, #tpu.memory_space<vmem>>
      %dma_wait3A_610 = tpu.memref_squeeze %dma_wait3A_609 : memref<1x128x128xf32, #tpu.memory_space<vmem>> -> memref<128x128xf32, #tpu.memory_space<vmem>>
      %dma_wait3A_611 = arith.constant 0 : i32
      %dma_wait3A_612 = arith.constant 0 : i32
      %dma_wait3A_613 = tpu.memref_slice %arg2[%dma_wait3A_611, %dma_wait3A_612] : memref<10000x128xf32, #tpu.memory_space<hbm>> -> memref<128x128xf32, #tpu.memory_space<hbm>>
      %dma_wait3A_614 = arith.constant 0 : i32
      %dma_wait3A_615 = arith.constant 0 : i32
      %dma_wait3A_616 = tpu.memref_slice %arg9[%dma_wait3A_606, %dma_wait3A_614, %dma_wait3A_615] : memref<2x128x128xf32, #tpu.memory_space<vmem>> -> memref<1x128x128xf32, #tpu.memory_space<vmem>>
      %dma_wait3A_617 = tpu.memref_squeeze %dma_wait3A_616 : memref<1x128x128xf32, #tpu.memory_space<vmem>> -> memref<128x128xf32, #tpu.memory_space<vmem>>
      %dma_wait3A_618 = arith.constant 0 : i32
      %dma_wait3A_619 = arith.constant 0 : i32
      %dma_wait3A_620 = tpu.memref_slice %arg2[%dma_wait3A_618, %dma_wait3A_619] : memref<10000x128xf32, #tpu.memory_space<hbm>> -> memref<128x128xf32, #tpu.memory_space<hbm>>
      tpu.wait_dma2 semaphore(%arg15 : memref<!tpu.dma_semaphore, #tpu.memory_space<semaphore_mem>>) src(%dma_wait3A_620 : memref<128x128xf32, #tpu.memory_space<hbm>>) dst(%dma_wait3A_617 : memref<128x128xf32, #tpu.memory_space<vmem>>)
      %dma_start3A_621 = arith.constant 1 : i32
      %dma_start3A_622 = arith.constant 7 : i32
      %dma_start3A_623 = arith.constant 0 : i32
      %dma_start3A_624 = arith.constant 0 : i32
      %dma_start3A_625 = tpu.memref_slice %arg9[%dma_start3A_621, %dma_start3A_623, %dma_start3A_624] : memref<2x128x128xf32, #tpu.memory_space<vmem>> -> memref<1x128x128xf32, #tpu.memory_space<vmem>>
      %dma_start3A_626 = tpu.memref_squeeze %dma_start3A_625 : memref<1x128x128xf32, #tpu.memory_space<vmem>> -> memref<128x128xf32, #tpu.memory_space<vmem>>
      %dma_start3A_627 = arith.constant 0 : i32
      %dma_start3A_628 = tpu.memref_slice %arg8[%rem3A_160, %dma_start3A_622, %dma_start3A_627] : memref<2x8x128xi32, #tpu.memory_space<vmem>> -> memref<1x1x128xi32, #tpu.memory_space<vmem>>
      %dma_start3A_629 = tpu.memref_squeeze %dma_start3A_628 : memref<1x1x128xi32, #tpu.memory_space<vmem>> -> memref<128xi32, #tpu.memory_space<vmem>>
      %dma_start3A_630 = arith.constant 0 : i32
      %dma_start3A_631 = arith.constant 0 : i32
      %dma_start3A_632 = tpu.memref_slice %arg12[%dma_start3A_630, %dma_start3A_631] : memref<10240x128xf32, #tpu.memory_space<vmem_shared>> -> memref<10240x128xf32, #tpu.memory_space<vmem_shared>>
      tpu.enqueue_indirect_dma source(%dma_start3A_626 : memref<128x128xf32, #tpu.memory_space<vmem>>) target(%dma_start3A_632 : memref<10240x128xf32, #tpu.memory_space<vmem_shared>>) offsets(%dma_start3A_629 : memref<128xi32, #tpu.memory_space<vmem>>) semaphore(%arg17 : memref<!tpu.dma_semaphore, #tpu.memory_space<semaphore_mem>>) {add = true}
      %dma_start3A_633 = arith.constant 7 : i32
      %dma_start3A_634 = arith.constant 0 : i32
      %dma_start3A_635 = tpu.memref_slice %arg8[%rem3A_160, %dma_start3A_633, %dma_start3A_634] : memref<2x8x128xi32, #tpu.memory_space<vmem>> -> memref<1x1x128xi32, #tpu.memory_space<vmem>>
      %dma_start3A_636 = tpu.memref_squeeze %dma_start3A_635 : memref<1x1x128xi32, #tpu.memory_space<vmem>> -> memref<128xi32, #tpu.memory_space<vmem>>
      %dma_start3A_637 = arith.constant 0 : i32
      %dma_start3A_638 = tpu.memref_slice %arg13[%dma_start3A_637] : memref<10240xf32, #tpu.memory_space<vmem_shared>> -> memref<10240xf32, #tpu.memory_space<vmem_shared>>
      tpu.enqueue_indirect_dma source(%arg10 : memref<128xf32, #tpu.memory_space<vmem>>) target(%dma_start3A_638 : memref<10240xf32, #tpu.memory_space<vmem_shared>>) offsets(%dma_start3A_636 : memref<128xi32, #tpu.memory_space<vmem>>) semaphore(%arg17 : memref<!tpu.dma_semaphore, #tpu.memory_space<semaphore_mem>>) {add = true}
      %dma_wait3A_639 = arith.constant 1 : i32
      %dma_wait3A_640 = arith.constant 0 : i32
      %dma_wait3A_641 = arith.constant 0 : i32
      %dma_wait3A_642 = tpu.memref_slice %arg9[%dma_wait3A_639, %dma_wait3A_640, %dma_wait3A_641] : memref<2x128x128xf32, #tpu.memory_space<vmem>> -> memref<1x128x128xf32, #tpu.memory_space<vmem>>
      %dma_wait3A_643 = tpu.memref_squeeze %dma_wait3A_642 : memref<1x128x128xf32, #tpu.memory_space<vmem>> -> memref<128x128xf32, #tpu.memory_space<vmem>>
      %dma_wait3A_644 = arith.constant 0 : i32
      %dma_wait3A_645 = arith.constant 0 : i32
      %dma_wait3A_646 = tpu.memref_slice %arg12[%dma_wait3A_644, %dma_wait3A_645] : memref<10240x128xf32, #tpu.memory_space<vmem_shared>> -> memref<128x128xf32, #tpu.memory_space<vmem_shared>>
      %dma_wait3A_647 = arith.constant 0 : i32
      %dma_wait3A_648 = arith.constant 0 : i32
      %dma_wait3A_649 = tpu.memref_slice %arg12[%dma_wait3A_647, %dma_wait3A_648] : memref<10240x128xf32, #tpu.memory_space<vmem_shared>> -> memref<128x128xf32, #tpu.memory_space<vmem_shared>>
      %dma_wait3A_650 = arith.constant 0 : i32
      %dma_wait3A_651 = arith.constant 0 : i32
      %dma_wait3A_652 = tpu.memref_slice %arg9[%dma_wait3A_639, %dma_wait3A_650, %dma_wait3A_651] : memref<2x128x128xf32, #tpu.memory_space<vmem>> -> memref<1x128x128xf32, #tpu.memory_space<vmem>>
      %dma_wait3A_653 = tpu.memref_squeeze %dma_wait3A_652 : memref<1x128x128xf32, #tpu.memory_space<vmem>> -> memref<128x128xf32, #tpu.memory_space<vmem>>
      tpu.wait_dma2 semaphore(%arg17 : memref<!tpu.dma_semaphore, #tpu.memory_space<semaphore_mem>>) src(%dma_wait3A_653 : memref<128x128xf32, #tpu.memory_space<vmem>>) dst(%dma_wait3A_649 : memref<128x128xf32, #tpu.memory_space<vmem_shared>>)
      %dma_wait3A_654 = arith.constant 0 : i32
      %dma_wait3A_655 = tpu.memref_slice %arg13[%dma_wait3A_654] : memref<10240xf32, #tpu.memory_space<vmem_shared>> -> memref<128xf32, #tpu.memory_space<vmem_shared>>
      %dma_wait3A_656 = arith.constant 0 : i32
      %dma_wait3A_657 = tpu.memref_slice %arg13[%dma_wait3A_656] : memref<10240xf32, #tpu.memory_space<vmem_shared>> -> memref<128xf32, #tpu.memory_space<vmem_shared>>
      tpu.wait_dma2 semaphore(%arg17 : memref<!tpu.dma_semaphore, #tpu.memory_space<semaphore_mem>>) src(%arg10 : memref<128xf32, #tpu.memory_space<vmem>>) dst(%dma_wait3A_657 : memref<128xf32, #tpu.memory_space<vmem_shared>>)
      %not3A_658 = arith.constant true
      %not3A_659 = arith.xori %ge3A, %not3A_658 : i1
      %convert_element_type3A_660 = arith.extui %not3A_659 : i1 to i32
      %cond3A_661 = arith.constant 0 : i32
      %cond3A_662 = arith.cmpi ne, %convert_element_type3A_660, %cond3A_661 : i32
      scf.if %cond3A_662 {
        %sub3A = arith.constant 1 : i32
        %sub3A_663 = arith.subi %sub3A, %rem3A_160 : i32
        %multiple_of3A_664 = arith.constant 128 : i32
        %multiple_of3A_665 = tpu.assume_multiple %multiple_of3A_664, 128 : i32
        %dma_start3A_666 = arith.constant 1 : i32
        %dma_start3A_667 = arith.constant 0 : i32
        %dma_start3A_668 = arith.constant 0 : i32
        %dma_start3A_669 = tpu.memref_slice %arg9[%dma_start3A_666, %dma_start3A_667, %dma_start3A_668] : memref<2x128x128xf32, #tpu.memory_space<vmem>> -> memref<1x128x128xf32, #tpu.memory_space<vmem>>
        %dma_start3A_670 = tpu.memref_squeeze %dma_start3A_669 : memref<1x128x128xf32, #tpu.memory_space<vmem>> -> memref<128x128xf32, #tpu.memory_space<vmem>>
        %dma_start3A_671 = tpu.memref_slice %arg7[%sub3A_663, %multiple_of3A_665] : memref<2x1024xi32, #tpu.memory_space<vmem>> -> memref<1x128xi32, #tpu.memory_space<vmem>>
        %dma_start3A_672 = tpu.memref_squeeze %dma_start3A_671 : memref<1x128xi32, #tpu.memory_space<vmem>> -> memref<128xi32, #tpu.memory_space<vmem>>
        %dma_start3A_673 = arith.constant 0 : i32
        %dma_start3A_674 = arith.constant 0 : i32
        %dma_start3A_675 = tpu.memref_slice %arg2[%dma_start3A_673, %dma_start3A_674] : memref<10000x128xf32, #tpu.memory_space<hbm>> -> memref<10000x128xf32, #tpu.memory_space<hbm>>
        tpu.enqueue_indirect_dma source(%dma_start3A_675 : memref<10000x128xf32, #tpu.memory_space<hbm>>) target(%dma_start3A_670 : memref<128x128xf32, #tpu.memory_space<vmem>>) offsets(%dma_start3A_672 : memref<128xi32, #tpu.memory_space<vmem>>) semaphore(%arg15 : memref<!tpu.dma_semaphore, #tpu.memory_space<semaphore_mem>>)
      } else {
      }
    }
    %barrier3A_146 = arith.constant 0 : index
    tpu.barrier barrier_id(%barrier3A_146)
    %mul3A_147 = arith.constant 640 : i32
    %mul3A_148 = arith.muli %arg1, %mul3A_147 : i32
    %mul3A_149 = arith.constant 640 : i32
    %mul3A_150 = arith.muli %arg1, %mul3A_149 : i32
    "tpu.region"() ({
      %run_scoped3A_159 = tpu.sem_alloc : memref<!tpu.dma_semaphore, #tpu.memory_space<semaphore_mem>>
      %dma_start3A_160 = arith.constant 0 : i32
      %dma_start3A_161 = tpu.memref_slice %arg5[%arg0, %mul3A_150, %dma_start3A_160] : memref<2x10240x128xf32, #tpu.memory_space<hbm>> -> memref<1x640x128xf32, #tpu.memory_space<hbm>>
      %dma_start3A_162 = tpu.memref_squeeze %dma_start3A_161 : memref<1x640x128xf32, #tpu.memory_space<hbm>> -> memref<640x128xf32, #tpu.memory_space<hbm>>
      %dma_start3A_163 = arith.constant 0 : i32
      %dma_start3A_164 = tpu.memref_slice %arg12[%mul3A_148, %dma_start3A_163] : memref<10240x128xf32, #tpu.memory_space<vmem_shared>> -> memref<640x128xf32, #tpu.memory_space<vmem_shared>>
      tpu.enqueue_dma source(%dma_start3A_164 : memref<640x128xf32, #tpu.memory_space<vmem_shared>>) target(%dma_start3A_162 : memref<640x128xf32, #tpu.memory_space<hbm>>) target_semaphore(%run_scoped3A_159 : memref<!tpu.dma_semaphore, #tpu.memory_space<semaphore_mem>>)
      %dma_wait3A_165 = arith.constant 0 : i32
      %dma_wait3A_166 = tpu.memref_slice %arg5[%arg0, %mul3A_150, %dma_wait3A_165] : memref<2x10240x128xf32, #tpu.memory_space<hbm>> -> memref<1x640x128xf32, #tpu.memory_space<hbm>>
      %dma_wait3A_167 = tpu.memref_squeeze %dma_wait3A_166 : memref<1x640x128xf32, #tpu.memory_space<hbm>> -> memref<640x128xf32, #tpu.memory_space<hbm>>
      %dma_wait3A_168 = arith.constant 0 : i32
      %dma_wait3A_169 = tpu.memref_slice %arg12[%mul3A_148, %dma_wait3A_168] : memref<10240x128xf32, #tpu.memory_space<vmem_shared>> -> memref<640x128xf32, #tpu.memory_space<vmem_shared>>
      tpu.wait_dma2 semaphore(%run_scoped3A_159 : memref<!tpu.dma_semaphore, #tpu.memory_space<semaphore_mem>>) src(%dma_wait3A_169 : memref<640x128xf32, #tpu.memory_space<vmem_shared>>) dst(%dma_wait3A_167 : memref<640x128xf32, #tpu.memory_space<hbm>>)
      tpu.yield
    }) : () -> ()
    %mul3A_151 = arith.constant 640 : i32
    %mul3A_152 = arith.muli %arg1, %mul3A_151 : i32
    %mul3A_153 = arith.constant 10240 : i32
    %mul3A_154 = arith.muli %arg0, %mul3A_153 : i32
    %mul3A_155 = arith.constant 640 : i32
    %mul3A_156 = arith.muli %arg1, %mul3A_155 : i32
    %add3A_157 = arith.addi %mul3A_154, %mul3A_156 : i32
    %multiple_of3A_158 = tpu.assume_multiple %add3A_157, 8 : i32
    "tpu.region"() ({
      %run_scoped3A_159 = tpu.sem_alloc : memref<!tpu.dma_semaphore, #tpu.memory_space<semaphore_mem>>
      %dma_start3A_160 = tpu.memref_slice %arg6[%multiple_of3A_158] : memref<20480xf32, #tpu.memory_space<hbm>> -> memref<640xf32, #tpu.memory_space<hbm>>
      %dma_start3A_161 = tpu.memref_slice %arg13[%mul3A_152] : memref<10240xf32, #tpu.memory_space<vmem_shared>> -> memref<640xf32, #tpu.memory_space<vmem_shared>>
      tpu.enqueue_dma source(%dma_start3A_161 : memref<640xf32, #tpu.memory_space<vmem_shared>>) target(%dma_start3A_160 : memref<640xf32, #tpu.memory_space<hbm>>) target_semaphore(%run_scoped3A_159 : memref<!tpu.dma_semaphore, #tpu.memory_space<semaphore_mem>>)
      %dma_wait3A_162 = tpu.memref_slice %arg6[%multiple_of3A_158] : memref<20480xf32, #tpu.memory_space<hbm>> -> memref<640xf32, #tpu.memory_space<hbm>>
      %dma_wait3A_163 = tpu.memref_slice %arg13[%mul3A_152] : memref<10240xf32, #tpu.memory_space<vmem_shared>> -> memref<640xf32, #tpu.memory_space<vmem_shared>>
      tpu.wait_dma2 semaphore(%run_scoped3A_159 : memref<!tpu.dma_semaphore, #tpu.memory_space<semaphore_mem>>) src(%dma_wait3A_163 : memref<640xf32, #tpu.memory_space<vmem_shared>>) dst(%dma_wait3A_162 : memref<640xf32, #tpu.memory_space<hbm>>)
      tpu.yield
    }) : () -> ()
    return
  }
}

module attributes {stable_mosaic.version = 14 : i64} {
  func.func @_dense_body(%arg0: i32, %arg1: memref<2x400x128xf32, #tpu.memory_space<vmem>>, %arg2: memref<400x1xf32, #tpu.memory_space<vmem>>, %arg3: memref<400x128xf32, #tpu.memory_space<vmem>>, %arg4: memref<128x128xf32, #tpu.memory_space<vmem>>, %arg5: memref<1x128xf32, #tpu.memory_space<vmem>>, %arg6: memref<128x128xf32, #tpu.memory_space<vmem>>, %arg7: memref<400x128xf32, #tpu.memory_space<vmem>>) attributes {dimension_semantics = [#tpu.dimension_semantics<arbitrary>], iteration_bounds = array<i64: 25>, scalar_prefetch = 0 : i64, scratch_operands = 0 : i64, tpu.core_type = #tpu.core_type<tc>, window_params = [{transform_indices = @transform_0, window_bounds = array<i64: 2, 400, 128>}, {transform_indices = @transform_1, window_bounds = array<i64: 400, 1>}, {transform_indices = @transform_2, window_bounds = array<i64: 400, 128>}, {pipeline_mode = #tpu.pipeline_mode<synchronous>, transform_indices = @transform_3, window_bounds = array<i64: 128, 128>}, {pipeline_mode = #tpu.pipeline_mode<synchronous>, transform_indices = @transform_4, window_bounds = array<i64: 1, 128>}, {pipeline_mode = #tpu.pipeline_mode<synchronous>, transform_indices = @transform_5, window_bounds = array<i64: 128, 128>}, {transform_indices = @transform_6, window_bounds = array<i64: 400, 128>}]} {
    %get3A = arith.constant 0 : index
    %get3A_0 = arith.constant 0 : index
    %get3A_1 = arith.constant 0 : index
    %get3A_2 = vector.load %arg1[%get3A, %get3A_0, %get3A_1] : memref<2x400x128xf32, #tpu.memory_space<vmem>>, vector<1x400x128xf32>
    %get3A_3 = vector.shape_cast %get3A_2 : vector<1x400x128xf32> to vector<400x128xf32>
    %get3A_4 = arith.constant 1 : index
    %get3A_5 = arith.constant 0 : index
    %get3A_6 = arith.constant 0 : index
    %get3A_7 = vector.load %arg1[%get3A_4, %get3A_5, %get3A_6] : memref<2x400x128xf32, #tpu.memory_space<vmem>>, vector<1x400x128xf32>
    %get3A_8 = vector.shape_cast %get3A_7 : vector<1x400x128xf32> to vector<400x128xf32>
    %add3A = arith.addf %get3A_3, %get3A_8 : vector<400x128xf32>
    %get3A_9 = arith.constant 0 : index
    %get3A_10 = arith.constant 0 : index
    %get3A_11 = vector.load %arg2[%get3A_9, %get3A_10] : memref<400x1xf32, #tpu.memory_space<vmem>>, vector<400x1xf32>
    %mul3A = vector.broadcast %get3A_11 : vector<400x1xf32> to vector<400x128xf32>
    %mul3A_12 = arith.mulf %add3A, %mul3A : vector<400x128xf32>
    %get3A_13 = arith.constant 0 : index
    %get3A_14 = arith.constant 0 : index
    %get3A_15 = vector.load %arg4[%get3A_13, %get3A_14] : memref<128x128xf32, #tpu.memory_space<vmem>>, vector<128x128xf32>
    %dot_general3A = arith.constant dense<0.000000e+00> : vector<400x128xf32>
    %dot_general3A_16 = tpu.matmul %mul3A_12, %get3A_15, %dot_general3A {dimension_numbers = #tpu.dot_dimension_numbers<[1], [0], [0], [1], [0, 0, 1, 1], [], []>, transpose_lhs_hint = false} : vector<400x128xf32>, vector<128x128xf32>, vector<400x128xf32> -> vector<400x128xf32>
    %get3A_17 = arith.constant 0 : index
    %get3A_18 = arith.constant 0 : index
    %get3A_19 = vector.load %arg3[%get3A_17, %get3A_18] : memref<400x128xf32, #tpu.memory_space<vmem>>, vector<400x128xf32>
    %get3A_20 = arith.constant 0 : index
    %get3A_21 = arith.constant 0 : index
    %get3A_22 = vector.load %arg6[%get3A_20, %get3A_21] : memref<128x128xf32, #tpu.memory_space<vmem>>, vector<128x128xf32>
    %dot_general3A_23 = arith.constant dense<0.000000e+00> : vector<400x128xf32>
    %dot_general3A_24 = tpu.matmul %get3A_19, %get3A_22, %dot_general3A_23 {dimension_numbers = #tpu.dot_dimension_numbers<[1], [0], [0], [1], [0, 0, 1, 1], [], []>, transpose_lhs_hint = false} : vector<400x128xf32>, vector<128x128xf32>, vector<400x128xf32> -> vector<400x128xf32>
    %add3A_25 = arith.addf %dot_general3A_16, %dot_general3A_24 : vector<400x128xf32>
    %get3A_26 = arith.constant 0 : index
    %get3A_27 = arith.constant 0 : index
    %get3A_28 = vector.load %arg5[%get3A_26, %get3A_27] : memref<1x128xf32, #tpu.memory_space<vmem>>, vector<1x128xf32>
    %add3A_29 = vector.broadcast %get3A_28 : vector<1x128xf32> to vector<400x128xf32>
    %add3A_30 = arith.addf %add3A_25, %add3A_29 : vector<400x128xf32>
    %tanh3A = math.tanh %add3A_30 : vector<400x128xf32>
    %swap3A = arith.constant 0 : index
    %swap3A_31 = arith.constant 0 : index
    %swap3A_32 = vector.load %arg7[%swap3A, %swap3A_31] : memref<400x128xf32, #tpu.memory_space<vmem>>, vector<400x128xf32>
    tpu.vector_store %arg7[%swap3A, %swap3A_31], %tanh3A {strides = array<i32>} : memref<400x128xf32, #tpu.memory_space<vmem>>, vector<400x128xf32>,
    return
  }
  func.func @transform_0(%arg0: i32) -> (i32, i32, i32) {
    %c0_i32 = arith.constant 0 : i32
    %c0_i32_0 = arith.constant 0 : i32
    %c0_i32_1 = arith.constant 0 : i32
    return %c0_i32, %arg0, %c0_i32_0 : i32, i32, i32
  }
  func.func @transform_1(%arg0: i32) -> (i32, i32) {
    %c0_i32 = arith.constant 0 : i32
    %c0_i32_0 = arith.constant 0 : i32
    return %arg0, %c0_i32 : i32, i32
  }
  func.func @transform_2(%arg0: i32) -> (i32, i32) {
    %c0_i32 = arith.constant 0 : i32
    %c0_i32_0 = arith.constant 0 : i32
    return %arg0, %c0_i32 : i32, i32
  }
  func.func @transform_3(%arg0: i32) -> (i32, i32) {
    %c0_i32 = arith.constant 0 : i32
    %c0_i32_0 = arith.constant 0 : i32
    %c0_i32_1 = arith.constant 0 : i32
    return %c0_i32, %c0_i32_0 : i32, i32
  }
  func.func @transform_4(%arg0: i32) -> (i32, i32) {
    %c0_i32 = arith.constant 0 : i32
    %c0_i32_0 = arith.constant 0 : i32
    %c0_i32_1 = arith.constant 0 : i32
    return %c0_i32, %c0_i32_0 : i32, i32
  }
  func.func @transform_5(%arg0: i32) -> (i32, i32) {
    %c0_i32 = arith.constant 0 : i32
    %c0_i32_0 = arith.constant 0 : i32
    %c0_i32_1 = arith.constant 0 : i32
    return %c0_i32, %c0_i32_0 : i32, i32
  }
  func.func @transform_6(%arg0: i32) -> (i32, i32) {
    %c0_i32 = arith.constant 0 : i32
    %c0_i32_0 = arith.constant 0 : i32
    return %arg0, %c0_i32 : i32, i32
  }
}

module attributes {stable_mosaic.version = 14 : i64} {
  func.func @_dense_body(%arg0: i32, %arg1: memref<2x400x128xf32, #tpu.memory_space<vmem>>, %arg2: memref<400x1xf32, #tpu.memory_space<vmem>>, %arg3: memref<400x128xf32, #tpu.memory_space<vmem>>, %arg4: memref<128x128xf32, #tpu.memory_space<vmem>>, %arg5: memref<1x128xf32, #tpu.memory_space<vmem>>, %arg6: memref<128x128xf32, #tpu.memory_space<vmem>>, %arg7: memref<400x128xf32, #tpu.memory_space<vmem>>) attributes {dimension_semantics = [#tpu.dimension_semantics<arbitrary>], iteration_bounds = array<i64: 25>, scalar_prefetch = 0 : i64, scratch_operands = 0 : i64, tpu.core_type = #tpu.core_type<tc>, window_params = [{transform_indices = @transform_0, window_bounds = array<i64: 2, 400, 128>}, {transform_indices = @transform_1, window_bounds = array<i64: 400, 1>}, {transform_indices = @transform_2, window_bounds = array<i64: 400, 128>}, {pipeline_mode = #tpu.pipeline_mode<synchronous>, transform_indices = @transform_3, window_bounds = array<i64: 128, 128>}, {pipeline_mode = #tpu.pipeline_mode<synchronous>, transform_indices = @transform_4, window_bounds = array<i64: 1, 128>}, {pipeline_mode = #tpu.pipeline_mode<synchronous>, transform_indices = @transform_5, window_bounds = array<i64: 128, 128>}, {transform_indices = @transform_6, window_bounds = array<i64: 400, 128>}]} {
    %get3A = arith.constant 0 : index
    %get3A_0 = arith.constant 0 : index
    %get3A_1 = arith.constant 0 : index
    %get3A_2 = vector.load %arg1[%get3A, %get3A_0, %get3A_1] : memref<2x400x128xf32, #tpu.memory_space<vmem>>, vector<1x400x128xf32>
    %get3A_3 = vector.shape_cast %get3A_2 : vector<1x400x128xf32> to vector<400x128xf32>
    %get3A_4 = arith.constant 1 : index
    %get3A_5 = arith.constant 0 : index
    %get3A_6 = arith.constant 0 : index
    %get3A_7 = vector.load %arg1[%get3A_4, %get3A_5, %get3A_6] : memref<2x400x128xf32, #tpu.memory_space<vmem>>, vector<1x400x128xf32>
    %get3A_8 = vector.shape_cast %get3A_7 : vector<1x400x128xf32> to vector<400x128xf32>
    %add3A = arith.addf %get3A_3, %get3A_8 : vector<400x128xf32>
    %get3A_9 = arith.constant 0 : index
    %get3A_10 = arith.constant 0 : index
    %get3A_11 = vector.load %arg2[%get3A_9, %get3A_10] : memref<400x1xf32, #tpu.memory_space<vmem>>, vector<400x1xf32>
    %mul3A = vector.broadcast %get3A_11 : vector<400x1xf32> to vector<400x128xf32>
    %mul3A_12 = arith.mulf %add3A, %mul3A : vector<400x128xf32>
    %get3A_13 = arith.constant 0 : index
    %get3A_14 = arith.constant 0 : index
    %get3A_15 = vector.load %arg4[%get3A_13, %get3A_14] : memref<128x128xf32, #tpu.memory_space<vmem>>, vector<128x128xf32>
    %dot_general3A = arith.constant dense<0.000000e+00> : vector<400x128xf32>
    %dot_general3A_16 = tpu.matmul %mul3A_12, %get3A_15, %dot_general3A {dimension_numbers = #tpu.dot_dimension_numbers<[1], [0], [0], [1], [0, 0, 1, 1], [], []>, transpose_lhs_hint = false} : vector<400x128xf32>, vector<128x128xf32>, vector<400x128xf32> -> vector<400x128xf32>
    %get3A_17 = arith.constant 0 : index
    %get3A_18 = arith.constant 0 : index
    %get3A_19 = vector.load %arg3[%get3A_17, %get3A_18] : memref<400x128xf32, #tpu.memory_space<vmem>>, vector<400x128xf32>
    %get3A_20 = arith.constant 0 : index
    %get3A_21 = arith.constant 0 : index
    %get3A_22 = vector.load %arg6[%get3A_20, %get3A_21] : memref<128x128xf32, #tpu.memory_space<vmem>>, vector<128x128xf32>
    %dot_general3A_23 = arith.constant dense<0.000000e+00> : vector<400x128xf32>
    %dot_general3A_24 = tpu.matmul %get3A_19, %get3A_22, %dot_general3A_23 {dimension_numbers = #tpu.dot_dimension_numbers<[1], [0], [0], [1], [0, 0, 1, 1], [], []>, transpose_lhs_hint = false} : vector<400x128xf32>, vector<128x128xf32>, vector<400x128xf32> -> vector<400x128xf32>
    %add3A_25 = arith.addf %dot_general3A_16, %dot_general3A_24 : vector<400x128xf32>
    %get3A_26 = arith.constant 0 : index
    %get3A_27 = arith.constant 0 : index
    %get3A_28 = vector.load %arg5[%get3A_26, %get3A_27] : memref<1x128xf32, #tpu.memory_space<vmem>>, vector<1x128xf32>
    %add3A_29 = vector.broadcast %get3A_28 : vector<1x128xf32> to vector<400x128xf32>
    %add3A_30 = arith.addf %add3A_25, %add3A_29 : vector<400x128xf32>
    %swap3A = arith.constant 0 : index
    %swap3A_31 = arith.constant 0 : index
    %swap3A_32 = vector.load %arg7[%swap3A, %swap3A_31] : memref<400x128xf32, #tpu.memory_space<vmem>>, vector<400x128xf32>
    tpu.vector_store %arg7[%swap3A, %swap3A_31], %add3A_30 {strides = array<i32>} : memref<400x128xf32, #tpu.memory_space<vmem>>, vector<400x128xf32>,
    return
  }
  func.func @transform_0(%arg0: i32) -> (i32, i32, i32) {
    %c0_i32 = arith.constant 0 : i32
    %c0_i32_0 = arith.constant 0 : i32
    %c0_i32_1 = arith.constant 0 : i32
    return %c0_i32, %arg0, %c0_i32_0 : i32, i32, i32
  }
  func.func @transform_1(%arg0: i32) -> (i32, i32) {
    %c0_i32 = arith.constant 0 : i32
    %c0_i32_0 = arith.constant 0 : i32
    return %arg0, %c0_i32 : i32, i32
  }
  func.func @transform_2(%arg0: i32) -> (i32, i32) {
    %c0_i32 = arith.constant 0 : i32
    %c0_i32_0 = arith.constant 0 : i32
    return %arg0, %c0_i32 : i32, i32
  }
  func.func @transform_3(%arg0: i32) -> (i32, i32) {
    %c0_i32 = arith.constant 0 : i32
    %c0_i32_0 = arith.constant 0 : i32
    %c0_i32_1 = arith.constant 0 : i32
    return %c0_i32, %c0_i32_0 : i32, i32
  }
  func.func @transform_4(%arg0: i32) -> (i32, i32) {
    %c0_i32 = arith.constant 0 : i32
    %c0_i32_0 = arith.constant 0 : i32
    %c0_i32_1 = arith.constant 0 : i32
    return %c0_i32, %c0_i32_0 : i32, i32
  }
  func.func @transform_5(%arg0: i32) -> (i32, i32) {
    %c0_i32 = arith.constant 0 : i32
    %c0_i32_0 = arith.constant 0 : i32
    %c0_i32_1 = arith.constant 0 : i32
    return %c0_i32, %c0_i32_0 : i32, i32
  }
  func.func @transform_6(%arg0: i32) -> (i32, i32) {
    %c0_i32 = arith.constant 0 : i32
    %c0_i32_0 = arith.constant 0 : i32
    return %arg0, %c0_i32 : i32, i32
  }
}

</mosaic_0001>

<sc_bundles>
// kernel: kernel.6.cloned.1.call-start
scs
__scs_entry_jumppad:
0x0: {  	(pc) =	sbr.rel $0x88, $3  }
0x1: {  	(tag) =	ssettag $0x0;
	lr =	simm.s32 $0x1  }
0x2: {  	[smem:$0x3F99] =	sst lr;
	_ =	strace $0xD0000000  }
0x3: {  	_ = 	snop  }
0x4: {  	_ = 	snop  }
0x5: {  	_ = 	snop  }
0x6: {  	_ = 	snop  }
0x7: {  	_ = 	snop  }
__scs_overlays_trampoline_lowered:
0x8: {  	[smem:$0x3FA8] =	sst s0  }
0x9: {  	[smem:$0x3FA9] =	sst s1  }
0xa: {  	[smem:$0x3FAA] =	sst s2  }
0xb: {  	[smem:$0x3FAB] =	sst s3  }
0xc: {  	[smem:$0x3FAC] =	sst s4  }
0xd: {  	[smem:$0x3FAD] =	sst s5  }
0xe: {  	[smem:$0x3FAE] =	sst s6  }
0xf: {  	[smem:$0x3FAF] =	sst s7  }
0x10: {  	[smem:$0x3FB0] =	sst s8  }
0x11: {  	[smem:$0x3FB1] =	sst s9;
	s0 =	simm.s32 @!p0 $0x0  }
0x12: {  	s1 =	sld [smem:$0x3F97];
	s0 =	simm.s32 @p0 $0x1  }
0x13: {  	[smem:$0x3FB2] =	sst s0;
	s0 =	simm.s32 @!p1 $0x0  }
0x14: {  	s2 =	sld [smem:$0x3F96];
	s0 =	simm.s32 @p1 $0x1  }
0x15: {  	[smem:$0x3FB3] =	sst s0;
	s0 =	simm.s32 @!p2 $0x0  }
0x16: {  	s3 =	sld [smem:$0x3FDB];
	s0 =	simm.s32 @p2 $0x1  }
0x17: {  	s4 =	simm.s32 $0x1BF5;
	[smem:$0x3FB5] =	sst s0  }
0x18: {  	s0 =	sld [smem:$0x3F98];
	_ =	swait.ge [sflag:s4], $0x0  }
0x19: {  	s7 =	sld [smem:$0x3F99]  }
0x1a: {  	s8 =	sadd.s32 $0xFFFFE003, lr  }
0x1b: {  	s9 =	sadd.s32 $0xFFFFFEF7, lr;
	s5 =	simm.s32 $0xFFFFFFFF;
	p2 =	slt.u32 s8, $0xFFFFF086  }
0x1c: {  	p1 =	slt.u32 s9, $0xF7A;
	s5 =	simm.s32 @!p2 $0x0  }
0x1d: {  	s5 =	simm.s32 @p1 $0x1;
	p0 =	seq.s32 s7, s2  }
0x1e: {  	s7 =	smul.u32 @!p0 $0xF7A, s2;
	p2 =	seq.s32 @!p0 s5, $0x0  }
0x1f: {  	s9 =	smul.u32 $0xF7A, s1;
	s8 =	simm.s32 @!p0 $0x1BF5;
	p2 =	por !p2, p0  }
0x20: {  	[sflag:s8] =	ssyncset.s32 @!p0 $0xFFFFF086;
	s6 =	sadd.s32 @!p0 s3, s7;
	s7 =	simm.s32 @!p0 $0x108  }
0x21: {  	s3 =	sadd.s32 s3, s9;
	s6 =	sadd.s32 @!p0 $0x88, s6;
	s7 =	simm.s32 @p2 $0x1082  }
0x22: {  	[simem:s7], [sflag:s8] =	dma.local @!p0 [hbm:s6], $0xF7A  }
0x23: {  	s9 =	sor.u32 $0xD0000000, s2;
	s6 =	simm.s32 $0x108;
	_ =	swait.ge @!p0 [sflag:s8], $0x0  }
0x24: {  	s3 =	sadd.s32 $0x88, s3;
	s6 =	simm.s32 @!p1 $0x1082;
	[sflag:s4] =	ssyncset.s32 $0xFFFFF086  }
0x25: {  	[simem:s6], [sflag:s4] =	dma.local [hbm:s3], $0xF7A  }
0x26: {  	[smem:$0x3F99] =	sst s1;
	(tag) =	ssettag s2;
	_ =	strace s9  }
0x27: {  	s1 =	sld [smem:$0x3FA9]  }
0x28: {  	s2 =	sld [smem:$0x3FAA]  }
0x29: {  	s4 =	sld [smem:$0x3FAC]  }
0x2a: {  	p0 =	seq.s32 s5, $0x0;
	s5 =	sld [smem:$0x3FAD]  }
0x2b: {  	s6 =	sld [smem:$0x3FAE]  }
0x2c: {  	s7 =	sld [smem:$0x3FAF]  }
0x2d: {  	s3 =	simm.s32 $0x108;
	s8 =	sld [smem:$0x3FB0]  }
0x2e: {  	s3 =	simm.s32 @!p0 $0x1082;
	s9 =	sld [smem:$0x3FB1]  }
0x2f: {  	lr =	sadd.s32 s0, s3;
	s0 =	sld [smem:$0x3FA8]  }
0x30: {  	s3 =	sld [smem:$0x3FAB]  }
0x31: {  	[smem:$0x3FB4] =	sst s10  }
0x32: {  	s10 =	sld [smem:$0x3FB2];
	_ =	sdelay $0x3  }
0x33: {  	p0 =	seq.s32 s10, $0x1;
	s10 =	sld [smem:$0x3FB4];
	_ =	sdelay $0x3  }
0x34: {  	[smem:$0x3FB4] =	sst s10  }
0x35: {  	s10 =	sld [smem:$0x3FB3];
	_ =	sdelay $0x3  }
0x36: {  	p1 =	seq.s32 s10, $0x1;
	s10 =	sld [smem:$0x3FB4];
	_ =	sdelay $0x3  }
0x37: {  	[smem:$0x3FB4] =	sst s10  }
0x38: {  	s10 =	sld [smem:$0x3FB5]  }
0x39: {  	_ = 	snop;
	(pc) =	sbr.ind lr, $3  }
0x3a: {  	_ = 	snop  }
0x3b: {  	_ = 	snop  }
0x3c: {  	p2 =	seq.s32 s10, $0x1;
	s10 =	sld [smem:$0x3FB4]  }
0x3d: {  	_ =	shalt  }
0x3e: {  	_ =	shalt  }
0x3f: {  	_ =	shalt  }
0x40: {  	_ =	shalt  }
0x41: {  	_ =	shalt  }
0x42: {  	_ =	shalt  }
0x43: {  	_ =	shalt  }
0x44: {  	_ =	shalt  }
0x45: {  	_ =	shalt  }
0x46: {  	_ =	shalt  }
0x47: {  	_ =	shalt  }
0x48: {  	_ =	shalt  }
0x49: {  	_ =	shalt  }
0x4a: {  	_ =	shalt  }
0x4b: {  	_ =	shalt  }
0x4c: {  	_ =	shalt  }
0x4d: {  	_ =	shalt  }
0x4e: {  	_ =	shalt  }
0x4f: {  	_ =	shalt  }
0x50: {  	_ =	shalt  }
0x51: {  	_ =	shalt  }
0x52: {  	_ =	shalt  }
0x53: {  	_ =	shalt  }
0x54: {  	_ =	shalt  }
0x55: {  	_ =	shalt  }
0x56: {  	_ =	shalt  }
0x57: {  	_ =	shalt  }
0x58: {  	_ =	shalt  }
0x59: {  	_ =	shalt  }
0x5a: {  	_ =	shalt  }
0x5b: {  	_ =	shalt  }
0x5c: {  	_ =	shalt  }
0x5d: {  	_ =	shalt  }
0x5e: {  	_ =	shalt  }
0x5f: {  	_ =	shalt  }
0x60: {  	_ =	shalt  }
0x61: {  	_ =	shalt  }
0x62: {  	_ =	shalt  }
0x63: {  	_ =	shalt  }
0x64: {  	_ =	shalt  }
0x65: {  	_ =	shalt  }
0x66: {  	_ =	shalt  }
0x67: {  	_ =	shalt  }
0x68: {  	_ =	shalt  }
0x69: {  	_ =	shalt  }
0x6a: {  	_ =	shalt  }
0x6b: {  	_ =	shalt  }
0x6c: {  	_ =	shalt  }
0x6d: {  	_ =	shalt  }
0x6e: {  	_ =	shalt  }
0x6f: {  	_ =	shalt  }
0x70: {  	_ =	shalt  }
0x71: {  	_ =	shalt  }
0x72: {  	_ =	shalt  }
0x73: {  	_ =	shalt  }
0x74: {  	_ =	shalt  }
0x75: {  	_ =	shalt  }
0x76: {  	_ =	shalt  }
0x77: {  	_ =	shalt  }
0x78: {  	_ =	shalt  }
0x79: {  	_ =	shalt  }
0x7a: {  	_ =	shalt  }
0x7b: {  	_ =	shalt  }
0x7c: {  	_ =	shalt  }
0x7d: {  	_ =	shalt  }
0x7e: {  	_ =	shalt  }
0x7f: {  	_ =	shalt  }
0x80: {  	_ =	shalt  }
0x81: {  	_ =	shalt  }
0x82: {  	_ =	shalt  }
0x83: {  	_ =	shalt  }
0x84: {  	_ =	shalt  }
0x85: {  	_ =	shalt  }
0x86: {  	_ =	shalt  }
0x87: {  	_ =	shalt  }
.Lfunc_end0:
.L_simem_size_0:
called_computation_lowered:
.L_overlay_start_0:
0x88: {  	s2 =	sld [smem:$0x3FD9]  }
0x89: {  	s3 =	sld [smem:$0x3FFE];
	_ =	sdelay $0x1  }
0x8a: {  	s1 =	srdreg.scid  }
0x8b: {  	s0 =	sand.u32 $0x1, s1  }
0x8c: {  	s17 =	sshll.u32 s0, $0xA;
	s2 =	sadd.s32 s3, s2  }
0x8d: {  	s2 =	sadd.s32 s2, s17  }
0x8e: {  	[smem:$0x3FC0] =	sst s2  }
0x8f: {  	_ = 	snop  }
0x90: {  	s2 =	sld [smem:$0x3FC9]  }
0x91: {  	s18 =	sld [smem:$0x3FD0];
	(tm) =	ssettm $0x1  }
0x92: {  	s4 =	sld [smem:$0x3FFB];
	_ =	sdelay $0x3  }
0x93: {  	_ =	strace s4  }
0x94: {  	s4 =	sld [smem:$0x3FFC];
	_ =	sdelay $0x3  }
0x95: {  	_ =	strace s4  }
0x96: {  	s4 =	sld [smem:$0x3FFD];
	_ =	sdelay $0x3  }
0x97: {  	_ =	strace s4  }
0x98: {  	_ =	strace $0x8FFFFFFF  }
0x99: {  	s19 =	sld [smem:$0x3FDB];
	_ =	sdelay $0x1  }
0x9a: {  	s5 =	simm.s32 $_scs_section_size  }
0x9b: {  	s6 =	simm.s32 $_size__tile_overlayer_lowered;
	s7 =	simm.s32 $_tile_overlayer_lowered  }
0x9c: {  	s22 =	simm.s32 $0x1BFF;
	s21 =	sshll.u32 s7, $0x1;
	s4 =	sadd.s32 s5, s19  }
0x9d: {  	s8 =	simm.s32 $0x0;
	s20 =	sshll.u32 s6, $0x1;
	s6 =	sadd.s32 s21, s4  }
0x9e: {  	[timem:s8], [sflag:s22] =	dma.local [hbm:s6], s20  }
0x9f: {  	_ =	swait.ge [sflag:s22], s20  }
0xa0: {  	s5 =	ssub.s32 $0x0, s20;
	[sflag:s22] =	ssyncset.done $0x0  }
0xa1: {  	[sflag:s22] =	ssyncadd.s32 s5;
	_ =	sdelay $0x1  }
0xa2: {  	s23 =	simm.s32 $0x1B8B  }
0xa3: {  	_ =	swait.ge [sflag:s23], $0x1  }
0xa4: {  	[sflag:s23] =	ssyncset.done $0x0  }
0xa5: {  	s25 =	simm.s32 $0x1B8E;
	s24 =	sld [smem:$0x3FFE];
	[sflag:s23] =	ssyncadd.s32 $0xFFFFFFFF  }
0xa6: {  	s26 =	simm.s32 $execute0_lowered;
	[smem:$0x3FD2] =	sst s25  }
0xa7: {  	s6 =	sshll.u32 s26, $0x1;
	_ =	strace $0x80000046;
	[dreg:$0x1] =	wrdreg $0xFFFFFFFF  }
0xa8: {  	s28 =	simm.s32 $_size_execute0_lowered;
	s4 =	sadd.s32 s4, s6;
	[dreg:$0x0] =	wrdreg $0x0  }
0xa9: {  	s6 =	sshll.u32 s28, $0x1;
	[dreg:$0x2] =	wrdreg s4  }
0xaa: {  	[dreg:$0x3] =	wrdreg s6  }
0xab: {  	[dreg:$0x4] =	wrdreg $0xC0  }
0xac: {  	_ =	task [dreg:s8], $0x5FFFF  }
0xad: {  	[dreg:$0x1] =	wrdreg $0xFFFFFFFF  }
0xae: {  	[dreg:$0x0] =	wrdreg $0x60  }
0xaf: {  	[dreg:$0x2] =	wrdreg s2  }
0xb0: {  	[dreg:$0x3] =	wrdreg s24  }
0xb1: {  	[dreg:$0x4] =	wrdreg s18  }
0xb2: {  	[dreg:$0x5] =	wrdreg $0x93000  }
0xb3: {  	[dreg:$0x6] =	wrdreg $0x1D3000  }
0xb4: {  	[dreg:$0x7] =	wrdreg $0x9  }
0xb5: {  	_ =	task.clear_ibuf [dreg:s8], $0x8FFFF;
	_ =	strace $0x90000046  }
0xb6: {  	s29 =	simm.s32 $0x9;
	_ =	strace $0x80000048  }
0xb7: {  	_ =	swait.ge [sflag:s29], $0x1  }
0xb8: {  	[sflag:s29] =	ssyncadd.s32 $0xFFFFFFFF  }
0xb9: {  	_ =	strace $0x90000048  }
0xba: {  	_ =	sfence  }
0xbb: {  	s30 =	sld [smem:$0x0];
	_ =	sdelay $0x2  }
0xbc: {  	s31 =	sshll.u32 s1, $0xD;
	s1 =	sshrl.u32 s1, $0x2  }
0xbd: {  	s3 =	sand.u32 $0x4000, s31;
	s1 =	sadd.s32 s1, s30  }
0xbe: {  	s0 =	sor.u32 s3, s0;
	s1 =	sshll.u32 s1, $0x11  }
0xbf: {  	s0 =	sor.u32 s1, s0  }
0xc0: {  	s0 =	sadd.s32 $0x8F2B, s0  }
0xc1: {  	[sflag:s0] =	ssyncadd.remote.s32 $0x1  }
0xc2: {  	_ =	sfence.sel $0xFFFF  }
0xc3: {  	[dreg:$0x0] =	wrdreg $0xFFFFFFFF;
	(pc) =	sbr.abs _section_cstart, $3  }
0xc4: {  	[dreg:$0x1] =	wrdreg $0xFFFFFFFF  }
0xc5: {  	_ =	task.clear_ibuf [dreg:s8], $0x2FFFF;
	_ =	strace $0x9FFFFFFF  }
0xc6: {  	(tm) =	ssettm $0x7FFFFFFF  }
0xc7: {  	_ =	shalt  }
tec
execute0_lowered:
.L_overlay_start_1:
0x0: {  	(tag) =	ssettag $0x1  }
0x1: {  	s0 =	rddreg [dreg:$0x0]  }
0x2: {  	s1 =	rddreg [dreg:$0x1]  }
0x3: {  	s2 =	rddreg [dreg:$0x2]  }
0x4: {  	s3 =	rddreg [dreg:$0x3];
	s12 =	stileid.u32  }
0x5: {  	s5 =	srdreg.scid;
	s6 =	smul.u32 $0x13, s12  }
0x6: {  	s4 =	rddreg [dreg:$0x4];
	s10 =	smul.u32 $0x14000, s12  }
0x7: {  	s29 =	simm.s32 $0x6;
	s30 =	simm.s32 $0x1000;
	s25 =	smul.u32 $0x50000, s12  }
0x8: {  	s7 =	sand.u32 $0x1, s5;
	s9 =	sor.u32 $0x130, s12;
	s12 =	smul.u32 $0x280, s12  }
0x9: {  	s31 =	simm.s32 $0x5;
	s5 =	simm.s32 $0x0;
	s8 =	smul.u32 $0x140000, s7  }
0xa: {  	p0 =	seq.s32 s7, $0x0;
	[smem:$0x7FF] =	sst s5;
	s23 =	ssub.s32 $0x2, s7  }
0xb: {  	s7 =	smul.u32 $0x2800, s7;
	s9 =	smov.u32 @p0 s6;
	_ =	strace $0x80000047  }
0xc: {  	s15 =	sadd.s32 s12, s4;
	s6 =	sshll.u32 s9, $0x7;
	s9 =	sshrl.u32 s25, $0x2  }
0xd: {  	[dreg:$0x9] =	wrdreg s15;
	s11 =	sadd.s32 s6, s1;
	s19 =	sadd.s32 s9, s3  }
0xe: {  	s24 =	sshrl.u32 s23, $0x1;
	s26 =	sadd.s32 $0xC200, s11;
	[dreg:$0x8] =	wrdreg s19  }
0xf: {  	s8 =	sadd.s32 s10, s8;
	s28 =	sadd.s32 $0x2200, s11;
	[dreg:$0x6] =	wrdreg s26  }
0x10: {  	s7 =	sadd.s32 s12, s7;
	s9 =	sadd.s32 $0x4000, s19;
	[dreg:$0x7] =	wrdreg s28  }
0x11: {  	s22 =	sshrl.u32 s8, $0x3;
	s13 =	sadd.s32 $0x8000, s19;
	[dreg:$0xa] =	wrdreg s9  }
0x12: {  	s7 =	sshrl.u32 s7, $0x3;
	s14 =	sadd.s32 $0xC000, s19;
	[dreg:$0xb] =	wrdreg s13  }
0x13: {  	s8 =	ssub.s32 s23, s24;
	s16 =	sadd.s32 s2, s7;
	[dreg:$0xc] =	wrdreg s14  }
0x14: {  	s10 =	simm.s32 $0x100;
	s17 =	smax.u32 s8, $0x1;
	[dreg:$0xe] =	wrdreg s16  }
0x15: {  	s12 =	simm.s32 $0x2;
	s18 =	sadd.s32 $0xC210, s11;
	[dreg:$0xf] =	wrdreg s17  }
0x16: {  	s6 =	simm.s32 $0x13;
	s20 =	sadd.s32 $0xC220, s11;
	[dreg:$0x10] =	wrdreg s18  }
0x17: {  	s1 =	sadd.s32 s22, s1;
	s21 =	sadd.s32 $0xC230, s11;
	[dreg:$0x11] =	wrdreg s20  }
0x18: {  	s6 =	simm.s32 @!p0 $0x1;
	s22 =	sadd.s32 $0xC240, s11;
	[dreg:$0x12] =	wrdreg s21  }
0x19: {  	s23 =	sadd.s32 $0xC250, s11;
	s24 =	sadd.s32 $0xC260, s11;
	[dreg:$0x13] =	wrdreg s22  }
0x1a: {  	s25 =	sadd.s32 $0xC270, s11;
	s2 =	simm.s32 $0x80;
	[dreg:$0x14] =	wrdreg s23  }
0x1b: {  	s7 =	simm.s32 $0x1;
	s8 =	simm.s32 $0x9000;
	[dreg:$0x15] =	wrdreg s24  }
0x1c: {  	s1 =	sadd.s32 $0x16200, s1;
	[dreg:$0x16] =	wrdreg s25;
	s24 =	sadd.s32 $0xC280, s11  }
0x1d: {  	s26 =	sadd.s32 $0x2280, s11;
	s28 =	sadd.s32 $0x10000, s19;
	[dreg:$0xd] =	wrdreg s1  }
0x1e: {  	s11 =	simm.s32 $0x3;
	s13 =	simm.s32 $0x4;
	[dreg:$0x17] =	wrdreg s26  }
0x1f: {  	v0 =	vimm.f32 $1.000000000e+00;
	v1 =	vimm.f32 $0.0e+00;
	s14 =	simm.s32 $0x0;
	[dreg:$0x18] =	wrdreg s28;
	s1 =	simm.s32 $0x5000  }
.LBB2_1:
0x20: {  	s9 =	rddreg [dreg:$0x6]  }
0x21: {  	[tilespmem:s5], [sflag:$0x5] =	stream.linear.gather [hbm4b:s9+s5], $0x80, $0x38;
	[tilespmem:$0x1D580] =	vst v63  }
0x22: {  	s18 =	rddreg [dreg:$0x10]  }
0x23: {  	[tilespmem:s10], [sflag:$0x5] =	stream.linear.gather [hbm4b:s18+s5], $0x80, $0x38;
	[tilespmem:$0x1D580] =	vst v63  }
0x24: {  	s20 =	rddreg [dreg:$0x11];
	s16 =	simm.s32 $0x200  }
0x25: {  	[tilespmem:s16], [sflag:$0x5] =	stream.linear.gather [hbm4b:s20+s5], $0x80, $0x38;
	[tilespmem:$0x1D580] =	vst v63  }
0x26: {  	s21 =	rddreg [dreg:$0x12];
	s22 =	simm.s32 $0x300  }
0x27: {  	[tilespmem:s22], [sflag:$0x5] =	stream.linear.gather [hbm4b:s21+s5], $0x80, $0x38;
	[tilespmem:$0x1D580] =	vst v63  }
0x28: {  	s23 =	rddreg [dreg:$0x13];
	s25 =	simm.s32 $0x400  }
0x29: {  	[tilespmem:s25], [sflag:$0x5] =	stream.linear.gather [hbm4b:s23+s5], $0x80, $0x38;
	[tilespmem:$0x1D580] =	vst v63  }
0x2a: {  	s26 =	rddreg [dreg:$0x14];
	s28 =	simm.s32 $0x500  }
0x2b: {  	[tilespmem:s28], [sflag:$0x5] =	stream.linear.gather [hbm4b:s26+s5], $0x80, $0x38;
	[tilespmem:$0x1D580] =	vst v63  }
0x2c: {  	s17 =	rddreg [dreg:$0x15];
	s18 =	simm.s32 $0x600  }
0x2d: {  	[tilespmem:s18], [sflag:$0x5] =	stream.linear.gather [hbm4b:s17+s5], $0x80, $0x38;
	[tilespmem:$0x1D580] =	vst v63  }
0x2e: {  	s20 =	rddreg [dreg:$0x16];
	s21 =	simm.s32 $0x700  }
0x2f: {  	[tilespmem:s21], [sflag:$0x5] =	stream.linear.gather [hbm4b:s20+s5], $0x80, $0x38;
	[tilespmem:$0x1D580] =	vst v63  }
0x30: {  	s22 =	rddreg [dreg:$0x7];
	s23 =	simm.s32 $0x800  }
0x31: {  	[tilespmem:s23], [sflag:$0x5] =	stream.linear.gather [hbm4b:s22+s5], $0x400, $0x38;
	[tilespmem:$0x1D580] =	vst v63  }
0x32: {  	[tilespmem:$0x9000] =	vst v0  }
0x33: {  	[tilespmem:$0x9010] =	vst v0  }
0x34: {  	[tilespmem:$0x9020] =	vst v0  }
0x35: {  	[tilespmem:$0x9030] =	vst v0  }
0x36: {  	[tilespmem:$0x9040] =	vst v0  }
0x37: {  	[tilespmem:$0x9050] =	vst v0  }
0x38: {  	[tilespmem:$0x9060] =	vst v0  }
0x39: {  	[tilespmem:$0x9070] =	vst v0  }
0x3a: {  	[tilespmem:$0x9080] =	vst v1  }
0x3b: {  	[tilespmem:$0x9090] =	vst v1  }
0x3c: {  	[tilespmem:$0x90A0] =	vst v1  }
0x3d: {  	[tilespmem:$0x90B0] =	vst v1  }
0x3e: {  	[tilespmem:$0x90C0] =	vst v1  }
0x3f: {  	[tilespmem:$0x90D0] =	vst v1  }
0x40: {  	[tilespmem:$0x90E0] =	vst v1  }
0x41: {  	[tilespmem:$0x90F0] =	vst v1  }
0x42: {  	[tilespmem:$0x9100] =	vst v1  }
0x43: {  	[tilespmem:$0x9110] =	vst v1  }
0x44: {  	[tilespmem:$0x9120] =	vst v1  }
0x45: {  	[tilespmem:$0x9130] =	vst v1  }
0x46: {  	[tilespmem:$0x9140] =	vst v1  }
0x47: {  	[tilespmem:$0x9150] =	vst v1  }
0x48: {  	[tilespmem:$0x9160] =	vst v1  }
0x49: {  	[tilespmem:$0x9170] =	vst v1  }
0x4a: {  	[tilespmem:$0x9180] =	vst v1  }
0x4b: {  	[tilespmem:$0x9190] =	vst v1  }
0x4c: {  	[tilespmem:$0x91A0] =	vst v1  }
0x4d: {  	[tilespmem:$0x91B0] =	vst v1  }
0x4e: {  	[tilespmem:$0x91C0] =	vst v1  }
0x4f: {  	[tilespmem:$0x91D0] =	vst v1  }
0x50: {  	[tilespmem:$0x91E0] =	vst v1  }
0x51: {  	[tilespmem:$0x91F0] =	vst v1  }
0x52: {  	[tilespmem:$0x9200] =	vst v1  }
0x53: {  	[tilespmem:$0x9210] =	vst v1  }
0x54: {  	[tilespmem:$0x9220] =	vst v1  }
0x55: {  	[tilespmem:$0x9230] =	vst v1  }
0x56: {  	[tilespmem:$0x9240] =	vst v1  }
0x57: {  	[tilespmem:$0x9250] =	vst v1  }
0x58: {  	[tilespmem:$0x9260] =	vst v1  }
0x59: {  	[tilespmem:$0x9270] =	vst v1  }
0x5a: {  	[tilespmem:$0x9280] =	vst v1  }
0x5b: {  	[tilespmem:$0x9290] =	vst v1  }
0x5c: {  	[tilespmem:$0x92A0] =	vst v1  }
0x5d: {  	[tilespmem:$0x92B0] =	vst v1  }
0x5e: {  	[tilespmem:$0x92C0] =	vst v1  }
0x5f: {  	[tilespmem:$0x92D0] =	vst v1  }
0x60: {  	[tilespmem:$0x92E0] =	vst v1  }
0x61: {  	s25 =	simm.s32 $0x9080;
	[tilespmem:$0x92F0] =	vst v1  }
0x62: {  	[spmem:s15] =	stream.linear.scatter [tilespmem:s25], [sflag:$0x6], $0x280, $0x38;
	[tilespmem:$0x1D580] =	vst v63  }
0x63: {  	s16 =	simm.s32 $0x0;
	s26 =	sand.u32 $0xFE00, s5;
	_ =	swait.ge [sflag:s29], $0x280  }
0x64: {  	s28 =	sand.u32 $0x70, s5;
	s17 =	sshrl.u32 s26, $0x2;
	[sflag:s29] =	ssyncset.done $0x0  }
0x65: {  	s17 =	sor.u32 s28, s17;
	s15 =	simm.s32 $0x40;
	[sflag:s29] =	ssyncadd.s32 $0xFFFFFD80  }
.LBB2_2:
0x66: {  	p0 =	sne.s32 s15, $0xFFC0  }
0x67: {  	[tilespmem:s17+$0x1000] =	vst v1;
	s16 =	sadd.s32 $0x10, s16;
	s17 =	smov.u32 s15;
	s15 =	sadd.s32 $0x40, s15  }
.Ltmp0:
0x68: {  	(pc) =	sbr.rel @p0 .LBB2_2-.Ltmp0, $4  }
0x69: {  	_ = 	snop  }
0x6a: {  	s17 =	sand.u32 $0xFE00, s17  }
0x6b: {  	s18 =	sand.u32 $0x70, s16;
	s17 =	sshrl.u32 s17, $0x2  }
0x6c: {  	s17 =	sor.u32 s18, s17  }
0x6d: {  	[tilespmem:s17+$0x1000] =	vst v1  }
0x6e: {  	[spmem:s19] =	stream.linear.scatter [tilespmem:s30], [sflag:$0x6], $0x4000, $0x38;
	[tilespmem:$0x1D580] =	vst v63  }
0x6f: {  	_ =	swait.ge [sflag:s29], $0x4000  }
0x70: {  	[sflag:s29] =	ssyncset.done $0x0  }
0x71: {  	s9 =	rddreg [dreg:$0xa];
	[sflag:s29] =	ssyncadd.s32 $0xFFFFC000  }
0x72: {  	[spmem:s9] =	stream.linear.scatter [tilespmem:s30], [sflag:$0x6], $0x4000, $0x38;
	[tilespmem:$0x1D580] =	vst v63  }
0x73: {  	_ =	swait.ge [sflag:s29], $0x4000  }
0x74: {  	[sflag:s29] =	ssyncset.done $0x0  }
0x75: {  	s21 =	rddreg [dreg:$0xb];
	[sflag:s29] =	ssyncadd.s32 $0xFFFFC000  }
0x76: {  	[spmem:s21] =	stream.linear.scatter [tilespmem:s30], [sflag:$0x6], $0x4000, $0x38;
	[tilespmem:$0x1D580] =	vst v63  }
0x77: {  	_ =	swait.ge [sflag:s29], $0x4000  }
0x78: {  	[sflag:s29] =	ssyncset.done $0x0  }
0x79: {  	s22 =	rddreg [dreg:$0xc];
	[sflag:s29] =	ssyncadd.s32 $0xFFFFC000  }
0x7a: {  	[spmem:s22] =	stream.linear.scatter [tilespmem:s30], [sflag:$0x6], $0x4000, $0x38;
	[tilespmem:$0x1D580] =	vst v63  }
0x7b: {  	_ =	swait.ge [sflag:s29], $0x4000  }
0x7c: {  	[sflag:s29] =	ssyncset.done $0x0  }
0x7d: {  	s23 =	rddreg [dreg:$0x18];
	[sflag:s29] =	ssyncadd.s32 $0xFFFFC000  }
0x7e: {  	[spmem:s23] =	stream.linear.scatter [tilespmem:s30], [sflag:$0x6], $0x4000, $0x38;
	[tilespmem:$0x1D580] =	vst v63  }
0x7f: {  	_ =	swait.ge [sflag:s29], $0x4000  }
0x80: {  	[sflag:s29] =	ssyncset.done $0x0  }
0x81: {  	[sflag:s29] =	ssyncadd.s32 $0xFFFFC000  }
0x82: {  	_ =	swait.ge [sflag:s31], $0x400  }
0x83: {  	[sflag:s31] =	ssyncset.done $0x0  }
0x84: {  	[sflag:s31] =	ssyncadd.s32 $0xFFFFFC00  }
0x85: {  	_ =	swait.ge [sflag:s31], $0x400  }
0x86: {  	[sflag:s31] =	ssyncset.done $0x0  }
0x87: {  	s15 =	simm.s32 $0x0;
	[sflag:s31] =	ssyncadd.s32 $0xFFFFFC00  }
0x88: {  	[tilespmem:s30], [sflag:$0x1] =	stream.indirect.gather [hbm4b:s0+s2], $0x80, s15, s2, $0xb8;
	[tilespmem:$0x1D580] =	vst v63  }
0x89: {  	_ = 	snop  }
0x8a: {  	[tilespmem:s1], [sflag:$0x2] =	stream.indirect.gather [hbm4b:s0+s2], $0x80, s10, s2, $0xb8;
	[tilespmem:$0x1D580] =	vst v63  }
0x8b: {  	[bflag:$0x0] =	sbarrier.arrive $0xFFFF  }
0x8c: {  	s16 =	sand.u32 $0x1, s15;
	_ =	swait.ge [sflag:s7], $0x4000  }
0x8d: {  	s15 =	sshll.u32 s16, $0xA;
	[sflag:s7] =	ssyncset.done $0x0  }
0x8e: {  	s25 =	sor.u32 $0x800, s15;
	[sflag:s7] =	ssyncadd.s32 $0xFFFFC000  }
0x8f: {  	[spmem:s3] =	stream.indirect.scatter.add.f32 [tilespmem:s30], [sflag:$0x3], $0x80, s25, s2, $0xb8;
	[tilespmem:$0x1D580] =	vst v63  }
0x90: {  	_ = 	snop  }
0x91: {  	[spmem:s4] =	stream.indirect.scatter.add.f32 [tilespmem:s8], [sflag:$0x3], $0x1, s25, s2, $0xb8;
	[tilespmem:$0x1D580] =	vst v63  }
0x92: {  	_ =	swait.ge [sflag:s11], $0x4000  }
0x93: {  	[sflag:s11] =	ssyncset.done $0x0  }
0x94: {  	[sflag:s11] =	ssyncadd.s32 $0xFFFFC000  }
0x95: {  	p0 =	sle.u32 s6, $0x1;
	_ =	swait.ge [sflag:s11], $0x80  }
0x96: {  	s17 =	sxor.u32 @!p0 $0x1, s16;
	[sflag:s11] =	ssyncset.done $0x0  }
0x97: {  	s19 =	simm.s32 @!p0 $0x0;
	s18 =	sshll.u32 @!p0 s17, $0x7;
	[sflag:s11] =	ssyncadd.s32 $0xFFFFFF80  }
0x98: {  	[tilespmem:s18], [sflag:$0x5] =	stream.linear.gather @!p0 [hbm4b:s24+s19], $0x80, $0x38;
	[tilespmem:$0x1D580] =	vst v63  }
0x99: {  	s20 =	sadd.s32 @!p0 $0x10, s24;
	s28 =	sor.u32 @!p0 $0x100, s18  }
0x9a: {  	[tilespmem:s28], [sflag:$0x5] =	stream.linear.gather @!p0 [hbm4b:s20+s19], $0x80, $0x38;
	[tilespmem:$0x1D580] =	vst v63  }
0x9b: {  	s20 =	sor.u32 @!p0 $0x200, s18;
	s28 =	sadd.s32 @!p0 $0x20, s24  }
0x9c: {  	[tilespmem:s20], [sflag:$0x5] =	stream.linear.gather @!p0 [hbm4b:s28+s19], $0x80, $0x38;
	[tilespmem:$0x1D580] =	vst v63  }
0x9d: {  	s20 =	sor.u32 @!p0 $0x300, s18;
	s28 =	sadd.s32 @!p0 $0x30, s24  }
0x9e: {  	[tilespmem:s20], [sflag:$0x5] =	stream.linear.gather @!p0 [hbm4b:s28+s19], $0x80, $0x38;
	[tilespmem:$0x1D580] =	vst v63  }
0x9f: {  	s20 =	sor.u32 @!p0 $0x400, s18;
	s28 =	sadd.s32 @!p0 $0x40, s24  }
0xa0: {  	[tilespmem:s20], [sflag:$0x5] =	stream.linear.gather @!p0 [hbm4b:s28+s19], $0x80, $0x38;
	[tilespmem:$0x1D580] =	vst v63  }
0xa1: {  	s20 =	sor.u32 @!p0 $0x500, s18;
	s28 =	sadd.s32 @!p0 $0x50, s24  }
0xa2: {  	[tilespmem:s20], [sflag:$0x5] =	stream.linear.gather @!p0 [hbm4b:s28+s19], $0x80, $0x38;
	[tilespmem:$0x1D580] =	vst v63  }
0xa3: {  	s20 =	sor.u32 @!p0 $0x600, s18;
	s28 =	sadd.s32 @!p0 $0x60, s24  }
0xa4: {  	[tilespmem:s20], [sflag:$0x5] =	stream.linear.gather @!p0 [hbm4b:s28+s19], $0x80, $0x38;
	[tilespmem:$0x1D580] =	vst v63  }
0xa5: {  	s17 =	sshll.u32 @!p0 s17, $0xA;
	s18 =	sor.u32 @!p0 $0x700, s18;
	s20 =	sadd.s32 @!p0 $0x70, s24  }
0xa6: {  	[tilespmem:s18], [sflag:$0x5] =	stream.linear.gather @!p0 [hbm4b:s20+s19], $0x80, $0x38;
	[tilespmem:$0x1D580] =	vst v63  }
0xa7: {  	s17 =	sor.u32 @!p0 $0x800, s17;
	s16 =	sshll.u32 s16, $0x7;
	s9 =	rddreg [dreg:$0x17]  }
0xa8: {  	[tilespmem:s17], [sflag:$0x5] =	stream.linear.gather @!p0 [hbm4b:s9+s19], $0x400, $0x38;
	[tilespmem:$0x1D580] =	vst v63  }
0xa9: {  	s26 =	sor.u32 $0x200, s16  }
0xaa: {  	[tilespmem:s30], [sflag:$0x1] =	stream.indirect.gather [hbm4b:s0+s2], $0x80, s26, s2, $0xb8;
	[tilespmem:$0x1D580] =	vst v63  }
0xab: {  	_ =	swait.ge [sflag:s12], $0x4000  }
0xac: {  	[sflag:s12] =	ssyncset.done $0x0  }
0xad: {  	s28 =	sadd.s32 $0x880, s15;
	[sflag:s12] =	ssyncadd.s32 $0xFFFFC000  }
0xae: {  	[spmem:s3] =	stream.indirect.scatter.add.f32 [tilespmem:s1], [sflag:$0x4], $0x80, s28, s2, $0xb8;
	[tilespmem:$0x1D580] =	vst v63  }
0xaf: {  	_ = 	snop  }
0xb0: {  	[spmem:s4] =	stream.indirect.scatter.add.f32 [tilespmem:s8], [sflag:$0x4], $0x1, s28, s2, $0xb8;
	[tilespmem:$0x1D580] =	vst v63  }
0xb1: {  	_ =	swait.ge [sflag:s13], $0x4000  }
0xb2: {  	[sflag:s13] =	ssyncset.done $0x0  }
0xb3: {  	[sflag:s13] =	ssyncadd.s32 $0xFFFFC000  }
0xb4: {  	_ =	swait.ge [sflag:s13], $0x80  }
0xb5: {  	[sflag:s13] =	ssyncset.done $0x0  }
0xb6: {  	s10 =	sor.u32 $0x300, s16;
	[sflag:s13] =	ssyncadd.s32 $0xFFFFFF80  }
0xb7: {  	[tilespmem:s1], [sflag:$0x2] =	stream.indirect.gather [hbm4b:s0+s2], $0x80, s10, s2, $0xb8;
	[tilespmem:$0x1D580] =	vst v63  }
0xb8: {  	_ =	swait.ge [sflag:s7], $0x4000  }
0xb9: {  	[sflag:s7] =	ssyncset.done $0x0  }
0xba: {  	s18 =	sadd.s32 $0x900, s15;
	[sflag:s7] =	ssyncadd.s32 $0xFFFFC000  }
0xbb: {  	[spmem:s3] =	stream.indirect.scatter.add.f32 [tilespmem:s30], [sflag:$0x3], $0x80, s18, s2, $0xb8;
	[tilespmem:$0x1D580] =	vst v63  }
0xbc: {  	_ = 	snop  }
0xbd: {  	[spmem:s4] =	stream.indirect.scatter.add.f32 [tilespmem:s8], [sflag:$0x3], $0x1, s18, s2, $0xb8;
	[tilespmem:$0x1D580] =	vst v63  }
0xbe: {  	_ =	swait.ge [sflag:s11], $0x4000  }
0xbf: {  	[sflag:s11] =	ssyncset.done $0x0  }
0xc0: {  	[sflag:s11] =	ssyncadd.s32 $0xFFFFC000  }
0xc1: {  	_ =	swait.ge [sflag:s11], $0x80  }
0xc2: {  	[sflag:s11] =	ssyncset.done $0x0  }
0xc3: {  	s19 =	sor.u32 $0x400, s16;
	[sflag:s11] =	ssyncadd.s32 $0xFFFFFF80  }
0xc4: {  	[tilespmem:s30], [sflag:$0x1] =	stream.indirect.gather [hbm4b:s0+s2], $0x80, s19, s2, $0xb8;
	[tilespmem:$0x1D580] =	vst v63  }
0xc5: {  	_ =	swait.ge [sflag:s12], $0x4000  }
0xc6: {  	[sflag:s12] =	ssyncset.done $0x0  }
0xc7: {  	s20 =	sadd.s32 $0x980, s15;
	[sflag:s12] =	ssyncadd.s32 $0xFFFFC000  }
0xc8: {  	[spmem:s3] =	stream.indirect.scatter.add.f32 [tilespmem:s1], [sflag:$0x4], $0x80, s20, s2, $0xb8;
	[tilespmem:$0x1D580] =	vst v63  }
0xc9: {  	_ = 	snop  }
0xca: {  	[spmem:s4] =	stream.indirect.scatter.add.f32 [tilespmem:s8], [sflag:$0x4], $0x1, s20, s2, $0xb8;
	[tilespmem:$0x1D580] =	vst v63  }
0xcb: {  	_ =	swait.ge [sflag:s13], $0x4000  }
0xcc: {  	[sflag:s13] =	ssyncset.done $0x0  }
0xcd: {  	[sflag:s13] =	ssyncadd.s32 $0xFFFFC000  }
0xce: {  	_ =	swait.ge [sflag:s13], $0x80  }
0xcf: {  	[sflag:s13] =	ssyncset.done $0x0  }
0xd0: {  	s21 =	sor.u32 $0x500, s16;
	[sflag:s13] =	ssyncadd.s32 $0xFFFFFF80  }
0xd1: {  	[tilespmem:s1], [sflag:$0x2] =	stream.indirect.gather [hbm4b:s0+s2], $0x80, s21, s2, $0xb8;
	[tilespmem:$0x1D580] =	vst v63  }
0xd2: {  	_ =	swait.ge [sflag:s7], $0x4000  }
0xd3: {  	[sflag:s7] =	ssyncset.done $0x0  }
0xd4: {  	s22 =	sadd.s32 $0xA00, s15;
	[sflag:s7] =	ssyncadd.s32 $0xFFFFC000  }
0xd5: {  	[spmem:s3] =	stream.indirect.scatter.add.f32 [tilespmem:s30], [sflag:$0x3], $0x80, s22, s2, $0xb8;
	[tilespmem:$0x1D580] =	vst v63  }
0xd6: {  	_ = 	snop  }
0xd7: {  	[spmem:s4] =	stream.indirect.scatter.add.f32 [tilespmem:s8], [sflag:$0x3], $0x1, s22, s2, $0xb8;
	[tilespmem:$0x1D580] =	vst v63  }
0xd8: {  	_ =	swait.ge [sflag:s11], $0x4000  }
0xd9: {  	[sflag:s11] =	ssyncset.done $0x0  }
0xda: {  	[sflag:s11] =	ssyncadd.s32 $0xFFFFC000  }
0xdb: {  	_ =	swait.ge [sflag:s11], $0x80  }
0xdc: {  	[sflag:s11] =	ssyncset.done $0x0  }
0xdd: {  	s23 =	sor.u32 $0x600, s16;
	[sflag:s11] =	ssyncadd.s32 $0xFFFFFF80  }
0xde: {  	[tilespmem:s30], [sflag:$0x1] =	stream.indirect.gather [hbm4b:s0+s2], $0x80, s23, s2, $0xb8;
	[tilespmem:$0x1D580] =	vst v63  }
0xdf: {  	_ =	swait.ge [sflag:s12], $0x4000  }
0xe0: {  	[sflag:s12] =	ssyncset.done $0x0  }
0xe1: {  	s25 =	sadd.s32 $0xA80, s15;
	[sflag:s12] =	ssyncadd.s32 $0xFFFFC000  }
0xe2: {  	[spmem:s3] =	stream.indirect.scatter.add.f32 [tilespmem:s1], [sflag:$0x4], $0x80, s25, s2, $0xb8;
	[tilespmem:$0x1D580] =	vst v63  }
0xe3: {  	_ = 	snop  }
0xe4: {  	[spmem:s4] =	stream.indirect.scatter.add.f32 [tilespmem:s8], [sflag:$0x4], $0x1, s25, s2, $0xb8;
	[tilespmem:$0x1D580] =	vst v63  }
0xe5: {  	_ =	swait.ge [sflag:s13], $0x4000  }
0xe6: {  	[sflag:s13] =	ssyncset.done $0x0  }
0xe7: {  	[sflag:s13] =	ssyncadd.s32 $0xFFFFC000  }
0xe8: {  	_ =	swait.ge [sflag:s13], $0x80  }
0xe9: {  	[sflag:s13] =	ssyncset.done $0x0  }
0xea: {  	s26 =	sor.u32 $0x700, s16;
	[sflag:s13] =	ssyncadd.s32 $0xFFFFFF80  }
0xeb: {  	[tilespmem:s1], [sflag:$0x2] =	stream.indirect.gather [hbm4b:s0+s2], $0x80, s26, s2, $0xb8;
	[tilespmem:$0x1D580] =	vst v63  }
0xec: {  	_ =	swait.ge [sflag:s7], $0x4000  }
0xed: {  	[sflag:s7] =	ssyncset.done $0x0  }
0xee: {  	s28 =	sadd.s32 $0xB00, s15;
	[sflag:s7] =	ssyncadd.s32 $0xFFFFC000  }
0xef: {  	[spmem:s3] =	stream.indirect.scatter.add.f32 [tilespmem:s30], [sflag:$0x3], $0x80, s28, s2, $0xb8;
	[tilespmem:$0x1D580] =	vst v63  }
0xf0: {  	_ = 	snop  }
0xf1: {  	[spmem:s4] =	stream.indirect.scatter.add.f32 [tilespmem:s8], [sflag:$0x3], $0x1, s28, s2, $0xb8;
	[tilespmem:$0x1D580] =	vst v63  }
0xf2: {  	_ =	swait.ge [sflag:s11], $0x4000  }
0xf3: {  	[sflag:s11] =	ssyncset.done $0x0  }
0xf4: {  	[sflag:s11] =	ssyncadd.s32 $0xFFFFC000  }
0xf5: {  	_ =	swait.ge [sflag:s11], $0x80  }
0xf6: {  	[sflag:s11] =	ssyncset.done $0x0  }
0xf7: {  	s17 =	simm.s32 @!p0 $0x5;
	[sflag:s11] =	ssyncadd.s32 $0xFFFFFF80  }
0xf8: {  	_ =	swait.ge @!p0 [sflag:s17], $0x400  }
0xf9: {  	[sflag:s17] =	ssyncset.done @!p0 $0x0  }
0xfa: {  	[sflag:s17] =	ssyncadd.s32 @!p0 $0xFFFFFC00  }
0xfb: {  	_ =	swait.ge @!p0 [sflag:s17], $0x400  }
0xfc: {  	s16 =	sxor.u32 @!p0 $0x80, s16;
	[sflag:s17] =	ssyncset.done @!p0 $0x0  }
0xfd: {  	s20 =	simm.s32 @!p0 $0x80;
	[sflag:s17] =	ssyncadd.s32 @!p0 $0xFFFFFC00;
	s17 =	simm.s32 @!p0 $0x1000  }
0xfe: {  	[tilespmem:s17], [sflag:$0x1] =	stream.indirect.gather @!p0 [hbm4b:s0+s20], $0x80, s16, s20, $0xb8;
	[tilespmem:$0x1D580] =	vst v63  }
0xff: {  	_ =	swait.ge [sflag:s12], $0x4000  }
0x100: {  	[sflag:s12] =	ssyncset.done $0x0  }
0x101: {  	s15 =	sadd.s32 $0xB80, s15;
	[sflag:s12] =	ssyncadd.s32 $0xFFFFC000  }
0x102: {  	[spmem:s3] =	stream.indirect.scatter.add.f32 [tilespmem:s1], [sflag:$0x4], $0x80, s15, s2, $0xb8;
	[tilespmem:$0x1D580] =	vst v63  }
0x103: {  	_ = 	snop  }
0x104: {  	[spmem:s4] =	stream.indirect.scatter.add.f32 [tilespmem:s8], [sflag:$0x4], $0x1, s15, s2, $0xb8;
	[tilespmem:$0x1D580] =	vst v63  }
0x105: {  	p1 =	sne.s32 s6, $0x1;
	_ =	swait.ge [sflag:s13], $0x4000  }
.Ltmp1:
0x106: {  	[sflag:s13] =	ssyncset.done $0x0;
	(pc) =	sbr.rel @!p1 .LBB2_5-.Ltmp1, $4  }
0x107: {  	[sflag:s13] =	ssyncadd.s32 $0xFFFFC000  }
0x108: {  	s18 =	sor.u32 @!p0 $0x100, s16;
	_ =	swait.ge [sflag:s13], $0x80  }
0x109: {  	s19 =	simm.s32 @!p0 $0x5000;
	s16 =	sadd.s32 $0x80, s9;
	[sflag:s13] =	ssyncset.done $0x0  }
0x10a: {  	s17 =	sadd.s32 $0x80, s24;
	s15 =	simm.s32 $0x1;
	[sflag:s13] =	ssyncadd.s32 $0xFFFFFF80  }
.LBB2_4:
0x10b: {  	[tilespmem:s19], [sflag:$0x2] =	stream.indirect.gather @!p0 [hbm4b:s0+s20], $0x80, s18, s20, $0xb8;
	[tilespmem:$0x1D580] =	vst v63  }
0x10c: {  	s18 =	sand.u32 $0x1, s15;
	s15 =	sadd.s32 $0x1, s15;
	_ =	swait.ge [sflag:s7], $0x4000  }
0x10d: {  	s28 =	sshll.u32 s18, $0xA;
	s20 =	sshll.u32 s18, $0x7;
	[sflag:s7] =	ssyncset.done $0x0  }
0x10e: {  	p1 =	sne.s32 s6, s15;
	s19 =	sor.u32 $0x800, s28;
	[sflag:s7] =	ssyncadd.s32 $0xFFFFC000  }
0x10f: {  	[spmem:s3] =	stream.indirect.scatter.add.f32 [tilespmem:s30], [sflag:$0x3], $0x80, s19, s2, $0xb8;
	[tilespmem:$0x1D580] =	vst v63  }
0x110: {  	_ = 	snop  }
0x111: {  	[spmem:s4] =	stream.indirect.scatter.add.f32 [tilespmem:s8], [sflag:$0x3], $0x1, s19, s2, $0xb8;
	[tilespmem:$0x1D580] =	vst v63  }
0x112: {  	_ =	swait.ge [sflag:s11], $0x4000  }
0x113: {  	[sflag:s11] =	ssyncset.done $0x0  }
0x114: {  	[sflag:s11] =	ssyncadd.s32 $0xFFFFC000  }
0x115: {  	p0 =	sge.u32 s15, s6;
	_ =	swait.ge [sflag:s11], $0x80  }
0x116: {  	s18 =	sxor.u32 @!p0 $0x1, s18;
	s19 =	sxor.u32 @!p0 $0x80, s20;
	[sflag:s11] =	ssyncset.done $0x0  }
0x117: {  	s22 =	simm.s32 @!p0 $0x0;
	s21 =	sshll.u32 @!p0 s18, $0x7;
	[sflag:s11] =	ssyncadd.s32 $0xFFFFFF80  }
0x118: {  	[tilespmem:s21], [sflag:$0x5] =	stream.linear.gather @!p0 [hbm4b:s17+s22], $0x80, $0x38;
	[tilespmem:$0x1D580] =	vst v63  }
0x119: {  	s23 =	sadd.s32 @!p0 $0x10, s17;
	s26 =	sor.u32 @!p0 $0x100, s21;
	s10 =	sor.u32 @!p0 $0x200, s21  }
0x11a: {  	[tilespmem:s26], [sflag:$0x5] =	stream.linear.gather @!p0 [hbm4b:s23+s22], $0x80, $0x38;
	[tilespmem:$0x1D580] =	vst v63  }
0x11b: {  	s25 =	sor.u32 @!p0 $0x400, s21;
	s23 =	sadd.s32 @!p0 $0x20, s17;
	s26 =	sor.u32 @!p0 $0x300, s21  }
0x11c: {  	[tilespmem:s10], [sflag:$0x5] =	stream.linear.gather @!p0 [hbm4b:s23+s22], $0x80, $0x38;
	[tilespmem:$0x1D580] =	vst v63  }
0x11d: {  	s9 =	sor.u32 @!p0 $0x600, s21;
	s10 =	sadd.s32 @!p0 $0x30, s17;
	s23 =	sor.u32 @!p0 $0x500, s21  }
0x11e: {  	[tilespmem:s26], [sflag:$0x5] =	stream.linear.gather @!p0 [hbm4b:s10+s22], $0x80, $0x38;
	[tilespmem:$0x1D580] =	vst v63  }
0x11f: {  	s18 =	sshll.u32 @!p0 s18, $0xA;
	s21 =	sor.u32 @!p0 $0x700, s21;
	s10 =	sadd.s32 @!p0 $0x40, s17  }
0x120: {  	[tilespmem:s25], [sflag:$0x5] =	stream.linear.gather @!p0 [hbm4b:s10+s22], $0x80, $0x38;
	[tilespmem:$0x1D580] =	vst v63  }
0x121: {  	s10 =	sadd.s32 @!p0 $0x50, s17;
	s25 =	sor.u32 @!p0 $0x800, s18;
	s18 =	sor.u32 @!p0 $0x100, s19  }
0x122: {  	[tilespmem:s23], [sflag:$0x5] =	stream.linear.gather @!p0 [hbm4b:s10+s22], $0x80, $0x38;
	[tilespmem:$0x1D580] =	vst v63  }
0x123: {  	s10 =	sadd.s32 @!p0 $0x60, s17  }
0x124: {  	[tilespmem:s9], [sflag:$0x5] =	stream.linear.gather @!p0 [hbm4b:s10+s22], $0x80, $0x38;
	[tilespmem:$0x1D580] =	vst v63  }
0x125: {  	s9 =	sadd.s32 @!p0 $0x70, s17  }
0x126: {  	[tilespmem:s21], [sflag:$0x5] =	stream.linear.gather @!p0 [hbm4b:s9+s22], $0x80, $0x38;
	[tilespmem:$0x1D580] =	vst v63  }
0x127: {  	_ = 	snop  }
0x128: {  	[tilespmem:s25], [sflag:$0x5] =	stream.linear.gather @!p0 [hbm4b:s16+s22], $0x400, $0x38;
	[tilespmem:$0x1D580] =	vst v63  }
0x129: {  	s9 =	sor.u32 $0x200, s20  }
0x12a: {  	[tilespmem:s30], [sflag:$0x1] =	stream.indirect.gather [hbm4b:s0+s2], $0x80, s9, s2, $0xb8;
	[tilespmem:$0x1D580] =	vst v63  }
0x12b: {  	_ =	swait.ge [sflag:s12], $0x4000  }
0x12c: {  	[sflag:s12] =	ssyncset.done $0x0  }
0x12d: {  	s9 =	sadd.s32 $0x880, s28;
	[sflag:s12] =	ssyncadd.s32 $0xFFFFC000  }
0x12e: {  	[spmem:s3] =	stream.indirect.scatter.add.f32 [tilespmem:s1], [sflag:$0x4], $0x80, s9, s2, $0xb8;
	[tilespmem:$0x1D580] =	vst v63  }
0x12f: {  	_ = 	snop  }
0x130: {  	[spmem:s4] =	stream.indirect.scatter.add.f32 [tilespmem:s8], [sflag:$0x4], $0x1, s9, s2, $0xb8;
	[tilespmem:$0x1D580] =	vst v63  }
0x131: {  	_ =	swait.ge [sflag:s13], $0x4000  }
0x132: {  	[sflag:s13] =	ssyncset.done $0x0  }
0x133: {  	[sflag:s13] =	ssyncadd.s32 $0xFFFFC000  }
0x134: {  	_ =	swait.ge [sflag:s13], $0x80  }
0x135: {  	[sflag:s13] =	ssyncset.done $0x0  }
0x136: {  	s9 =	sor.u32 $0x300, s20;
	[sflag:s13] =	ssyncadd.s32 $0xFFFFFF80  }
0x137: {  	[tilespmem:s1], [sflag:$0x2] =	stream.indirect.gather [hbm4b:s0+s2], $0x80, s9, s2, $0xb8;
	[tilespmem:$0x1D580] =	vst v63  }
0x138: {  	_ =	swait.ge [sflag:s7], $0x4000  }
0x139: {  	[sflag:s7] =	ssyncset.done $0x0  }
0x13a: {  	s9 =	sadd.s32 $0x900, s28;
	[sflag:s7] =	ssyncadd.s32 $0xFFFFC000  }
0x13b: {  	[spmem:s3] =	stream.indirect.scatter.add.f32 [tilespmem:s30], [sflag:$0x3], $0x80, s9, s2, $0xb8;
	[tilespmem:$0x1D580] =	vst v63  }
0x13c: {  	_ = 	snop  }
0x13d: {  	[spmem:s4] =	stream.indirect.scatter.add.f32 [tilespmem:s8], [sflag:$0x3], $0x1, s9, s2, $0xb8;
	[tilespmem:$0x1D580] =	vst v63  }
0x13e: {  	_ =	swait.ge [sflag:s11], $0x4000  }
0x13f: {  	[sflag:s11] =	ssyncset.done $0x0  }
0x140: {  	[sflag:s11] =	ssyncadd.s32 $0xFFFFC000  }
0x141: {  	_ =	swait.ge [sflag:s11], $0x80  }
0x142: {  	[sflag:s11] =	ssyncset.done $0x0  }
0x143: {  	s9 =	sor.u32 $0x400, s20;
	[sflag:s11] =	ssyncadd.s32 $0xFFFFFF80  }
0x144: {  	[tilespmem:s30], [sflag:$0x1] =	stream.indirect.gather [hbm4b:s0+s2], $0x80, s9, s2, $0xb8;
	[tilespmem:$0x1D580] =	vst v63  }
0x145: {  	_ =	swait.ge [sflag:s12], $0x4000  }
0x146: {  	[sflag:s12] =	ssyncset.done $0x0  }
0x147: {  	s9 =	sadd.s32 $0x980, s28;
	[sflag:s12] =	ssyncadd.s32 $0xFFFFC000  }
0x148: {  	[spmem:s3] =	stream.indirect.scatter.add.f32 [tilespmem:s1], [sflag:$0x4], $0x80, s9, s2, $0xb8;
	[tilespmem:$0x1D580] =	vst v63  }
0x149: {  	_ = 	snop  }
0x14a: {  	[spmem:s4] =	stream.indirect.scatter.add.f32 [tilespmem:s8], [sflag:$0x4], $0x1, s9, s2, $0xb8;
	[tilespmem:$0x1D580] =	vst v63  }
0x14b: {  	_ =	swait.ge [sflag:s13], $0x4000  }
0x14c: {  	[sflag:s13] =	ssyncset.done $0x0  }
0x14d: {  	[sflag:s13] =	ssyncadd.s32 $0xFFFFC000  }
0x14e: {  	_ =	swait.ge [sflag:s13], $0x80  }
0x14f: {  	[sflag:s13] =	ssyncset.done $0x0  }
0x150: {  	s9 =	sor.u32 $0x500, s20;
	[sflag:s13] =	ssyncadd.s32 $0xFFFFFF80  }
0x151: {  	[tilespmem:s1], [sflag:$0x2] =	stream.indirect.gather [hbm4b:s0+s2], $0x80, s9, s2, $0xb8;
	[tilespmem:$0x1D580] =	vst v63  }
0x152: {  	_ =	swait.ge [sflag:s7], $0x4000  }
0x153: {  	[sflag:s7] =	ssyncset.done $0x0  }
0x154: {  	s9 =	sadd.s32 $0xA00, s28;
	[sflag:s7] =	ssyncadd.s32 $0xFFFFC000  }
0x155: {  	[spmem:s3] =	stream.indirect.scatter.add.f32 [tilespmem:s30], [sflag:$0x3], $0x80, s9, s2, $0xb8;
	[tilespmem:$0x1D580] =	vst v63  }
0x156: {  	_ = 	snop  }
0x157: {  	[spmem:s4] =	stream.indirect.scatter.add.f32 [tilespmem:s8], [sflag:$0x3], $0x1, s9, s2, $0xb8;
	[tilespmem:$0x1D580] =	vst v63  }
0x158: {  	_ =	swait.ge [sflag:s11], $0x4000  }
0x159: {  	[sflag:s11] =	ssyncset.done $0x0  }
0x15a: {  	[sflag:s11] =	ssyncadd.s32 $0xFFFFC000  }
0x15b: {  	_ =	swait.ge [sflag:s11], $0x80  }
0x15c: {  	[sflag:s11] =	ssyncset.done $0x0  }
0x15d: {  	s9 =	sor.u32 $0x600, s20;
	[sflag:s11] =	ssyncadd.s32 $0xFFFFFF80  }
0x15e: {  	[tilespmem:s30], [sflag:$0x1] =	stream.indirect.gather [hbm4b:s0+s2], $0x80, s9, s2, $0xb8;
	[tilespmem:$0x1D580] =	vst v63  }
0x15f: {  	_ =	swait.ge [sflag:s12], $0x4000  }
0x160: {  	[sflag:s12] =	ssyncset.done $0x0  }
0x161: {  	s9 =	sadd.s32 $0xA80, s28;
	[sflag:s12] =	ssyncadd.s32 $0xFFFFC000  }
0x162: {  	[spmem:s3] =	stream.indirect.scatter.add.f32 [tilespmem:s1], [sflag:$0x4], $0x80, s9, s2, $0xb8;
	[tilespmem:$0x1D580] =	vst v63  }
0x163: {  	_ = 	snop  }
0x164: {  	[spmem:s4] =	stream.indirect.scatter.add.f32 [tilespmem:s8], [sflag:$0x4], $0x1, s9, s2, $0xb8;
	[tilespmem:$0x1D580] =	vst v63  }
0x165: {  	_ =	swait.ge [sflag:s13], $0x4000  }
0x166: {  	[sflag:s13] =	ssyncset.done $0x0  }
0x167: {  	[sflag:s13] =	ssyncadd.s32 $0xFFFFC000  }
0x168: {  	_ =	swait.ge [sflag:s13], $0x80  }
0x169: {  	[sflag:s13] =	ssyncset.done $0x0  }
0x16a: {  	s9 =	sor.u32 $0x700, s20;
	[sflag:s13] =	ssyncadd.s32 $0xFFFFFF80  }
0x16b: {  	[tilespmem:s1], [sflag:$0x2] =	stream.indirect.gather [hbm4b:s0+s2], $0x80, s9, s2, $0xb8;
	[tilespmem:$0x1D580] =	vst v63  }
0x16c: {  	_ =	swait.ge [sflag:s7], $0x4000  }
0x16d: {  	[sflag:s7] =	ssyncset.done $0x0  }
0x16e: {  	s9 =	sadd.s32 $0xB00, s28;
	[sflag:s7] =	ssyncadd.s32 $0xFFFFC000  }
0x16f: {  	[spmem:s3] =	stream.indirect.scatter.add.f32 [tilespmem:s30], [sflag:$0x3], $0x80, s9, s2, $0xb8;
	[tilespmem:$0x1D580] =	vst v63  }
0x170: {  	_ = 	snop  }
0x171: {  	[spmem:s4] =	stream.indirect.scatter.add.f32 [tilespmem:s8], [sflag:$0x3], $0x1, s9, s2, $0xb8;
	[tilespmem:$0x1D580] =	vst v63  }
0x172: {  	_ =	swait.ge [sflag:s11], $0x4000  }
0x173: {  	[sflag:s11] =	ssyncset.done $0x0  }
0x174: {  	[sflag:s11] =	ssyncadd.s32 $0xFFFFC000  }
0x175: {  	_ =	swait.ge [sflag:s11], $0x80  }
0x176: {  	[sflag:s11] =	ssyncset.done $0x0  }
0x177: {  	s9 =	simm.s32 @!p0 $0x5;
	[sflag:s11] =	ssyncadd.s32 $0xFFFFFF80  }
0x178: {  	_ =	swait.ge @!p0 [sflag:s9], $0x400  }
0x179: {  	[sflag:s9] =	ssyncset.done @!p0 $0x0  }
0x17a: {  	[sflag:s9] =	ssyncadd.s32 @!p0 $0xFFFFFC00  }
0x17b: {  	_ =	swait.ge @!p0 [sflag:s9], $0x400  }
0x17c: {  	[sflag:s9] =	ssyncset.done @!p0 $0x0  }
0x17d: {  	s20 =	simm.s32 @!p0 $0x80;
	[sflag:s9] =	ssyncadd.s32 @!p0 $0xFFFFFC00;
	s9 =	simm.s32 @!p0 $0x1000  }
0x17e: {  	[tilespmem:s9], [sflag:$0x1] =	stream.indirect.gather @!p0 [hbm4b:s0+s20], $0x80, s19, s20, $0xb8;
	[tilespmem:$0x1D580] =	vst v63  }
0x17f: {  	_ =	swait.ge [sflag:s12], $0x4000  }
0x180: {  	[sflag:s12] =	ssyncset.done $0x0  }
0x181: {  	s9 =	sadd.s32 $0xB80, s28;
	[sflag:s12] =	ssyncadd.s32 $0xFFFFC000  }
0x182: {  	[spmem:s3] =	stream.indirect.scatter.add.f32 [tilespmem:s1], [sflag:$0x4], $0x80, s9, s2, $0xb8;
	[tilespmem:$0x1D580] =	vst v63  }
0x183: {  	_ = 	snop  }
0x184: {  	[spmem:s4] =	stream.indirect.scatter.add.f32 [tilespmem:s8], [sflag:$0x4], $0x1, s9, s2, $0xb8;
	[tilespmem:$0x1D580] =	vst v63  }
0x185: {  	_ =	swait.ge [sflag:s13], $0x4000  }
.Ltmp2:
0x186: {  	[sflag:s13] =	ssyncset.done $0x0;
	(pc) =	sbr.rel @p1 .LBB2_4-.Ltmp2, $4  }
0x187: {  	[sflag:s13] =	ssyncadd.s32 $0xFFFFC000  }
0x188: {  	_ =	swait.ge [sflag:s13], $0x80  }
0x189: {  	s16 =	sadd.s32 $0x80, s16;
	[sflag:s13] =	ssyncset.done $0x0  }
0x18a: {  	s17 =	sadd.s32 $0x80, s17;
	s19 =	simm.s32 @!p0 $0x5000;
	[sflag:s13] =	ssyncadd.s32 $0xFFFFFF80  }
.LBB2_5:
0x18b: {  	[tilespmem:s19], [sflag:$0x2] =	stream.indirect.gather @!p0 [hbm4b:s0+s20], $0x80, s18, s20, $0xb8;
	[tilespmem:$0x1D580] =	vst v63  }
0x18c: {  	s9 =	stileid.u32;
	[bflag:$0x0] =	sbarrier.arrive $0xFFFF  }
0x18d: {  	s9 =	sshll.u32 s9, $0x6;
	s19 =	rddreg [dreg:$0x8]  }
0x18e: {  	s9 =	sor.u32 $0x1C06, s9;
	s15 =	rddreg [dreg:$0xd];
	s10 =	sshrl.u32 s19, $0x3  }
0x18f: {  	[hbm:s15], [sflag:s9] =	dma.local [spmem:s10], $0x2800  }
0x190: {  	_ =	swait.ge [sflag:s29], $0x2800  }
0x191: {  	[sflag:s29] =	ssyncset.done $0x0;
	s15 =	rddreg [dreg:$0x9]  }
0x192: {  	s16 =	rddreg [dreg:$0xe];
	[sflag:s29] =	ssyncadd.s32 $0xFFFFD800;
	s26 =	sshrl.u32 s15, $0x3  }
0x193: {  	[hbm:s16], [sflag:s9] =	dma.local [spmem:s26], $0x50  }
0x194: {  	_ =	swait.ge [sflag:s29], $0x50  }
0x195: {  	s14 =	sadd.s32 $0x1, s14;
	s28 =	rddreg [dreg:$0xf]  }
0x196: {  	p0 =	sne.s32 s14, s28  }
.Ltmp3:
0x197: {  	_ = 	snop;
	(pc) =	sbr.rel @p0 .LBB2_1-.Ltmp3, $3  }
0x198: {  	_ =	sdelay $0x1  }
0x199: {  	[sflag:s29] =	ssyncset.done $0x0  }
0x19a: {  	s10 =	simm.s32 $0x100;
	[sflag:s29] =	ssyncadd.s32 $0xFFFFFFB0  }
0x19b: {  	_ =	sfence.sel $0x180000  }
0x19c: {  	[bflag:$0x0] =	sbarrier.arrive $0xFFFF  }
0x19d: {  	_ =	strace $0x90000047  }
0x19e: {  	s0 =	stileid.u32;
	[bflag:$0x2] =	sbarrier.arrive $0xFFFF  }
0x19f: {  	p0 =	sne.s32 s0, $0x0;
	s0 =	rddreg [dreg:$0x5]  }
0x1a0: {  	s0 =	sadd.s32 @!p0 $0x100000, s0  }
0x1a1: {  	[sflag:s0] =	ssyncadd.tile.s32 @!p0 $0x1;
	_ =	shalt  }
.Lfunc_end2:
_tile_overlayer_lowered:
.L_overlay_start_2:
0x1a2: {  	(tag) =	ssettag $0x2  }
0x1a3: {  	s0 =	rddreg [dreg:$0x0];
	s2 =	stileid.u32  }
0x1a4: {  	s1 =	rddreg [dreg:$0x1];
	p0 =	sne.s32 s2, $0x0  }
0x1a5: {  	s3 =	rddreg [dreg:$0x2];
	[bflag:$0x3] =	sbarrier.arrive $0xFFFF;
	s2 =	simm.s32 @!p0 $0x1C06  }
0x1a6: {  	[timem:s3], [sflag:s2] =	dma.local @!p0 [hbm:s0], s1  }
0x1a7: {  	s0 =	simm.s32 @!p0 $0x6  }
0x1a8: {  	_ =	swait.ge @!p0 [sflag:s0], s1  }
0x1a9: {  	s1 =	ssub.s32 @!p0 $0x0, s1;
	[sflag:s0] =	ssyncset.done @!p0 $0x0  }
0x1aa: {  	[sflag:s0] =	ssyncadd.s32 @!p0 s1  }
0x1ab: {  	[bflag:$0x3] =	sbarrier.arrive $0xFFFF  }
0x1ac: {  	_ =	shalt  }

// kernel: kernel.9.cloned.1.call-start
scs
__scs_entry_jumppad:
0x0: {  	(pc) =	sbr.rel $0x88, $3  }
0x1: {  	(tag) =	ssettag $0x0;
	lr =	simm.s32 $0x1  }
0x2: {  	[smem:$0x3F99] =	sst lr;
	_ =	strace $0xD0000000  }
0x3: {  	_ = 	snop  }
0x4: {  	_ = 	snop  }
0x5: {  	_ = 	snop  }
0x6: {  	_ = 	snop  }
0x7: {  	_ = 	snop  }
__scs_overlays_trampoline_lowered:
0x8: {  	[smem:$0x3FA8] =	sst s0  }
0x9: {  	[smem:$0x3FA9] =	sst s1  }
0xa: {  	[smem:$0x3FAA] =	sst s2  }
0xb: {  	[smem:$0x3FAB] =	sst s3  }
0xc: {  	[smem:$0x3FAC] =	sst s4  }
0xd: {  	[smem:$0x3FAD] =	sst s5  }
0xe: {  	[smem:$0x3FAE] =	sst s6  }
0xf: {  	[smem:$0x3FAF] =	sst s7  }
0x10: {  	[smem:$0x3FB0] =	sst s8  }
0x11: {  	[smem:$0x3FB1] =	sst s9;
	s0 =	simm.s32 @!p0 $0x0  }
0x12: {  	s1 =	sld [smem:$0x3F97];
	s0 =	simm.s32 @p0 $0x1  }
0x13: {  	[smem:$0x3FB2] =	sst s0;
	s0 =	simm.s32 @!p1 $0x0  }
0x14: {  	s2 =	sld [smem:$0x3F96];
	s0 =	simm.s32 @p1 $0x1  }
0x15: {  	[smem:$0x3FB3] =	sst s0;
	s0 =	simm.s32 @!p2 $0x0  }
0x16: {  	s3 =	sld [smem:$0x3FDB];
	s0 =	simm.s32 @p2 $0x1  }
0x17: {  	s4 =	simm.s32 $0x1BF5;
	[smem:$0x3FB5] =	sst s0  }
0x18: {  	s0 =	sld [smem:$0x3F98];
	_ =	swait.ge [sflag:s4], $0x0  }
0x19: {  	s7 =	sld [smem:$0x3F99]  }
0x1a: {  	s8 =	sadd.s32 $0xFFFFE003, lr  }
0x1b: {  	s9 =	sadd.s32 $0xFFFFFEF7, lr;
	s5 =	simm.s32 $0xFFFFFFFF;
	p2 =	slt.u32 s8, $0xFFFFF086  }
0x1c: {  	p1 =	slt.u32 s9, $0xF7A;
	s5 =	simm.s32 @!p2 $0x0  }
0x1d: {  	s5 =	simm.s32 @p1 $0x1;
	p0 =	seq.s32 s7, s2  }
0x1e: {  	s7 =	smul.u32 @!p0 $0xF7A, s2;
	p2 =	seq.s32 @!p0 s5, $0x0  }
0x1f: {  	s9 =	smul.u32 $0xF7A, s1;
	s8 =	simm.s32 @!p0 $0x1BF5;
	p2 =	por !p2, p0  }
0x20: {  	[sflag:s8] =	ssyncset.s32 @!p0 $0xFFFFF086;
	s6 =	sadd.s32 @!p0 s3, s7;
	s7 =	simm.s32 @!p0 $0x108  }
0x21: {  	s3 =	sadd.s32 s3, s9;
	s6 =	sadd.s32 @!p0 $0x88, s6;
	s7 =	simm.s32 @p2 $0x1082  }
0x22: {  	[simem:s7], [sflag:s8] =	dma.local @!p0 [hbm:s6], $0xF7A  }
0x23: {  	s9 =	sor.u32 $0xD0000000, s2;
	s6 =	simm.s32 $0x108;
	_ =	swait.ge @!p0 [sflag:s8], $0x0  }
0x24: {  	s3 =	sadd.s32 $0x88, s3;
	s6 =	simm.s32 @!p1 $0x1082;
	[sflag:s4] =	ssyncset.s32 $0xFFFFF086  }
0x25: {  	[simem:s6], [sflag:s4] =	dma.local [hbm:s3], $0xF7A  }
0x26: {  	[smem:$0x3F99] =	sst s1;
	(tag) =	ssettag s2;
	_ =	strace s9  }
0x27: {  	s1 =	sld [smem:$0x3FA9]  }
0x28: {  	s2 =	sld [smem:$0x3FAA]  }
0x29: {  	s4 =	sld [smem:$0x3FAC]  }
0x2a: {  	p0 =	seq.s32 s5, $0x0;
	s5 =	sld [smem:$0x3FAD]  }
0x2b: {  	s6 =	sld [smem:$0x3FAE]  }
0x2c: {  	s7 =	sld [smem:$0x3FAF]  }
0x2d: {  	s3 =	simm.s32 $0x108;
	s8 =	sld [smem:$0x3FB0]  }
0x2e: {  	s3 =	simm.s32 @!p0 $0x1082;
	s9 =	sld [smem:$0x3FB1]  }
0x2f: {  	lr =	sadd.s32 s0, s3;
	s0 =	sld [smem:$0x3FA8]  }
0x30: {  	s3 =	sld [smem:$0x3FAB]  }
0x31: {  	[smem:$0x3FB4] =	sst s10  }
0x32: {  	s10 =	sld [smem:$0x3FB2];
	_ =	sdelay $0x3  }
0x33: {  	p0 =	seq.s32 s10, $0x1;
	s10 =	sld [smem:$0x3FB4];
	_ =	sdelay $0x3  }
0x34: {  	[smem:$0x3FB4] =	sst s10  }
0x35: {  	s10 =	sld [smem:$0x3FB3];
	_ =	sdelay $0x3  }
0x36: {  	p1 =	seq.s32 s10, $0x1;
	s10 =	sld [smem:$0x3FB4];
	_ =	sdelay $0x3  }
0x37: {  	[smem:$0x3FB4] =	sst s10  }
0x38: {  	s10 =	sld [smem:$0x3FB5]  }
0x39: {  	_ = 	snop;
	(pc) =	sbr.ind lr, $3  }
0x3a: {  	_ = 	snop  }
0x3b: {  	_ = 	snop  }
0x3c: {  	p2 =	seq.s32 s10, $0x1;
	s10 =	sld [smem:$0x3FB4]  }
0x3d: {  	_ =	shalt  }
0x3e: {  	_ =	shalt  }
0x3f: {  	_ =	shalt  }
0x40: {  	_ =	shalt  }
0x41: {  	_ =	shalt  }
0x42: {  	_ =	shalt  }
0x43: {  	_ =	shalt  }
0x44: {  	_ =	shalt  }
0x45: {  	_ =	shalt  }
0x46: {  	_ =	shalt  }
0x47: {  	_ =	shalt  }
0x48: {  	_ =	shalt  }
0x49: {  	_ =	shalt  }
0x4a: {  	_ =	shalt  }
0x4b: {  	_ =	shalt  }
0x4c: {  	_ =	shalt  }
0x4d: {  	_ =	shalt  }
0x4e: {  	_ =	shalt  }
0x4f: {  	_ =	shalt  }
0x50: {  	_ =	shalt  }
0x51: {  	_ =	shalt  }
0x52: {  	_ =	shalt  }
0x53: {  	_ =	shalt  }
0x54: {  	_ =	shalt  }
0x55: {  	_ =	shalt  }
0x56: {  	_ =	shalt  }
0x57: {  	_ =	shalt  }
0x58: {  	_ =	shalt  }
0x59: {  	_ =	shalt  }
0x5a: {  	_ =	shalt  }
0x5b: {  	_ =	shalt  }
0x5c: {  	_ =	shalt  }
0x5d: {  	_ =	shalt  }
0x5e: {  	_ =	shalt  }
0x5f: {  	_ =	shalt  }
0x60: {  	_ =	shalt  }
0x61: {  	_ =	shalt  }
0x62: {  	_ =	shalt  }
0x63: {  	_ =	shalt  }
0x64: {  	_ =	shalt  }
0x65: {  	_ =	shalt  }
0x66: {  	_ =	shalt  }
0x67: {  	_ =	shalt  }
0x68: {  	_ =	shalt  }
0x69: {  	_ =	shalt  }
0x6a: {  	_ =	shalt  }
0x6b: {  	_ =	shalt  }
0x6c: {  	_ =	shalt  }
0x6d: {  	_ =	shalt  }
0x6e: {  	_ =	shalt  }
0x6f: {  	_ =	shalt  }
0x70: {  	_ =	shalt  }
0x71: {  	_ =	shalt  }
0x72: {  	_ =	shalt  }
0x73: {  	_ =	shalt  }
0x74: {  	_ =	shalt  }
0x75: {  	_ =	shalt  }
0x76: {  	_ =	shalt  }
0x77: {  	_ =	shalt  }
0x78: {  	_ =	shalt  }
0x79: {  	_ =	shalt  }
0x7a: {  	_ =	shalt  }
0x7b: {  	_ =	shalt  }
0x7c: {  	_ =	shalt  }
0x7d: {  	_ =	shalt  }
0x7e: {  	_ =	shalt  }
0x7f: {  	_ =	shalt  }
0x80: {  	_ =	shalt  }
0x81: {  	_ =	shalt  }
0x82: {  	_ =	shalt  }
0x83: {  	_ =	shalt  }
0x84: {  	_ =	shalt  }
0x85: {  	_ =	shalt  }
0x86: {  	_ =	shalt  }
0x87: {  	_ =	shalt  }
.Lfunc_end0:
.L_simem_size_0:
called_computation.1_lowered:
.L_overlay_start_0:
0x88: {  	s2 =	sld [smem:$0x3FD9]  }
0x89: {  	s3 =	sld [smem:$0x3FFE];
	_ =	sdelay $0x1  }
0x8a: {  	s1 =	srdreg.scid  }
0x8b: {  	s0 =	sand.u32 $0x1, s1  }
0x8c: {  	s17 =	sshll.u32 s0, $0xA;
	s2 =	sadd.s32 s3, s2  }
0x8d: {  	s2 =	sadd.s32 s2, s17  }
0x8e: {  	[smem:$0x3FC0] =	sst s2  }
0x8f: {  	_ = 	snop  }
0x90: {  	s2 =	sld [smem:$0x3FD0];
	(tm) =	ssettm $0x1  }
0x91: {  	s18 =	sld [smem:$0x3FFB];
	_ =	sdelay $0x3  }
0x92: {  	_ =	strace s18  }
0x93: {  	s3 =	sld [smem:$0x3FFC];
	_ =	sdelay $0x3  }
0x94: {  	_ =	strace s3  }
0x95: {  	s3 =	sld [smem:$0x3FFD];
	_ =	sdelay $0x3  }
0x96: {  	_ =	strace s3  }
0x97: {  	_ =	strace $0x8FFFFFFF  }
0x98: {  	s19 =	sld [smem:$0x3FDB];
	_ =	sdelay $0x1  }
0x99: {  	s4 =	simm.s32 $_scs_section_size  }
0x9a: {  	s5 =	simm.s32 $_size__tile_overlayer_lowered;
	s6 =	simm.s32 $_tile_overlayer_lowered  }
0x9b: {  	s22 =	simm.s32 $0x1BFF;
	s21 =	sshll.u32 s6, $0x1;
	s3 =	sadd.s32 s4, s19  }
0x9c: {  	s7 =	simm.s32 $0x0;
	s20 =	sshll.u32 s5, $0x1;
	s5 =	sadd.s32 s21, s3  }
0x9d: {  	[timem:s7], [sflag:s22] =	dma.local [hbm:s5], s20  }
0x9e: {  	_ =	swait.ge [sflag:s22], s20  }
0x9f: {  	s4 =	ssub.s32 $0x0, s20;
	[sflag:s22] =	ssyncset.done $0x0  }
0xa0: {  	[sflag:s22] =	ssyncadd.s32 s4;
	_ =	sdelay $0x1  }
0xa1: {  	s23 =	simm.s32 $0x1B8B  }
0xa2: {  	_ =	swait.ge [sflag:s23], $0x1  }
0xa3: {  	[sflag:s23] =	ssyncset.done $0x0  }
0xa4: {  	s25 =	simm.s32 $0x1B8E;
	s24 =	sld [smem:$0x3FFE];
	[sflag:s23] =	ssyncadd.s32 $0xFFFFFFFF  }
0xa5: {  	s26 =	simm.s32 $execute0_lowered;
	[smem:$0x3FD2] =	sst s25  }
0xa6: {  	s5 =	sshll.u32 s26, $0x1;
	_ =	strace $0x80000049;
	[dreg:$0x1] =	wrdreg $0xFFFFFFFF  }
0xa7: {  	s28 =	simm.s32 $_size_execute0_lowered;
	s3 =	sadd.s32 s3, s5;
	[dreg:$0x0] =	wrdreg $0x0  }
0xa8: {  	s5 =	sshll.u32 s28, $0x1;
	[dreg:$0x2] =	wrdreg s3  }
0xa9: {  	[dreg:$0x3] =	wrdreg s5  }
0xaa: {  	[dreg:$0x4] =	wrdreg $0xC0  }
0xab: {  	_ =	task [dreg:s7], $0x5FFFF  }
0xac: {  	[dreg:$0x1] =	wrdreg $0xFFFFFFFF  }
0xad: {  	[dreg:$0x0] =	wrdreg $0x60  }
0xae: {  	[dreg:$0x2] =	wrdreg s2  }
0xaf: {  	[dreg:$0x3] =	wrdreg s24  }
0xb0: {  	[dreg:$0x4] =	wrdreg $0x90000  }
0xb1: {  	[dreg:$0x5] =	wrdreg $0x9  }
0xb2: {  	_ =	task.clear_ibuf [dreg:s7], $0x6FFFF;
	_ =	strace $0x90000049  }
0xb3: {  	s29 =	simm.s32 $0x9;
	_ =	strace $0x8000004B  }
0xb4: {  	_ =	swait.ge [sflag:s29], $0x1  }
0xb5: {  	[sflag:s29] =	ssyncadd.s32 $0xFFFFFFFF  }
0xb6: {  	_ =	strace $0x9000004B  }
0xb7: {  	_ =	sfence  }
0xb8: {  	s30 =	sld [smem:$0x0];
	_ =	sdelay $0x2  }
0xb9: {  	s31 =	sshll.u32 s1, $0xD;
	s1 =	sshrl.u32 s1, $0x2  }
0xba: {  	s3 =	sand.u32 $0x4000, s31;
	s1 =	sadd.s32 s1, s30  }
0xbb: {  	s0 =	sor.u32 s3, s0;
	s1 =	sshll.u32 s1, $0x11  }
0xbc: {  	s0 =	sor.u32 s1, s0  }
0xbd: {  	s0 =	sadd.s32 $0x8F2B, s0  }
0xbe: {  	[sflag:s0] =	ssyncadd.remote.s32 $0x1  }
0xbf: {  	_ =	sfence.sel $0xFFFF  }
0xc0: {  	[dreg:$0x0] =	wrdreg $0xFFFFFFFF;
	(pc) =	sbr.abs _section_cstart, $3  }
0xc1: {  	[dreg:$0x1] =	wrdreg $0xFFFFFFFF  }
0xc2: {  	_ =	task.clear_ibuf [dreg:s7], $0x2FFFF;
	_ =	strace $0x9FFFFFFF  }
0xc3: {  	(tm) =	ssettm $0x7FFFFFFF  }
tec
execute0_lowered:
.L_overlay_start_1:
0x0: {  	(tag) =	ssettag $0x1  }
0x1: {  	s2 =	rddreg [dreg:$0x0]  }
0x2: {  	s0 =	rddreg [dreg:$0x1]  }
0x3: {  	s3 =	rddreg [dreg:$0x2]  }
0x4: {  	s1 =	srdreg.scid;
	s8 =	stileid.u32  }
0x5: {  	s4 =	simm.s32 $0x0;
	s1 =	sand.u32 $0x1, s1;
	s5 =	smul.u32 $0x13, s8  }
0x6: {  	s6 =	sor.u32 $0x130, s8;
	s11 =	smul.u32 $0x14000, s8;
	[smem:$0x7FF] =	sst s4  }
0x7: {  	p0 =	seq.s32 s1, $0x0;
	s7 =	smul.u32 $0x140000, s1;
	s1 =	ssub.s32 $0x2, s1  }
0x8: {  	s12 =	smul.u32 $0x50000, s8;
	s6 =	smov.u32 @p0 s5;
	s13 =	sshrl.u32 s1, $0x1  }
0x9: {  	_ =	strace $0x8000004A;
	s6 =	sshll.u32 s6, $0x7;
	s1 =	ssub.s32 s1, s13  }
0xa: {  	s5 =	sadd.s32 s11, s7;
	s6 =	sadd.s32 s6, s0;
	s19 =	smax.u32 s1, $0x1  }
0xb: {  	s7 =	sshrl.u32 s12, $0x2;
	s14 =	sadd.s32 $0xC200, s6;
	[dreg:$0xb] =	wrdreg s19  }
0xc: {  	s8 =	sadd.s32 s7, s3;
	s15 =	sadd.s32 $0x2200, s6;
	[dreg:$0x4] =	wrdreg s14  }
0xd: {  	s28 =	simm.s32 $0x5;
	s7 =	sadd.s32 $0x4000, s8;
	[dreg:$0x5] =	wrdreg s15  }
0xe: {  	s29 =	simm.s32 $0x80;
	s16 =	sadd.s32 $0x8000, s8;
	[dreg:$0x6] =	wrdreg s7  }
0xf: {  	s30 =	simm.s32 $0x5000;
	s17 =	sadd.s32 $0xC000, s8;
	[dreg:$0x7] =	wrdreg s16  }
0x10: {  	s31 =	simm.s32 $0x1;
	s18 =	sadd.s32 $0x10000, s8;
	[dreg:$0x8] =	wrdreg s17  }
0x11: {  	s13 =	simm.s32 $0x100;
	s20 =	sadd.s32 $0xC210, s6;
	[dreg:$0x9] =	wrdreg s18  }
0x12: {  	s5 =	sshrl.u32 s5, $0x3;
	s21 =	sadd.s32 $0xC220, s6;
	[dreg:$0xc] =	wrdreg s20  }
0x13: {  	s1 =	simm.s32 $0x2;
	s22 =	sadd.s32 $0xC230, s6;
	[dreg:$0xd] =	wrdreg s21  }
0x14: {  	s0 =	sadd.s32 s5, s0;
	s23 =	sadd.s32 $0xC240, s6;
	[dreg:$0xe] =	wrdreg s22  }
0x15: {  	s5 =	simm.s32 $0x13;
	s24 =	sadd.s32 $0xC250, s6;
	[dreg:$0xf] =	wrdreg s23  }
0x16: {  	s25 =	sadd.s32 $0xC260, s6;
	s26 =	sadd.s32 $0xC270, s6;
	[dreg:$0x10] =	wrdreg s24  }
0x17: {  	s5 =	simm.s32 @!p0 $0x1;
	s0 =	sadd.s32 $0x16C00, s0;
	[dreg:$0x11] =	wrdreg s25  }
0x18: {  	[dreg:$0x12] =	wrdreg s26;
	s22 =	sadd.s32 $0xC280, s6;
	s23 =	sadd.s32 $0x2280, s6  }
0x19: {  	s25 =	simm.s32 $0x1000;
	s26 =	simm.s32 $0x6;
	s6 =	simm.s32 $0x4  }
0x1a: {  	v0 =	vimm.f32 $0.0e+00;
	s7 =	simm.s32 $0x0;
	[dreg:$0xa] =	wrdreg s0;
	s0 =	simm.s32 $0x3  }
.LBB2_1:
0x1b: {  	s9 =	rddreg [dreg:$0x4]  }
0x1c: {  	s19 =	rddreg [dreg:$0xc]  }
0x1d: {  	s20 =	rddreg [dreg:$0xd]  }
0x1e: {  	[tilespmem:s4], [sflag:$0x5] =	stream.linear.gather [hbm4b:s9+s4], $0x80, $0x38;
	[tilespmem:$0x1D000] =	vst v63  }
0x1f: {  	s21 =	rddreg [dreg:$0xe]  }
0x20: {  	[tilespmem:s13], [sflag:$0x5] =	stream.linear.gather [hbm4b:s19+s4], $0x80, $0x38;
	[tilespmem:$0x1D000] =	vst v63  }
0x21: {  	s10 =	simm.s32 $0x200;
	s12 =	rddreg [dreg:$0x10]  }
0x22: {  	[tilespmem:s10], [sflag:$0x5] =	stream.linear.gather [hbm4b:s20+s4], $0x80, $0x38;
	[tilespmem:$0x1D000] =	vst v63  }
0x23: {  	s24 =	simm.s32 $0x300;
	s15 =	rddreg [dreg:$0x11]  }
0x24: {  	[tilespmem:s24], [sflag:$0x5] =	stream.linear.gather [hbm4b:s21+s4], $0x80, $0x38;
	[tilespmem:$0x1D000] =	vst v63  }
0x25: {  	s11 =	simm.s32 $0x400;
	s10 =	rddreg [dreg:$0xf]  }
0x26: {  	[tilespmem:s11], [sflag:$0x5] =	stream.linear.gather [hbm4b:s10+s4], $0x80, $0x38;
	[tilespmem:$0x1D000] =	vst v63  }
0x27: {  	s14 =	simm.s32 $0x500;
	s16 =	simm.s32 $0x600;
	s17 =	rddreg [dreg:$0x12]  }
0x28: {  	[tilespmem:s14], [sflag:$0x5] =	stream.linear.gather [hbm4b:s12+s4], $0x80, $0x38;
	[tilespmem:$0x1D000] =	vst v63  }
0x29: {  	s18 =	simm.s32 $0x700;
	s9 =	simm.s32 $0x40;
	s21 =	sand.u32 $0xFE00, s4  }
0x2a: {  	[tilespmem:s16], [sflag:$0x5] =	stream.linear.gather [hbm4b:s15+s4], $0x80, $0x38;
	[tilespmem:$0x1D000] =	vst v63  }
0x2b: {  	s19 =	rddreg [dreg:$0x5];
	s24 =	sand.u32 $0x70, s4;
	s11 =	sshrl.u32 s21, $0x2  }
0x2c: {  	[tilespmem:s18], [sflag:$0x5] =	stream.linear.gather [hbm4b:s17+s4], $0x80, $0x38;
	[tilespmem:$0x1D000] =	vst v63  }
0x2d: {  	s20 =	simm.s32 $0x800;
	s10 =	simm.s32 $0x0;
	s11 =	sor.u32 s24, s11  }
0x2e: {  	[tilespmem:s20], [sflag:$0x5] =	stream.linear.gather [hbm4b:s19+s4], $0x400, $0x38;
	[tilespmem:$0x1D000] =	vst v63  }
.LBB2_2:
0x2f: {  	p0 =	sne.s32 s9, $0xFFC0  }
0x30: {  	[tilespmem:s11+$0x1000] =	vst v0;
	s10 =	sadd.s32 $0x10, s10;
	s11 =	smov.u32 s9;
	s9 =	sadd.s32 $0x40, s9  }
.Ltmp0:
0x31: {  	(pc) =	sbr.rel @p0 .LBB2_2-.Ltmp0, $4  }
0x32: {  	_ = 	snop  }
0x33: {  	s11 =	sand.u32 $0xFE00, s11  }
0x34: {  	s12 =	sand.u32 $0x70, s10;
	s11 =	sshrl.u32 s11, $0x2  }
0x35: {  	s11 =	sor.u32 s12, s11  }
0x36: {  	[tilespmem:s11+$0x1000] =	vst v0  }
0x37: {  	[spmem:s8] =	stream.linear.scatter [tilespmem:s25], [sflag:$0x6], $0x4000, $0x38;
	[tilespmem:$0x1D000] =	vst v63  }
0x38: {  	_ =	swait.ge [sflag:s26], $0x4000  }
0x39: {  	[sflag:s26] =	ssyncset.done $0x0  }
0x3a: {  	s9 =	rddreg [dreg:$0x6];
	[sflag:s26] =	ssyncadd.s32 $0xFFFFC000  }
0x3b: {  	[spmem:s9] =	stream.linear.scatter [tilespmem:s25], [sflag:$0x6], $0x4000, $0x38;
	[tilespmem:$0x1D000] =	vst v63  }
0x3c: {  	_ =	swait.ge [sflag:s26], $0x4000  }
0x3d: {  	[sflag:s26] =	ssyncset.done $0x0  }
0x3e: {  	s17 =	rddreg [dreg:$0x7];
	[sflag:s26] =	ssyncadd.s32 $0xFFFFC000  }
0x3f: {  	[spmem:s17] =	stream.linear.scatter [tilespmem:s25], [sflag:$0x6], $0x4000, $0x38;
	[tilespmem:$0x1D000] =	vst v63  }
0x40: {  	_ =	swait.ge [sflag:s26], $0x4000  }
0x41: {  	[sflag:s26] =	ssyncset.done $0x0  }
0x42: {  	s18 =	rddreg [dreg:$0x8];
	[sflag:s26] =	ssyncadd.s32 $0xFFFFC000  }
0x43: {  	[spmem:s18] =	stream.linear.scatter [tilespmem:s25], [sflag:$0x6], $0x4000, $0x38;
	[tilespmem:$0x1D000] =	vst v63  }
0x44: {  	_ =	swait.ge [sflag:s26], $0x4000  }
0x45: {  	[sflag:s26] =	ssyncset.done $0x0  }
0x46: {  	s19 =	rddreg [dreg:$0x9];
	[sflag:s26] =	ssyncadd.s32 $0xFFFFC000  }
0x47: {  	[spmem:s19] =	stream.linear.scatter [tilespmem:s25], [sflag:$0x6], $0x4000, $0x38;
	[tilespmem:$0x1D000] =	vst v63  }
0x48: {  	_ =	swait.ge [sflag:s26], $0x4000  }
0x49: {  	[sflag:s26] =	ssyncset.done $0x0  }
0x4a: {  	[sflag:s26] =	ssyncadd.s32 $0xFFFFC000  }
0x4b: {  	_ =	swait.ge [sflag:s28], $0x400  }
0x4c: {  	[sflag:s28] =	ssyncset.done $0x0  }
0x4d: {  	[sflag:s28] =	ssyncadd.s32 $0xFFFFFC00  }
0x4e: {  	_ =	swait.ge [sflag:s28], $0x400  }
0x4f: {  	[sflag:s28] =	ssyncset.done $0x0  }
0x50: {  	s20 =	simm.s32 $0x0;
	[sflag:s28] =	ssyncadd.s32 $0xFFFFFC00  }
0x51: {  	[tilespmem:s25], [sflag:$0x1] =	stream.indirect.gather [hbm4b:s2+s29], $0x80, s20, s29, $0xb8;
	[tilespmem:$0x1D000] =	vst v63  }
0x52: {  	_ = 	snop  }
0x53: {  	[tilespmem:s30], [sflag:$0x2] =	stream.indirect.gather [hbm4b:s2+s29], $0x80, s13, s29, $0xb8;
	[tilespmem:$0x1D000] =	vst v63  }
0x54: {  	[bflag:$0x0] =	sbarrier.arrive $0xFFFF  }
0x55: {  	s10 =	sand.u32 $0x1, s20;
	_ =	swait.ge [sflag:s31], $0x4000  }
0x56: {  	s9 =	sshll.u32 s10, $0xA;
	[sflag:s31] =	ssyncset.done $0x0  }
0x57: {  	s21 =	sor.u32 $0x800, s9;
	[sflag:s31] =	ssyncadd.s32 $0xFFFFC000  }
0x58: {  	[spmem:s3] =	stream.indirect.scatter.add.f32 [tilespmem:s25], [sflag:$0x3], $0x80, s21, s29, $0xb8;
	[tilespmem:$0x1D000] =	vst v63  }
0x59: {  	p0 =	sle.u32 s5, $0x1;
	_ =	swait.ge [sflag:s0], $0x4000  }
0x5a: {  	s11 =	sxor.u32 @!p0 $0x1, s10;
	[sflag:s0] =	ssyncset.done $0x0  }
0x5b: {  	s12 =	sshll.u32 @!p0 s11, $0x7;
	s13 =	simm.s32 @!p0 $0x0;
	[sflag:s0] =	ssyncadd.s32 $0xFFFFC000  }
0x5c: {  	[tilespmem:s12], [sflag:$0x5] =	stream.linear.gather @!p0 [hbm4b:s22+s13], $0x80, $0x38;
	[tilespmem:$0x1D000] =	vst v63  }
0x5d: {  	s14 =	sadd.s32 @!p0 $0x10, s22;
	s15 =	sor.u32 @!p0 $0x100, s12  }
0x5e: {  	[tilespmem:s15], [sflag:$0x5] =	stream.linear.gather @!p0 [hbm4b:s14+s13], $0x80, $0x38;
	[tilespmem:$0x1D000] =	vst v63  }
0x5f: {  	s14 =	sor.u32 @!p0 $0x200, s12;
	s15 =	sadd.s32 @!p0 $0x20, s22  }
0x60: {  	[tilespmem:s14], [sflag:$0x5] =	stream.linear.gather @!p0 [hbm4b:s15+s13], $0x80, $0x38;
	[tilespmem:$0x1D000] =	vst v63  }
0x61: {  	s14 =	sor.u32 @!p0 $0x300, s12;
	s15 =	sadd.s32 @!p0 $0x30, s22  }
0x62: {  	[tilespmem:s14], [sflag:$0x5] =	stream.linear.gather @!p0 [hbm4b:s15+s13], $0x80, $0x38;
	[tilespmem:$0x1D000] =	vst v63  }
0x63: {  	s14 =	sor.u32 @!p0 $0x400, s12;
	s15 =	sadd.s32 @!p0 $0x40, s22  }
0x64: {  	[tilespmem:s14], [sflag:$0x5] =	stream.linear.gather @!p0 [hbm4b:s15+s13], $0x80, $0x38;
	[tilespmem:$0x1D000] =	vst v63  }
0x65: {  	s14 =	sor.u32 @!p0 $0x500, s12;
	s15 =	sadd.s32 @!p0 $0x50, s22  }
0x66: {  	[tilespmem:s14], [sflag:$0x5] =	stream.linear.gather @!p0 [hbm4b:s15+s13], $0x80, $0x38;
	[tilespmem:$0x1D000] =	vst v63  }
0x67: {  	s14 =	sor.u32 @!p0 $0x600, s12;
	s15 =	sadd.s32 @!p0 $0x60, s22  }
0x68: {  	[tilespmem:s14], [sflag:$0x5] =	stream.linear.gather @!p0 [hbm4b:s15+s13], $0x80, $0x38;
	[tilespmem:$0x1D000] =	vst v63  }
0x69: {  	s11 =	sshll.u32 @!p0 s11, $0xA;
	s12 =	sor.u32 @!p0 $0x700, s12;
	s14 =	sadd.s32 @!p0 $0x70, s22  }
0x6a: {  	[tilespmem:s12], [sflag:$0x5] =	stream.linear.gather @!p0 [hbm4b:s14+s13], $0x80, $0x38;
	[tilespmem:$0x1D000] =	vst v63  }
0x6b: {  	s11 =	sor.u32 @!p0 $0x800, s11;
	s10 =	sshll.u32 s10, $0x7  }
0x6c: {  	[tilespmem:s11], [sflag:$0x5] =	stream.linear.gather @!p0 [hbm4b:s23+s13], $0x400, $0x38;
	[tilespmem:$0x1D000] =	vst v63  }
0x6d: {  	s24 =	sor.u32 $0x200, s10  }
0x6e: {  	[tilespmem:s25], [sflag:$0x1] =	stream.indirect.gather [hbm4b:s2+s29], $0x80, s24, s29, $0xb8;
	[tilespmem:$0x1D000] =	vst v63  }
0x6f: {  	_ =	swait.ge [sflag:s1], $0x4000  }
0x70: {  	[sflag:s1] =	ssyncset.done $0x0  }
0x71: {  	s12 =	sadd.s32 $0x880, s9;
	[sflag:s1] =	ssyncadd.s32 $0xFFFFC000  }
0x72: {  	[spmem:s3] =	stream.indirect.scatter.add.f32 [tilespmem:s30], [sflag:$0x4], $0x80, s12, s29, $0xb8;
	[tilespmem:$0x1D000] =	vst v63  }
0x73: {  	_ =	swait.ge [sflag:s6], $0x4000  }
0x74: {  	[sflag:s6] =	ssyncset.done $0x0  }
0x75: {  	s13 =	sor.u32 $0x300, s10;
	[sflag:s6] =	ssyncadd.s32 $0xFFFFC000  }
0x76: {  	[tilespmem:s30], [sflag:$0x2] =	stream.indirect.gather [hbm4b:s2+s29], $0x80, s13, s29, $0xb8;
	[tilespmem:$0x1D000] =	vst v63  }
0x77: {  	_ =	swait.ge [sflag:s31], $0x4000  }
0x78: {  	[sflag:s31] =	ssyncset.done $0x0  }
0x79: {  	s14 =	sadd.s32 $0x900, s9;
	[sflag:s31] =	ssyncadd.s32 $0xFFFFC000  }
0x7a: {  	[spmem:s3] =	stream.indirect.scatter.add.f32 [tilespmem:s25], [sflag:$0x3], $0x80, s14, s29, $0xb8;
	[tilespmem:$0x1D000] =	vst v63  }
0x7b: {  	_ =	swait.ge [sflag:s0], $0x4000  }
0x7c: {  	[sflag:s0] =	ssyncset.done $0x0  }
0x7d: {  	s15 =	sor.u32 $0x400, s10;
	[sflag:s0] =	ssyncadd.s32 $0xFFFFC000  }
0x7e: {  	[tilespmem:s25], [sflag:$0x1] =	stream.indirect.gather [hbm4b:s2+s29], $0x80, s15, s29, $0xb8;
	[tilespmem:$0x1D000] =	vst v63  }
0x7f: {  	_ =	swait.ge [sflag:s1], $0x4000  }
0x80: {  	[sflag:s1] =	ssyncset.done $0x0  }
0x81: {  	s16 =	sadd.s32 $0x980, s9;
	[sflag:s1] =	ssyncadd.s32 $0xFFFFC000  }
0x82: {  	[spmem:s3] =	stream.indirect.scatter.add.f32 [tilespmem:s30], [sflag:$0x4], $0x80, s16, s29, $0xb8;
	[tilespmem:$0x1D000] =	vst v63  }
0x83: {  	_ =	swait.ge [sflag:s6], $0x4000  }
0x84: {  	[sflag:s6] =	ssyncset.done $0x0  }
0x85: {  	s17 =	sor.u32 $0x500, s10;
	[sflag:s6] =	ssyncadd.s32 $0xFFFFC000  }
0x86: {  	[tilespmem:s30], [sflag:$0x2] =	stream.indirect.gather [hbm4b:s2+s29], $0x80, s17, s29, $0xb8;
	[tilespmem:$0x1D000] =	vst v63  }
0x87: {  	_ =	swait.ge [sflag:s31], $0x4000  }
0x88: {  	[sflag:s31] =	ssyncset.done $0x0  }
0x89: {  	s18 =	sadd.s32 $0xA00, s9;
	[sflag:s31] =	ssyncadd.s32 $0xFFFFC000  }
0x8a: {  	[spmem:s3] =	stream.indirect.scatter.add.f32 [tilespmem:s25], [sflag:$0x3], $0x80, s18, s29, $0xb8;
	[tilespmem:$0x1D000] =	vst v63  }
0x8b: {  	_ =	swait.ge [sflag:s0], $0x4000  }
0x8c: {  	[sflag:s0] =	ssyncset.done $0x0  }
0x8d: {  	s19 =	sor.u32 $0x600, s10;
	[sflag:s0] =	ssyncadd.s32 $0xFFFFC000  }
0x8e: {  	[tilespmem:s25], [sflag:$0x1] =	stream.indirect.gather [hbm4b:s2+s29], $0x80, s19, s29, $0xb8;
	[tilespmem:$0x1D000] =	vst v63  }
0x8f: {  	_ =	swait.ge [sflag:s1], $0x4000  }
0x90: {  	[sflag:s1] =	ssyncset.done $0x0  }
0x91: {  	s20 =	sadd.s32 $0xA80, s9;
	[sflag:s1] =	ssyncadd.s32 $0xFFFFC000  }
0x92: {  	[spmem:s3] =	stream.indirect.scatter.add.f32 [tilespmem:s30], [sflag:$0x4], $0x80, s20, s29, $0xb8;
	[tilespmem:$0x1D000] =	vst v63  }
0x93: {  	_ =	swait.ge [sflag:s6], $0x4000  }
0x94: {  	[sflag:s6] =	ssyncset.done $0x0  }
0x95: {  	s21 =	sor.u32 $0x700, s10;
	[sflag:s6] =	ssyncadd.s32 $0xFFFFC000  }
0x96: {  	[tilespmem:s30], [sflag:$0x2] =	stream.indirect.gather [hbm4b:s2+s29], $0x80, s21, s29, $0xb8;
	[tilespmem:$0x1D000] =	vst v63  }
0x97: {  	_ =	swait.ge [sflag:s31], $0x4000  }
0x98: {  	[sflag:s31] =	ssyncset.done $0x0  }
0x99: {  	s24 =	sadd.s32 $0xB00, s9;
	[sflag:s31] =	ssyncadd.s32 $0xFFFFC000  }
0x9a: {  	[spmem:s3] =	stream.indirect.scatter.add.f32 [tilespmem:s25], [sflag:$0x3], $0x80, s24, s29, $0xb8;
	[tilespmem:$0x1D000] =	vst v63  }
0x9b: {  	_ =	swait.ge [sflag:s0], $0x4000  }
0x9c: {  	[sflag:s0] =	ssyncset.done $0x0  }
0x9d: {  	s11 =	simm.s32 @p0 $0x2;
	[sflag:s0] =	ssyncadd.s32 $0xFFFFC000  }
0x9e: {  	_ =	swait.ge @p0 [sflag:s11], $0x4000  }
0x9f: {  	s12 =	sadd.s32 @p0 $0xB80, s9;
	s13 =	simm.s32 @p0 $0x4;
	[sflag:s11] =	ssyncset.done @p0 $0x0  }
0xa0: {  	s14 =	simm.s32 @p0 $0x5000;
	[sflag:s11] =	ssyncadd.s32 @p0 $0xFFFFC000;
	s11 =	simm.s32 @p0 $0x80  }
0xa1: {  	[spmem:s3] =	stream.indirect.scatter.add.f32 @p0 [tilespmem:s14], [sflag:$0x4], $0x80, s12, s11, $0xb8;
	[tilespmem:$0x1D000] =	vst v63  }
0xa2: {  	_ =	swait.ge @p0 [sflag:s13], $0x4000  }
0xa3: {  	[sflag:s13] =	ssyncset.done @p0 $0x0  }
0xa4: {  	s11 =	simm.s32 @!p0 $0x5;
	[sflag:s13] =	ssyncadd.s32 @p0 $0xFFFFC000  }
0xa5: {  	_ =	swait.ge @!p0 [sflag:s11], $0x400  }
0xa6: {  	[sflag:s11] =	ssyncset.done @!p0 $0x0  }
0xa7: {  	[sflag:s11] =	ssyncadd.s32 @!p0 $0xFFFFFC00  }
0xa8: {  	_ =	swait.ge @!p0 [sflag:s11], $0x400  }
0xa9: {  	s10 =	sxor.u32 @!p0 $0x80, s10;
	s12 =	simm.s32 @!p0 $0x2;
	[sflag:s11] =	ssyncset.done @!p0 $0x0  }
0xaa: {  	s13 =	simm.s32 @!p0 $0x80;
	[sflag:s11] =	ssyncadd.s32 @!p0 $0xFFFFFC00;
	s11 =	simm.s32 @!p0 $0x1000  }
0xab: {  	[tilespmem:s11], [sflag:$0x1] =	stream.indirect.gather @!p0 [hbm4b:s2+s13], $0x80, s10, s13, $0xb8;
	[tilespmem:$0x1D000] =	vst v63  }
0xac: {  	p1 =	sne.s32 s5, $0x1;
	_ =	swait.ge @!p0 [sflag:s12], $0x4000  }
0xad: {  	s9 =	sadd.s32 @!p0 $0xB80, s9;
	s15 =	simm.s32 @!p0 $0x5000;
	[sflag:s12] =	ssyncset.done @!p0 $0x0  }
.Ltmp1:
0xae: {  	s11 =	simm.s32 @!p0 $0x4;
	[sflag:s12] =	ssyncadd.s32 @!p0 $0xFFFFC000;
	(pc) =	sbr.rel @!p1 .LBB2_5-.Ltmp1, $4  }
0xaf: {  	[spmem:s3] =	stream.indirect.scatter.add.f32 @!p0 [tilespmem:s15], [sflag:$0x4], $0x80, s9, s13, $0xb8;
	[tilespmem:$0x1D000] =	vst v63  }
0xb0: {  	_ =	swait.ge @!p0 [sflag:s11], $0x4000  }
0xb1: {  	s12 =	sor.u32 @!p0 $0x100, s10;
	s10 =	sadd.s32 $0x80, s22;
	[sflag:s11] =	ssyncset.done @!p0 $0x0  }
0xb2: {  	s9 =	simm.s32 $0x1;
	[sflag:s11] =	ssyncadd.s32 @!p0 $0xFFFFC000;
	s11 =	sadd.s32 $0x80, s23  }
.LBB2_4:
0xb3: {  	[tilespmem:s15], [sflag:$0x2] =	stream.indirect.gather @!p0 [hbm4b:s2+s13], $0x80, s12, s13, $0xb8;
	[tilespmem:$0x1D000] =	vst v63  }
0xb4: {  	s12 =	sand.u32 $0x1, s9;
	s9 =	sadd.s32 $0x1, s9;
	_ =	swait.ge [sflag:s31], $0x4000  }
0xb5: {  	s15 =	sshll.u32 s12, $0xA;
	s24 =	sshll.u32 s12, $0x7;
	[sflag:s31] =	ssyncset.done $0x0  }
0xb6: {  	p1 =	sne.s32 s5, s9;
	s13 =	sor.u32 $0x800, s15;
	[sflag:s31] =	ssyncadd.s32 $0xFFFFC000  }
0xb7: {  	[spmem:s3] =	stream.indirect.scatter.add.f32 [tilespmem:s25], [sflag:$0x3], $0x80, s13, s29, $0xb8;
	[tilespmem:$0x1D000] =	vst v63  }
0xb8: {  	p0 =	sge.u32 s9, s5;
	_ =	swait.ge [sflag:s0], $0x4000  }
0xb9: {  	s12 =	sxor.u32 @!p0 $0x1, s12;
	s13 =	sadd.s32 @p0 $0xB80, s15;
	[sflag:s0] =	ssyncset.done $0x0  }
0xba: {  	s17 =	simm.s32 @!p0 $0x0;
	s14 =	sshll.u32 @!p0 s12, $0x7;
	[sflag:s0] =	ssyncadd.s32 $0xFFFFC000  }
0xbb: {  	[tilespmem:s14], [sflag:$0x5] =	stream.linear.gather @!p0 [hbm4b:s10+s17], $0x80, $0x38;
	[tilespmem:$0x1D000] =	vst v63  }
0xbc: {  	s16 =	sadd.s32 @!p0 $0x10, s10;
	s18 =	sor.u32 @!p0 $0x100, s14;
	s19 =	sor.u32 @!p0 $0x200, s14  }
0xbd: {  	[tilespmem:s18], [sflag:$0x5] =	stream.linear.gather @!p0 [hbm4b:s16+s17], $0x80, $0x38;
	[tilespmem:$0x1D000] =	vst v63  }
0xbe: {  	s20 =	sor.u32 @!p0 $0x400, s14;
	s16 =	sadd.s32 @!p0 $0x20, s10;
	s18 =	sor.u32 @!p0 $0x300, s14  }
0xbf: {  	[tilespmem:s19], [sflag:$0x5] =	stream.linear.gather @!p0 [hbm4b:s16+s17], $0x80, $0x38;
	[tilespmem:$0x1D000] =	vst v63  }
0xc0: {  	s21 =	sor.u32 @!p0 $0x600, s14;
	s16 =	sadd.s32 @!p0 $0x30, s10;
	s19 =	sor.u32 @!p0 $0x500, s14  }
0xc1: {  	[tilespmem:s18], [sflag:$0x5] =	stream.linear.gather @!p0 [hbm4b:s16+s17], $0x80, $0x38;
	[tilespmem:$0x1D000] =	vst v63  }
0xc2: {  	s12 =	sshll.u32 @!p0 s12, $0xA;
	s16 =	sadd.s32 @!p0 $0x40, s10;
	s18 =	sor.u32 @!p0 $0x700, s14  }
0xc3: {  	[tilespmem:s20], [sflag:$0x5] =	stream.linear.gather @!p0 [hbm4b:s16+s17], $0x80, $0x38;
	[tilespmem:$0x1D000] =	vst v63  }
0xc4: {  	s14 =	sadd.s32 @!p0 $0x50, s10;
	s20 =	sor.u32 @!p0 $0x800, s12;
	s16 =	sxor.u32 @!p0 $0x80, s24  }
0xc5: {  	[tilespmem:s19], [sflag:$0x5] =	stream.linear.gather @!p0 [hbm4b:s14+s17], $0x80, $0x38;
	[tilespmem:$0x1D000] =	vst v63  }
0xc6: {  	s12 =	sor.u32 @!p0 $0x100, s16;
	s19 =	sadd.s32 @!p0 $0x60, s10;
	s14 =	sadd.s32 @!p0 $0xB80, s15  }
0xc7: {  	[tilespmem:s21], [sflag:$0x5] =	stream.linear.gather @!p0 [hbm4b:s19+s17], $0x80, $0x38;
	[tilespmem:$0x1D000] =	vst v63  }
0xc8: {  	s19 =	sadd.s32 @!p0 $0x70, s10  }
0xc9: {  	[tilespmem:s18], [sflag:$0x5] =	stream.linear.gather @!p0 [hbm4b:s19+s17], $0x80, $0x38;
	[tilespmem:$0x1D000] =	vst v63  }
0xca: {  	_ = 	snop  }
0xcb: {  	[tilespmem:s20], [sflag:$0x5] =	stream.linear.gather @!p0 [hbm4b:s11+s17], $0x400, $0x38;
	[tilespmem:$0x1D000] =	vst v63  }
0xcc: {  	s17 =	sor.u32 $0x200, s24  }
0xcd: {  	[tilespmem:s25], [sflag:$0x1] =	stream.indirect.gather [hbm4b:s2+s29], $0x80, s17, s29, $0xb8;
	[tilespmem:$0x1D000] =	vst v63  }
0xce: {  	_ =	swait.ge [sflag:s1], $0x4000  }
0xcf: {  	[sflag:s1] =	ssyncset.done $0x0  }
0xd0: {  	s17 =	sadd.s32 $0x880, s15;
	[sflag:s1] =	ssyncadd.s32 $0xFFFFC000  }
0xd1: {  	[spmem:s3] =	stream.indirect.scatter.add.f32 [tilespmem:s30], [sflag:$0x4], $0x80, s17, s29, $0xb8;
	[tilespmem:$0x1D000] =	vst v63  }
0xd2: {  	_ =	swait.ge [sflag:s6], $0x4000  }
0xd3: {  	[sflag:s6] =	ssyncset.done $0x0  }
0xd4: {  	s17 =	sor.u32 $0x300, s24;
	[sflag:s6] =	ssyncadd.s32 $0xFFFFC000  }
0xd5: {  	[tilespmem:s30], [sflag:$0x2] =	stream.indirect.gather [hbm4b:s2+s29], $0x80, s17, s29, $0xb8;
	[tilespmem:$0x1D000] =	vst v63  }
0xd6: {  	_ =	swait.ge [sflag:s31], $0x4000  }
0xd7: {  	[sflag:s31] =	ssyncset.done $0x0  }
0xd8: {  	s17 =	sadd.s32 $0x900, s15;
	[sflag:s31] =	ssyncadd.s32 $0xFFFFC000  }
0xd9: {  	[spmem:s3] =	stream.indirect.scatter.add.f32 [tilespmem:s25], [sflag:$0x3], $0x80, s17, s29, $0xb8;
	[tilespmem:$0x1D000] =	vst v63  }
0xda: {  	_ =	swait.ge [sflag:s0], $0x4000  }
0xdb: {  	[sflag:s0] =	ssyncset.done $0x0  }
0xdc: {  	s17 =	sor.u32 $0x400, s24;
	[sflag:s0] =	ssyncadd.s32 $0xFFFFC000  }
0xdd: {  	[tilespmem:s25], [sflag:$0x1] =	stream.indirect.gather [hbm4b:s2+s29], $0x80, s17, s29, $0xb8;
	[tilespmem:$0x1D000] =	vst v63  }
0xde: {  	_ =	swait.ge [sflag:s1], $0x4000  }
0xdf: {  	[sflag:s1] =	ssyncset.done $0x0  }
0xe0: {  	s17 =	sadd.s32 $0x980, s15;
	[sflag:s1] =	ssyncadd.s32 $0xFFFFC000  }
0xe1: {  	[spmem:s3] =	stream.indirect.scatter.add.f32 [tilespmem:s30], [sflag:$0x4], $0x80, s17, s29, $0xb8;
	[tilespmem:$0x1D000] =	vst v63  }
0xe2: {  	_ =	swait.ge [sflag:s6], $0x4000  }
0xe3: {  	[sflag:s6] =	ssyncset.done $0x0  }
0xe4: {  	s17 =	sor.u32 $0x500, s24;
	[sflag:s6] =	ssyncadd.s32 $0xFFFFC000  }
0xe5: {  	[tilespmem:s30], [sflag:$0x2] =	stream.indirect.gather [hbm4b:s2+s29], $0x80, s17, s29, $0xb8;
	[tilespmem:$0x1D000] =	vst v63  }
0xe6: {  	_ =	swait.ge [sflag:s31], $0x4000  }
0xe7: {  	[sflag:s31] =	ssyncset.done $0x0  }
0xe8: {  	s17 =	sadd.s32 $0xA00, s15;
	[sflag:s31] =	ssyncadd.s32 $0xFFFFC000  }
0xe9: {  	[spmem:s3] =	stream.indirect.scatter.add.f32 [tilespmem:s25], [sflag:$0x3], $0x80, s17, s29, $0xb8;
	[tilespmem:$0x1D000] =	vst v63  }
0xea: {  	_ =	swait.ge [sflag:s0], $0x4000  }
0xeb: {  	[sflag:s0] =	ssyncset.done $0x0  }
0xec: {  	s17 =	sor.u32 $0x600, s24;
	[sflag:s0] =	ssyncadd.s32 $0xFFFFC000  }
0xed: {  	[tilespmem:s25], [sflag:$0x1] =	stream.indirect.gather [hbm4b:s2+s29], $0x80, s17, s29, $0xb8;
	[tilespmem:$0x1D000] =	vst v63  }
0xee: {  	_ =	swait.ge [sflag:s1], $0x4000  }
0xef: {  	[sflag:s1] =	ssyncset.done $0x0  }
0xf0: {  	s17 =	sadd.s32 $0xA80, s15;
	[sflag:s1] =	ssyncadd.s32 $0xFFFFC000  }
0xf1: {  	[spmem:s3] =	stream.indirect.scatter.add.f32 [tilespmem:s30], [sflag:$0x4], $0x80, s17, s29, $0xb8;
	[tilespmem:$0x1D000] =	vst v63  }
0xf2: {  	_ =	swait.ge [sflag:s6], $0x4000  }
0xf3: {  	[sflag:s6] =	ssyncset.done $0x0  }
0xf4: {  	s17 =	sor.u32 $0x700, s24;
	[sflag:s6] =	ssyncadd.s32 $0xFFFFC000  }
0xf5: {  	[tilespmem:s30], [sflag:$0x2] =	stream.indirect.gather [hbm4b:s2+s29], $0x80, s17, s29, $0xb8;
	[tilespmem:$0x1D000] =	vst v63  }
0xf6: {  	_ =	swait.ge [sflag:s31], $0x4000  }
0xf7: {  	[sflag:s31] =	ssyncset.done $0x0  }
0xf8: {  	s15 =	sadd.s32 $0xB00, s15;
	[sflag:s31] =	ssyncadd.s32 $0xFFFFC000  }
0xf9: {  	[spmem:s3] =	stream.indirect.scatter.add.f32 [tilespmem:s25], [sflag:$0x3], $0x80, s15, s29, $0xb8;
	[tilespmem:$0x1D000] =	vst v63  }
0xfa: {  	_ =	swait.ge [sflag:s0], $0x4000  }
0xfb: {  	[sflag:s0] =	ssyncset.done $0x0  }
0xfc: {  	s15 =	simm.s32 @p0 $0x2;
	[sflag:s0] =	ssyncadd.s32 $0xFFFFC000  }
0xfd: {  	_ =	swait.ge @p0 [sflag:s15], $0x4000  }
0xfe: {  	s17 =	simm.s32 @p0 $0x4;
	[sflag:s15] =	ssyncset.done @p0 $0x0  }
0xff: {  	s18 =	simm.s32 @p0 $0x5000;
	[sflag:s15] =	ssyncadd.s32 @p0 $0xFFFFC000;
	s15 =	simm.s32 @p0 $0x80  }
0x100: {  	[spmem:s3] =	stream.indirect.scatter.add.f32 @p0 [tilespmem:s18], [sflag:$0x4], $0x80, s13, s15, $0xb8;
	[tilespmem:$0x1D000] =	vst v63  }
0x101: {  	_ =	swait.ge @p0 [sflag:s17], $0x4000  }
0x102: {  	[sflag:s17] =	ssyncset.done @p0 $0x0  }
0x103: {  	s13 =	simm.s32 @!p0 $0x5;
	[sflag:s17] =	ssyncadd.s32 @p0 $0xFFFFC000  }
0x104: {  	_ =	swait.ge @!p0 [sflag:s13], $0x400  }
0x105: {  	[sflag:s13] =	ssyncset.done @!p0 $0x0  }
0x106: {  	[sflag:s13] =	ssyncadd.s32 @!p0 $0xFFFFFC00  }
0x107: {  	_ =	swait.ge @!p0 [sflag:s13], $0x400  }
0x108: {  	s15 =	simm.s32 @!p0 $0x2;
	[sflag:s13] =	ssyncset.done @!p0 $0x0  }
0x109: {  	s17 =	simm.s32 @!p0 $0x1000;
	[sflag:s13] =	ssyncadd.s32 @!p0 $0xFFFFFC00;
	s13 =	simm.s32 @!p0 $0x80  }
0x10a: {  	[tilespmem:s17], [sflag:$0x1] =	stream.indirect.gather @!p0 [hbm4b:s2+s13], $0x80, s16, s13, $0xb8;
	[tilespmem:$0x1D000] =	vst v63  }
0x10b: {  	_ =	swait.ge @!p0 [sflag:s15], $0x4000  }
0x10c: {  	s16 =	simm.s32 @!p0 $0x4;
	[sflag:s15] =	ssyncset.done @!p0 $0x0  }
.Ltmp2:
0x10d: {  	[sflag:s15] =	ssyncadd.s32 @!p0 $0xFFFFC000;
	s15 =	simm.s32 @!p0 $0x5000;
	(pc) =	sbr.rel @p1 .LBB2_4-.Ltmp2, $4  }
0x10e: {  	[spmem:s3] =	stream.indirect.scatter.add.f32 @!p0 [tilespmem:s15], [sflag:$0x4], $0x80, s14, s13, $0xb8;
	[tilespmem:$0x1D000] =	vst v63  }
0x10f: {  	_ =	swait.ge @!p0 [sflag:s16], $0x4000  }
0x110: {  	[sflag:s16] =	ssyncset.done @!p0 $0x0  }
0x111: {  	s10 =	sadd.s32 $0x80, s10;
	s11 =	sadd.s32 $0x80, s11;
	[sflag:s16] =	ssyncadd.s32 @!p0 $0xFFFFC000  }
.LBB2_5:
0x112: {  	[tilespmem:s15], [sflag:$0x2] =	stream.indirect.gather @!p0 [hbm4b:s2+s13], $0x80, s12, s13, $0xb8;
	[tilespmem:$0x1D000] =	vst v63  }
0x113: {  	s9 =	stileid.u32  }
0x114: {  	s9 =	sshll.u32 s9, $0x6;
	[bflag:$0x0] =	sbarrier.arrive $0xFFFF  }
0x115: {  	s10 =	sshrl.u32 s8, $0x3;
	s9 =	sor.u32 $0x1C06, s9;
	s11 =	rddreg [dreg:$0xa]  }
0x116: {  	[hbm:s11], [sflag:s9] =	dma.local [spmem:s10], $0x2800  }
0x117: {  	_ =	swait.ge [sflag:s26], $0x2800  }
0x118: {  	s7 =	sadd.s32 $0x1, s7;
	s24 =	rddreg [dreg:$0xb]  }
0x119: {  	p0 =	sne.s32 s7, s24  }
.Ltmp3:
0x11a: {  	_ = 	snop;
	(pc) =	sbr.rel @p0 .LBB2_1-.Ltmp3, $3  }
0x11b: {  	_ =	sdelay $0x1  }
0x11c: {  	[sflag:s26] =	ssyncset.done $0x0  }
0x11d: {  	s13 =	simm.s32 $0x100;
	[sflag:s26] =	ssyncadd.s32 $0xFFFFD800  }
0x11e: {  	_ =	sfence.sel $0x180000  }
0x11f: {  	[bflag:$0x0] =	sbarrier.arrive $0xFFFF  }
0x120: {  	_ =	strace $0x9000004A  }
0x121: {  	s0 =	stileid.u32;
	[bflag:$0x2] =	sbarrier.arrive $0xFFFF  }
0x122: {  	p0 =	sne.s32 s0, $0x0;
	s0 =	rddreg [dreg:$0x3]  }
0x123: {  	s0 =	sadd.s32 @!p0 $0x100000, s0  }
0x124: {  	[sflag:s0] =	ssyncadd.tile.s32 @!p0 $0x1;
	_ =	shalt  }
.Lfunc_end2:
_tile_overlayer_lowered:
.L_overlay_start_2:
0x125: {  	(tag) =	ssettag $0x2  }
0x126: {  	s0 =	rddreg [dreg:$0x0];
	s2 =	stileid.u32  }
0x127: {  	s1 =	rddreg [dreg:$0x1];
	p0 =	sne.s32 s2, $0x0  }
0x128: {  	s3 =	rddreg [dreg:$0x2];
	[bflag:$0x3] =	sbarrier.arrive $0xFFFF;
	s2 =	simm.s32 @!p0 $0x1C06  }
0x129: {  	[timem:s3], [sflag:s2] =	dma.local @!p0 [hbm:s0], s1  }
0x12a: {  	s0 =	simm.s32 @!p0 $0x6  }
0x12b: {  	_ =	swait.ge @!p0 [sflag:s0], s1  }
0x12c: {  	s1 =	ssub.s32 @!p0 $0x0, s1;
	[sflag:s0] =	ssyncset.done @!p0 $0x0  }
0x12d: {  	[sflag:s0] =	ssyncadd.s32 @!p0 s1  }
0x12e: {  	[bflag:$0x3] =	sbarrier.arrive $0xFFFF  }
0x12f: {  	_ =	shalt  }

</sc_bundles>
